<compile_context>
chip_gen: v7x
topology: tpu7x:2x2x1
jax: 0.10.2.dev20260603
libtpu: 0.0.44.dev20260713+nightly
codegen_flags: <defaults>
</compile_context>

<pallas_src>
import jax
import jax.numpy as jnp
from jax import lax
from jax.experimental import pallas as pl
from jax.experimental.pallas import tpu as pltpu
from jax.experimental.pallas import tpu_sc as plsc

_N = 10000
_E = 320000
_D = 128
_R = 8
_NC = 512
_NCORE = 2
_NSUB = 16
_NT = _NCORE * _NSUB
_EPT = _E // _NT
_EPW = 10112
_B = 128
_NBUF = 4
_CAP = 10240
_SEGS = _R * _NC
_DUMP = _SEGS
_ACC_ROWS = 4104
_CNT_ROWS = 4112
_ZR = 32
_PK = 16384


def _sc_body(x_hbm, xbf_hbm, ei_hbm, et_hbm, cni_hbm,
             sums_ref, cnts_ref, xc_ref, mslot_ref,
             cni_v, mark_v, src_v, dst_v, et_v, plist, cnt_v,
             s_stage, g_stage, rows_v, rows16, idx16, msl_v,
             zbuf, acc, dsem, ssem):
    cid = lax.axis_index("c")
    sid = lax.axis_index("s")
    wid = cid * _NSUB + sid

    base = wid * _EPT
    a0 = base // 128 * 128
    d16 = (base - a0) // 16
    with jax.named_scope("p_stage"):
        pltpu.sync_copy(cni_hbm, cni_v)
        e1 = pltpu.async_copy(ei_hbm.at[0, pl.ds(a0, _EPW)], src_v, dsem)
        e2 = pltpu.async_copy(ei_hbm.at[1, pl.ds(a0, _EPW)], dst_v, dsem)
        e3 = pltpu.async_copy(et_hbm.at[pl.ds(a0, _EPW)], et_v, dsem)

    with jax.named_scope("p_markinit"):
        neg16 = jnp.full((16,), -1, jnp.int32)

        @plsc.parallel_loop(0, _N // 16, unroll=8)
        def _init_mark(i):
            mark_v[pl.ds(i * 16, 16)] = neg16

    lanes = lax.iota(jnp.int32, 16)

    with jax.named_scope("p_markbuild"):
        def _build_mark(kk, _):
            c16 = cni_v[pl.ds(kk * 16, 16)]
            v16 = kk * 16 + lanes
            for l in range(16):
                plsc.store_scatter(mark_v, [c16], v16, mask=lanes == l)
            return 0
        lax.fori_loop(0, _NC // 16, _build_mark, 0)

    with jax.named_scope("p_zero"):
        for rr in range(_ZR):
            for cc in range(_D // 32):
                zbuf[rr, pl.ds(cc * 32, 32)] = jnp.zeros((32,), jnp.bfloat16)
        zi16 = jnp.zeros((16,), jnp.int32)

        @plsc.parallel_loop(0, _CNT_ROWS // 16, unroll=8)
        def _zc(i):
            cnt_v[pl.ds(i * 16, 16)] = zi16

        for k in range(8):
            pltpu.sync_copy(zbuf, acc.at[pl.ds(sid * 256 + k * _ZR, _ZR)])

        @pl.when(sid == 0)
        def _():
            pltpu.sync_copy(zbuf.at[pl.ds(0, 8)], acc.at[pl.ds(_SEGS, 8)])
        e1.wait()
        e2.wait()
        e3.wait()
        plsc.subcore_barrier()

    with jax.named_scope("p_scan"):
        @plsc.parallel_loop(0, _EPT // 16, unroll=4,
                            carry=jnp.zeros((16,), jnp.int32))
        def _scan(i, off_v):
            s16 = src_v[pl.ds((d16 + i) * 16, 16)]
            dd16 = dst_v[pl.ds((d16 + i) * 16, 16)]
            t16 = et_v[pl.ds((d16 + i) * 16, 16)]
            u = plsc.load_gather(mark_v, [dd16])
            m = u >= 0
            pk = (t16 * _NC + u) * _PK + s16
            mi = m.astype(jnp.int32)
            pos = off_v + plsc.cumsum(mi) - mi
            plsc.store_scatter(plist, [pos], pk, mask=m)
            return off_v + plsc.all_reduce_population_count(m)
        off = _scan[0]

    with jax.named_scope("p_pad"):
        nb = (off + _B - 1) // _B
        pend = nb * _B
        padv = jnp.full((16,), _DUMP * _PK, jnp.int32)

        def _pad(k, _):
            plist[pl.ds(off + k * 16, 16)] = padv
            return 0
        lax.fori_loop(0, (pend - off + 15) // 16, _pad, 0)

    with jax.named_scope("p_hist"):
        onesv = jnp.ones((16,), jnp.int32)

        def _hist(i, _):
            pk = plist[pl.ds(i * 16, 16)]
            plsc.addupdate_scatter(
                cnt_v, [lax.shift_right_logical(pk, 14)], onesv)
            return 0
        lax.fori_loop(0, pend // 16, _hist, 0)

    with jax.named_scope("p_batch"):
        ngrp = (nb + _NBUF - 1) // _NBUF

        def _batchg(k, _):
            j0 = k * _NBUF
            for b in range(_NBUF):
                jj = j0 + b

                @pl.when(jnp.logical_and(k > 0, jj - _NBUF < nb))
                def _(b=b):
                    pltpu.make_async_copy(
                        rows_v.at[b], acc.at[g_stage.at[b]], ssem).wait()

                @pl.when(jj < nb)
                def _(b=b, jj=jj):
                    for t in range(_B // 16):
                        pk = plist[pl.ds(jj * _B + t * 16, 16)]
                        s_stage[b, pl.ds(t * 16, 16)] = pk & (_PK - 1)
                        g_stage[b, pl.ds(t * 16, 16)] = (
                            lax.shift_right_logical(pk, 14))
                    pltpu.async_copy(
                        xbf_hbm.at[s_stage.at[b]], rows_v.at[b], dsem)
            for b in range(_NBUF):
                jj = j0 + b

                @pl.when(jj < nb)
                def _(b=b):
                    pltpu.make_async_copy(
                        xbf_hbm.at[s_stage.at[b]], rows_v.at[b], dsem).wait()
                    pltpu.async_copy(rows_v.at[b], acc.at[g_stage.at[b]],
                                     ssem, add=True)
            return 0
        lax.fori_loop(0, ngrp, _batchg, 0)
        for b in range(_NBUF):
            @pl.when(jnp.logical_and(ngrp > 0, (ngrp - 1) * _NBUF + b < nb))
            def _(b=b):
                pltpu.make_async_copy(
                    rows_v.at[b], acc.at[g_stage.at[b]], ssem).wait()
        plsc.subcore_barrier()

    with jax.named_scope("p_out"):
        pltpu.sync_copy(acc.at[pl.ds(sid * 256, 256)],
                        sums_ref.at[cid, pl.ds(sid * 256, 256)])
        pltpu.sync_copy(cnt_v.at[pl.ds(0, _SEGS)],
                        cnts_ref.at[cid, pl.ds(sid * _SEGS, _SEGS)])

        c16 = cni_v[pl.ds(wid * 16, 16)]
        idx16[...] = c16
        pltpu.async_copy(x_hbm.at[idx16], rows16, dsem).wait()
        pltpu.sync_copy(rows16, xc_ref.at[pl.ds(wid * 16, 16)])

        @pl.when(jnp.logical_and(cid == 0, sid == 0))
        def _():
            def _msl(k, _):
                cc = cni_v[pl.ds(k * 16, 16)]
                msl_v[pl.ds(k * 16, 16)] = plsc.load_gather(mark_v, [cc])
                return 0
            lax.fori_loop(0, _NC // 16, _msl, 0)
            pltpu.sync_copy(msl_v, mslot_ref)


@jax.jit
def _sc_edge_pass(x, xbf, ei, et, cni):
    mesh = plsc.VectorSubcoreMesh(core_axis_name="c", subcore_axis_name="s")
    f = pl.kernel(
        _sc_body,
        out_type=[
            jax.ShapeDtypeStruct((_NCORE, _SEGS, _D), jnp.bfloat16),
            jax.ShapeDtypeStruct((_NCORE, _NSUB * _SEGS), jnp.int32),
            jax.ShapeDtypeStruct((_NC, _D), jnp.float32),
            jax.ShapeDtypeStruct((_NC,), jnp.int32),
        ],
        mesh=mesh,
        compiler_params=pltpu.CompilerParams(
            needs_layout_passes=False, use_tc_tiling_on_sc=False),
        scratch_types=[
            pltpu.VMEM((_NC,), jnp.int32),
            pltpu.VMEM((_N,), jnp.int32),
            pltpu.VMEM((_EPW,), jnp.int32),
            pltpu.VMEM((_EPW,), jnp.int32),
            pltpu.VMEM((_EPW,), jnp.int32),
            pltpu.VMEM((_CAP,), jnp.int32),
            pltpu.VMEM((_CNT_ROWS,), jnp.int32),
            pltpu.VMEM((_NBUF, _B), jnp.int32),
            pltpu.VMEM((_NBUF, _B), jnp.int32),
            pltpu.VMEM((_NBUF, _B, _D), jnp.bfloat16),
            pltpu.VMEM((16, _D), jnp.float32),
            pltpu.VMEM((16,), jnp.int32),
            pltpu.VMEM((_NC,), jnp.int32),
            pltpu.VMEM((_ZR, _D), jnp.bfloat16),
            pltpu.VMEM_SHARED((_ACC_ROWS, _D), jnp.bfloat16),
            pltpu.SemaphoreType.DMA,
            pltpu.SemaphoreType.DMA,
        ],
    )
    return f(x, xbf, ei, et, cni)


def _tc_body(sums_ref, cnts_ref, xc_ref, mslot_ref, basis_ref, comp_ref,
             root_ref, bias_ref, Wg_ref, bg_ref, Ws_ref, bs_ref,
             outg_ref, outs_ref):
    s = (sums_ref[0].astype(jnp.float32)
         + sums_ref[1].astype(jnp.float32))
    c32 = cnts_ref[...].astype(jnp.float32)
    cnt = jnp.sum(c32, axis=(0, 1))[:, None]
    inv = 1.0 / jnp.maximum(cnt, 1.0)
    mean = s * inv

    agg = jnp.zeros((_NC, _D), jnp.float32)
    for r in range(_R):
        w_r = comp_ref[r, 0] * basis_ref[0]
        for b in range(1, _R):
            w_r = w_r + comp_ref[r, b] * basis_ref[b]
        agg = agg + jnp.dot(mean[r * _NC:(r + 1) * _NC, :], w_r,
                            preferred_element_type=jnp.float32)

    h = agg + jnp.dot(xc_ref[...], root_ref[...],
                      preferred_element_type=jnp.float32) + bias_ref[...]
    h = jnp.maximum(h, 0.0)

    row = lax.broadcasted_iota(jnp.int32, (_NC, _NC), 0)
    q = (mslot_ref[...] == row).astype(jnp.float32)
    hc = lax.dot_general(q, h, (((0,), (0,)), ((), ())),
                         preferred_element_type=jnp.float32)

    ones_row = jnp.ones((1, _NC), jnp.float32)

    def _head(wt_ref, b_ref, out_ref):
        z = lax.dot_general(wt_ref[...], hc, (((1,), (1,)), ((), ())),
                            preferred_element_type=jnp.float32)
        z = z + lax.dot_general(b_ref[...], ones_row,
                                (((0,), (0,)), ((), ())),
                                preferred_element_type=jnp.float32)
        m = jnp.max(z, axis=0, keepdims=True)
        lse = jnp.log(jnp.sum(jnp.exp(z - m), axis=0, keepdims=True))
        out_ref[...] = z - m - lse

    _head(Wg_ref, bg_ref, outg_ref)
    _head(Ws_ref, bs_ref, outs_ref)


@jax.jit
def _tc_finish(sums, cnts, xc, mslot, basis, comp, root, bias, Wgt, bg, Wst, bs):
    g = Wgt.shape[0]
    sdim = Wst.shape[0]
    vm = pl.BlockSpec(memory_space=pltpu.VMEM)
    sm = pl.BlockSpec(memory_space=pltpu.SMEM)
    return pl.pallas_call(
        _tc_body,
        out_shape=[
            jax.ShapeDtypeStruct((g, _NC), jnp.float32),
            jax.ShapeDtypeStruct((sdim, _NC), jnp.float32),
        ],
        in_specs=[vm, vm, vm, vm, vm, sm, vm, vm, vm, vm, vm, vm],
        out_specs=[vm, vm],
    )(sums, cnts, xc, mslot, basis, comp, root, bias, Wgt, bg, Wst, bs)


def kernel(x, edge_index, edge_type, current_node_index, basis, comp, root,
           bias_conv, Wg, bg, Ws, bs):
    x = x.astype(jnp.float32)
    ei = edge_index.astype(jnp.int32)
    et = edge_type.astype(jnp.int32)
    cni = current_node_index.astype(jnp.int32)

    xbf = x.astype(jnp.bfloat16)
    sums, cnts, xc, mslot = _sc_edge_pass(x, xbf, ei, et, cni)

    outg_t, outs_t = _tc_finish(
        sums, cnts.reshape(_NCORE, _NSUB, _SEGS), xc,
        mslot.reshape(1, _NC), basis, comp, root,
        bias_conv.reshape(1, _D), Wg.T, bg.reshape(1, -1), Ws.T,
        bs.reshape(1, -1))
    return outg_t.T, outs_t.T

# --- scband reference (transcript-rebuilt; emitter-appended) ---
"""Pipeline reference for scband-net-rgcn-2439541424711 (READ-ONLY COPY).

The authoritative reference and input builder live on the scoring server;
editing this copy changes nothing except your own understanding.
"""

import jax, jax.numpy as jnp
import numpy as np

N = 10000    # nodes
E = 320000   # edges
D = 128      # feature dim (in_channels = out_channels)
R = 8        # num_relations = num_bases
NC = 512     # number of current nodes queried
G = 5000     # last_idx_globals - last_idx_senses
S = 2000     # last_idx_senses


def setup_inputs(seed: int = 0) -> dict:
    key = jax.random.key(seed)
    ks = jax.random.split(key, 12)
    x = jax.random.normal(ks[0], (N, D), dtype=jnp.float32)
    edge_index = jax.random.randint(ks[1], (2, E), 0, N)
    edge_type = jax.random.randint(ks[2], (E,), 0, R)
    current_node_index = jax.random.randint(ks[3], (NC,), 0, N)
    # RGCNConv parameters (basis decomposition, num_bases == num_relations)
    basis = jax.random.normal(ks[4], (R, D, D), dtype=jnp.float32) * 0.05
    comp = jax.random.normal(ks[5], (R, R), dtype=jnp.float32) * (1.0 / R)
    root = jax.random.normal(ks[6], (D, D), dtype=jnp.float32) * 0.05
    bias_conv = jnp.zeros((D,), dtype=jnp.float32)
    # output heads
    Wg = jax.random.normal(ks[7], (D, G), dtype=jnp.float32) * 0.05
    bg = jnp.zeros((G,), dtype=jnp.float32)
    Ws = jax.random.normal(ks[8], (D, S), dtype=jnp.float32) * 0.05
    bs = jnp.zeros((S,), dtype=jnp.float32)
    return {"x": x, "edge_index": edge_index, "edge_type": edge_type,
            "current_node_index": current_node_index, "basis": basis,
            "comp": comp, "root": root, "bias_conv": bias_conv,
            "Wg": Wg, "bg": bg, "Ws": Ws, "bs": bs}


def _rgcn_conv(x, edge_index, edge_type, basis, comp, root, bias_conv):
    # per-relation weights from basis decomposition: W_r = sum_b comp[r,b] * basis[b]
    W = jnp.einsum('rb,bio->rio', comp, basis)          # [R, D, D]
    # transform node features under every relation
    H = jnp.einsum('ni,rio->rno', x, W)                  # [R, N, D]
    src = edge_index[0]
    dst = edge_index[1]
    # gather per-edge messages (SparseCore-style gather)
    m = H[edge_type, src]                                # [E, D]
    # per-relation mean aggregation at destination (PyG RGCNConv aggr='mean')
    seg = edge_type * N + dst
    sums = jax.ops.segment_sum(m, seg, num_segments=R * N)
    cnts = jax.ops.segment_sum(jnp.ones((E,), jnp.float32), seg, num_segments=R * N)
    mean = sums / jnp.clip(cnts, 1.0, None)[:, None]
    agg = mean.reshape(R, N, D).sum(axis=0)              # sum over relations
    return agg + x @ root + bias_conv


def reference(x, edge_index, edge_type, current_node_index, basis, comp, root, bias_conv, Wg, bg, Ws, bs):
    h = jax.nn.relu(_rgcn_conv(x, edge_index, edge_type, basis, comp, root, bias_conv))
    hc = h[current_node_index]                           # [NC, D]
    logits_global = hc @ Wg + bg                         # [NC, G]
    logits_sense = hc @ Ws + bs                          # [NC, S]
    return (jax.nn.log_softmax(logits_global, axis=-1),
            jax.nn.log_softmax(logits_sense, axis=-1))

if __name__ == "__main__":
    import jax
    _d = setup_inputs()
    print(jax.jit(kernel)(*tuple(_d.values())))

</pallas_src>

<mosaic_0001>
#map = affine_map<(d0, d1) -> (0, 0)>
#map1 = affine_map<(d0, d1) -> (0)>
#map2 = affine_map<(d0, d1) -> (0, 0, 0)>
module attributes {stable_mosaic.version = 14 : i64} {
  func.func @_sc_body(%arg0: i32, %arg1: i32, %arg2: memref<10000x128xf32, #tpu.memory_space<hbm>>, %arg3: memref<10000x128xbf16, #tpu.memory_space<hbm>>, %arg4: memref<2x320000xi32, #tpu.memory_space<hbm>>, %arg5: memref<320000xi32, #tpu.memory_space<hbm>>, %arg6: memref<512xi32, #tpu.memory_space<hbm>>, %arg7: memref<2x4096x128xbf16, #tpu.memory_space<hbm>>, %arg8: memref<2x65536xi32, #tpu.memory_space<hbm>>, %arg9: memref<512x128xf32, #tpu.memory_space<hbm>>, %arg10: memref<512xi32, #tpu.memory_space<hbm>>, %arg11: memref<512xi32, #tpu.memory_space<vmem>>, %arg12: memref<10000xi32, #tpu.memory_space<vmem>>, %arg13: memref<10112xi32, #tpu.memory_space<vmem>>, %arg14: memref<10112xi32, #tpu.memory_space<vmem>>, %arg15: memref<10112xi32, #tpu.memory_space<vmem>>, %arg16: memref<10240xi32, #tpu.memory_space<vmem>>, %arg17: memref<4112xi32, #tpu.memory_space<vmem>>, %arg18: memref<4x128xi32, #tpu.memory_space<vmem>>, %arg19: memref<4x128xi32, #tpu.memory_space<vmem>>, %arg20: memref<4x128x128xbf16, #tpu.memory_space<vmem>>, %arg21: memref<16x128xf32, #tpu.memory_space<vmem>>, %arg22: memref<16xi32, #tpu.memory_space<vmem>>, %arg23: memref<512xi32, #tpu.memory_space<vmem>>, %arg24: memref<32x128xbf16, #tpu.memory_space<vmem>>, %arg25: memref<4104x128xbf16, #tpu.memory_space<vmem_shared>>, %arg26: memref<!tpu.dma_semaphore, #tpu.memory_space<semaphore_mem>>, %arg27: memref<!tpu.dma_semaphore, #tpu.memory_space<semaphore_mem>>) attributes {dimension_semantics = [#tpu.dimension_semantics<core_parallel>, #tpu.dimension_semantics<subcore_parallel>], iteration_bounds = array<i64: 2, 16>, scalar_prefetch = 0 : i64, scratch_operands = 17 : i64, tpu.core_type = #tpu.core_type<sc_vector_subcore>, window_params = [{transform_indices = #map}, {transform_indices = #map}, {transform_indices = #map}, {transform_indices = #map1}, {transform_indices = #map1}, {transform_indices = #map2}, {transform_indices = #map}, {transform_indices = #map}, {transform_indices = #map1}]} {
    %mul3A = arith.constant 16 : i32
    %mul3A_0 = arith.muli %arg0, %mul3A : i32
    %add3A = arith.addi %mul3A_0, %arg1 : i32
    %mul3A_1 = arith.constant 10000 : i32
    %mul3A_2 = arith.muli %add3A, %mul3A_1 : i32
    %jit3A = arith.constant 128 : i32
    %div3A = arith.divsi %mul3A_2, %jit3A : i32
    %sign3A = arith.constant 0 : i32
    %sign3A_3 = arith.cmpi sgt, %mul3A_2, %sign3A : i32
    %sign3A_4 = arith.extui %sign3A_3 : i1 to i32
    %sign3A_5 = arith.constant 0 : i32
    %sign3A_6 = arith.cmpi slt, %mul3A_2, %sign3A_5 : i32
    %sign3A_7 = arith.extui %sign3A_6 : i1 to i32
    %sign3A_8 = arith.subi %sign3A_4, %sign3A_7 : i32
    %sign3A_9 = arith.constant 0 : i32
    %sign3A_10 = arith.cmpi sgt, %jit3A, %sign3A_9 : i32
    %sign3A_11 = arith.extui %sign3A_10 : i1 to i32
    %sign3A_12 = arith.constant 0 : i32
    %sign3A_13 = arith.cmpi slt, %jit3A, %sign3A_12 : i32
    %sign3A_14 = arith.extui %sign3A_13 : i1 to i32
    %sign3A_15 = arith.subi %sign3A_11, %sign3A_14 : i32
    %ne3A = arith.cmpi ne, %sign3A_8, %sign3A_15 : i32
    %rem3A = arith.remsi %mul3A_2, %jit3A : i32
    %ne3A_16 = arith.constant 0 : i32
    %ne3A_17 = arith.cmpi ne, %rem3A, %ne3A_16 : i32
    %and3A = arith.andi %ne3A, %ne3A_17 : i1
    %sub3A = arith.constant 1 : i32
    %sub3A_18 = arith.subi %div3A, %sub3A : i32
    %select_n3A = arith.select %and3A, %sub3A_18, %div3A : i32
    %mul3A_19 = arith.constant 128 : i32
    %mul3A_20 = arith.muli %select_n3A, %mul3A_19 : i32
    %sub3A_21 = arith.subi %mul3A_2, %mul3A_20 : i32
    %jit3A_22 = arith.constant 16 : i32
    %div3A_23 = arith.divsi %sub3A_21, %jit3A_22 : i32
    %sign3A_24 = arith.constant 0 : i32
    %sign3A_25 = arith.cmpi sgt, %sub3A_21, %sign3A_24 : i32
    %sign3A_26 = arith.extui %sign3A_25 : i1 to i32
    %sign3A_27 = arith.constant 0 : i32
    %sign3A_28 = arith.cmpi slt, %sub3A_21, %sign3A_27 : i32
    %sign3A_29 = arith.extui %sign3A_28 : i1 to i32
    %sign3A_30 = arith.subi %sign3A_26, %sign3A_29 : i32
    %sign3A_31 = arith.constant 0 : i32
    %sign3A_32 = arith.cmpi sgt, %jit3A_22, %sign3A_31 : i32
    %sign3A_33 = arith.extui %sign3A_32 : i1 to i32
    %sign3A_34 = arith.constant 0 : i32
    %sign3A_35 = arith.cmpi slt, %jit3A_22, %sign3A_34 : i32
    %sign3A_36 = arith.extui %sign3A_35 : i1 to i32
    %sign3A_37 = arith.subi %sign3A_33, %sign3A_36 : i32
    %ne3A_38 = arith.cmpi ne, %sign3A_30, %sign3A_37 : i32
    %rem3A_39 = arith.remsi %sub3A_21, %jit3A_22 : i32
    %ne3A_40 = arith.constant 0 : i32
    %ne3A_41 = arith.cmpi ne, %rem3A_39, %ne3A_40 : i32
    %and3A_42 = arith.andi %ne3A_38, %ne3A_41 : i1
    %sub3A_43 = arith.constant 1 : i32
    %sub3A_44 = arith.subi %div3A_23, %sub3A_43 : i32
    %select_n3A_45 = arith.select %and3A_42, %sub3A_44, %div3A_23 : i32
    "tpu.trace_start"() <{level = 10 : i32, message = "p_stage"}> : () -> ()
    "tpu.region"() ({
      %run_scoped3A = tpu.sem_alloc : memref<!tpu.dma_semaphore, #tpu.memory_space<semaphore_mem>>
      tpu.enqueue_dma source(%arg6 : memref<512xi32, #tpu.memory_space<hbm>>) target(%arg11 : memref<512xi32, #tpu.memory_space<vmem>>) target_semaphore(%run_scoped3A : memref<!tpu.dma_semaphore, #tpu.memory_space<semaphore_mem>>)
      tpu.wait_dma2 semaphore(%run_scoped3A : memref<!tpu.dma_semaphore, #tpu.memory_space<semaphore_mem>>) src(%arg6 : memref<512xi32, #tpu.memory_space<hbm>>) dst(%arg11 : memref<512xi32, #tpu.memory_space<vmem>>)
      tpu.yield
    }) : () -> ()
    %dma_start3A = arith.constant 0 : i32
    %dma_start3A_46 = tpu.memref_slice %arg4[%dma_start3A, %mul3A_20] : memref<2x320000xi32, #tpu.memory_space<hbm>> -> memref<1x10112xi32, #tpu.memory_space<hbm>>
    %dma_start3A_47 = tpu.memref_squeeze %dma_start3A_46 : memref<1x10112xi32, #tpu.memory_space<hbm>> -> memref<10112xi32, #tpu.memory_space<hbm>>
    %dma_start3A_48 = tpu.memref_slice %arg4[%dma_start3A, %mul3A_20] : memref<2x320000xi32, #tpu.memory_space<hbm>> -> memref<1x10112xi32, #tpu.memory_space<hbm>>
    %dma_start3A_49 = tpu.memref_squeeze %dma_start3A_48 : memref<1x10112xi32, #tpu.memory_space<hbm>> -> memref<10112xi32, #tpu.memory_space<hbm>>
    tpu.enqueue_dma source(%dma_start3A_49 : memref<10112xi32, #tpu.memory_space<hbm>>) target(%arg13 : memref<10112xi32, #tpu.memory_space<vmem>>) target_semaphore(%arg26 : memref<!tpu.dma_semaphore, #tpu.memory_space<semaphore_mem>>)
    %dma_start3A_50 = arith.constant 1 : i32
    %dma_start3A_51 = tpu.memref_slice %arg4[%dma_start3A_50, %mul3A_20] : memref<2x320000xi32, #tpu.memory_space<hbm>> -> memref<1x10112xi32, #tpu.memory_space<hbm>>
    %dma_start3A_52 = tpu.memref_squeeze %dma_start3A_51 : memref<1x10112xi32, #tpu.memory_space<hbm>> -> memref<10112xi32, #tpu.memory_space<hbm>>
    %dma_start3A_53 = tpu.memref_slice %arg4[%dma_start3A_50, %mul3A_20] : memref<2x320000xi32, #tpu.memory_space<hbm>> -> memref<1x10112xi32, #tpu.memory_space<hbm>>
    %dma_start3A_54 = tpu.memref_squeeze %dma_start3A_53 : memref<1x10112xi32, #tpu.memory_space<hbm>> -> memref<10112xi32, #tpu.memory_space<hbm>>
    tpu.enqueue_dma source(%dma_start3A_54 : memref<10112xi32, #tpu.memory_space<hbm>>) target(%arg14 : memref<10112xi32, #tpu.memory_space<vmem>>) target_semaphore(%arg26 : memref<!tpu.dma_semaphore, #tpu.memory_space<semaphore_mem>>)
    %dma_start3A_55 = tpu.memref_slice %arg5[%mul3A_20] : memref<320000xi32, #tpu.memory_space<hbm>> -> memref<10112xi32, #tpu.memory_space<hbm>>
    %dma_start3A_56 = tpu.memref_slice %arg5[%mul3A_20] : memref<320000xi32, #tpu.memory_space<hbm>> -> memref<10112xi32, #tpu.memory_space<hbm>>
    tpu.enqueue_dma source(%dma_start3A_56 : memref<10112xi32, #tpu.memory_space<hbm>>) target(%arg15 : memref<10112xi32, #tpu.memory_space<vmem>>) target_semaphore(%arg26 : memref<!tpu.dma_semaphore, #tpu.memory_space<semaphore_mem>>)
    %broadcast_in_dim3A = arith.constant -1 : i32
    "tpu.trace_stop"() : () -> ()
    "tpu.trace_start"() <{level = 10 : i32, message = "p_markinit"}> : () -> ()
    %broadcast_in_dim3A_57 = vector.broadcast %broadcast_in_dim3A : i32 to vector<16xi32>
    %parallel_loop3A = arith.constant 0 : i32
    %parallel_loop3A_58 = arith.constant 625 : i32
    %parallel_loop3A_59 = arith.constant 1 : i32
    scf.for %parallel_loop3A_1115 = %parallel_loop3A to %parallel_loop3A_58 step %parallel_loop3A_59  : i32 {
      %parallel_loop3A_1116 = arith.constant 16 : i32
      %parallel_loop3A_1117 = arith.muli %parallel_loop3A_1115, %parallel_loop3A_1116 : i32
      %parallel_loop3A_1118 = arith.index_cast %parallel_loop3A_1117 : i32 to index
      %parallel_loop3A_1119 = tpu.vector_load %arg12[%parallel_loop3A_1118] {strides = array<i32>} : memref<10000xi32, #tpu.memory_space<vmem>>, vector<16xi32>,
      tpu.vector_store %arg12[%parallel_loop3A_1118], %broadcast_in_dim3A_57 {strides = array<i32>} : memref<10000xi32, #tpu.memory_space<vmem>>, vector<16xi32>,
    } {sc.loop_unroll_factor = 8 : i64, sc.parallel_access}
    "tpu.trace_stop"() : () -> ()
    %iota3A = tpu.iota {dimensions = array<i32: 0>} : vector<16xi32>
    "tpu.trace_start"() <{level = 10 : i32, message = "p_markbuild"}> : () -> ()
    %scan3A = arith.constant 0 : i32
    %scan3A_60 = arith.constant 0 : i32
    %scan3A_61 = arith.constant 32 : i32
    %scan3A_62 = arith.addi %scan3A_60, %scan3A_61 : i32
    %scan3A_63 = arith.constant 1 : i32
    %scan3A_64 = scf.for %scan3A_1115 = %scan3A_60 to %scan3A_62 step %scan3A_63 iter_args(%scan3A_1116 = %scan3A) -> (i32)  : i32 {
      %mul3A_1117 = arith.constant 16 : i32
      %mul3A_1118 = arith.muli %scan3A_1115, %mul3A_1117 : i32
      %get3A_1119 = arith.index_cast %mul3A_1118 : i32 to index
      %get3A_1120 = tpu.vector_load %arg11[%get3A_1119] {strides = array<i32>} : memref<512xi32, #tpu.memory_space<vmem>>, vector<16xi32>,
      %mul3A_1121 = arith.constant 16 : i32
      %mul3A_1122 = arith.muli %scan3A_1115, %mul3A_1121 : i32
      %add3A_1123 = vector.broadcast %mul3A_1122 : i32 to vector<16xi32>
      %add3A_1124 = arith.addi %add3A_1123, %iota3A : vector<16xi32>
      %eq3A_1125 = arith.constant 0 : i32
      %eq3A_1126 = vector.broadcast %eq3A_1125 : i32 to vector<16xi32>
      %eq3A_1127 = arith.cmpi eq, %iota3A, %eq3A_1126 : vector<16xi32>
      tpu.vector_store_idx %arg12[%get3A_1120], %add3A_1124 masked %eq3A_1127 : memref<10000xi32, #tpu.memory_space<vmem>>[vector<16xi32>], vector<16xi32>, vector<16xi1>
      %eq3A_1128 = arith.constant 1 : i32
      %eq3A_1129 = vector.broadcast %eq3A_1128 : i32 to vector<16xi32>
      %eq3A_1130 = arith.cmpi eq, %iota3A, %eq3A_1129 : vector<16xi32>
      tpu.vector_store_idx %arg12[%get3A_1120], %add3A_1124 masked %eq3A_1130 : memref<10000xi32, #tpu.memory_space<vmem>>[vector<16xi32>], vector<16xi32>, vector<16xi1>
      %eq3A_1131 = arith.constant 2 : i32
      %eq3A_1132 = vector.broadcast %eq3A_1131 : i32 to vector<16xi32>
      %eq3A_1133 = arith.cmpi eq, %iota3A, %eq3A_1132 : vector<16xi32>
      tpu.vector_store_idx %arg12[%get3A_1120], %add3A_1124 masked %eq3A_1133 : memref<10000xi32, #tpu.memory_space<vmem>>[vector<16xi32>], vector<16xi32>, vector<16xi1>
      %eq3A_1134 = arith.constant 3 : i32
      %eq3A_1135 = vector.broadcast %eq3A_1134 : i32 to vector<16xi32>
      %eq3A_1136 = arith.cmpi eq, %iota3A, %eq3A_1135 : vector<16xi32>
      tpu.vector_store_idx %arg12[%get3A_1120], %add3A_1124 masked %eq3A_1136 : memref<10000xi32, #tpu.memory_space<vmem>>[vector<16xi32>], vector<16xi32>, vector<16xi1>
      %eq3A_1137 = arith.constant 4 : i32
      %eq3A_1138 = vector.broadcast %eq3A_1137 : i32 to vector<16xi32>
      %eq3A_1139 = arith.cmpi eq, %iota3A, %eq3A_1138 : vector<16xi32>
      tpu.vector_store_idx %arg12[%get3A_1120], %add3A_1124 masked %eq3A_1139 : memref<10000xi32, #tpu.memory_space<vmem>>[vector<16xi32>], vector<16xi32>, vector<16xi1>
      %eq3A_1140 = arith.constant 5 : i32
      %eq3A_1141 = vector.broadcast %eq3A_1140 : i32 to vector<16xi32>
      %eq3A_1142 = arith.cmpi eq, %iota3A, %eq3A_1141 : vector<16xi32>
      tpu.vector_store_idx %arg12[%get3A_1120], %add3A_1124 masked %eq3A_1142 : memref<10000xi32, #tpu.memory_space<vmem>>[vector<16xi32>], vector<16xi32>, vector<16xi1>
      %eq3A_1143 = arith.constant 6 : i32
      %eq3A_1144 = vector.broadcast %eq3A_1143 : i32 to vector<16xi32>
      %eq3A_1145 = arith.cmpi eq, %iota3A, %eq3A_1144 : vector<16xi32>
      tpu.vector_store_idx %arg12[%get3A_1120], %add3A_1124 masked %eq3A_1145 : memref<10000xi32, #tpu.memory_space<vmem>>[vector<16xi32>], vector<16xi32>, vector<16xi1>
      %eq3A_1146 = arith.constant 7 : i32
      %eq3A_1147 = vector.broadcast %eq3A_1146 : i32 to vector<16xi32>
      %eq3A_1148 = arith.cmpi eq, %iota3A, %eq3A_1147 : vector<16xi32>
      tpu.vector_store_idx %arg12[%get3A_1120], %add3A_1124 masked %eq3A_1148 : memref<10000xi32, #tpu.memory_space<vmem>>[vector<16xi32>], vector<16xi32>, vector<16xi1>
      %eq3A_1149 = arith.constant 8 : i32
      %eq3A_1150 = vector.broadcast %eq3A_1149 : i32 to vector<16xi32>
      %eq3A_1151 = arith.cmpi eq, %iota3A, %eq3A_1150 : vector<16xi32>
      tpu.vector_store_idx %arg12[%get3A_1120], %add3A_1124 masked %eq3A_1151 : memref<10000xi32, #tpu.memory_space<vmem>>[vector<16xi32>], vector<16xi32>, vector<16xi1>
      %eq3A_1152 = arith.constant 9 : i32
      %eq3A_1153 = vector.broadcast %eq3A_1152 : i32 to vector<16xi32>
      %eq3A_1154 = arith.cmpi eq, %iota3A, %eq3A_1153 : vector<16xi32>
      tpu.vector_store_idx %arg12[%get3A_1120], %add3A_1124 masked %eq3A_1154 : memref<10000xi32, #tpu.memory_space<vmem>>[vector<16xi32>], vector<16xi32>, vector<16xi1>
      %eq3A_1155 = arith.constant 10 : i32
      %eq3A_1156 = vector.broadcast %eq3A_1155 : i32 to vector<16xi32>
      %eq3A_1157 = arith.cmpi eq, %iota3A, %eq3A_1156 : vector<16xi32>
      tpu.vector_store_idx %arg12[%get3A_1120], %add3A_1124 masked %eq3A_1157 : memref<10000xi32, #tpu.memory_space<vmem>>[vector<16xi32>], vector<16xi32>, vector<16xi1>
      %eq3A_1158 = arith.constant 11 : i32
      %eq3A_1159 = vector.broadcast %eq3A_1158 : i32 to vector<16xi32>
      %eq3A_1160 = arith.cmpi eq, %iota3A, %eq3A_1159 : vector<16xi32>
      tpu.vector_store_idx %arg12[%get3A_1120], %add3A_1124 masked %eq3A_1160 : memref<10000xi32, #tpu.memory_space<vmem>>[vector<16xi32>], vector<16xi32>, vector<16xi1>
      %eq3A_1161 = arith.constant 12 : i32
      %eq3A_1162 = vector.broadcast %eq3A_1161 : i32 to vector<16xi32>
      %eq3A_1163 = arith.cmpi eq, %iota3A, %eq3A_1162 : vector<16xi32>
      tpu.vector_store_idx %arg12[%get3A_1120], %add3A_1124 masked %eq3A_1163 : memref<10000xi32, #tpu.memory_space<vmem>>[vector<16xi32>], vector<16xi32>, vector<16xi1>
      %eq3A_1164 = arith.constant 13 : i32
      %eq3A_1165 = vector.broadcast %eq3A_1164 : i32 to vector<16xi32>
      %eq3A_1166 = arith.cmpi eq, %iota3A, %eq3A_1165 : vector<16xi32>
      tpu.vector_store_idx %arg12[%get3A_1120], %add3A_1124 masked %eq3A_1166 : memref<10000xi32, #tpu.memory_space<vmem>>[vector<16xi32>], vector<16xi32>, vector<16xi1>
      %eq3A_1167 = arith.constant 14 : i32
      %eq3A_1168 = vector.broadcast %eq3A_1167 : i32 to vector<16xi32>
      %eq3A_1169 = arith.cmpi eq, %iota3A, %eq3A_1168 : vector<16xi32>
      tpu.vector_store_idx %arg12[%get3A_1120], %add3A_1124 masked %eq3A_1169 : memref<10000xi32, #tpu.memory_space<vmem>>[vector<16xi32>], vector<16xi32>, vector<16xi1>
      %eq3A_1170 = arith.constant 15 : i32
      %eq3A_1171 = vector.broadcast %eq3A_1170 : i32 to vector<16xi32>
      %eq3A_1172 = arith.cmpi eq, %iota3A, %eq3A_1171 : vector<16xi32>
      tpu.vector_store_idx %arg12[%get3A_1120], %add3A_1124 masked %eq3A_1172 : memref<10000xi32, #tpu.memory_space<vmem>>[vector<16xi32>], vector<16xi32>, vector<16xi1>
      %scan3A_1173 = arith.constant 0 : i32
      scf.yield %scan3A_1173 : i32
    }
    %scan3A_65 = arith.constant 32 : i32
    %broadcast_in_dim3A_66 = arith.constant 0.000000e+00 : bf16
    "tpu.trace_stop"() : () -> ()
    "tpu.trace_start"() <{level = 10 : i32, message = "p_zero"}> : () -> ()
    %broadcast_in_dim3A_67 = vector.broadcast %broadcast_in_dim3A_66 : bf16 to vector<32xbf16>
    %swap3A = arith.constant 0 : i32
    %swap3A_68 = arith.index_cast %swap3A : i32 to index
    %swap3A_69 = arith.constant 0 : index
    %swap3A_70 = tpu.vector_load %arg24[%swap3A_68, %swap3A_69] {strides = array<i32>} : memref<32x128xbf16, #tpu.memory_space<vmem>>, vector<32xbf16>,
    tpu.vector_store %arg24[%swap3A_68, %swap3A_69], %broadcast_in_dim3A_67 {strides = array<i32>} : memref<32x128xbf16, #tpu.memory_space<vmem>>, vector<32xbf16>,
    %broadcast_in_dim3A_71 = arith.constant 0.000000e+00 : bf16
    %broadcast_in_dim3A_72 = vector.broadcast %broadcast_in_dim3A_71 : bf16 to vector<32xbf16>
    %swap3A_73 = arith.constant 0 : i32
    %swap3A_74 = arith.index_cast %swap3A_73 : i32 to index
    %swap3A_75 = arith.constant 32 : index
    %swap3A_76 = tpu.vector_load %arg24[%swap3A_74, %swap3A_75] {strides = array<i32>} : memref<32x128xbf16, #tpu.memory_space<vmem>>, vector<32xbf16>,
    tpu.vector_store %arg24[%swap3A_74, %swap3A_75], %broadcast_in_dim3A_72 {strides = array<i32>} : memref<32x128xbf16, #tpu.memory_space<vmem>>, vector<32xbf16>,
    %broadcast_in_dim3A_77 = arith.constant 0.000000e+00 : bf16
    %broadcast_in_dim3A_78 = vector.broadcast %broadcast_in_dim3A_77 : bf16 to vector<32xbf16>
    %swap3A_79 = arith.constant 0 : i32
    %swap3A_80 = arith.index_cast %swap3A_79 : i32 to index
    %swap3A_81 = arith.constant 64 : index
    %swap3A_82 = tpu.vector_load %arg24[%swap3A_80, %swap3A_81] {strides = array<i32>} : memref<32x128xbf16, #tpu.memory_space<vmem>>, vector<32xbf16>,
    tpu.vector_store %arg24[%swap3A_80, %swap3A_81], %broadcast_in_dim3A_78 {strides = array<i32>} : memref<32x128xbf16, #tpu.memory_space<vmem>>, vector<32xbf16>,
    %broadcast_in_dim3A_83 = arith.constant 0.000000e+00 : bf16
    %broadcast_in_dim3A_84 = vector.broadcast %broadcast_in_dim3A_83 : bf16 to vector<32xbf16>
    %swap3A_85 = arith.constant 0 : i32
    %swap3A_86 = arith.index_cast %swap3A_85 : i32 to index
    %swap3A_87 = arith.constant 96 : index
    %swap3A_88 = tpu.vector_load %arg24[%swap3A_86, %swap3A_87] {strides = array<i32>} : memref<32x128xbf16, #tpu.memory_space<vmem>>, vector<32xbf16>,
    tpu.vector_store %arg24[%swap3A_86, %swap3A_87], %broadcast_in_dim3A_84 {strides = array<i32>} : memref<32x128xbf16, #tpu.memory_space<vmem>>, vector<32xbf16>,
    %broadcast_in_dim3A_89 = arith.constant 0.000000e+00 : bf16
    %broadcast_in_dim3A_90 = vector.broadcast %broadcast_in_dim3A_89 : bf16 to vector<32xbf16>
    %swap3A_91 = arith.constant 1 : i32
    %swap3A_92 = arith.index_cast %swap3A_91 : i32 to index
    %swap3A_93 = arith.constant 0 : index
    %swap3A_94 = tpu.vector_load %arg24[%swap3A_92, %swap3A_93] {strides = array<i32>} : memref<32x128xbf16, #tpu.memory_space<vmem>>, vector<32xbf16>,
    tpu.vector_store %arg24[%swap3A_92, %swap3A_93], %broadcast_in_dim3A_90 {strides = array<i32>} : memref<32x128xbf16, #tpu.memory_space<vmem>>, vector<32xbf16>,
    %broadcast_in_dim3A_95 = arith.constant 0.000000e+00 : bf16
    %broadcast_in_dim3A_96 = vector.broadcast %broadcast_in_dim3A_95 : bf16 to vector<32xbf16>
    %swap3A_97 = arith.constant 1 : i32
    %swap3A_98 = arith.index_cast %swap3A_97 : i32 to index
    %swap3A_99 = arith.constant 32 : index
    %swap3A_100 = tpu.vector_load %arg24[%swap3A_98, %swap3A_99] {strides = array<i32>} : memref<32x128xbf16, #tpu.memory_space<vmem>>, vector<32xbf16>,
    tpu.vector_store %arg24[%swap3A_98, %swap3A_99], %broadcast_in_dim3A_96 {strides = array<i32>} : memref<32x128xbf16, #tpu.memory_space<vmem>>, vector<32xbf16>,
    %broadcast_in_dim3A_101 = arith.constant 0.000000e+00 : bf16
    %broadcast_in_dim3A_102 = vector.broadcast %broadcast_in_dim3A_101 : bf16 to vector<32xbf16>
    %swap3A_103 = arith.constant 1 : i32
    %swap3A_104 = arith.index_cast %swap3A_103 : i32 to index
    %swap3A_105 = arith.constant 64 : index
    %swap3A_106 = tpu.vector_load %arg24[%swap3A_104, %swap3A_105] {strides = array<i32>} : memref<32x128xbf16, #tpu.memory_space<vmem>>, vector<32xbf16>,
    tpu.vector_store %arg24[%swap3A_104, %swap3A_105], %broadcast_in_dim3A_102 {strides = array<i32>} : memref<32x128xbf16, #tpu.memory_space<vmem>>, vector<32xbf16>,
    %broadcast_in_dim3A_107 = arith.constant 0.000000e+00 : bf16
    %broadcast_in_dim3A_108 = vector.broadcast %broadcast_in_dim3A_107 : bf16 to vector<32xbf16>
    %swap3A_109 = arith.constant 1 : i32
    %swap3A_110 = arith.index_cast %swap3A_109 : i32 to index
    %swap3A_111 = arith.constant 96 : index
    %swap3A_112 = tpu.vector_load %arg24[%swap3A_110, %swap3A_111] {strides = array<i32>} : memref<32x128xbf16, #tpu.memory_space<vmem>>, vector<32xbf16>,
    tpu.vector_store %arg24[%swap3A_110, %swap3A_111], %broadcast_in_dim3A_108 {strides = array<i32>} : memref<32x128xbf16, #tpu.memory_space<vmem>>, vector<32xbf16>,
    %broadcast_in_dim3A_113 = arith.constant 0.000000e+00 : bf16
    %broadcast_in_dim3A_114 = vector.broadcast %broadcast_in_dim3A_113 : bf16 to vector<32xbf16>
    %swap3A_115 = arith.constant 2 : i32
    %swap3A_116 = arith.index_cast %swap3A_115 : i32 to index
    %swap3A_117 = arith.constant 0 : index
    %swap3A_118 = tpu.vector_load %arg24[%swap3A_116, %swap3A_117] {strides = array<i32>} : memref<32x128xbf16, #tpu.memory_space<vmem>>, vector<32xbf16>,
    tpu.vector_store %arg24[%swap3A_116, %swap3A_117], %broadcast_in_dim3A_114 {strides = array<i32>} : memref<32x128xbf16, #tpu.memory_space<vmem>>, vector<32xbf16>,
    %broadcast_in_dim3A_119 = arith.constant 0.000000e+00 : bf16
    %broadcast_in_dim3A_120 = vector.broadcast %broadcast_in_dim3A_119 : bf16 to vector<32xbf16>
    %swap3A_121 = arith.constant 2 : i32
    %swap3A_122 = arith.index_cast %swap3A_121 : i32 to index
    %swap3A_123 = arith.constant 32 : index
    %swap3A_124 = tpu.vector_load %arg24[%swap3A_122, %swap3A_123] {strides = array<i32>} : memref<32x128xbf16, #tpu.memory_space<vmem>>, vector<32xbf16>,
    tpu.vector_store %arg24[%swap3A_122, %swap3A_123], %broadcast_in_dim3A_120 {strides = array<i32>} : memref<32x128xbf16, #tpu.memory_space<vmem>>, vector<32xbf16>,
    %broadcast_in_dim3A_125 = arith.constant 0.000000e+00 : bf16
    %broadcast_in_dim3A_126 = vector.broadcast %broadcast_in_dim3A_125 : bf16 to vector<32xbf16>
    %swap3A_127 = arith.constant 2 : i32
    %swap3A_128 = arith.index_cast %swap3A_127 : i32 to index
    %swap3A_129 = arith.constant 64 : index
    %swap3A_130 = tpu.vector_load %arg24[%swap3A_128, %swap3A_129] {strides = array<i32>} : memref<32x128xbf16, #tpu.memory_space<vmem>>, vector<32xbf16>,
    tpu.vector_store %arg24[%swap3A_128, %swap3A_129], %broadcast_in_dim3A_126 {strides = array<i32>} : memref<32x128xbf16, #tpu.memory_space<vmem>>, vector<32xbf16>,
    %broadcast_in_dim3A_131 = arith.constant 0.000000e+00 : bf16
    %broadcast_in_dim3A_132 = vector.broadcast %broadcast_in_dim3A_131 : bf16 to vector<32xbf16>
    %swap3A_133 = arith.constant 2 : i32
    %swap3A_134 = arith.index_cast %swap3A_133 : i32 to index
    %swap3A_135 = arith.constant 96 : index
    %swap3A_136 = tpu.vector_load %arg24[%swap3A_134, %swap3A_135] {strides = array<i32>} : memref<32x128xbf16, #tpu.memory_space<vmem>>, vector<32xbf16>,
    tpu.vector_store %arg24[%swap3A_134, %swap3A_135], %broadcast_in_dim3A_132 {strides = array<i32>} : memref<32x128xbf16, #tpu.memory_space<vmem>>, vector<32xbf16>,
    %broadcast_in_dim3A_137 = arith.constant 0.000000e+00 : bf16
    %broadcast_in_dim3A_138 = vector.broadcast %broadcast_in_dim3A_137 : bf16 to vector<32xbf16>
    %swap3A_139 = arith.constant 3 : i32
    %swap3A_140 = arith.index_cast %swap3A_139 : i32 to index
    %swap3A_141 = arith.constant 0 : index
    %swap3A_142 = tpu.vector_load %arg24[%swap3A_140, %swap3A_141] {strides = array<i32>} : memref<32x128xbf16, #tpu.memory_space<vmem>>, vector<32xbf16>,
    tpu.vector_store %arg24[%swap3A_140, %swap3A_141], %broadcast_in_dim3A_138 {strides = array<i32>} : memref<32x128xbf16, #tpu.memory_space<vmem>>, vector<32xbf16>,
    %broadcast_in_dim3A_143 = arith.constant 0.000000e+00 : bf16
    %broadcast_in_dim3A_144 = vector.broadcast %broadcast_in_dim3A_143 : bf16 to vector<32xbf16>
    %swap3A_145 = arith.constant 3 : i32
    %swap3A_146 = arith.index_cast %swap3A_145 : i32 to index
    %swap3A_147 = arith.constant 32 : index
    %swap3A_148 = tpu.vector_load %arg24[%swap3A_146, %swap3A_147] {strides = array<i32>} : memref<32x128xbf16, #tpu.memory_space<vmem>>, vector<32xbf16>,
    tpu.vector_store %arg24[%swap3A_146, %swap3A_147], %broadcast_in_dim3A_144 {strides = array<i32>} : memref<32x128xbf16, #tpu.memory_space<vmem>>, vector<32xbf16>,
    %broadcast_in_dim3A_149 = arith.constant 0.000000e+00 : bf16
    %broadcast_in_dim3A_150 = vector.broadcast %broadcast_in_dim3A_149 : bf16 to vector<32xbf16>
    %swap3A_151 = arith.constant 3 : i32
    %swap3A_152 = arith.index_cast %swap3A_151 : i32 to index
    %swap3A_153 = arith.constant 64 : index
    %swap3A_154 = tpu.vector_load %arg24[%swap3A_152, %swap3A_153] {strides = array<i32>} : memref<32x128xbf16, #tpu.memory_space<vmem>>, vector<32xbf16>,
    tpu.vector_store %arg24[%swap3A_152, %swap3A_153], %broadcast_in_dim3A_150 {strides = array<i32>} : memref<32x128xbf16, #tpu.memory_space<vmem>>, vector<32xbf16>,
    %broadcast_in_dim3A_155 = arith.constant 0.000000e+00 : bf16
    %broadcast_in_dim3A_156 = vector.broadcast %broadcast_in_dim3A_155 : bf16 to vector<32xbf16>
    %swap3A_157 = arith.constant 3 : i32
    %swap3A_158 = arith.index_cast %swap3A_157 : i32 to index
    %swap3A_159 = arith.constant 96 : index
    %swap3A_160 = tpu.vector_load %arg24[%swap3A_158, %swap3A_159] {strides = array<i32>} : memref<32x128xbf16, #tpu.memory_space<vmem>>, vector<32xbf16>,
    tpu.vector_store %arg24[%swap3A_158, %swap3A_159], %broadcast_in_dim3A_156 {strides = array<i32>} : memref<32x128xbf16, #tpu.memory_space<vmem>>, vector<32xbf16>,
    %broadcast_in_dim3A_161 = arith.constant 0.000000e+00 : bf16
    %broadcast_in_dim3A_162 = vector.broadcast %broadcast_in_dim3A_161 : bf16 to vector<32xbf16>
    %swap3A_163 = arith.constant 4 : i32
    %swap3A_164 = arith.index_cast %swap3A_163 : i32 to index
    %swap3A_165 = arith.constant 0 : index
    %swap3A_166 = tpu.vector_load %arg24[%swap3A_164, %swap3A_165] {strides = array<i32>} : memref<32x128xbf16, #tpu.memory_space<vmem>>, vector<32xbf16>,
    tpu.vector_store %arg24[%swap3A_164, %swap3A_165], %broadcast_in_dim3A_162 {strides = array<i32>} : memref<32x128xbf16, #tpu.memory_space<vmem>>, vector<32xbf16>,
    %broadcast_in_dim3A_167 = arith.constant 0.000000e+00 : bf16
    %broadcast_in_dim3A_168 = vector.broadcast %broadcast_in_dim3A_167 : bf16 to vector<32xbf16>
    %swap3A_169 = arith.constant 4 : i32
    %swap3A_170 = arith.index_cast %swap3A_169 : i32 to index
    %swap3A_171 = arith.constant 32 : index
    %swap3A_172 = tpu.vector_load %arg24[%swap3A_170, %swap3A_171] {strides = array<i32>} : memref<32x128xbf16, #tpu.memory_space<vmem>>, vector<32xbf16>,
    tpu.vector_store %arg24[%swap3A_170, %swap3A_171], %broadcast_in_dim3A_168 {strides = array<i32>} : memref<32x128xbf16, #tpu.memory_space<vmem>>, vector<32xbf16>,
    %broadcast_in_dim3A_173 = arith.constant 0.000000e+00 : bf16
    %broadcast_in_dim3A_174 = vector.broadcast %broadcast_in_dim3A_173 : bf16 to vector<32xbf16>
    %swap3A_175 = arith.constant 4 : i32
    %swap3A_176 = arith.index_cast %swap3A_175 : i32 to index
    %swap3A_177 = arith.constant 64 : index
    %swap3A_178 = tpu.vector_load %arg24[%swap3A_176, %swap3A_177] {strides = array<i32>} : memref<32x128xbf16, #tpu.memory_space<vmem>>, vector<32xbf16>,
    tpu.vector_store %arg24[%swap3A_176, %swap3A_177], %broadcast_in_dim3A_174 {strides = array<i32>} : memref<32x128xbf16, #tpu.memory_space<vmem>>, vector<32xbf16>,
    %broadcast_in_dim3A_179 = arith.constant 0.000000e+00 : bf16
    %broadcast_in_dim3A_180 = vector.broadcast %broadcast_in_dim3A_179 : bf16 to vector<32xbf16>
    %swap3A_181 = arith.constant 4 : i32
    %swap3A_182 = arith.index_cast %swap3A_181 : i32 to index
    %swap3A_183 = arith.constant 96 : index
    %swap3A_184 = tpu.vector_load %arg24[%swap3A_182, %swap3A_183] {strides = array<i32>} : memref<32x128xbf16, #tpu.memory_space<vmem>>, vector<32xbf16>,
    tpu.vector_store %arg24[%swap3A_182, %swap3A_183], %broadcast_in_dim3A_180 {strides = array<i32>} : memref<32x128xbf16, #tpu.memory_space<vmem>>, vector<32xbf16>,
    %broadcast_in_dim3A_185 = arith.constant 0.000000e+00 : bf16
    %broadcast_in_dim3A_186 = vector.broadcast %broadcast_in_dim3A_185 : bf16 to vector<32xbf16>
    %swap3A_187 = arith.constant 5 : i32
    %swap3A_188 = arith.index_cast %swap3A_187 : i32 to index
    %swap3A_189 = arith.constant 0 : index
    %swap3A_190 = tpu.vector_load %arg24[%swap3A_188, %swap3A_189] {strides = array<i32>} : memref<32x128xbf16, #tpu.memory_space<vmem>>, vector<32xbf16>,
    tpu.vector_store %arg24[%swap3A_188, %swap3A_189], %broadcast_in_dim3A_186 {strides = array<i32>} : memref<32x128xbf16, #tpu.memory_space<vmem>>, vector<32xbf16>,
    %broadcast_in_dim3A_191 = arith.constant 0.000000e+00 : bf16
    %broadcast_in_dim3A_192 = vector.broadcast %broadcast_in_dim3A_191 : bf16 to vector<32xbf16>
    %swap3A_193 = arith.constant 5 : i32
    %swap3A_194 = arith.index_cast %swap3A_193 : i32 to index
    %swap3A_195 = arith.constant 32 : index
    %swap3A_196 = tpu.vector_load %arg24[%swap3A_194, %swap3A_195] {strides = array<i32>} : memref<32x128xbf16, #tpu.memory_space<vmem>>, vector<32xbf16>,
    tpu.vector_store %arg24[%swap3A_194, %swap3A_195], %broadcast_in_dim3A_192 {strides = array<i32>} : memref<32x128xbf16, #tpu.memory_space<vmem>>, vector<32xbf16>,
    %broadcast_in_dim3A_197 = arith.constant 0.000000e+00 : bf16
    %broadcast_in_dim3A_198 = vector.broadcast %broadcast_in_dim3A_197 : bf16 to vector<32xbf16>
    %swap3A_199 = arith.constant 5 : i32
    %swap3A_200 = arith.index_cast %swap3A_199 : i32 to index
    %swap3A_201 = arith.constant 64 : index
    %swap3A_202 = tpu.vector_load %arg24[%swap3A_200, %swap3A_201] {strides = array<i32>} : memref<32x128xbf16, #tpu.memory_space<vmem>>, vector<32xbf16>,
    tpu.vector_store %arg24[%swap3A_200, %swap3A_201], %broadcast_in_dim3A_198 {strides = array<i32>} : memref<32x128xbf16, #tpu.memory_space<vmem>>, vector<32xbf16>,
    %broadcast_in_dim3A_203 = arith.constant 0.000000e+00 : bf16
    %broadcast_in_dim3A_204 = vector.broadcast %broadcast_in_dim3A_203 : bf16 to vector<32xbf16>
    %swap3A_205 = arith.constant 5 : i32
    %swap3A_206 = arith.index_cast %swap3A_205 : i32 to index
    %swap3A_207 = arith.constant 96 : index
    %swap3A_208 = tpu.vector_load %arg24[%swap3A_206, %swap3A_207] {strides = array<i32>} : memref<32x128xbf16, #tpu.memory_space<vmem>>, vector<32xbf16>,
    tpu.vector_store %arg24[%swap3A_206, %swap3A_207], %broadcast_in_dim3A_204 {strides = array<i32>} : memref<32x128xbf16, #tpu.memory_space<vmem>>, vector<32xbf16>,
    %broadcast_in_dim3A_209 = arith.constant 0.000000e+00 : bf16
    %broadcast_in_dim3A_210 = vector.broadcast %broadcast_in_dim3A_209 : bf16 to vector<32xbf16>
    %swap3A_211 = arith.constant 6 : i32
    %swap3A_212 = arith.index_cast %swap3A_211 : i32 to index
    %swap3A_213 = arith.constant 0 : index
    %swap3A_214 = tpu.vector_load %arg24[%swap3A_212, %swap3A_213] {strides = array<i32>} : memref<32x128xbf16, #tpu.memory_space<vmem>>, vector<32xbf16>,
    tpu.vector_store %arg24[%swap3A_212, %swap3A_213], %broadcast_in_dim3A_210 {strides = array<i32>} : memref<32x128xbf16, #tpu.memory_space<vmem>>, vector<32xbf16>,
    %broadcast_in_dim3A_215 = arith.constant 0.000000e+00 : bf16
    %broadcast_in_dim3A_216 = vector.broadcast %broadcast_in_dim3A_215 : bf16 to vector<32xbf16>
    %swap3A_217 = arith.constant 6 : i32
    %swap3A_218 = arith.index_cast %swap3A_217 : i32 to index
    %swap3A_219 = arith.constant 32 : index
    %swap3A_220 = tpu.vector_load %arg24[%swap3A_218, %swap3A_219] {strides = array<i32>} : memref<32x128xbf16, #tpu.memory_space<vmem>>, vector<32xbf16>,
    tpu.vector_store %arg24[%swap3A_218, %swap3A_219], %broadcast_in_dim3A_216 {strides = array<i32>} : memref<32x128xbf16, #tpu.memory_space<vmem>>, vector<32xbf16>,
    %broadcast_in_dim3A_221 = arith.constant 0.000000e+00 : bf16
    %broadcast_in_dim3A_222 = vector.broadcast %broadcast_in_dim3A_221 : bf16 to vector<32xbf16>
    %swap3A_223 = arith.constant 6 : i32
    %swap3A_224 = arith.index_cast %swap3A_223 : i32 to index
    %swap3A_225 = arith.constant 64 : index
    %swap3A_226 = tpu.vector_load %arg24[%swap3A_224, %swap3A_225] {strides = array<i32>} : memref<32x128xbf16, #tpu.memory_space<vmem>>, vector<32xbf16>,
    tpu.vector_store %arg24[%swap3A_224, %swap3A_225], %broadcast_in_dim3A_222 {strides = array<i32>} : memref<32x128xbf16, #tpu.memory_space<vmem>>, vector<32xbf16>,
    %broadcast_in_dim3A_227 = arith.constant 0.000000e+00 : bf16
    %broadcast_in_dim3A_228 = vector.broadcast %broadcast_in_dim3A_227 : bf16 to vector<32xbf16>
    %swap3A_229 = arith.constant 6 : i32
    %swap3A_230 = arith.index_cast %swap3A_229 : i32 to index
    %swap3A_231 = arith.constant 96 : index
    %swap3A_232 = tpu.vector_load %arg24[%swap3A_230, %swap3A_231] {strides = array<i32>} : memref<32x128xbf16, #tpu.memory_space<vmem>>, vector<32xbf16>,
    tpu.vector_store %arg24[%swap3A_230, %swap3A_231], %broadcast_in_dim3A_228 {strides = array<i32>} : memref<32x128xbf16, #tpu.memory_space<vmem>>, vector<32xbf16>,
    %broadcast_in_dim3A_233 = arith.constant 0.000000e+00 : bf16
    %broadcast_in_dim3A_234 = vector.broadcast %broadcast_in_dim3A_233 : bf16 to vector<32xbf16>
    %swap3A_235 = arith.constant 7 : i32
    %swap3A_236 = arith.index_cast %swap3A_235 : i32 to index
    %swap3A_237 = arith.constant 0 : index
    %swap3A_238 = tpu.vector_load %arg24[%swap3A_236, %swap3A_237] {strides = array<i32>} : memref<32x128xbf16, #tpu.memory_space<vmem>>, vector<32xbf16>,
    tpu.vector_store %arg24[%swap3A_236, %swap3A_237], %broadcast_in_dim3A_234 {strides = array<i32>} : memref<32x128xbf16, #tpu.memory_space<vmem>>, vector<32xbf16>,
    %broadcast_in_dim3A_239 = arith.constant 0.000000e+00 : bf16
    %broadcast_in_dim3A_240 = vector.broadcast %broadcast_in_dim3A_239 : bf16 to vector<32xbf16>
    %swap3A_241 = arith.constant 7 : i32
    %swap3A_242 = arith.index_cast %swap3A_241 : i32 to index
    %swap3A_243 = arith.constant 32 : index
    %swap3A_244 = tpu.vector_load %arg24[%swap3A_242, %swap3A_243] {strides = array<i32>} : memref<32x128xbf16, #tpu.memory_space<vmem>>, vector<32xbf16>,
    tpu.vector_store %arg24[%swap3A_242, %swap3A_243], %broadcast_in_dim3A_240 {strides = array<i32>} : memref<32x128xbf16, #tpu.memory_space<vmem>>, vector<32xbf16>,
    %broadcast_in_dim3A_245 = arith.constant 0.000000e+00 : bf16
    %broadcast_in_dim3A_246 = vector.broadcast %broadcast_in_dim3A_245 : bf16 to vector<32xbf16>
    %swap3A_247 = arith.constant 7 : i32
    %swap3A_248 = arith.index_cast %swap3A_247 : i32 to index
    %swap3A_249 = arith.constant 64 : index
    %swap3A_250 = tpu.vector_load %arg24[%swap3A_248, %swap3A_249] {strides = array<i32>} : memref<32x128xbf16, #tpu.memory_space<vmem>>, vector<32xbf16>,
    tpu.vector_store %arg24[%swap3A_248, %swap3A_249], %broadcast_in_dim3A_246 {strides = array<i32>} : memref<32x128xbf16, #tpu.memory_space<vmem>>, vector<32xbf16>,
    %broadcast_in_dim3A_251 = arith.constant 0.000000e+00 : bf16
    %broadcast_in_dim3A_252 = vector.broadcast %broadcast_in_dim3A_251 : bf16 to vector<32xbf16>
    %swap3A_253 = arith.constant 7 : i32
    %swap3A_254 = arith.index_cast %swap3A_253 : i32 to index
    %swap3A_255 = arith.constant 96 : index
    %swap3A_256 = tpu.vector_load %arg24[%swap3A_254, %swap3A_255] {strides = array<i32>} : memref<32x128xbf16, #tpu.memory_space<vmem>>, vector<32xbf16>,
    tpu.vector_store %arg24[%swap3A_254, %swap3A_255], %broadcast_in_dim3A_252 {strides = array<i32>} : memref<32x128xbf16, #tpu.memory_space<vmem>>, vector<32xbf16>,
    %broadcast_in_dim3A_257 = arith.constant 0.000000e+00 : bf16
    %broadcast_in_dim3A_258 = vector.broadcast %broadcast_in_dim3A_257 : bf16 to vector<32xbf16>
    %swap3A_259 = arith.constant 8 : i32
    %swap3A_260 = arith.index_cast %swap3A_259 : i32 to index
    %swap3A_261 = arith.constant 0 : index
    %swap3A_262 = tpu.vector_load %arg24[%swap3A_260, %swap3A_261] {strides = array<i32>} : memref<32x128xbf16, #tpu.memory_space<vmem>>, vector<32xbf16>,
    tpu.vector_store %arg24[%swap3A_260, %swap3A_261], %broadcast_in_dim3A_258 {strides = array<i32>} : memref<32x128xbf16, #tpu.memory_space<vmem>>, vector<32xbf16>,
    %broadcast_in_dim3A_263 = arith.constant 0.000000e+00 : bf16
    %broadcast_in_dim3A_264 = vector.broadcast %broadcast_in_dim3A_263 : bf16 to vector<32xbf16>
    %swap3A_265 = arith.constant 8 : i32
    %swap3A_266 = arith.index_cast %swap3A_265 : i32 to index
    %swap3A_267 = arith.constant 32 : index
    %swap3A_268 = tpu.vector_load %arg24[%swap3A_266, %swap3A_267] {strides = array<i32>} : memref<32x128xbf16, #tpu.memory_space<vmem>>, vector<32xbf16>,
    tpu.vector_store %arg24[%swap3A_266, %swap3A_267], %broadcast_in_dim3A_264 {strides = array<i32>} : memref<32x128xbf16, #tpu.memory_space<vmem>>, vector<32xbf16>,
    %broadcast_in_dim3A_269 = arith.constant 0.000000e+00 : bf16
    %broadcast_in_dim3A_270 = vector.broadcast %broadcast_in_dim3A_269 : bf16 to vector<32xbf16>
    %swap3A_271 = arith.constant 8 : i32
    %swap3A_272 = arith.index_cast %swap3A_271 : i32 to index
    %swap3A_273 = arith.constant 64 : index
    %swap3A_274 = tpu.vector_load %arg24[%swap3A_272, %swap3A_273] {strides = array<i32>} : memref<32x128xbf16, #tpu.memory_space<vmem>>, vector<32xbf16>,
    tpu.vector_store %arg24[%swap3A_272, %swap3A_273], %broadcast_in_dim3A_270 {strides = array<i32>} : memref<32x128xbf16, #tpu.memory_space<vmem>>, vector<32xbf16>,
    %broadcast_in_dim3A_275 = arith.constant 0.000000e+00 : bf16
    %broadcast_in_dim3A_276 = vector.broadcast %broadcast_in_dim3A_275 : bf16 to vector<32xbf16>
    %swap3A_277 = arith.constant 8 : i32
    %swap3A_278 = arith.index_cast %swap3A_277 : i32 to index
    %swap3A_279 = arith.constant 96 : index
    %swap3A_280 = tpu.vector_load %arg24[%swap3A_278, %swap3A_279] {strides = array<i32>} : memref<32x128xbf16, #tpu.memory_space<vmem>>, vector<32xbf16>,
    tpu.vector_store %arg24[%swap3A_278, %swap3A_279], %broadcast_in_dim3A_276 {strides = array<i32>} : memref<32x128xbf16, #tpu.memory_space<vmem>>, vector<32xbf16>,
    %broadcast_in_dim3A_281 = arith.constant 0.000000e+00 : bf16
    %broadcast_in_dim3A_282 = vector.broadcast %broadcast_in_dim3A_281 : bf16 to vector<32xbf16>
    %swap3A_283 = arith.constant 9 : i32
    %swap3A_284 = arith.index_cast %swap3A_283 : i32 to index
    %swap3A_285 = arith.constant 0 : index
    %swap3A_286 = tpu.vector_load %arg24[%swap3A_284, %swap3A_285] {strides = array<i32>} : memref<32x128xbf16, #tpu.memory_space<vmem>>, vector<32xbf16>,
    tpu.vector_store %arg24[%swap3A_284, %swap3A_285], %broadcast_in_dim3A_282 {strides = array<i32>} : memref<32x128xbf16, #tpu.memory_space<vmem>>, vector<32xbf16>,
    %broadcast_in_dim3A_287 = arith.constant 0.000000e+00 : bf16
    %broadcast_in_dim3A_288 = vector.broadcast %broadcast_in_dim3A_287 : bf16 to vector<32xbf16>
    %swap3A_289 = arith.constant 9 : i32
    %swap3A_290 = arith.index_cast %swap3A_289 : i32 to index
    %swap3A_291 = arith.constant 32 : index
    %swap3A_292 = tpu.vector_load %arg24[%swap3A_290, %swap3A_291] {strides = array<i32>} : memref<32x128xbf16, #tpu.memory_space<vmem>>, vector<32xbf16>,
    tpu.vector_store %arg24[%swap3A_290, %swap3A_291], %broadcast_in_dim3A_288 {strides = array<i32>} : memref<32x128xbf16, #tpu.memory_space<vmem>>, vector<32xbf16>,
    %broadcast_in_dim3A_293 = arith.constant 0.000000e+00 : bf16
    %broadcast_in_dim3A_294 = vector.broadcast %broadcast_in_dim3A_293 : bf16 to vector<32xbf16>
    %swap3A_295 = arith.constant 9 : i32
    %swap3A_296 = arith.index_cast %swap3A_295 : i32 to index
    %swap3A_297 = arith.constant 64 : index
    %swap3A_298 = tpu.vector_load %arg24[%swap3A_296, %swap3A_297] {strides = array<i32>} : memref<32x128xbf16, #tpu.memory_space<vmem>>, vector<32xbf16>,
    tpu.vector_store %arg24[%swap3A_296, %swap3A_297], %broadcast_in_dim3A_294 {strides = array<i32>} : memref<32x128xbf16, #tpu.memory_space<vmem>>, vector<32xbf16>,
    %broadcast_in_dim3A_299 = arith.constant 0.000000e+00 : bf16
    %broadcast_in_dim3A_300 = vector.broadcast %broadcast_in_dim3A_299 : bf16 to vector<32xbf16>
    %swap3A_301 = arith.constant 9 : i32
    %swap3A_302 = arith.index_cast %swap3A_301 : i32 to index
    %swap3A_303 = arith.constant 96 : index
    %swap3A_304 = tpu.vector_load %arg24[%swap3A_302, %swap3A_303] {strides = array<i32>} : memref<32x128xbf16, #tpu.memory_space<vmem>>, vector<32xbf16>,
    tpu.vector_store %arg24[%swap3A_302, %swap3A_303], %broadcast_in_dim3A_300 {strides = array<i32>} : memref<32x128xbf16, #tpu.memory_space<vmem>>, vector<32xbf16>,
    %broadcast_in_dim3A_305 = arith.constant 0.000000e+00 : bf16
    %broadcast_in_dim3A_306 = vector.broadcast %broadcast_in_dim3A_305 : bf16 to vector<32xbf16>
    %swap3A_307 = arith.constant 10 : i32
    %swap3A_308 = arith.index_cast %swap3A_307 : i32 to index
    %swap3A_309 = arith.constant 0 : index
    %swap3A_310 = tpu.vector_load %arg24[%swap3A_308, %swap3A_309] {strides = array<i32>} : memref<32x128xbf16, #tpu.memory_space<vmem>>, vector<32xbf16>,
    tpu.vector_store %arg24[%swap3A_308, %swap3A_309], %broadcast_in_dim3A_306 {strides = array<i32>} : memref<32x128xbf16, #tpu.memory_space<vmem>>, vector<32xbf16>,
    %broadcast_in_dim3A_311 = arith.constant 0.000000e+00 : bf16
    %broadcast_in_dim3A_312 = vector.broadcast %broadcast_in_dim3A_311 : bf16 to vector<32xbf16>
    %swap3A_313 = arith.constant 10 : i32
    %swap3A_314 = arith.index_cast %swap3A_313 : i32 to index
    %swap3A_315 = arith.constant 32 : index
    %swap3A_316 = tpu.vector_load %arg24[%swap3A_314, %swap3A_315] {strides = array<i32>} : memref<32x128xbf16, #tpu.memory_space<vmem>>, vector<32xbf16>,
    tpu.vector_store %arg24[%swap3A_314, %swap3A_315], %broadcast_in_dim3A_312 {strides = array<i32>} : memref<32x128xbf16, #tpu.memory_space<vmem>>, vector<32xbf16>,
    %broadcast_in_dim3A_317 = arith.constant 0.000000e+00 : bf16
    %broadcast_in_dim3A_318 = vector.broadcast %broadcast_in_dim3A_317 : bf16 to vector<32xbf16>
    %swap3A_319 = arith.constant 10 : i32
    %swap3A_320 = arith.index_cast %swap3A_319 : i32 to index
    %swap3A_321 = arith.constant 64 : index
    %swap3A_322 = tpu.vector_load %arg24[%swap3A_320, %swap3A_321] {strides = array<i32>} : memref<32x128xbf16, #tpu.memory_space<vmem>>, vector<32xbf16>,
    tpu.vector_store %arg24[%swap3A_320, %swap3A_321], %broadcast_in_dim3A_318 {strides = array<i32>} : memref<32x128xbf16, #tpu.memory_space<vmem>>, vector<32xbf16>,
    %broadcast_in_dim3A_323 = arith.constant 0.000000e+00 : bf16
    %broadcast_in_dim3A_324 = vector.broadcast %broadcast_in_dim3A_323 : bf16 to vector<32xbf16>
    %swap3A_325 = arith.constant 10 : i32
    %swap3A_326 = arith.index_cast %swap3A_325 : i32 to index
    %swap3A_327 = arith.constant 96 : index
    %swap3A_328 = tpu.vector_load %arg24[%swap3A_326, %swap3A_327] {strides = array<i32>} : memref<32x128xbf16, #tpu.memory_space<vmem>>, vector<32xbf16>,
    tpu.vector_store %arg24[%swap3A_326, %swap3A_327], %broadcast_in_dim3A_324 {strides = array<i32>} : memref<32x128xbf16, #tpu.memory_space<vmem>>, vector<32xbf16>,
    %broadcast_in_dim3A_329 = arith.constant 0.000000e+00 : bf16
    %broadcast_in_dim3A_330 = vector.broadcast %broadcast_in_dim3A_329 : bf16 to vector<32xbf16>
    %swap3A_331 = arith.constant 11 : i32
    %swap3A_332 = arith.index_cast %swap3A_331 : i32 to index
    %swap3A_333 = arith.constant 0 : index
    %swap3A_334 = tpu.vector_load %arg24[%swap3A_332, %swap3A_333] {strides = array<i32>} : memref<32x128xbf16, #tpu.memory_space<vmem>>, vector<32xbf16>,
    tpu.vector_store %arg24[%swap3A_332, %swap3A_333], %broadcast_in_dim3A_330 {strides = array<i32>} : memref<32x128xbf16, #tpu.memory_space<vmem>>, vector<32xbf16>,
    %broadcast_in_dim3A_335 = arith.constant 0.000000e+00 : bf16
    %broadcast_in_dim3A_336 = vector.broadcast %broadcast_in_dim3A_335 : bf16 to vector<32xbf16>
    %swap3A_337 = arith.constant 11 : i32
    %swap3A_338 = arith.index_cast %swap3A_337 : i32 to index
    %swap3A_339 = arith.constant 32 : index
    %swap3A_340 = tpu.vector_load %arg24[%swap3A_338, %swap3A_339] {strides = array<i32>} : memref<32x128xbf16, #tpu.memory_space<vmem>>, vector<32xbf16>,
    tpu.vector_store %arg24[%swap3A_338, %swap3A_339], %broadcast_in_dim3A_336 {strides = array<i32>} : memref<32x128xbf16, #tpu.memory_space<vmem>>, vector<32xbf16>,
    %broadcast_in_dim3A_341 = arith.constant 0.000000e+00 : bf16
    %broadcast_in_dim3A_342 = vector.broadcast %broadcast_in_dim3A_341 : bf16 to vector<32xbf16>
    %swap3A_343 = arith.constant 11 : i32
    %swap3A_344 = arith.index_cast %swap3A_343 : i32 to index
    %swap3A_345 = arith.constant 64 : index
    %swap3A_346 = tpu.vector_load %arg24[%swap3A_344, %swap3A_345] {strides = array<i32>} : memref<32x128xbf16, #tpu.memory_space<vmem>>, vector<32xbf16>,
    tpu.vector_store %arg24[%swap3A_344, %swap3A_345], %broadcast_in_dim3A_342 {strides = array<i32>} : memref<32x128xbf16, #tpu.memory_space<vmem>>, vector<32xbf16>,
    %broadcast_in_dim3A_347 = arith.constant 0.000000e+00 : bf16
    %broadcast_in_dim3A_348 = vector.broadcast %broadcast_in_dim3A_347 : bf16 to vector<32xbf16>
    %swap3A_349 = arith.constant 11 : i32
    %swap3A_350 = arith.index_cast %swap3A_349 : i32 to index
    %swap3A_351 = arith.constant 96 : index
    %swap3A_352 = tpu.vector_load %arg24[%swap3A_350, %swap3A_351] {strides = array<i32>} : memref<32x128xbf16, #tpu.memory_space<vmem>>, vector<32xbf16>,
    tpu.vector_store %arg24[%swap3A_350, %swap3A_351], %broadcast_in_dim3A_348 {strides = array<i32>} : memref<32x128xbf16, #tpu.memory_space<vmem>>, vector<32xbf16>,
    %broadcast_in_dim3A_353 = arith.constant 0.000000e+00 : bf16
    %broadcast_in_dim3A_354 = vector.broadcast %broadcast_in_dim3A_353 : bf16 to vector<32xbf16>
    %swap3A_355 = arith.constant 12 : i32
    %swap3A_356 = arith.index_cast %swap3A_355 : i32 to index
    %swap3A_357 = arith.constant 0 : index
    %swap3A_358 = tpu.vector_load %arg24[%swap3A_356, %swap3A_357] {strides = array<i32>} : memref<32x128xbf16, #tpu.memory_space<vmem>>, vector<32xbf16>,
    tpu.vector_store %arg24[%swap3A_356, %swap3A_357], %broadcast_in_dim3A_354 {strides = array<i32>} : memref<32x128xbf16, #tpu.memory_space<vmem>>, vector<32xbf16>,
    %broadcast_in_dim3A_359 = arith.constant 0.000000e+00 : bf16
    %broadcast_in_dim3A_360 = vector.broadcast %broadcast_in_dim3A_359 : bf16 to vector<32xbf16>
    %swap3A_361 = arith.constant 12 : i32
    %swap3A_362 = arith.index_cast %swap3A_361 : i32 to index
    %swap3A_363 = arith.constant 32 : index
    %swap3A_364 = tpu.vector_load %arg24[%swap3A_362, %swap3A_363] {strides = array<i32>} : memref<32x128xbf16, #tpu.memory_space<vmem>>, vector<32xbf16>,
    tpu.vector_store %arg24[%swap3A_362, %swap3A_363], %broadcast_in_dim3A_360 {strides = array<i32>} : memref<32x128xbf16, #tpu.memory_space<vmem>>, vector<32xbf16>,
    %broadcast_in_dim3A_365 = arith.constant 0.000000e+00 : bf16
    %broadcast_in_dim3A_366 = vector.broadcast %broadcast_in_dim3A_365 : bf16 to vector<32xbf16>
    %swap3A_367 = arith.constant 12 : i32
    %swap3A_368 = arith.index_cast %swap3A_367 : i32 to index
    %swap3A_369 = arith.constant 64 : index
    %swap3A_370 = tpu.vector_load %arg24[%swap3A_368, %swap3A_369] {strides = array<i32>} : memref<32x128xbf16, #tpu.memory_space<vmem>>, vector<32xbf16>,
    tpu.vector_store %arg24[%swap3A_368, %swap3A_369], %broadcast_in_dim3A_366 {strides = array<i32>} : memref<32x128xbf16, #tpu.memory_space<vmem>>, vector<32xbf16>,
    %broadcast_in_dim3A_371 = arith.constant 0.000000e+00 : bf16
    %broadcast_in_dim3A_372 = vector.broadcast %broadcast_in_dim3A_371 : bf16 to vector<32xbf16>
    %swap3A_373 = arith.constant 12 : i32
    %swap3A_374 = arith.index_cast %swap3A_373 : i32 to index
    %swap3A_375 = arith.constant 96 : index
    %swap3A_376 = tpu.vector_load %arg24[%swap3A_374, %swap3A_375] {strides = array<i32>} : memref<32x128xbf16, #tpu.memory_space<vmem>>, vector<32xbf16>,
    tpu.vector_store %arg24[%swap3A_374, %swap3A_375], %broadcast_in_dim3A_372 {strides = array<i32>} : memref<32x128xbf16, #tpu.memory_space<vmem>>, vector<32xbf16>,
    %broadcast_in_dim3A_377 = arith.constant 0.000000e+00 : bf16
    %broadcast_in_dim3A_378 = vector.broadcast %broadcast_in_dim3A_377 : bf16 to vector<32xbf16>
    %swap3A_379 = arith.constant 13 : i32
    %swap3A_380 = arith.index_cast %swap3A_379 : i32 to index
    %swap3A_381 = arith.constant 0 : index
    %swap3A_382 = tpu.vector_load %arg24[%swap3A_380, %swap3A_381] {strides = array<i32>} : memref<32x128xbf16, #tpu.memory_space<vmem>>, vector<32xbf16>,
    tpu.vector_store %arg24[%swap3A_380, %swap3A_381], %broadcast_in_dim3A_378 {strides = array<i32>} : memref<32x128xbf16, #tpu.memory_space<vmem>>, vector<32xbf16>,
    %broadcast_in_dim3A_383 = arith.constant 0.000000e+00 : bf16
    %broadcast_in_dim3A_384 = vector.broadcast %broadcast_in_dim3A_383 : bf16 to vector<32xbf16>
    %swap3A_385 = arith.constant 13 : i32
    %swap3A_386 = arith.index_cast %swap3A_385 : i32 to index
    %swap3A_387 = arith.constant 32 : index
    %swap3A_388 = tpu.vector_load %arg24[%swap3A_386, %swap3A_387] {strides = array<i32>} : memref<32x128xbf16, #tpu.memory_space<vmem>>, vector<32xbf16>,
    tpu.vector_store %arg24[%swap3A_386, %swap3A_387], %broadcast_in_dim3A_384 {strides = array<i32>} : memref<32x128xbf16, #tpu.memory_space<vmem>>, vector<32xbf16>,
    %broadcast_in_dim3A_389 = arith.constant 0.000000e+00 : bf16
    %broadcast_in_dim3A_390 = vector.broadcast %broadcast_in_dim3A_389 : bf16 to vector<32xbf16>
    %swap3A_391 = arith.constant 13 : i32
    %swap3A_392 = arith.index_cast %swap3A_391 : i32 to index
    %swap3A_393 = arith.constant 64 : index
    %swap3A_394 = tpu.vector_load %arg24[%swap3A_392, %swap3A_393] {strides = array<i32>} : memref<32x128xbf16, #tpu.memory_space<vmem>>, vector<32xbf16>,
    tpu.vector_store %arg24[%swap3A_392, %swap3A_393], %broadcast_in_dim3A_390 {strides = array<i32>} : memref<32x128xbf16, #tpu.memory_space<vmem>>, vector<32xbf16>,
    %broadcast_in_dim3A_395 = arith.constant 0.000000e+00 : bf16
    %broadcast_in_dim3A_396 = vector.broadcast %broadcast_in_dim3A_395 : bf16 to vector<32xbf16>
    %swap3A_397 = arith.constant 13 : i32
    %swap3A_398 = arith.index_cast %swap3A_397 : i32 to index
    %swap3A_399 = arith.constant 96 : index
    %swap3A_400 = tpu.vector_load %arg24[%swap3A_398, %swap3A_399] {strides = array<i32>} : memref<32x128xbf16, #tpu.memory_space<vmem>>, vector<32xbf16>,
    tpu.vector_store %arg24[%swap3A_398, %swap3A_399], %broadcast_in_dim3A_396 {strides = array<i32>} : memref<32x128xbf16, #tpu.memory_space<vmem>>, vector<32xbf16>,
    %broadcast_in_dim3A_401 = arith.constant 0.000000e+00 : bf16
    %broadcast_in_dim3A_402 = vector.broadcast %broadcast_in_dim3A_401 : bf16 to vector<32xbf16>
    %swap3A_403 = arith.constant 14 : i32
    %swap3A_404 = arith.index_cast %swap3A_403 : i32 to index
    %swap3A_405 = arith.constant 0 : index
    %swap3A_406 = tpu.vector_load %arg24[%swap3A_404, %swap3A_405] {strides = array<i32>} : memref<32x128xbf16, #tpu.memory_space<vmem>>, vector<32xbf16>,
    tpu.vector_store %arg24[%swap3A_404, %swap3A_405], %broadcast_in_dim3A_402 {strides = array<i32>} : memref<32x128xbf16, #tpu.memory_space<vmem>>, vector<32xbf16>,
    %broadcast_in_dim3A_407 = arith.constant 0.000000e+00 : bf16
    %broadcast_in_dim3A_408 = vector.broadcast %broadcast_in_dim3A_407 : bf16 to vector<32xbf16>
    %swap3A_409 = arith.constant 14 : i32
    %swap3A_410 = arith.index_cast %swap3A_409 : i32 to index
    %swap3A_411 = arith.constant 32 : index
    %swap3A_412 = tpu.vector_load %arg24[%swap3A_410, %swap3A_411] {strides = array<i32>} : memref<32x128xbf16, #tpu.memory_space<vmem>>, vector<32xbf16>,
    tpu.vector_store %arg24[%swap3A_410, %swap3A_411], %broadcast_in_dim3A_408 {strides = array<i32>} : memref<32x128xbf16, #tpu.memory_space<vmem>>, vector<32xbf16>,
    %broadcast_in_dim3A_413 = arith.constant 0.000000e+00 : bf16
    %broadcast_in_dim3A_414 = vector.broadcast %broadcast_in_dim3A_413 : bf16 to vector<32xbf16>
    %swap3A_415 = arith.constant 14 : i32
    %swap3A_416 = arith.index_cast %swap3A_415 : i32 to index
    %swap3A_417 = arith.constant 64 : index
    %swap3A_418 = tpu.vector_load %arg24[%swap3A_416, %swap3A_417] {strides = array<i32>} : memref<32x128xbf16, #tpu.memory_space<vmem>>, vector<32xbf16>,
    tpu.vector_store %arg24[%swap3A_416, %swap3A_417], %broadcast_in_dim3A_414 {strides = array<i32>} : memref<32x128xbf16, #tpu.memory_space<vmem>>, vector<32xbf16>,
    %broadcast_in_dim3A_419 = arith.constant 0.000000e+00 : bf16
    %broadcast_in_dim3A_420 = vector.broadcast %broadcast_in_dim3A_419 : bf16 to vector<32xbf16>
    %swap3A_421 = arith.constant 14 : i32
    %swap3A_422 = arith.index_cast %swap3A_421 : i32 to index
    %swap3A_423 = arith.constant 96 : index
    %swap3A_424 = tpu.vector_load %arg24[%swap3A_422, %swap3A_423] {strides = array<i32>} : memref<32x128xbf16, #tpu.memory_space<vmem>>, vector<32xbf16>,
    tpu.vector_store %arg24[%swap3A_422, %swap3A_423], %broadcast_in_dim3A_420 {strides = array<i32>} : memref<32x128xbf16, #tpu.memory_space<vmem>>, vector<32xbf16>,
    %broadcast_in_dim3A_425 = arith.constant 0.000000e+00 : bf16
    %broadcast_in_dim3A_426 = vector.broadcast %broadcast_in_dim3A_425 : bf16 to vector<32xbf16>
    %swap3A_427 = arith.constant 15 : i32
    %swap3A_428 = arith.index_cast %swap3A_427 : i32 to index
    %swap3A_429 = arith.constant 0 : index
    %swap3A_430 = tpu.vector_load %arg24[%swap3A_428, %swap3A_429] {strides = array<i32>} : memref<32x128xbf16, #tpu.memory_space<vmem>>, vector<32xbf16>,
    tpu.vector_store %arg24[%swap3A_428, %swap3A_429], %broadcast_in_dim3A_426 {strides = array<i32>} : memref<32x128xbf16, #tpu.memory_space<vmem>>, vector<32xbf16>,
    %broadcast_in_dim3A_431 = arith.constant 0.000000e+00 : bf16
    %broadcast_in_dim3A_432 = vector.broadcast %broadcast_in_dim3A_431 : bf16 to vector<32xbf16>
    %swap3A_433 = arith.constant 15 : i32
    %swap3A_434 = arith.index_cast %swap3A_433 : i32 to index
    %swap3A_435 = arith.constant 32 : index
    %swap3A_436 = tpu.vector_load %arg24[%swap3A_434, %swap3A_435] {strides = array<i32>} : memref<32x128xbf16, #tpu.memory_space<vmem>>, vector<32xbf16>,
    tpu.vector_store %arg24[%swap3A_434, %swap3A_435], %broadcast_in_dim3A_432 {strides = array<i32>} : memref<32x128xbf16, #tpu.memory_space<vmem>>, vector<32xbf16>,
    %broadcast_in_dim3A_437 = arith.constant 0.000000e+00 : bf16
    %broadcast_in_dim3A_438 = vector.broadcast %broadcast_in_dim3A_437 : bf16 to vector<32xbf16>
    %swap3A_439 = arith.constant 15 : i32
    %swap3A_440 = arith.index_cast %swap3A_439 : i32 to index
    %swap3A_441 = arith.constant 64 : index
    %swap3A_442 = tpu.vector_load %arg24[%swap3A_440, %swap3A_441] {strides = array<i32>} : memref<32x128xbf16, #tpu.memory_space<vmem>>, vector<32xbf16>,
    tpu.vector_store %arg24[%swap3A_440, %swap3A_441], %broadcast_in_dim3A_438 {strides = array<i32>} : memref<32x128xbf16, #tpu.memory_space<vmem>>, vector<32xbf16>,
    %broadcast_in_dim3A_443 = arith.constant 0.000000e+00 : bf16
    %broadcast_in_dim3A_444 = vector.broadcast %broadcast_in_dim3A_443 : bf16 to vector<32xbf16>
    %swap3A_445 = arith.constant 15 : i32
    %swap3A_446 = arith.index_cast %swap3A_445 : i32 to index
    %swap3A_447 = arith.constant 96 : index
    %swap3A_448 = tpu.vector_load %arg24[%swap3A_446, %swap3A_447] {strides = array<i32>} : memref<32x128xbf16, #tpu.memory_space<vmem>>, vector<32xbf16>,
    tpu.vector_store %arg24[%swap3A_446, %swap3A_447], %broadcast_in_dim3A_444 {strides = array<i32>} : memref<32x128xbf16, #tpu.memory_space<vmem>>, vector<32xbf16>,
    %broadcast_in_dim3A_449 = arith.constant 0.000000e+00 : bf16
    %broadcast_in_dim3A_450 = vector.broadcast %broadcast_in_dim3A_449 : bf16 to vector<32xbf16>
    %swap3A_451 = arith.constant 16 : i32
    %swap3A_452 = arith.index_cast %swap3A_451 : i32 to index
    %swap3A_453 = arith.constant 0 : index
    %swap3A_454 = tpu.vector_load %arg24[%swap3A_452, %swap3A_453] {strides = array<i32>} : memref<32x128xbf16, #tpu.memory_space<vmem>>, vector<32xbf16>,
    tpu.vector_store %arg24[%swap3A_452, %swap3A_453], %broadcast_in_dim3A_450 {strides = array<i32>} : memref<32x128xbf16, #tpu.memory_space<vmem>>, vector<32xbf16>,
    %broadcast_in_dim3A_455 = arith.constant 0.000000e+00 : bf16
    %broadcast_in_dim3A_456 = vector.broadcast %broadcast_in_dim3A_455 : bf16 to vector<32xbf16>
    %swap3A_457 = arith.constant 16 : i32
    %swap3A_458 = arith.index_cast %swap3A_457 : i32 to index
    %swap3A_459 = arith.constant 32 : index
    %swap3A_460 = tpu.vector_load %arg24[%swap3A_458, %swap3A_459] {strides = array<i32>} : memref<32x128xbf16, #tpu.memory_space<vmem>>, vector<32xbf16>,
    tpu.vector_store %arg24[%swap3A_458, %swap3A_459], %broadcast_in_dim3A_456 {strides = array<i32>} : memref<32x128xbf16, #tpu.memory_space<vmem>>, vector<32xbf16>,
    %broadcast_in_dim3A_461 = arith.constant 0.000000e+00 : bf16
    %broadcast_in_dim3A_462 = vector.broadcast %broadcast_in_dim3A_461 : bf16 to vector<32xbf16>
    %swap3A_463 = arith.constant 16 : i32
    %swap3A_464 = arith.index_cast %swap3A_463 : i32 to index
    %swap3A_465 = arith.constant 64 : index
    %swap3A_466 = tpu.vector_load %arg24[%swap3A_464, %swap3A_465] {strides = array<i32>} : memref<32x128xbf16, #tpu.memory_space<vmem>>, vector<32xbf16>,
    tpu.vector_store %arg24[%swap3A_464, %swap3A_465], %broadcast_in_dim3A_462 {strides = array<i32>} : memref<32x128xbf16, #tpu.memory_space<vmem>>, vector<32xbf16>,
    %broadcast_in_dim3A_467 = arith.constant 0.000000e+00 : bf16
    %broadcast_in_dim3A_468 = vector.broadcast %broadcast_in_dim3A_467 : bf16 to vector<32xbf16>
    %swap3A_469 = arith.constant 16 : i32
    %swap3A_470 = arith.index_cast %swap3A_469 : i32 to index
    %swap3A_471 = arith.constant 96 : index
    %swap3A_472 = tpu.vector_load %arg24[%swap3A_470, %swap3A_471] {strides = array<i32>} : memref<32x128xbf16, #tpu.memory_space<vmem>>, vector<32xbf16>,
    tpu.vector_store %arg24[%swap3A_470, %swap3A_471], %broadcast_in_dim3A_468 {strides = array<i32>} : memref<32x128xbf16, #tpu.memory_space<vmem>>, vector<32xbf16>,
    %broadcast_in_dim3A_473 = arith.constant 0.000000e+00 : bf16
    %broadcast_in_dim3A_474 = vector.broadcast %broadcast_in_dim3A_473 : bf16 to vector<32xbf16>
    %swap3A_475 = arith.constant 17 : i32
    %swap3A_476 = arith.index_cast %swap3A_475 : i32 to index
    %swap3A_477 = arith.constant 0 : index
    %swap3A_478 = tpu.vector_load %arg24[%swap3A_476, %swap3A_477] {strides = array<i32>} : memref<32x128xbf16, #tpu.memory_space<vmem>>, vector<32xbf16>,
    tpu.vector_store %arg24[%swap3A_476, %swap3A_477], %broadcast_in_dim3A_474 {strides = array<i32>} : memref<32x128xbf16, #tpu.memory_space<vmem>>, vector<32xbf16>,
    %broadcast_in_dim3A_479 = arith.constant 0.000000e+00 : bf16
    %broadcast_in_dim3A_480 = vector.broadcast %broadcast_in_dim3A_479 : bf16 to vector<32xbf16>
    %swap3A_481 = arith.constant 17 : i32
    %swap3A_482 = arith.index_cast %swap3A_481 : i32 to index
    %swap3A_483 = arith.constant 32 : index
    %swap3A_484 = tpu.vector_load %arg24[%swap3A_482, %swap3A_483] {strides = array<i32>} : memref<32x128xbf16, #tpu.memory_space<vmem>>, vector<32xbf16>,
    tpu.vector_store %arg24[%swap3A_482, %swap3A_483], %broadcast_in_dim3A_480 {strides = array<i32>} : memref<32x128xbf16, #tpu.memory_space<vmem>>, vector<32xbf16>,
    %broadcast_in_dim3A_485 = arith.constant 0.000000e+00 : bf16
    %broadcast_in_dim3A_486 = vector.broadcast %broadcast_in_dim3A_485 : bf16 to vector<32xbf16>
    %swap3A_487 = arith.constant 17 : i32
    %swap3A_488 = arith.index_cast %swap3A_487 : i32 to index
    %swap3A_489 = arith.constant 64 : index
    %swap3A_490 = tpu.vector_load %arg24[%swap3A_488, %swap3A_489] {strides = array<i32>} : memref<32x128xbf16, #tpu.memory_space<vmem>>, vector<32xbf16>,
    tpu.vector_store %arg24[%swap3A_488, %swap3A_489], %broadcast_in_dim3A_486 {strides = array<i32>} : memref<32x128xbf16, #tpu.memory_space<vmem>>, vector<32xbf16>,
    %broadcast_in_dim3A_491 = arith.constant 0.000000e+00 : bf16
    %broadcast_in_dim3A_492 = vector.broadcast %broadcast_in_dim3A_491 : bf16 to vector<32xbf16>
    %swap3A_493 = arith.constant 17 : i32
    %swap3A_494 = arith.index_cast %swap3A_493 : i32 to index
    %swap3A_495 = arith.constant 96 : index
    %swap3A_496 = tpu.vector_load %arg24[%swap3A_494, %swap3A_495] {strides = array<i32>} : memref<32x128xbf16, #tpu.memory_space<vmem>>, vector<32xbf16>,
    tpu.vector_store %arg24[%swap3A_494, %swap3A_495], %broadcast_in_dim3A_492 {strides = array<i32>} : memref<32x128xbf16, #tpu.memory_space<vmem>>, vector<32xbf16>,
    %broadcast_in_dim3A_497 = arith.constant 0.000000e+00 : bf16
    %broadcast_in_dim3A_498 = vector.broadcast %broadcast_in_dim3A_497 : bf16 to vector<32xbf16>
    %swap3A_499 = arith.constant 18 : i32
    %swap3A_500 = arith.index_cast %swap3A_499 : i32 to index
    %swap3A_501 = arith.constant 0 : index
    %swap3A_502 = tpu.vector_load %arg24[%swap3A_500, %swap3A_501] {strides = array<i32>} : memref<32x128xbf16, #tpu.memory_space<vmem>>, vector<32xbf16>,
    tpu.vector_store %arg24[%swap3A_500, %swap3A_501], %broadcast_in_dim3A_498 {strides = array<i32>} : memref<32x128xbf16, #tpu.memory_space<vmem>>, vector<32xbf16>,
    %broadcast_in_dim3A_503 = arith.constant 0.000000e+00 : bf16
    %broadcast_in_dim3A_504 = vector.broadcast %broadcast_in_dim3A_503 : bf16 to vector<32xbf16>
    %swap3A_505 = arith.constant 18 : i32
    %swap3A_506 = arith.index_cast %swap3A_505 : i32 to index
    %swap3A_507 = arith.constant 32 : index
    %swap3A_508 = tpu.vector_load %arg24[%swap3A_506, %swap3A_507] {strides = array<i32>} : memref<32x128xbf16, #tpu.memory_space<vmem>>, vector<32xbf16>,
    tpu.vector_store %arg24[%swap3A_506, %swap3A_507], %broadcast_in_dim3A_504 {strides = array<i32>} : memref<32x128xbf16, #tpu.memory_space<vmem>>, vector<32xbf16>,
    %broadcast_in_dim3A_509 = arith.constant 0.000000e+00 : bf16
    %broadcast_in_dim3A_510 = vector.broadcast %broadcast_in_dim3A_509 : bf16 to vector<32xbf16>
    %swap3A_511 = arith.constant 18 : i32
    %swap3A_512 = arith.index_cast %swap3A_511 : i32 to index
    %swap3A_513 = arith.constant 64 : index
    %swap3A_514 = tpu.vector_load %arg24[%swap3A_512, %swap3A_513] {strides = array<i32>} : memref<32x128xbf16, #tpu.memory_space<vmem>>, vector<32xbf16>,
    tpu.vector_store %arg24[%swap3A_512, %swap3A_513], %broadcast_in_dim3A_510 {strides = array<i32>} : memref<32x128xbf16, #tpu.memory_space<vmem>>, vector<32xbf16>,
    %broadcast_in_dim3A_515 = arith.constant 0.000000e+00 : bf16
    %broadcast_in_dim3A_516 = vector.broadcast %broadcast_in_dim3A_515 : bf16 to vector<32xbf16>
    %swap3A_517 = arith.constant 18 : i32
    %swap3A_518 = arith.index_cast %swap3A_517 : i32 to index
    %swap3A_519 = arith.constant 96 : index
    %swap3A_520 = tpu.vector_load %arg24[%swap3A_518, %swap3A_519] {strides = array<i32>} : memref<32x128xbf16, #tpu.memory_space<vmem>>, vector<32xbf16>,
    tpu.vector_store %arg24[%swap3A_518, %swap3A_519], %broadcast_in_dim3A_516 {strides = array<i32>} : memref<32x128xbf16, #tpu.memory_space<vmem>>, vector<32xbf16>,
    %broadcast_in_dim3A_521 = arith.constant 0.000000e+00 : bf16
    %broadcast_in_dim3A_522 = vector.broadcast %broadcast_in_dim3A_521 : bf16 to vector<32xbf16>
    %swap3A_523 = arith.constant 19 : i32
    %swap3A_524 = arith.index_cast %swap3A_523 : i32 to index
    %swap3A_525 = arith.constant 0 : index
    %swap3A_526 = tpu.vector_load %arg24[%swap3A_524, %swap3A_525] {strides = array<i32>} : memref<32x128xbf16, #tpu.memory_space<vmem>>, vector<32xbf16>,
    tpu.vector_store %arg24[%swap3A_524, %swap3A_525], %broadcast_in_dim3A_522 {strides = array<i32>} : memref<32x128xbf16, #tpu.memory_space<vmem>>, vector<32xbf16>,
    %broadcast_in_dim3A_527 = arith.constant 0.000000e+00 : bf16
    %broadcast_in_dim3A_528 = vector.broadcast %broadcast_in_dim3A_527 : bf16 to vector<32xbf16>
    %swap3A_529 = arith.constant 19 : i32
    %swap3A_530 = arith.index_cast %swap3A_529 : i32 to index
    %swap3A_531 = arith.constant 32 : index
    %swap3A_532 = tpu.vector_load %arg24[%swap3A_530, %swap3A_531] {strides = array<i32>} : memref<32x128xbf16, #tpu.memory_space<vmem>>, vector<32xbf16>,
    tpu.vector_store %arg24[%swap3A_530, %swap3A_531], %broadcast_in_dim3A_528 {strides = array<i32>} : memref<32x128xbf16, #tpu.memory_space<vmem>>, vector<32xbf16>,
    %broadcast_in_dim3A_533 = arith.constant 0.000000e+00 : bf16
    %broadcast_in_dim3A_534 = vector.broadcast %broadcast_in_dim3A_533 : bf16 to vector<32xbf16>
    %swap3A_535 = arith.constant 19 : i32
    %swap3A_536 = arith.index_cast %swap3A_535 : i32 to index
    %swap3A_537 = arith.constant 64 : index
    %swap3A_538 = tpu.vector_load %arg24[%swap3A_536, %swap3A_537] {strides = array<i32>} : memref<32x128xbf16, #tpu.memory_space<vmem>>, vector<32xbf16>,
    tpu.vector_store %arg24[%swap3A_536, %swap3A_537], %broadcast_in_dim3A_534 {strides = array<i32>} : memref<32x128xbf16, #tpu.memory_space<vmem>>, vector<32xbf16>,
    %broadcast_in_dim3A_539 = arith.constant 0.000000e+00 : bf16
    %broadcast_in_dim3A_540 = vector.broadcast %broadcast_in_dim3A_539 : bf16 to vector<32xbf16>
    %swap3A_541 = arith.constant 19 : i32
    %swap3A_542 = arith.index_cast %swap3A_541 : i32 to index
    %swap3A_543 = arith.constant 96 : index
    %swap3A_544 = tpu.vector_load %arg24[%swap3A_542, %swap3A_543] {strides = array<i32>} : memref<32x128xbf16, #tpu.memory_space<vmem>>, vector<32xbf16>,
    tpu.vector_store %arg24[%swap3A_542, %swap3A_543], %broadcast_in_dim3A_540 {strides = array<i32>} : memref<32x128xbf16, #tpu.memory_space<vmem>>, vector<32xbf16>,
    %broadcast_in_dim3A_545 = arith.constant 0.000000e+00 : bf16
    %broadcast_in_dim3A_546 = vector.broadcast %broadcast_in_dim3A_545 : bf16 to vector<32xbf16>
    %swap3A_547 = arith.constant 20 : i32
    %swap3A_548 = arith.index_cast %swap3A_547 : i32 to index
    %swap3A_549 = arith.constant 0 : index
    %swap3A_550 = tpu.vector_load %arg24[%swap3A_548, %swap3A_549] {strides = array<i32>} : memref<32x128xbf16, #tpu.memory_space<vmem>>, vector<32xbf16>,
    tpu.vector_store %arg24[%swap3A_548, %swap3A_549], %broadcast_in_dim3A_546 {strides = array<i32>} : memref<32x128xbf16, #tpu.memory_space<vmem>>, vector<32xbf16>,
    %broadcast_in_dim3A_551 = arith.constant 0.000000e+00 : bf16
    %broadcast_in_dim3A_552 = vector.broadcast %broadcast_in_dim3A_551 : bf16 to vector<32xbf16>
    %swap3A_553 = arith.constant 20 : i32
    %swap3A_554 = arith.index_cast %swap3A_553 : i32 to index
    %swap3A_555 = arith.constant 32 : index
    %swap3A_556 = tpu.vector_load %arg24[%swap3A_554, %swap3A_555] {strides = array<i32>} : memref<32x128xbf16, #tpu.memory_space<vmem>>, vector<32xbf16>,
    tpu.vector_store %arg24[%swap3A_554, %swap3A_555], %broadcast_in_dim3A_552 {strides = array<i32>} : memref<32x128xbf16, #tpu.memory_space<vmem>>, vector<32xbf16>,
    %broadcast_in_dim3A_557 = arith.constant 0.000000e+00 : bf16
    %broadcast_in_dim3A_558 = vector.broadcast %broadcast_in_dim3A_557 : bf16 to vector<32xbf16>
    %swap3A_559 = arith.constant 20 : i32
    %swap3A_560 = arith.index_cast %swap3A_559 : i32 to index
    %swap3A_561 = arith.constant 64 : index
    %swap3A_562 = tpu.vector_load %arg24[%swap3A_560, %swap3A_561] {strides = array<i32>} : memref<32x128xbf16, #tpu.memory_space<vmem>>, vector<32xbf16>,
    tpu.vector_store %arg24[%swap3A_560, %swap3A_561], %broadcast_in_dim3A_558 {strides = array<i32>} : memref<32x128xbf16, #tpu.memory_space<vmem>>, vector<32xbf16>,
    %broadcast_in_dim3A_563 = arith.constant 0.000000e+00 : bf16
    %broadcast_in_dim3A_564 = vector.broadcast %broadcast_in_dim3A_563 : bf16 to vector<32xbf16>
    %swap3A_565 = arith.constant 20 : i32
    %swap3A_566 = arith.index_cast %swap3A_565 : i32 to index
    %swap3A_567 = arith.constant 96 : index
    %swap3A_568 = tpu.vector_load %arg24[%swap3A_566, %swap3A_567] {strides = array<i32>} : memref<32x128xbf16, #tpu.memory_space<vmem>>, vector<32xbf16>,
    tpu.vector_store %arg24[%swap3A_566, %swap3A_567], %broadcast_in_dim3A_564 {strides = array<i32>} : memref<32x128xbf16, #tpu.memory_space<vmem>>, vector<32xbf16>,
    %broadcast_in_dim3A_569 = arith.constant 0.000000e+00 : bf16
    %broadcast_in_dim3A_570 = vector.broadcast %broadcast_in_dim3A_569 : bf16 to vector<32xbf16>
    %swap3A_571 = arith.constant 21 : i32
    %swap3A_572 = arith.index_cast %swap3A_571 : i32 to index
    %swap3A_573 = arith.constant 0 : index
    %swap3A_574 = tpu.vector_load %arg24[%swap3A_572, %swap3A_573] {strides = array<i32>} : memref<32x128xbf16, #tpu.memory_space<vmem>>, vector<32xbf16>,
    tpu.vector_store %arg24[%swap3A_572, %swap3A_573], %broadcast_in_dim3A_570 {strides = array<i32>} : memref<32x128xbf16, #tpu.memory_space<vmem>>, vector<32xbf16>,
    %broadcast_in_dim3A_575 = arith.constant 0.000000e+00 : bf16
    %broadcast_in_dim3A_576 = vector.broadcast %broadcast_in_dim3A_575 : bf16 to vector<32xbf16>
    %swap3A_577 = arith.constant 21 : i32
    %swap3A_578 = arith.index_cast %swap3A_577 : i32 to index
    %swap3A_579 = arith.constant 32 : index
    %swap3A_580 = tpu.vector_load %arg24[%swap3A_578, %swap3A_579] {strides = array<i32>} : memref<32x128xbf16, #tpu.memory_space<vmem>>, vector<32xbf16>,
    tpu.vector_store %arg24[%swap3A_578, %swap3A_579], %broadcast_in_dim3A_576 {strides = array<i32>} : memref<32x128xbf16, #tpu.memory_space<vmem>>, vector<32xbf16>,
    %broadcast_in_dim3A_581 = arith.constant 0.000000e+00 : bf16
    %broadcast_in_dim3A_582 = vector.broadcast %broadcast_in_dim3A_581 : bf16 to vector<32xbf16>
    %swap3A_583 = arith.constant 21 : i32
    %swap3A_584 = arith.index_cast %swap3A_583 : i32 to index
    %swap3A_585 = arith.constant 64 : index
    %swap3A_586 = tpu.vector_load %arg24[%swap3A_584, %swap3A_585] {strides = array<i32>} : memref<32x128xbf16, #tpu.memory_space<vmem>>, vector<32xbf16>,
    tpu.vector_store %arg24[%swap3A_584, %swap3A_585], %broadcast_in_dim3A_582 {strides = array<i32>} : memref<32x128xbf16, #tpu.memory_space<vmem>>, vector<32xbf16>,
    %broadcast_in_dim3A_587 = arith.constant 0.000000e+00 : bf16
    %broadcast_in_dim3A_588 = vector.broadcast %broadcast_in_dim3A_587 : bf16 to vector<32xbf16>
    %swap3A_589 = arith.constant 21 : i32
    %swap3A_590 = arith.index_cast %swap3A_589 : i32 to index
    %swap3A_591 = arith.constant 96 : index
    %swap3A_592 = tpu.vector_load %arg24[%swap3A_590, %swap3A_591] {strides = array<i32>} : memref<32x128xbf16, #tpu.memory_space<vmem>>, vector<32xbf16>,
    tpu.vector_store %arg24[%swap3A_590, %swap3A_591], %broadcast_in_dim3A_588 {strides = array<i32>} : memref<32x128xbf16, #tpu.memory_space<vmem>>, vector<32xbf16>,
    %broadcast_in_dim3A_593 = arith.constant 0.000000e+00 : bf16
    %broadcast_in_dim3A_594 = vector.broadcast %broadcast_in_dim3A_593 : bf16 to vector<32xbf16>
    %swap3A_595 = arith.constant 22 : i32
    %swap3A_596 = arith.index_cast %swap3A_595 : i32 to index
    %swap3A_597 = arith.constant 0 : index
    %swap3A_598 = tpu.vector_load %arg24[%swap3A_596, %swap3A_597] {strides = array<i32>} : memref<32x128xbf16, #tpu.memory_space<vmem>>, vector<32xbf16>,
    tpu.vector_store %arg24[%swap3A_596, %swap3A_597], %broadcast_in_dim3A_594 {strides = array<i32>} : memref<32x128xbf16, #tpu.memory_space<vmem>>, vector<32xbf16>,
    %broadcast_in_dim3A_599 = arith.constant 0.000000e+00 : bf16
    %broadcast_in_dim3A_600 = vector.broadcast %broadcast_in_dim3A_599 : bf16 to vector<32xbf16>
    %swap3A_601 = arith.constant 22 : i32
    %swap3A_602 = arith.index_cast %swap3A_601 : i32 to index
    %swap3A_603 = arith.constant 32 : index
    %swap3A_604 = tpu.vector_load %arg24[%swap3A_602, %swap3A_603] {strides = array<i32>} : memref<32x128xbf16, #tpu.memory_space<vmem>>, vector<32xbf16>,
    tpu.vector_store %arg24[%swap3A_602, %swap3A_603], %broadcast_in_dim3A_600 {strides = array<i32>} : memref<32x128xbf16, #tpu.memory_space<vmem>>, vector<32xbf16>,
    %broadcast_in_dim3A_605 = arith.constant 0.000000e+00 : bf16
    %broadcast_in_dim3A_606 = vector.broadcast %broadcast_in_dim3A_605 : bf16 to vector<32xbf16>
    %swap3A_607 = arith.constant 22 : i32
    %swap3A_608 = arith.index_cast %swap3A_607 : i32 to index
    %swap3A_609 = arith.constant 64 : index
    %swap3A_610 = tpu.vector_load %arg24[%swap3A_608, %swap3A_609] {strides = array<i32>} : memref<32x128xbf16, #tpu.memory_space<vmem>>, vector<32xbf16>,
    tpu.vector_store %arg24[%swap3A_608, %swap3A_609], %broadcast_in_dim3A_606 {strides = array<i32>} : memref<32x128xbf16, #tpu.memory_space<vmem>>, vector<32xbf16>,
    %broadcast_in_dim3A_611 = arith.constant 0.000000e+00 : bf16
    %broadcast_in_dim3A_612 = vector.broadcast %broadcast_in_dim3A_611 : bf16 to vector<32xbf16>
    %swap3A_613 = arith.constant 22 : i32
    %swap3A_614 = arith.index_cast %swap3A_613 : i32 to index
    %swap3A_615 = arith.constant 96 : index
    %swap3A_616 = tpu.vector_load %arg24[%swap3A_614, %swap3A_615] {strides = array<i32>} : memref<32x128xbf16, #tpu.memory_space<vmem>>, vector<32xbf16>,
    tpu.vector_store %arg24[%swap3A_614, %swap3A_615], %broadcast_in_dim3A_612 {strides = array<i32>} : memref<32x128xbf16, #tpu.memory_space<vmem>>, vector<32xbf16>,
    %broadcast_in_dim3A_617 = arith.constant 0.000000e+00 : bf16
    %broadcast_in_dim3A_618 = vector.broadcast %broadcast_in_dim3A_617 : bf16 to vector<32xbf16>
    %swap3A_619 = arith.constant 23 : i32
    %swap3A_620 = arith.index_cast %swap3A_619 : i32 to index
    %swap3A_621 = arith.constant 0 : index
    %swap3A_622 = tpu.vector_load %arg24[%swap3A_620, %swap3A_621] {strides = array<i32>} : memref<32x128xbf16, #tpu.memory_space<vmem>>, vector<32xbf16>,
    tpu.vector_store %arg24[%swap3A_620, %swap3A_621], %broadcast_in_dim3A_618 {strides = array<i32>} : memref<32x128xbf16, #tpu.memory_space<vmem>>, vector<32xbf16>,
    %broadcast_in_dim3A_623 = arith.constant 0.000000e+00 : bf16
    %broadcast_in_dim3A_624 = vector.broadcast %broadcast_in_dim3A_623 : bf16 to vector<32xbf16>
    %swap3A_625 = arith.constant 23 : i32
    %swap3A_626 = arith.index_cast %swap3A_625 : i32 to index
    %swap3A_627 = arith.constant 32 : index
    %swap3A_628 = tpu.vector_load %arg24[%swap3A_626, %swap3A_627] {strides = array<i32>} : memref<32x128xbf16, #tpu.memory_space<vmem>>, vector<32xbf16>,
    tpu.vector_store %arg24[%swap3A_626, %swap3A_627], %broadcast_in_dim3A_624 {strides = array<i32>} : memref<32x128xbf16, #tpu.memory_space<vmem>>, vector<32xbf16>,
    %broadcast_in_dim3A_629 = arith.constant 0.000000e+00 : bf16
    %broadcast_in_dim3A_630 = vector.broadcast %broadcast_in_dim3A_629 : bf16 to vector<32xbf16>
    %swap3A_631 = arith.constant 23 : i32
    %swap3A_632 = arith.index_cast %swap3A_631 : i32 to index
    %swap3A_633 = arith.constant 64 : index
    %swap3A_634 = tpu.vector_load %arg24[%swap3A_632, %swap3A_633] {strides = array<i32>} : memref<32x128xbf16, #tpu.memory_space<vmem>>, vector<32xbf16>,
    tpu.vector_store %arg24[%swap3A_632, %swap3A_633], %broadcast_in_dim3A_630 {strides = array<i32>} : memref<32x128xbf16, #tpu.memory_space<vmem>>, vector<32xbf16>,
    %broadcast_in_dim3A_635 = arith.constant 0.000000e+00 : bf16
    %broadcast_in_dim3A_636 = vector.broadcast %broadcast_in_dim3A_635 : bf16 to vector<32xbf16>
    %swap3A_637 = arith.constant 23 : i32
    %swap3A_638 = arith.index_cast %swap3A_637 : i32 to index
    %swap3A_639 = arith.constant 96 : index
    %swap3A_640 = tpu.vector_load %arg24[%swap3A_638, %swap3A_639] {strides = array<i32>} : memref<32x128xbf16, #tpu.memory_space<vmem>>, vector<32xbf16>,
    tpu.vector_store %arg24[%swap3A_638, %swap3A_639], %broadcast_in_dim3A_636 {strides = array<i32>} : memref<32x128xbf16, #tpu.memory_space<vmem>>, vector<32xbf16>,
    %broadcast_in_dim3A_641 = arith.constant 0.000000e+00 : bf16
    %broadcast_in_dim3A_642 = vector.broadcast %broadcast_in_dim3A_641 : bf16 to vector<32xbf16>
    %swap3A_643 = arith.constant 24 : i32
    %swap3A_644 = arith.index_cast %swap3A_643 : i32 to index
    %swap3A_645 = arith.constant 0 : index
    %swap3A_646 = tpu.vector_load %arg24[%swap3A_644, %swap3A_645] {strides = array<i32>} : memref<32x128xbf16, #tpu.memory_space<vmem>>, vector<32xbf16>,
    tpu.vector_store %arg24[%swap3A_644, %swap3A_645], %broadcast_in_dim3A_642 {strides = array<i32>} : memref<32x128xbf16, #tpu.memory_space<vmem>>, vector<32xbf16>,
    %broadcast_in_dim3A_647 = arith.constant 0.000000e+00 : bf16
    %broadcast_in_dim3A_648 = vector.broadcast %broadcast_in_dim3A_647 : bf16 to vector<32xbf16>
    %swap3A_649 = arith.constant 24 : i32
    %swap3A_650 = arith.index_cast %swap3A_649 : i32 to index
    %swap3A_651 = arith.constant 32 : index
    %swap3A_652 = tpu.vector_load %arg24[%swap3A_650, %swap3A_651] {strides = array<i32>} : memref<32x128xbf16, #tpu.memory_space<vmem>>, vector<32xbf16>,
    tpu.vector_store %arg24[%swap3A_650, %swap3A_651], %broadcast_in_dim3A_648 {strides = array<i32>} : memref<32x128xbf16, #tpu.memory_space<vmem>>, vector<32xbf16>,
    %broadcast_in_dim3A_653 = arith.constant 0.000000e+00 : bf16
    %broadcast_in_dim3A_654 = vector.broadcast %broadcast_in_dim3A_653 : bf16 to vector<32xbf16>
    %swap3A_655 = arith.constant 24 : i32
    %swap3A_656 = arith.index_cast %swap3A_655 : i32 to index
    %swap3A_657 = arith.constant 64 : index
    %swap3A_658 = tpu.vector_load %arg24[%swap3A_656, %swap3A_657] {strides = array<i32>} : memref<32x128xbf16, #tpu.memory_space<vmem>>, vector<32xbf16>,
    tpu.vector_store %arg24[%swap3A_656, %swap3A_657], %broadcast_in_dim3A_654 {strides = array<i32>} : memref<32x128xbf16, #tpu.memory_space<vmem>>, vector<32xbf16>,
    %broadcast_in_dim3A_659 = arith.constant 0.000000e+00 : bf16
    %broadcast_in_dim3A_660 = vector.broadcast %broadcast_in_dim3A_659 : bf16 to vector<32xbf16>
    %swap3A_661 = arith.constant 24 : i32
    %swap3A_662 = arith.index_cast %swap3A_661 : i32 to index
    %swap3A_663 = arith.constant 96 : index
    %swap3A_664 = tpu.vector_load %arg24[%swap3A_662, %swap3A_663] {strides = array<i32>} : memref<32x128xbf16, #tpu.memory_space<vmem>>, vector<32xbf16>,
    tpu.vector_store %arg24[%swap3A_662, %swap3A_663], %broadcast_in_dim3A_660 {strides = array<i32>} : memref<32x128xbf16, #tpu.memory_space<vmem>>, vector<32xbf16>,
    %broadcast_in_dim3A_665 = arith.constant 0.000000e+00 : bf16
    %broadcast_in_dim3A_666 = vector.broadcast %broadcast_in_dim3A_665 : bf16 to vector<32xbf16>
    %swap3A_667 = arith.constant 25 : i32
    %swap3A_668 = arith.index_cast %swap3A_667 : i32 to index
    %swap3A_669 = arith.constant 0 : index
    %swap3A_670 = tpu.vector_load %arg24[%swap3A_668, %swap3A_669] {strides = array<i32>} : memref<32x128xbf16, #tpu.memory_space<vmem>>, vector<32xbf16>,
    tpu.vector_store %arg24[%swap3A_668, %swap3A_669], %broadcast_in_dim3A_666 {strides = array<i32>} : memref<32x128xbf16, #tpu.memory_space<vmem>>, vector<32xbf16>,
    %broadcast_in_dim3A_671 = arith.constant 0.000000e+00 : bf16
    %broadcast_in_dim3A_672 = vector.broadcast %broadcast_in_dim3A_671 : bf16 to vector<32xbf16>
    %swap3A_673 = arith.constant 25 : i32
    %swap3A_674 = arith.index_cast %swap3A_673 : i32 to index
    %swap3A_675 = arith.constant 32 : index
    %swap3A_676 = tpu.vector_load %arg24[%swap3A_674, %swap3A_675] {strides = array<i32>} : memref<32x128xbf16, #tpu.memory_space<vmem>>, vector<32xbf16>,
    tpu.vector_store %arg24[%swap3A_674, %swap3A_675], %broadcast_in_dim3A_672 {strides = array<i32>} : memref<32x128xbf16, #tpu.memory_space<vmem>>, vector<32xbf16>,
    %broadcast_in_dim3A_677 = arith.constant 0.000000e+00 : bf16
    %broadcast_in_dim3A_678 = vector.broadcast %broadcast_in_dim3A_677 : bf16 to vector<32xbf16>
    %swap3A_679 = arith.constant 25 : i32
    %swap3A_680 = arith.index_cast %swap3A_679 : i32 to index
    %swap3A_681 = arith.constant 64 : index
    %swap3A_682 = tpu.vector_load %arg24[%swap3A_680, %swap3A_681] {strides = array<i32>} : memref<32x128xbf16, #tpu.memory_space<vmem>>, vector<32xbf16>,
    tpu.vector_store %arg24[%swap3A_680, %swap3A_681], %broadcast_in_dim3A_678 {strides = array<i32>} : memref<32x128xbf16, #tpu.memory_space<vmem>>, vector<32xbf16>,
    %broadcast_in_dim3A_683 = arith.constant 0.000000e+00 : bf16
    %broadcast_in_dim3A_684 = vector.broadcast %broadcast_in_dim3A_683 : bf16 to vector<32xbf16>
    %swap3A_685 = arith.constant 25 : i32
    %swap3A_686 = arith.index_cast %swap3A_685 : i32 to index
    %swap3A_687 = arith.constant 96 : index
    %swap3A_688 = tpu.vector_load %arg24[%swap3A_686, %swap3A_687] {strides = array<i32>} : memref<32x128xbf16, #tpu.memory_space<vmem>>, vector<32xbf16>,
    tpu.vector_store %arg24[%swap3A_686, %swap3A_687], %broadcast_in_dim3A_684 {strides = array<i32>} : memref<32x128xbf16, #tpu.memory_space<vmem>>, vector<32xbf16>,
    %broadcast_in_dim3A_689 = arith.constant 0.000000e+00 : bf16
    %broadcast_in_dim3A_690 = vector.broadcast %broadcast_in_dim3A_689 : bf16 to vector<32xbf16>
    %swap3A_691 = arith.constant 26 : i32
    %swap3A_692 = arith.index_cast %swap3A_691 : i32 to index
    %swap3A_693 = arith.constant 0 : index
    %swap3A_694 = tpu.vector_load %arg24[%swap3A_692, %swap3A_693] {strides = array<i32>} : memref<32x128xbf16, #tpu.memory_space<vmem>>, vector<32xbf16>,
    tpu.vector_store %arg24[%swap3A_692, %swap3A_693], %broadcast_in_dim3A_690 {strides = array<i32>} : memref<32x128xbf16, #tpu.memory_space<vmem>>, vector<32xbf16>,
    %broadcast_in_dim3A_695 = arith.constant 0.000000e+00 : bf16
    %broadcast_in_dim3A_696 = vector.broadcast %broadcast_in_dim3A_695 : bf16 to vector<32xbf16>
    %swap3A_697 = arith.constant 26 : i32
    %swap3A_698 = arith.index_cast %swap3A_697 : i32 to index
    %swap3A_699 = arith.constant 32 : index
    %swap3A_700 = tpu.vector_load %arg24[%swap3A_698, %swap3A_699] {strides = array<i32>} : memref<32x128xbf16, #tpu.memory_space<vmem>>, vector<32xbf16>,
    tpu.vector_store %arg24[%swap3A_698, %swap3A_699], %broadcast_in_dim3A_696 {strides = array<i32>} : memref<32x128xbf16, #tpu.memory_space<vmem>>, vector<32xbf16>,
    %broadcast_in_dim3A_701 = arith.constant 0.000000e+00 : bf16
    %broadcast_in_dim3A_702 = vector.broadcast %broadcast_in_dim3A_701 : bf16 to vector<32xbf16>
    %swap3A_703 = arith.constant 26 : i32
    %swap3A_704 = arith.index_cast %swap3A_703 : i32 to index
    %swap3A_705 = arith.constant 64 : index
    %swap3A_706 = tpu.vector_load %arg24[%swap3A_704, %swap3A_705] {strides = array<i32>} : memref<32x128xbf16, #tpu.memory_space<vmem>>, vector<32xbf16>,
    tpu.vector_store %arg24[%swap3A_704, %swap3A_705], %broadcast_in_dim3A_702 {strides = array<i32>} : memref<32x128xbf16, #tpu.memory_space<vmem>>, vector<32xbf16>,
    %broadcast_in_dim3A_707 = arith.constant 0.000000e+00 : bf16
    %broadcast_in_dim3A_708 = vector.broadcast %broadcast_in_dim3A_707 : bf16 to vector<32xbf16>
    %swap3A_709 = arith.constant 26 : i32
    %swap3A_710 = arith.index_cast %swap3A_709 : i32 to index
    %swap3A_711 = arith.constant 96 : index
    %swap3A_712 = tpu.vector_load %arg24[%swap3A_710, %swap3A_711] {strides = array<i32>} : memref<32x128xbf16, #tpu.memory_space<vmem>>, vector<32xbf16>,
    tpu.vector_store %arg24[%swap3A_710, %swap3A_711], %broadcast_in_dim3A_708 {strides = array<i32>} : memref<32x128xbf16, #tpu.memory_space<vmem>>, vector<32xbf16>,
    %broadcast_in_dim3A_713 = arith.constant 0.000000e+00 : bf16
    %broadcast_in_dim3A_714 = vector.broadcast %broadcast_in_dim3A_713 : bf16 to vector<32xbf16>
    %swap3A_715 = arith.constant 27 : i32
    %swap3A_716 = arith.index_cast %swap3A_715 : i32 to index
    %swap3A_717 = arith.constant 0 : index
    %swap3A_718 = tpu.vector_load %arg24[%swap3A_716, %swap3A_717] {strides = array<i32>} : memref<32x128xbf16, #tpu.memory_space<vmem>>, vector<32xbf16>,
    tpu.vector_store %arg24[%swap3A_716, %swap3A_717], %broadcast_in_dim3A_714 {strides = array<i32>} : memref<32x128xbf16, #tpu.memory_space<vmem>>, vector<32xbf16>,
    %broadcast_in_dim3A_719 = arith.constant 0.000000e+00 : bf16
    %broadcast_in_dim3A_720 = vector.broadcast %broadcast_in_dim3A_719 : bf16 to vector<32xbf16>
    %swap3A_721 = arith.constant 27 : i32
    %swap3A_722 = arith.index_cast %swap3A_721 : i32 to index
    %swap3A_723 = arith.constant 32 : index
    %swap3A_724 = tpu.vector_load %arg24[%swap3A_722, %swap3A_723] {strides = array<i32>} : memref<32x128xbf16, #tpu.memory_space<vmem>>, vector<32xbf16>,
    tpu.vector_store %arg24[%swap3A_722, %swap3A_723], %broadcast_in_dim3A_720 {strides = array<i32>} : memref<32x128xbf16, #tpu.memory_space<vmem>>, vector<32xbf16>,
    %broadcast_in_dim3A_725 = arith.constant 0.000000e+00 : bf16
    %broadcast_in_dim3A_726 = vector.broadcast %broadcast_in_dim3A_725 : bf16 to vector<32xbf16>
    %swap3A_727 = arith.constant 27 : i32
    %swap3A_728 = arith.index_cast %swap3A_727 : i32 to index
    %swap3A_729 = arith.constant 64 : index
    %swap3A_730 = tpu.vector_load %arg24[%swap3A_728, %swap3A_729] {strides = array<i32>} : memref<32x128xbf16, #tpu.memory_space<vmem>>, vector<32xbf16>,
    tpu.vector_store %arg24[%swap3A_728, %swap3A_729], %broadcast_in_dim3A_726 {strides = array<i32>} : memref<32x128xbf16, #tpu.memory_space<vmem>>, vector<32xbf16>,
    %broadcast_in_dim3A_731 = arith.constant 0.000000e+00 : bf16
    %broadcast_in_dim3A_732 = vector.broadcast %broadcast_in_dim3A_731 : bf16 to vector<32xbf16>
    %swap3A_733 = arith.constant 27 : i32
    %swap3A_734 = arith.index_cast %swap3A_733 : i32 to index
    %swap3A_735 = arith.constant 96 : index
    %swap3A_736 = tpu.vector_load %arg24[%swap3A_734, %swap3A_735] {strides = array<i32>} : memref<32x128xbf16, #tpu.memory_space<vmem>>, vector<32xbf16>,
    tpu.vector_store %arg24[%swap3A_734, %swap3A_735], %broadcast_in_dim3A_732 {strides = array<i32>} : memref<32x128xbf16, #tpu.memory_space<vmem>>, vector<32xbf16>,
    %broadcast_in_dim3A_737 = arith.constant 0.000000e+00 : bf16
    %broadcast_in_dim3A_738 = vector.broadcast %broadcast_in_dim3A_737 : bf16 to vector<32xbf16>
    %swap3A_739 = arith.constant 28 : i32
    %swap3A_740 = arith.index_cast %swap3A_739 : i32 to index
    %swap3A_741 = arith.constant 0 : index
    %swap3A_742 = tpu.vector_load %arg24[%swap3A_740, %swap3A_741] {strides = array<i32>} : memref<32x128xbf16, #tpu.memory_space<vmem>>, vector<32xbf16>,
    tpu.vector_store %arg24[%swap3A_740, %swap3A_741], %broadcast_in_dim3A_738 {strides = array<i32>} : memref<32x128xbf16, #tpu.memory_space<vmem>>, vector<32xbf16>,
    %broadcast_in_dim3A_743 = arith.constant 0.000000e+00 : bf16
    %broadcast_in_dim3A_744 = vector.broadcast %broadcast_in_dim3A_743 : bf16 to vector<32xbf16>
    %swap3A_745 = arith.constant 28 : i32
    %swap3A_746 = arith.index_cast %swap3A_745 : i32 to index
    %swap3A_747 = arith.constant 32 : index
    %swap3A_748 = tpu.vector_load %arg24[%swap3A_746, %swap3A_747] {strides = array<i32>} : memref<32x128xbf16, #tpu.memory_space<vmem>>, vector<32xbf16>,
    tpu.vector_store %arg24[%swap3A_746, %swap3A_747], %broadcast_in_dim3A_744 {strides = array<i32>} : memref<32x128xbf16, #tpu.memory_space<vmem>>, vector<32xbf16>,
    %broadcast_in_dim3A_749 = arith.constant 0.000000e+00 : bf16
    %broadcast_in_dim3A_750 = vector.broadcast %broadcast_in_dim3A_749 : bf16 to vector<32xbf16>
    %swap3A_751 = arith.constant 28 : i32
    %swap3A_752 = arith.index_cast %swap3A_751 : i32 to index
    %swap3A_753 = arith.constant 64 : index
    %swap3A_754 = tpu.vector_load %arg24[%swap3A_752, %swap3A_753] {strides = array<i32>} : memref<32x128xbf16, #tpu.memory_space<vmem>>, vector<32xbf16>,
    tpu.vector_store %arg24[%swap3A_752, %swap3A_753], %broadcast_in_dim3A_750 {strides = array<i32>} : memref<32x128xbf16, #tpu.memory_space<vmem>>, vector<32xbf16>,
    %broadcast_in_dim3A_755 = arith.constant 0.000000e+00 : bf16
    %broadcast_in_dim3A_756 = vector.broadcast %broadcast_in_dim3A_755 : bf16 to vector<32xbf16>
    %swap3A_757 = arith.constant 28 : i32
    %swap3A_758 = arith.index_cast %swap3A_757 : i32 to index
    %swap3A_759 = arith.constant 96 : index
    %swap3A_760 = tpu.vector_load %arg24[%swap3A_758, %swap3A_759] {strides = array<i32>} : memref<32x128xbf16, #tpu.memory_space<vmem>>, vector<32xbf16>,
    tpu.vector_store %arg24[%swap3A_758, %swap3A_759], %broadcast_in_dim3A_756 {strides = array<i32>} : memref<32x128xbf16, #tpu.memory_space<vmem>>, vector<32xbf16>,
    %broadcast_in_dim3A_761 = arith.constant 0.000000e+00 : bf16
    %broadcast_in_dim3A_762 = vector.broadcast %broadcast_in_dim3A_761 : bf16 to vector<32xbf16>
    %swap3A_763 = arith.constant 29 : i32
    %swap3A_764 = arith.index_cast %swap3A_763 : i32 to index
    %swap3A_765 = arith.constant 0 : index
    %swap3A_766 = tpu.vector_load %arg24[%swap3A_764, %swap3A_765] {strides = array<i32>} : memref<32x128xbf16, #tpu.memory_space<vmem>>, vector<32xbf16>,
    tpu.vector_store %arg24[%swap3A_764, %swap3A_765], %broadcast_in_dim3A_762 {strides = array<i32>} : memref<32x128xbf16, #tpu.memory_space<vmem>>, vector<32xbf16>,
    %broadcast_in_dim3A_767 = arith.constant 0.000000e+00 : bf16
    %broadcast_in_dim3A_768 = vector.broadcast %broadcast_in_dim3A_767 : bf16 to vector<32xbf16>
    %swap3A_769 = arith.constant 29 : i32
    %swap3A_770 = arith.index_cast %swap3A_769 : i32 to index
    %swap3A_771 = arith.constant 32 : index
    %swap3A_772 = tpu.vector_load %arg24[%swap3A_770, %swap3A_771] {strides = array<i32>} : memref<32x128xbf16, #tpu.memory_space<vmem>>, vector<32xbf16>,
    tpu.vector_store %arg24[%swap3A_770, %swap3A_771], %broadcast_in_dim3A_768 {strides = array<i32>} : memref<32x128xbf16, #tpu.memory_space<vmem>>, vector<32xbf16>,
    %broadcast_in_dim3A_773 = arith.constant 0.000000e+00 : bf16
    %broadcast_in_dim3A_774 = vector.broadcast %broadcast_in_dim3A_773 : bf16 to vector<32xbf16>
    %swap3A_775 = arith.constant 29 : i32
    %swap3A_776 = arith.index_cast %swap3A_775 : i32 to index
    %swap3A_777 = arith.constant 64 : index
    %swap3A_778 = tpu.vector_load %arg24[%swap3A_776, %swap3A_777] {strides = array<i32>} : memref<32x128xbf16, #tpu.memory_space<vmem>>, vector<32xbf16>,
    tpu.vector_store %arg24[%swap3A_776, %swap3A_777], %broadcast_in_dim3A_774 {strides = array<i32>} : memref<32x128xbf16, #tpu.memory_space<vmem>>, vector<32xbf16>,
    %broadcast_in_dim3A_779 = arith.constant 0.000000e+00 : bf16
    %broadcast_in_dim3A_780 = vector.broadcast %broadcast_in_dim3A_779 : bf16 to vector<32xbf16>
    %swap3A_781 = arith.constant 29 : i32
    %swap3A_782 = arith.index_cast %swap3A_781 : i32 to index
    %swap3A_783 = arith.constant 96 : index
    %swap3A_784 = tpu.vector_load %arg24[%swap3A_782, %swap3A_783] {strides = array<i32>} : memref<32x128xbf16, #tpu.memory_space<vmem>>, vector<32xbf16>,
    tpu.vector_store %arg24[%swap3A_782, %swap3A_783], %broadcast_in_dim3A_780 {strides = array<i32>} : memref<32x128xbf16, #tpu.memory_space<vmem>>, vector<32xbf16>,
    %broadcast_in_dim3A_785 = arith.constant 0.000000e+00 : bf16
    %broadcast_in_dim3A_786 = vector.broadcast %broadcast_in_dim3A_785 : bf16 to vector<32xbf16>
    %swap3A_787 = arith.constant 30 : i32
    %swap3A_788 = arith.index_cast %swap3A_787 : i32 to index
    %swap3A_789 = arith.constant 0 : index
    %swap3A_790 = tpu.vector_load %arg24[%swap3A_788, %swap3A_789] {strides = array<i32>} : memref<32x128xbf16, #tpu.memory_space<vmem>>, vector<32xbf16>,
    tpu.vector_store %arg24[%swap3A_788, %swap3A_789], %broadcast_in_dim3A_786 {strides = array<i32>} : memref<32x128xbf16, #tpu.memory_space<vmem>>, vector<32xbf16>,
    %broadcast_in_dim3A_791 = arith.constant 0.000000e+00 : bf16
    %broadcast_in_dim3A_792 = vector.broadcast %broadcast_in_dim3A_791 : bf16 to vector<32xbf16>
    %swap3A_793 = arith.constant 30 : i32
    %swap3A_794 = arith.index_cast %swap3A_793 : i32 to index
    %swap3A_795 = arith.constant 32 : index
    %swap3A_796 = tpu.vector_load %arg24[%swap3A_794, %swap3A_795] {strides = array<i32>} : memref<32x128xbf16, #tpu.memory_space<vmem>>, vector<32xbf16>,
    tpu.vector_store %arg24[%swap3A_794, %swap3A_795], %broadcast_in_dim3A_792 {strides = array<i32>} : memref<32x128xbf16, #tpu.memory_space<vmem>>, vector<32xbf16>,
    %broadcast_in_dim3A_797 = arith.constant 0.000000e+00 : bf16
    %broadcast_in_dim3A_798 = vector.broadcast %broadcast_in_dim3A_797 : bf16 to vector<32xbf16>
    %swap3A_799 = arith.constant 30 : i32
    %swap3A_800 = arith.index_cast %swap3A_799 : i32 to index
    %swap3A_801 = arith.constant 64 : index
    %swap3A_802 = tpu.vector_load %arg24[%swap3A_800, %swap3A_801] {strides = array<i32>} : memref<32x128xbf16, #tpu.memory_space<vmem>>, vector<32xbf16>,
    tpu.vector_store %arg24[%swap3A_800, %swap3A_801], %broadcast_in_dim3A_798 {strides = array<i32>} : memref<32x128xbf16, #tpu.memory_space<vmem>>, vector<32xbf16>,
    %broadcast_in_dim3A_803 = arith.constant 0.000000e+00 : bf16
    %broadcast_in_dim3A_804 = vector.broadcast %broadcast_in_dim3A_803 : bf16 to vector<32xbf16>
    %swap3A_805 = arith.constant 30 : i32
    %swap3A_806 = arith.index_cast %swap3A_805 : i32 to index
    %swap3A_807 = arith.constant 96 : index
    %swap3A_808 = tpu.vector_load %arg24[%swap3A_806, %swap3A_807] {strides = array<i32>} : memref<32x128xbf16, #tpu.memory_space<vmem>>, vector<32xbf16>,
    tpu.vector_store %arg24[%swap3A_806, %swap3A_807], %broadcast_in_dim3A_804 {strides = array<i32>} : memref<32x128xbf16, #tpu.memory_space<vmem>>, vector<32xbf16>,
    %broadcast_in_dim3A_809 = arith.constant 0.000000e+00 : bf16
    %broadcast_in_dim3A_810 = vector.broadcast %broadcast_in_dim3A_809 : bf16 to vector<32xbf16>
    %swap3A_811 = arith.constant 31 : i32
    %swap3A_812 = arith.index_cast %swap3A_811 : i32 to index
    %swap3A_813 = arith.constant 0 : index
    %swap3A_814 = tpu.vector_load %arg24[%swap3A_812, %swap3A_813] {strides = array<i32>} : memref<32x128xbf16, #tpu.memory_space<vmem>>, vector<32xbf16>,
    tpu.vector_store %arg24[%swap3A_812, %swap3A_813], %broadcast_in_dim3A_810 {strides = array<i32>} : memref<32x128xbf16, #tpu.memory_space<vmem>>, vector<32xbf16>,
    %broadcast_in_dim3A_815 = arith.constant 0.000000e+00 : bf16
    %broadcast_in_dim3A_816 = vector.broadcast %broadcast_in_dim3A_815 : bf16 to vector<32xbf16>
    %swap3A_817 = arith.constant 31 : i32
    %swap3A_818 = arith.index_cast %swap3A_817 : i32 to index
    %swap3A_819 = arith.constant 32 : index
    %swap3A_820 = tpu.vector_load %arg24[%swap3A_818, %swap3A_819] {strides = array<i32>} : memref<32x128xbf16, #tpu.memory_space<vmem>>, vector<32xbf16>,
    tpu.vector_store %arg24[%swap3A_818, %swap3A_819], %broadcast_in_dim3A_816 {strides = array<i32>} : memref<32x128xbf16, #tpu.memory_space<vmem>>, vector<32xbf16>,
    %broadcast_in_dim3A_821 = arith.constant 0.000000e+00 : bf16
    %broadcast_in_dim3A_822 = vector.broadcast %broadcast_in_dim3A_821 : bf16 to vector<32xbf16>
    %swap3A_823 = arith.constant 31 : i32
    %swap3A_824 = arith.index_cast %swap3A_823 : i32 to index
    %swap3A_825 = arith.constant 64 : index
    %swap3A_826 = tpu.vector_load %arg24[%swap3A_824, %swap3A_825] {strides = array<i32>} : memref<32x128xbf16, #tpu.memory_space<vmem>>, vector<32xbf16>,
    tpu.vector_store %arg24[%swap3A_824, %swap3A_825], %broadcast_in_dim3A_822 {strides = array<i32>} : memref<32x128xbf16, #tpu.memory_space<vmem>>, vector<32xbf16>,
    %broadcast_in_dim3A_827 = arith.constant 0.000000e+00 : bf16
    %broadcast_in_dim3A_828 = vector.broadcast %broadcast_in_dim3A_827 : bf16 to vector<32xbf16>
    %swap3A_829 = arith.constant 31 : i32
    %swap3A_830 = arith.index_cast %swap3A_829 : i32 to index
    %swap3A_831 = arith.constant 96 : index
    %swap3A_832 = tpu.vector_load %arg24[%swap3A_830, %swap3A_831] {strides = array<i32>} : memref<32x128xbf16, #tpu.memory_space<vmem>>, vector<32xbf16>,
    tpu.vector_store %arg24[%swap3A_830, %swap3A_831], %broadcast_in_dim3A_828 {strides = array<i32>} : memref<32x128xbf16, #tpu.memory_space<vmem>>, vector<32xbf16>,
    %broadcast_in_dim3A_833 = arith.constant 0 : i32
    %broadcast_in_dim3A_834 = vector.broadcast %broadcast_in_dim3A_833 : i32 to vector<16xi32>
    %parallel_loop3A_835 = arith.constant 0 : i32
    %parallel_loop3A_836 = arith.constant 257 : i32
    %parallel_loop3A_837 = arith.constant 1 : i32
    scf.for %parallel_loop3A_1115 = %parallel_loop3A_835 to %parallel_loop3A_836 step %parallel_loop3A_837  : i32 {
      %parallel_loop3A_1116 = arith.constant 16 : i32
      %parallel_loop3A_1117 = arith.muli %parallel_loop3A_1115, %parallel_loop3A_1116 : i32
      %parallel_loop3A_1118 = arith.index_cast %parallel_loop3A_1117 : i32 to index
      %parallel_loop3A_1119 = tpu.vector_load %arg17[%parallel_loop3A_1118] {strides = array<i32>} : memref<4112xi32, #tpu.memory_space<vmem>>, vector<16xi32>,
      tpu.vector_store %arg17[%parallel_loop3A_1118], %broadcast_in_dim3A_834 {strides = array<i32>} : memref<4112xi32, #tpu.memory_space<vmem>>, vector<16xi32>,
    } {sc.loop_unroll_factor = 8 : i64, sc.parallel_access}
    %mul3A_838 = arith.constant 256 : i32
    %mul3A_839 = arith.muli %arg1, %mul3A_838 : i32
    %add3A_840 = arith.constant 0 : i32
    %add3A_841 = arith.addi %mul3A_839, %add3A_840 : i32
    "tpu.region"() ({
      %run_scoped3A = tpu.sem_alloc : memref<!tpu.dma_semaphore, #tpu.memory_space<semaphore_mem>>
      %dma_start3A_1115 = arith.constant 0 : i32
      %dma_start3A_1116 = tpu.memref_slice %arg25[%add3A_841, %dma_start3A_1115] : memref<4104x128xbf16, #tpu.memory_space<vmem_shared>> -> memref<32x128xbf16, #tpu.memory_space<vmem_shared>>
      %dma_start3A_1117 = arith.constant 0 : i32
      %dma_start3A_1118 = tpu.memref_slice %arg25[%add3A_841, %dma_start3A_1117] : memref<4104x128xbf16, #tpu.memory_space<vmem_shared>> -> memref<32x128xbf16, #tpu.memory_space<vmem_shared>>
      tpu.enqueue_dma source(%arg24 : memref<32x128xbf16, #tpu.memory_space<vmem>>) target(%dma_start3A_1118 : memref<32x128xbf16, #tpu.memory_space<vmem_shared>>) target_semaphore(%run_scoped3A : memref<!tpu.dma_semaphore, #tpu.memory_space<semaphore_mem>>)
      %dma_wait3A_1119 = arith.constant 0 : i32
      %dma_wait3A_1120 = tpu.memref_slice %arg25[%add3A_841, %dma_wait3A_1119] : memref<4104x128xbf16, #tpu.memory_space<vmem_shared>> -> memref<32x128xbf16, #tpu.memory_space<vmem_shared>>
      %dma_wait3A_1121 = arith.constant 0 : i32
      %dma_wait3A_1122 = tpu.memref_slice %arg25[%add3A_841, %dma_wait3A_1121] : memref<4104x128xbf16, #tpu.memory_space<vmem_shared>> -> memref<32x128xbf16, #tpu.memory_space<vmem_shared>>
      tpu.wait_dma2 semaphore(%run_scoped3A : memref<!tpu.dma_semaphore, #tpu.memory_space<semaphore_mem>>) src(%arg24 : memref<32x128xbf16, #tpu.memory_space<vmem>>) dst(%dma_wait3A_1122 : memref<32x128xbf16, #tpu.memory_space<vmem_shared>>)
      tpu.yield
    }) : () -> ()
    %mul3A_842 = arith.constant 256 : i32
    %mul3A_843 = arith.muli %arg1, %mul3A_842 : i32
    %add3A_844 = arith.constant 32 : i32
    %add3A_845 = arith.addi %mul3A_843, %add3A_844 : i32
    "tpu.region"() ({
      %run_scoped3A = tpu.sem_alloc : memref<!tpu.dma_semaphore, #tpu.memory_space<semaphore_mem>>
      %dma_start3A_1115 = arith.constant 0 : i32
      %dma_start3A_1116 = tpu.memref_slice %arg25[%add3A_845, %dma_start3A_1115] : memref<4104x128xbf16, #tpu.memory_space<vmem_shared>> -> memref<32x128xbf16, #tpu.memory_space<vmem_shared>>
      %dma_start3A_1117 = arith.constant 0 : i32
      %dma_start3A_1118 = tpu.memref_slice %arg25[%add3A_845, %dma_start3A_1117] : memref<4104x128xbf16, #tpu.memory_space<vmem_shared>> -> memref<32x128xbf16, #tpu.memory_space<vmem_shared>>
      tpu.enqueue_dma source(%arg24 : memref<32x128xbf16, #tpu.memory_space<vmem>>) target(%dma_start3A_1118 : memref<32x128xbf16, #tpu.memory_space<vmem_shared>>) target_semaphore(%run_scoped3A : memref<!tpu.dma_semaphore, #tpu.memory_space<semaphore_mem>>)
      %dma_wait3A_1119 = arith.constant 0 : i32
      %dma_wait3A_1120 = tpu.memref_slice %arg25[%add3A_845, %dma_wait3A_1119] : memref<4104x128xbf16, #tpu.memory_space<vmem_shared>> -> memref<32x128xbf16, #tpu.memory_space<vmem_shared>>
      %dma_wait3A_1121 = arith.constant 0 : i32
      %dma_wait3A_1122 = tpu.memref_slice %arg25[%add3A_845, %dma_wait3A_1121] : memref<4104x128xbf16, #tpu.memory_space<vmem_shared>> -> memref<32x128xbf16, #tpu.memory_space<vmem_shared>>
      tpu.wait_dma2 semaphore(%run_scoped3A : memref<!tpu.dma_semaphore, #tpu.memory_space<semaphore_mem>>) src(%arg24 : memref<32x128xbf16, #tpu.memory_space<vmem>>) dst(%dma_wait3A_1122 : memref<32x128xbf16, #tpu.memory_space<vmem_shared>>)
      tpu.yield
    }) : () -> ()
    %mul3A_846 = arith.constant 256 : i32
    %mul3A_847 = arith.muli %arg1, %mul3A_846 : i32
    %add3A_848 = arith.constant 64 : i32
    %add3A_849 = arith.addi %mul3A_847, %add3A_848 : i32
    "tpu.region"() ({
      %run_scoped3A = tpu.sem_alloc : memref<!tpu.dma_semaphore, #tpu.memory_space<semaphore_mem>>
      %dma_start3A_1115 = arith.constant 0 : i32
      %dma_start3A_1116 = tpu.memref_slice %arg25[%add3A_849, %dma_start3A_1115] : memref<4104x128xbf16, #tpu.memory_space<vmem_shared>> -> memref<32x128xbf16, #tpu.memory_space<vmem_shared>>
      %dma_start3A_1117 = arith.constant 0 : i32
      %dma_start3A_1118 = tpu.memref_slice %arg25[%add3A_849, %dma_start3A_1117] : memref<4104x128xbf16, #tpu.memory_space<vmem_shared>> -> memref<32x128xbf16, #tpu.memory_space<vmem_shared>>
      tpu.enqueue_dma source(%arg24 : memref<32x128xbf16, #tpu.memory_space<vmem>>) target(%dma_start3A_1118 : memref<32x128xbf16, #tpu.memory_space<vmem_shared>>) target_semaphore(%run_scoped3A : memref<!tpu.dma_semaphore, #tpu.memory_space<semaphore_mem>>)
      %dma_wait3A_1119 = arith.constant 0 : i32
      %dma_wait3A_1120 = tpu.memref_slice %arg25[%add3A_849, %dma_wait3A_1119] : memref<4104x128xbf16, #tpu.memory_space<vmem_shared>> -> memref<32x128xbf16, #tpu.memory_space<vmem_shared>>
      %dma_wait3A_1121 = arith.constant 0 : i32
      %dma_wait3A_1122 = tpu.memref_slice %arg25[%add3A_849, %dma_wait3A_1121] : memref<4104x128xbf16, #tpu.memory_space<vmem_shared>> -> memref<32x128xbf16, #tpu.memory_space<vmem_shared>>
      tpu.wait_dma2 semaphore(%run_scoped3A : memref<!tpu.dma_semaphore, #tpu.memory_space<semaphore_mem>>) src(%arg24 : memref<32x128xbf16, #tpu.memory_space<vmem>>) dst(%dma_wait3A_1122 : memref<32x128xbf16, #tpu.memory_space<vmem_shared>>)
      tpu.yield
    }) : () -> ()
    %mul3A_850 = arith.constant 256 : i32
    %mul3A_851 = arith.muli %arg1, %mul3A_850 : i32
    %add3A_852 = arith.constant 96 : i32
    %add3A_853 = arith.addi %mul3A_851, %add3A_852 : i32
    "tpu.region"() ({
      %run_scoped3A = tpu.sem_alloc : memref<!tpu.dma_semaphore, #tpu.memory_space<semaphore_mem>>
      %dma_start3A_1115 = arith.constant 0 : i32
      %dma_start3A_1116 = tpu.memref_slice %arg25[%add3A_853, %dma_start3A_1115] : memref<4104x128xbf16, #tpu.memory_space<vmem_shared>> -> memref<32x128xbf16, #tpu.memory_space<vmem_shared>>
      %dma_start3A_1117 = arith.constant 0 : i32
      %dma_start3A_1118 = tpu.memref_slice %arg25[%add3A_853, %dma_start3A_1117] : memref<4104x128xbf16, #tpu.memory_space<vmem_shared>> -> memref<32x128xbf16, #tpu.memory_space<vmem_shared>>
      tpu.enqueue_dma source(%arg24 : memref<32x128xbf16, #tpu.memory_space<vmem>>) target(%dma_start3A_1118 : memref<32x128xbf16, #tpu.memory_space<vmem_shared>>) target_semaphore(%run_scoped3A : memref<!tpu.dma_semaphore, #tpu.memory_space<semaphore_mem>>)
      %dma_wait3A_1119 = arith.constant 0 : i32
      %dma_wait3A_1120 = tpu.memref_slice %arg25[%add3A_853, %dma_wait3A_1119] : memref<4104x128xbf16, #tpu.memory_space<vmem_shared>> -> memref<32x128xbf16, #tpu.memory_space<vmem_shared>>
      %dma_wait3A_1121 = arith.constant 0 : i32
      %dma_wait3A_1122 = tpu.memref_slice %arg25[%add3A_853, %dma_wait3A_1121] : memref<4104x128xbf16, #tpu.memory_space<vmem_shared>> -> memref<32x128xbf16, #tpu.memory_space<vmem_shared>>
      tpu.wait_dma2 semaphore(%run_scoped3A : memref<!tpu.dma_semaphore, #tpu.memory_space<semaphore_mem>>) src(%arg24 : memref<32x128xbf16, #tpu.memory_space<vmem>>) dst(%dma_wait3A_1122 : memref<32x128xbf16, #tpu.memory_space<vmem_shared>>)
      tpu.yield
    }) : () -> ()
    %mul3A_854 = arith.constant 256 : i32
    %mul3A_855 = arith.muli %arg1, %mul3A_854 : i32
    %add3A_856 = arith.constant 128 : i32
    %add3A_857 = arith.addi %mul3A_855, %add3A_856 : i32
    "tpu.region"() ({
      %run_scoped3A = tpu.sem_alloc : memref<!tpu.dma_semaphore, #tpu.memory_space<semaphore_mem>>
      %dma_start3A_1115 = arith.constant 0 : i32
      %dma_start3A_1116 = tpu.memref_slice %arg25[%add3A_857, %dma_start3A_1115] : memref<4104x128xbf16, #tpu.memory_space<vmem_shared>> -> memref<32x128xbf16, #tpu.memory_space<vmem_shared>>
      %dma_start3A_1117 = arith.constant 0 : i32
      %dma_start3A_1118 = tpu.memref_slice %arg25[%add3A_857, %dma_start3A_1117] : memref<4104x128xbf16, #tpu.memory_space<vmem_shared>> -> memref<32x128xbf16, #tpu.memory_space<vmem_shared>>
      tpu.enqueue_dma source(%arg24 : memref<32x128xbf16, #tpu.memory_space<vmem>>) target(%dma_start3A_1118 : memref<32x128xbf16, #tpu.memory_space<vmem_shared>>) target_semaphore(%run_scoped3A : memref<!tpu.dma_semaphore, #tpu.memory_space<semaphore_mem>>)
      %dma_wait3A_1119 = arith.constant 0 : i32
      %dma_wait3A_1120 = tpu.memref_slice %arg25[%add3A_857, %dma_wait3A_1119] : memref<4104x128xbf16, #tpu.memory_space<vmem_shared>> -> memref<32x128xbf16, #tpu.memory_space<vmem_shared>>
      %dma_wait3A_1121 = arith.constant 0 : i32
      %dma_wait3A_1122 = tpu.memref_slice %arg25[%add3A_857, %dma_wait3A_1121] : memref<4104x128xbf16, #tpu.memory_space<vmem_shared>> -> memref<32x128xbf16, #tpu.memory_space<vmem_shared>>
      tpu.wait_dma2 semaphore(%run_scoped3A : memref<!tpu.dma_semaphore, #tpu.memory_space<semaphore_mem>>) src(%arg24 : memref<32x128xbf16, #tpu.memory_space<vmem>>) dst(%dma_wait3A_1122 : memref<32x128xbf16, #tpu.memory_space<vmem_shared>>)
      tpu.yield
    }) : () -> ()
    %mul3A_858 = arith.constant 256 : i32
    %mul3A_859 = arith.muli %arg1, %mul3A_858 : i32
    %add3A_860 = arith.constant 160 : i32
    %add3A_861 = arith.addi %mul3A_859, %add3A_860 : i32
    "tpu.region"() ({
      %run_scoped3A = tpu.sem_alloc : memref<!tpu.dma_semaphore, #tpu.memory_space<semaphore_mem>>
      %dma_start3A_1115 = arith.constant 0 : i32
      %dma_start3A_1116 = tpu.memref_slice %arg25[%add3A_861, %dma_start3A_1115] : memref<4104x128xbf16, #tpu.memory_space<vmem_shared>> -> memref<32x128xbf16, #tpu.memory_space<vmem_shared>>
      %dma_start3A_1117 = arith.constant 0 : i32
      %dma_start3A_1118 = tpu.memref_slice %arg25[%add3A_861, %dma_start3A_1117] : memref<4104x128xbf16, #tpu.memory_space<vmem_shared>> -> memref<32x128xbf16, #tpu.memory_space<vmem_shared>>
      tpu.enqueue_dma source(%arg24 : memref<32x128xbf16, #tpu.memory_space<vmem>>) target(%dma_start3A_1118 : memref<32x128xbf16, #tpu.memory_space<vmem_shared>>) target_semaphore(%run_scoped3A : memref<!tpu.dma_semaphore, #tpu.memory_space<semaphore_mem>>)
      %dma_wait3A_1119 = arith.constant 0 : i32
      %dma_wait3A_1120 = tpu.memref_slice %arg25[%add3A_861, %dma_wait3A_1119] : memref<4104x128xbf16, #tpu.memory_space<vmem_shared>> -> memref<32x128xbf16, #tpu.memory_space<vmem_shared>>
      %dma_wait3A_1121 = arith.constant 0 : i32
      %dma_wait3A_1122 = tpu.memref_slice %arg25[%add3A_861, %dma_wait3A_1121] : memref<4104x128xbf16, #tpu.memory_space<vmem_shared>> -> memref<32x128xbf16, #tpu.memory_space<vmem_shared>>
      tpu.wait_dma2 semaphore(%run_scoped3A : memref<!tpu.dma_semaphore, #tpu.memory_space<semaphore_mem>>) src(%arg24 : memref<32x128xbf16, #tpu.memory_space<vmem>>) dst(%dma_wait3A_1122 : memref<32x128xbf16, #tpu.memory_space<vmem_shared>>)
      tpu.yield
    }) : () -> ()
    %mul3A_862 = arith.constant 256 : i32
    %mul3A_863 = arith.muli %arg1, %mul3A_862 : i32
    %add3A_864 = arith.constant 192 : i32
    %add3A_865 = arith.addi %mul3A_863, %add3A_864 : i32
    "tpu.region"() ({
      %run_scoped3A = tpu.sem_alloc : memref<!tpu.dma_semaphore, #tpu.memory_space<semaphore_mem>>
      %dma_start3A_1115 = arith.constant 0 : i32
      %dma_start3A_1116 = tpu.memref_slice %arg25[%add3A_865, %dma_start3A_1115] : memref<4104x128xbf16, #tpu.memory_space<vmem_shared>> -> memref<32x128xbf16, #tpu.memory_space<vmem_shared>>
      %dma_start3A_1117 = arith.constant 0 : i32
      %dma_start3A_1118 = tpu.memref_slice %arg25[%add3A_865, %dma_start3A_1117] : memref<4104x128xbf16, #tpu.memory_space<vmem_shared>> -> memref<32x128xbf16, #tpu.memory_space<vmem_shared>>
      tpu.enqueue_dma source(%arg24 : memref<32x128xbf16, #tpu.memory_space<vmem>>) target(%dma_start3A_1118 : memref<32x128xbf16, #tpu.memory_space<vmem_shared>>) target_semaphore(%run_scoped3A : memref<!tpu.dma_semaphore, #tpu.memory_space<semaphore_mem>>)
      %dma_wait3A_1119 = arith.constant 0 : i32
      %dma_wait3A_1120 = tpu.memref_slice %arg25[%add3A_865, %dma_wait3A_1119] : memref<4104x128xbf16, #tpu.memory_space<vmem_shared>> -> memref<32x128xbf16, #tpu.memory_space<vmem_shared>>
      %dma_wait3A_1121 = arith.constant 0 : i32
      %dma_wait3A_1122 = tpu.memref_slice %arg25[%add3A_865, %dma_wait3A_1121] : memref<4104x128xbf16, #tpu.memory_space<vmem_shared>> -> memref<32x128xbf16, #tpu.memory_space<vmem_shared>>
      tpu.wait_dma2 semaphore(%run_scoped3A : memref<!tpu.dma_semaphore, #tpu.memory_space<semaphore_mem>>) src(%arg24 : memref<32x128xbf16, #tpu.memory_space<vmem>>) dst(%dma_wait3A_1122 : memref<32x128xbf16, #tpu.memory_space<vmem_shared>>)
      tpu.yield
    }) : () -> ()
    %mul3A_866 = arith.constant 256 : i32
    %mul3A_867 = arith.muli %arg1, %mul3A_866 : i32
    %add3A_868 = arith.constant 224 : i32
    %add3A_869 = arith.addi %mul3A_867, %add3A_868 : i32
    "tpu.region"() ({
      %run_scoped3A = tpu.sem_alloc : memref<!tpu.dma_semaphore, #tpu.memory_space<semaphore_mem>>
      %dma_start3A_1115 = arith.constant 0 : i32
      %dma_start3A_1116 = tpu.memref_slice %arg25[%add3A_869, %dma_start3A_1115] : memref<4104x128xbf16, #tpu.memory_space<vmem_shared>> -> memref<32x128xbf16, #tpu.memory_space<vmem_shared>>
      %dma_start3A_1117 = arith.constant 0 : i32
      %dma_start3A_1118 = tpu.memref_slice %arg25[%add3A_869, %dma_start3A_1117] : memref<4104x128xbf16, #tpu.memory_space<vmem_shared>> -> memref<32x128xbf16, #tpu.memory_space<vmem_shared>>
      tpu.enqueue_dma source(%arg24 : memref<32x128xbf16, #tpu.memory_space<vmem>>) target(%dma_start3A_1118 : memref<32x128xbf16, #tpu.memory_space<vmem_shared>>) target_semaphore(%run_scoped3A : memref<!tpu.dma_semaphore, #tpu.memory_space<semaphore_mem>>)
      %dma_wait3A_1119 = arith.constant 0 : i32
      %dma_wait3A_1120 = tpu.memref_slice %arg25[%add3A_869, %dma_wait3A_1119] : memref<4104x128xbf16, #tpu.memory_space<vmem_shared>> -> memref<32x128xbf16, #tpu.memory_space<vmem_shared>>
      %dma_wait3A_1121 = arith.constant 0 : i32
      %dma_wait3A_1122 = tpu.memref_slice %arg25[%add3A_869, %dma_wait3A_1121] : memref<4104x128xbf16, #tpu.memory_space<vmem_shared>> -> memref<32x128xbf16, #tpu.memory_space<vmem_shared>>
      tpu.wait_dma2 semaphore(%run_scoped3A : memref<!tpu.dma_semaphore, #tpu.memory_space<semaphore_mem>>) src(%arg24 : memref<32x128xbf16, #tpu.memory_space<vmem>>) dst(%dma_wait3A_1122 : memref<32x128xbf16, #tpu.memory_space<vmem_shared>>)
      tpu.yield
    }) : () -> ()
    %eq3A = arith.constant 0 : i32
    %eq3A_870 = arith.cmpi eq, %arg1, %eq3A : i32
    %convert_element_type3A = arith.extui %eq3A_870 : i1 to i32
    %cond3A = arith.constant 0 : i32
    %cond3A_871 = arith.cmpi ne, %convert_element_type3A, %cond3A : i32
    scf.if %cond3A_871 {
      "tpu.region"() ({
        %run_scoped3A = tpu.sem_alloc : memref<!tpu.dma_semaphore, #tpu.memory_space<semaphore_mem>>
        %dma_start3A_1115 = arith.constant 0 : i32
        %dma_start3A_1116 = arith.constant 0 : i32
        %dma_start3A_1117 = tpu.memref_slice %arg24[%dma_start3A_1115, %dma_start3A_1116] : memref<32x128xbf16, #tpu.memory_space<vmem>> -> memref<8x128xbf16, #tpu.memory_space<vmem>>
        %dma_start3A_1118 = arith.constant 4096 : i32
        %dma_start3A_1119 = arith.constant 0 : i32
        %dma_start3A_1120 = tpu.memref_slice %arg25[%dma_start3A_1118, %dma_start3A_1119] : memref<4104x128xbf16, #tpu.memory_space<vmem_shared>> -> memref<8x128xbf16, #tpu.memory_space<vmem_shared>>
        %dma_start3A_1121 = arith.constant 4096 : i32
        %dma_start3A_1122 = arith.constant 0 : i32
        %dma_start3A_1123 = tpu.memref_slice %arg25[%dma_start3A_1121, %dma_start3A_1122] : memref<4104x128xbf16, #tpu.memory_space<vmem_shared>> -> memref<8x128xbf16, #tpu.memory_space<vmem_shared>>
        %dma_start3A_1124 = arith.constant 0 : i32
        %dma_start3A_1125 = arith.constant 0 : i32
        %dma_start3A_1126 = tpu.memref_slice %arg24[%dma_start3A_1124, %dma_start3A_1125] : memref<32x128xbf16, #tpu.memory_space<vmem>> -> memref<8x128xbf16, #tpu.memory_space<vmem>>
        tpu.enqueue_dma source(%dma_start3A_1126 : memref<8x128xbf16, #tpu.memory_space<vmem>>) target(%dma_start3A_1123 : memref<8x128xbf16, #tpu.memory_space<vmem_shared>>) target_semaphore(%run_scoped3A : memref<!tpu.dma_semaphore, #tpu.memory_space<semaphore_mem>>)
        %dma_wait3A_1127 = arith.constant 0 : i32
        %dma_wait3A_1128 = arith.constant 0 : i32
        %dma_wait3A_1129 = tpu.memref_slice %arg24[%dma_wait3A_1127, %dma_wait3A_1128] : memref<32x128xbf16, #tpu.memory_space<vmem>> -> memref<8x128xbf16, #tpu.memory_space<vmem>>
        %dma_wait3A_1130 = arith.constant 4096 : i32
        %dma_wait3A_1131 = arith.constant 0 : i32
        %dma_wait3A_1132 = tpu.memref_slice %arg25[%dma_wait3A_1130, %dma_wait3A_1131] : memref<4104x128xbf16, #tpu.memory_space<vmem_shared>> -> memref<8x128xbf16, #tpu.memory_space<vmem_shared>>
        %dma_wait3A_1133 = arith.constant 4096 : i32
        %dma_wait3A_1134 = arith.constant 0 : i32
        %dma_wait3A_1135 = tpu.memref_slice %arg25[%dma_wait3A_1133, %dma_wait3A_1134] : memref<4104x128xbf16, #tpu.memory_space<vmem_shared>> -> memref<8x128xbf16, #tpu.memory_space<vmem_shared>>
        %dma_wait3A_1136 = arith.constant 0 : i32
        %dma_wait3A_1137 = arith.constant 0 : i32
        %dma_wait3A_1138 = tpu.memref_slice %arg24[%dma_wait3A_1136, %dma_wait3A_1137] : memref<32x128xbf16, #tpu.memory_space<vmem>> -> memref<8x128xbf16, #tpu.memory_space<vmem>>
        tpu.wait_dma2 semaphore(%run_scoped3A : memref<!tpu.dma_semaphore, #tpu.memory_space<semaphore_mem>>) src(%dma_wait3A_1138 : memref<8x128xbf16, #tpu.memory_space<vmem>>) dst(%dma_wait3A_1135 : memref<8x128xbf16, #tpu.memory_space<vmem_shared>>)
        tpu.yield
      }) : () -> ()
    } else {
    }
    %dma_wait3A = arith.constant 0 : i32
    %dma_wait3A_872 = tpu.memref_slice %arg4[%dma_wait3A, %mul3A_20] : memref<2x320000xi32, #tpu.memory_space<hbm>> -> memref<1x10112xi32, #tpu.memory_space<hbm>>
    %dma_wait3A_873 = tpu.memref_squeeze %dma_wait3A_872 : memref<1x10112xi32, #tpu.memory_space<hbm>> -> memref<10112xi32, #tpu.memory_space<hbm>>
    %dma_wait3A_874 = tpu.memref_slice %arg4[%dma_wait3A, %mul3A_20] : memref<2x320000xi32, #tpu.memory_space<hbm>> -> memref<1x10112xi32, #tpu.memory_space<hbm>>
    %dma_wait3A_875 = tpu.memref_squeeze %dma_wait3A_874 : memref<1x10112xi32, #tpu.memory_space<hbm>> -> memref<10112xi32, #tpu.memory_space<hbm>>
    tpu.wait_dma2 semaphore(%arg26 : memref<!tpu.dma_semaphore, #tpu.memory_space<semaphore_mem>>) src(%dma_wait3A_875 : memref<10112xi32, #tpu.memory_space<hbm>>) dst(%arg13 : memref<10112xi32, #tpu.memory_space<vmem>>)
    %dma_wait3A_876 = arith.constant 1 : i32
    %dma_wait3A_877 = tpu.memref_slice %arg4[%dma_wait3A_876, %mul3A_20] : memref<2x320000xi32, #tpu.memory_space<hbm>> -> memref<1x10112xi32, #tpu.memory_space<hbm>>
    %dma_wait3A_878 = tpu.memref_squeeze %dma_wait3A_877 : memref<1x10112xi32, #tpu.memory_space<hbm>> -> memref<10112xi32, #tpu.memory_space<hbm>>
    %dma_wait3A_879 = tpu.memref_slice %arg4[%dma_wait3A_876, %mul3A_20] : memref<2x320000xi32, #tpu.memory_space<hbm>> -> memref<1x10112xi32, #tpu.memory_space<hbm>>
    %dma_wait3A_880 = tpu.memref_squeeze %dma_wait3A_879 : memref<1x10112xi32, #tpu.memory_space<hbm>> -> memref<10112xi32, #tpu.memory_space<hbm>>
    tpu.wait_dma2 semaphore(%arg26 : memref<!tpu.dma_semaphore, #tpu.memory_space<semaphore_mem>>) src(%dma_wait3A_880 : memref<10112xi32, #tpu.memory_space<hbm>>) dst(%arg14 : memref<10112xi32, #tpu.memory_space<vmem>>)
    %dma_wait3A_881 = tpu.memref_slice %arg5[%mul3A_20] : memref<320000xi32, #tpu.memory_space<hbm>> -> memref<10112xi32, #tpu.memory_space<hbm>>
    %dma_wait3A_882 = tpu.memref_slice %arg5[%mul3A_20] : memref<320000xi32, #tpu.memory_space<hbm>> -> memref<10112xi32, #tpu.memory_space<hbm>>
    tpu.wait_dma2 semaphore(%arg26 : memref<!tpu.dma_semaphore, #tpu.memory_space<semaphore_mem>>) src(%dma_wait3A_882 : memref<10112xi32, #tpu.memory_space<hbm>>) dst(%arg15 : memref<10112xi32, #tpu.memory_space<vmem>>)
    %barrier3A = arith.constant 0 : index
    tpu.barrier barrier_id(%barrier3A)
    %broadcast_in_dim3A_883 = arith.constant 0 : i32
    "tpu.trace_stop"() : () -> ()
    "tpu.trace_start"() <{level = 10 : i32, message = "p_scan"}> : () -> ()
    %broadcast_in_dim3A_884 = vector.broadcast %broadcast_in_dim3A_883 : i32 to vector<16xi32>
    %parallel_loop3A_885 = arith.constant 0 : i32
    %parallel_loop3A_886 = arith.constant 625 : i32
    %parallel_loop3A_887 = arith.constant 1 : i32
    %parallel_loop3A_888 = scf.for %parallel_loop3A_1115 = %parallel_loop3A_885 to %parallel_loop3A_886 step %parallel_loop3A_887 iter_args(%parallel_loop3A_1116 = %broadcast_in_dim3A_884) -> (vector<16xi32>)  : i32 {
      %parallel_loop3A_1117 = arith.addi %select_n3A_45, %parallel_loop3A_1115 : i32
      %parallel_loop3A_1118 = arith.constant 16 : i32
      %parallel_loop3A_1119 = arith.muli %parallel_loop3A_1117, %parallel_loop3A_1118 : i32
      %parallel_loop3A_1120 = arith.index_cast %parallel_loop3A_1119 : i32 to index
      %parallel_loop3A_1121 = tpu.vector_load %arg13[%parallel_loop3A_1120] {strides = array<i32>} : memref<10112xi32, #tpu.memory_space<vmem>>, vector<16xi32>,
      %parallel_loop3A_1122 = arith.addi %select_n3A_45, %parallel_loop3A_1115 : i32
      %parallel_loop3A_1123 = arith.constant 16 : i32
      %parallel_loop3A_1124 = arith.muli %parallel_loop3A_1122, %parallel_loop3A_1123 : i32
      %parallel_loop3A_1125 = arith.index_cast %parallel_loop3A_1124 : i32 to index
      %parallel_loop3A_1126 = tpu.vector_load %arg14[%parallel_loop3A_1125] {strides = array<i32>} : memref<10112xi32, #tpu.memory_space<vmem>>, vector<16xi32>,
      %parallel_loop3A_1127 = arith.addi %select_n3A_45, %parallel_loop3A_1115 : i32
      %parallel_loop3A_1128 = arith.constant 16 : i32
      %parallel_loop3A_1129 = arith.muli %parallel_loop3A_1127, %parallel_loop3A_1128 : i32
      %parallel_loop3A_1130 = arith.index_cast %parallel_loop3A_1129 : i32 to index
      %parallel_loop3A_1131 = tpu.vector_load %arg15[%parallel_loop3A_1130] {strides = array<i32>} : memref<10112xi32, #tpu.memory_space<vmem>>, vector<16xi32>,
      %parallel_loop3A_1132 = tpu.vector_load_idx %arg12[%parallel_loop3A_1126] : memref<10000xi32, #tpu.memory_space<vmem>>[vector<16xi32>], vector<16xi32>,
      %parallel_loop3A_1133 = arith.constant 0 : i32
      %parallel_loop3A_1134 = vector.broadcast %parallel_loop3A_1133 : i32 to vector<16xi32>
      %parallel_loop3A_1135 = arith.cmpi sge, %parallel_loop3A_1132, %parallel_loop3A_1134 : vector<16xi32>
      %parallel_loop3A_1136 = arith.constant 512 : i32
      %parallel_loop3A_1137 = vector.broadcast %parallel_loop3A_1136 : i32 to vector<16xi32>
      %parallel_loop3A_1138 = arith.muli %parallel_loop3A_1131, %parallel_loop3A_1137 : vector<16xi32>
      %parallel_loop3A_1139 = arith.addi %parallel_loop3A_1138, %parallel_loop3A_1132 : vector<16xi32>
      %parallel_loop3A_1140 = arith.constant 16384 : i32
      %parallel_loop3A_1141 = vector.broadcast %parallel_loop3A_1140 : i32 to vector<16xi32>
      %parallel_loop3A_1142 = arith.muli %parallel_loop3A_1139, %parallel_loop3A_1141 : vector<16xi32>
      %parallel_loop3A_1143 = arith.addi %parallel_loop3A_1142, %parallel_loop3A_1121 : vector<16xi32>
      %parallel_loop3A_1144 = arith.extui %parallel_loop3A_1135 : vector<16xi1> to vector<16xi32>
      %parallel_loop3A_1145 = arith.constant true
      %parallel_loop3A_1146 = vector.broadcast %parallel_loop3A_1145 : i1 to vector<16xi1>
      %parallel_loop3A_1147 = tpu.scan <sum>, %parallel_loop3A_1144 masked %parallel_loop3A_1146 : vector<16xi32>, vector<16xi1> -> vector<16xi32>
      %parallel_loop3A_1148 = arith.addi %parallel_loop3A_1116, %parallel_loop3A_1147 : vector<16xi32>
      %parallel_loop3A_1149 = arith.subi %parallel_loop3A_1148, %parallel_loop3A_1144 : vector<16xi32>
      tpu.vector_store_idx %arg16[%parallel_loop3A_1149], %parallel_loop3A_1143 masked %parallel_loop3A_1135 : memref<10240xi32, #tpu.memory_space<vmem>>[vector<16xi32>], vector<16xi32>, vector<16xi1>
      %parallel_loop3A_1150 = tpu.all_reduce %parallel_loop3A_1135 {dim = 0 : i64, kind = #tpu.reduction_kind<sum>} : vector<16xi1> -> vector<16xi32>
      %parallel_loop3A_1151 = arith.addi %parallel_loop3A_1116, %parallel_loop3A_1150 : vector<16xi32>
      scf.yield %parallel_loop3A_1151 : vector<16xi32>
    } {sc.loop_unroll_factor = 4 : i64, sc.parallel_access}
    %slice3A = vector.extract_strided_slice %parallel_loop3A_888 {offsets = [0], sizes = [1], strides = [1]} : vector<16xi32> to vector<1xi32>
    %squeeze3A = vector.extract %slice3A[0] : i32 from vector<1xi32>
    "tpu.trace_stop"() : () -> ()
    "tpu.trace_start"() <{level = 10 : i32, message = "p_pad"}> : () -> ()
    %add3A_889 = arith.constant 128 : i32
    %add3A_890 = arith.addi %squeeze3A, %add3A_889 : i32
    %sub3A_891 = arith.constant 1 : i32
    %sub3A_892 = arith.subi %add3A_890, %sub3A_891 : i32
    %jit3A_893 = arith.constant 128 : i32
    %div3A_894 = arith.divsi %sub3A_892, %jit3A_893 : i32
    %sign3A_895 = arith.constant 0 : i32
    %sign3A_896 = arith.cmpi sgt, %sub3A_892, %sign3A_895 : i32
    %sign3A_897 = arith.extui %sign3A_896 : i1 to i32
    %sign3A_898 = arith.constant 0 : i32
    %sign3A_899 = arith.cmpi slt, %sub3A_892, %sign3A_898 : i32
    %sign3A_900 = arith.extui %sign3A_899 : i1 to i32
    %sign3A_901 = arith.subi %sign3A_897, %sign3A_900 : i32
    %sign3A_902 = arith.constant 0 : i32
    %sign3A_903 = arith.cmpi sgt, %jit3A_893, %sign3A_902 : i32
    %sign3A_904 = arith.extui %sign3A_903 : i1 to i32
    %sign3A_905 = arith.constant 0 : i32
    %sign3A_906 = arith.cmpi slt, %jit3A_893, %sign3A_905 : i32
    %sign3A_907 = arith.extui %sign3A_906 : i1 to i32
    %sign3A_908 = arith.subi %sign3A_904, %sign3A_907 : i32
    %ne3A_909 = arith.cmpi ne, %sign3A_901, %sign3A_908 : i32
    %rem3A_910 = arith.remsi %sub3A_892, %jit3A_893 : i32
    %ne3A_911 = arith.constant 0 : i32
    %ne3A_912 = arith.cmpi ne, %rem3A_910, %ne3A_911 : i32
    %and3A_913 = arith.andi %ne3A_909, %ne3A_912 : i1
    %sub3A_914 = arith.constant 1 : i32
    %sub3A_915 = arith.subi %div3A_894, %sub3A_914 : i32
    %select_n3A_916 = arith.select %and3A_913, %sub3A_915, %div3A_894 : i32
    %mul3A_917 = arith.constant 128 : i32
    %mul3A_918 = arith.muli %select_n3A_916, %mul3A_917 : i32
    %broadcast_in_dim3A_919 = arith.constant 67108864 : i32
    %broadcast_in_dim3A_920 = vector.broadcast %broadcast_in_dim3A_919 : i32 to vector<16xi32>
    %sub3A_921 = arith.subi %mul3A_918, %squeeze3A : i32
    %add3A_922 = arith.constant 15 : i32
    %add3A_923 = arith.addi %sub3A_921, %add3A_922 : i32
    %jit3A_924 = arith.constant 16 : i32
    %div3A_925 = arith.divsi %add3A_923, %jit3A_924 : i32
    %sign3A_926 = arith.constant 0 : i32
    %sign3A_927 = arith.cmpi sgt, %add3A_923, %sign3A_926 : i32
    %sign3A_928 = arith.extui %sign3A_927 : i1 to i32
    %sign3A_929 = arith.constant 0 : i32
    %sign3A_930 = arith.cmpi slt, %add3A_923, %sign3A_929 : i32
    %sign3A_931 = arith.extui %sign3A_930 : i1 to i32
    %sign3A_932 = arith.subi %sign3A_928, %sign3A_931 : i32
    %sign3A_933 = arith.constant 0 : i32
    %sign3A_934 = arith.cmpi sgt, %jit3A_924, %sign3A_933 : i32
    %sign3A_935 = arith.extui %sign3A_934 : i1 to i32
    %sign3A_936 = arith.constant 0 : i32
    %sign3A_937 = arith.cmpi slt, %jit3A_924, %sign3A_936 : i32
    %sign3A_938 = arith.extui %sign3A_937 : i1 to i32
    %sign3A_939 = arith.subi %sign3A_935, %sign3A_938 : i32
    %ne3A_940 = arith.cmpi ne, %sign3A_932, %sign3A_939 : i32
    %rem3A_941 = arith.remsi %add3A_923, %jit3A_924 : i32
    %ne3A_942 = arith.constant 0 : i32
    %ne3A_943 = arith.cmpi ne, %rem3A_941, %ne3A_942 : i32
    %and3A_944 = arith.andi %ne3A_940, %ne3A_943 : i1
    %sub3A_945 = arith.constant 1 : i32
    %sub3A_946 = arith.subi %div3A_925, %sub3A_945 : i32
    %select_n3A_947 = arith.select %and3A_944, %sub3A_946, %div3A_925 : i32
    %while3A = arith.constant 0 : i32
    %while3A_948 = arith.constant 0 : i32
    %while3A_949 = arith.subi %select_n3A_947, %while3A : i32
    %while3A_950 = arith.addi %while3A, %while3A_949 : i32
    %while3A_951 = arith.constant 1 : i32
    %while3A_952 = arith.divsi %while3A_949, %while3A_951 : i32
    %while3A_953 = arith.muli %while3A_952, %while3A_951 : i32
    %while3A_954 = arith.addi %while3A, %while3A_953 : i32
    %while3A_955 = arith.constant 1 : i32
    %while3A_956 = scf.for %while3A_1115 = %while3A to %while3A_954 step %while3A_955 iter_args(%while3A_1116 = %while3A_948) -> (i32)  : i32 {
      %mul3A_1117 = arith.constant 16 : i32
      %mul3A_1118 = arith.muli %while3A_1115, %mul3A_1117 : i32
      %add3A_1119 = arith.addi %squeeze3A, %mul3A_1118 : i32
      %swap3A_1120 = arith.index_cast %add3A_1119 : i32 to index
      %swap3A_1121 = tpu.vector_load %arg16[%swap3A_1120] {strides = array<i32>} : memref<10240xi32, #tpu.memory_space<vmem>>, vector<16xi32>,
      tpu.vector_store %arg16[%swap3A_1120], %broadcast_in_dim3A_920 {strides = array<i32>} : memref<10240xi32, #tpu.memory_space<vmem>>, vector<16xi32>,
      %while3A_1122 = arith.constant 0 : i32
      scf.yield %while3A_1122 : i32
    }
    %while3A_957 = arith.constant 1 : i32
    %while3A_958 = scf.for %while3A_1115 = %while3A_954 to %while3A_950 step %while3A_957 iter_args(%while3A_1116 = %while3A_956) -> (i32)  : i32 {
      %mul3A_1117 = arith.constant 16 : i32
      %mul3A_1118 = arith.muli %while3A_1115, %mul3A_1117 : i32
      %add3A_1119 = arith.addi %squeeze3A, %mul3A_1118 : i32
      %swap3A_1120 = arith.index_cast %add3A_1119 : i32 to index
      %swap3A_1121 = tpu.vector_load %arg16[%swap3A_1120] {strides = array<i32>} : memref<10240xi32, #tpu.memory_space<vmem>>, vector<16xi32>,
      tpu.vector_store %arg16[%swap3A_1120], %broadcast_in_dim3A_920 {strides = array<i32>} : memref<10240xi32, #tpu.memory_space<vmem>>, vector<16xi32>,
      %while3A_1122 = arith.constant 0 : i32
      scf.yield %while3A_1122 : i32
    }
    %broadcast_in_dim3A_959 = arith.constant 1 : i32
    "tpu.trace_stop"() : () -> ()
    "tpu.trace_start"() <{level = 10 : i32, message = "p_hist"}> : () -> ()
    %broadcast_in_dim3A_960 = vector.broadcast %broadcast_in_dim3A_959 : i32 to vector<16xi32>
    %jit3A_961 = arith.constant 16 : i32
    %div3A_962 = arith.divsi %mul3A_918, %jit3A_961 : i32
    %sign3A_963 = arith.constant 0 : i32
    %sign3A_964 = arith.cmpi sgt, %mul3A_918, %sign3A_963 : i32
    %sign3A_965 = arith.extui %sign3A_964 : i1 to i32
    %sign3A_966 = arith.constant 0 : i32
    %sign3A_967 = arith.cmpi slt, %mul3A_918, %sign3A_966 : i32
    %sign3A_968 = arith.extui %sign3A_967 : i1 to i32
    %sign3A_969 = arith.subi %sign3A_965, %sign3A_968 : i32
    %sign3A_970 = arith.constant 0 : i32
    %sign3A_971 = arith.cmpi sgt, %jit3A_961, %sign3A_970 : i32
    %sign3A_972 = arith.extui %sign3A_971 : i1 to i32
    %sign3A_973 = arith.constant 0 : i32
    %sign3A_974 = arith.cmpi slt, %jit3A_961, %sign3A_973 : i32
    %sign3A_975 = arith.extui %sign3A_974 : i1 to i32
    %sign3A_976 = arith.subi %sign3A_972, %sign3A_975 : i32
    %ne3A_977 = arith.cmpi ne, %sign3A_969, %sign3A_976 : i32
    %rem3A_978 = arith.remsi %mul3A_918, %jit3A_961 : i32
    %ne3A_979 = arith.constant 0 : i32
    %ne3A_980 = arith.cmpi ne, %rem3A_978, %ne3A_979 : i32
    %and3A_981 = arith.andi %ne3A_977, %ne3A_980 : i1
    %sub3A_982 = arith.constant 1 : i32
    %sub3A_983 = arith.subi %div3A_962, %sub3A_982 : i32
    %select_n3A_984 = arith.select %and3A_981, %sub3A_983, %div3A_962 : i32
    %while3A_985 = arith.constant 0 : i32
    %while3A_986 = arith.constant 0 : i32
    %while3A_987 = arith.subi %select_n3A_984, %while3A_985 : i32
    %while3A_988 = arith.addi %while3A_985, %while3A_987 : i32
    %while3A_989 = arith.constant 1 : i32
    %while3A_990 = arith.divsi %while3A_987, %while3A_989 : i32
    %while3A_991 = arith.muli %while3A_990, %while3A_989 : i32
    %while3A_992 = arith.addi %while3A_985, %while3A_991 : i32
    %while3A_993 = arith.constant 1 : i32
    %while3A_994 = scf.for %while3A_1115 = %while3A_985 to %while3A_992 step %while3A_993 iter_args(%while3A_1116 = %while3A_986) -> (i32)  : i32 {
      %mul3A_1117 = arith.constant 16 : i32
      %mul3A_1118 = arith.muli %while3A_1115, %mul3A_1117 : i32
      %get3A_1119 = arith.index_cast %mul3A_1118 : i32 to index
      %get3A_1120 = tpu.vector_load %arg16[%get3A_1119] {strides = array<i32>} : memref<10240xi32, #tpu.memory_space<vmem>>, vector<16xi32>,
      %shift_right_logical3A = arith.constant 14 : i32
      %shift_right_logical3A_1121 = vector.broadcast %shift_right_logical3A : i32 to vector<16xi32>
      %shift_right_logical3A_1122 = arith.shrui %get3A_1120, %shift_right_logical3A_1121 : vector<16xi32>
      tpu.vector_store_idx %arg17[%shift_right_logical3A_1122], %broadcast_in_dim3A_960 {add = true} : memref<4112xi32, #tpu.memory_space<vmem>>[vector<16xi32>], vector<16xi32>,
      %while3A_1123 = arith.constant 0 : i32
      scf.yield %while3A_1123 : i32
    }
    %while3A_995 = arith.constant 1 : i32
    %while3A_996 = scf.for %while3A_1115 = %while3A_992 to %while3A_988 step %while3A_995 iter_args(%while3A_1116 = %while3A_994) -> (i32)  : i32 {
      %mul3A_1117 = arith.constant 16 : i32
      %mul3A_1118 = arith.muli %while3A_1115, %mul3A_1117 : i32
      %get3A_1119 = arith.index_cast %mul3A_1118 : i32 to index
      %get3A_1120 = tpu.vector_load %arg16[%get3A_1119] {strides = array<i32>} : memref<10240xi32, #tpu.memory_space<vmem>>, vector<16xi32>,
      %shift_right_logical3A = arith.constant 14 : i32
      %shift_right_logical3A_1121 = vector.broadcast %shift_right_logical3A : i32 to vector<16xi32>
      %shift_right_logical3A_1122 = arith.shrui %get3A_1120, %shift_right_logical3A_1121 : vector<16xi32>
      tpu.vector_store_idx %arg17[%shift_right_logical3A_1122], %broadcast_in_dim3A_960 {add = true} : memref<4112xi32, #tpu.memory_space<vmem>>[vector<16xi32>], vector<16xi32>,
      %while3A_1123 = arith.constant 0 : i32
      scf.yield %while3A_1123 : i32
    }
    "tpu.trace_stop"() : () -> ()
    "tpu.trace_start"() <{level = 10 : i32, message = "p_batch"}> : () -> ()
    %add3A_997 = arith.constant 4 : i32
    %add3A_998 = arith.addi %select_n3A_916, %add3A_997 : i32
    %sub3A_999 = arith.constant 1 : i32
    %sub3A_1000 = arith.subi %add3A_998, %sub3A_999 : i32
    %jit3A_1001 = arith.constant 4 : i32
    %div3A_1002 = arith.divsi %sub3A_1000, %jit3A_1001 : i32
    %sign3A_1003 = arith.constant 0 : i32
    %sign3A_1004 = arith.cmpi sgt, %sub3A_1000, %sign3A_1003 : i32
    %sign3A_1005 = arith.extui %sign3A_1004 : i1 to i32
    %sign3A_1006 = arith.constant 0 : i32
    %sign3A_1007 = arith.cmpi slt, %sub3A_1000, %sign3A_1006 : i32
    %sign3A_1008 = arith.extui %sign3A_1007 : i1 to i32
    %sign3A_1009 = arith.subi %sign3A_1005, %sign3A_1008 : i32
    %sign3A_1010 = arith.constant 0 : i32
    %sign3A_1011 = arith.cmpi sgt, %jit3A_1001, %sign3A_1010 : i32
    %sign3A_1012 = arith.extui %sign3A_1011 : i1 to i32
    %sign3A_1013 = arith.constant 0 : i32
    %sign3A_1014 = arith.cmpi slt, %jit3A_1001, %sign3A_1013 : i32
    %sign3A_1015 = arith.extui %sign3A_1014 : i1 to i32
    %sign3A_1016 = arith.subi %sign3A_1012, %sign3A_1015 : i32
    %ne3A_1017 = arith.cmpi ne, %sign3A_1009, %sign3A_1016 : i32
    %rem3A_1018 = arith.remsi %sub3A_1000, %jit3A_1001 : i32
    %ne3A_1019 = arith.constant 0 : i32
    %ne3A_1020 = arith.cmpi ne, %rem3A_1018, %ne3A_1019 : i32
    %and3A_1021 = arith.andi %ne3A_1017, %ne3A_1020 : i1
    %sub3A_1022 = arith.constant 1 : i32
    %sub3A_1023 = arith.subi %div3A_1002, %sub3A_1022 : i32
    %select_n3A_1024 = arith.select %and3A_1021, %sub3A_1023, %div3A_1002 : i32
    %while3A_1025 = arith.constant 0 : i32
    %while3A_1026 = arith.constant 0 : i32
    %while3A_1027 = arith.subi %select_n3A_1024, %while3A_1025 : i32
    %while3A_1028 = arith.addi %while3A_1025, %while3A_1027 : i32
    %while3A_1029 = arith.constant 1 : i32
    %while3A_1030 = arith.divsi %while3A_1027, %while3A_1029 : i32
    %while3A_1031 = arith.muli %while3A_1030, %while3A_1029 : i32
    %while3A_1032 = arith.addi %while3A_1025, %while3A_1031 : i32
    %while3A_1033 = arith.constant 1 : i32
    %while3A_1034 = scf.for %while3A_1115 = %while3A_1025 to %while3A_1032 step %while3A_1033 iter_args(%while3A_1116 = %while3A_1026) -> (i32)  : i32 {
      %mul3A_1117 = arith.constant 4 : i32
      %mul3A_1118 = arith.muli %while3A_1115, %mul3A_1117 : i32
      %add3A_1119 = arith.constant 0 : i32
      %add3A_1120 = arith.addi %mul3A_1118, %add3A_1119 : i32
      %gt3A_1121 = arith.constant 0 : i32
      %gt3A_1122 = arith.cmpi sgt, %while3A_1115, %gt3A_1121 : i32
      %sub3A_1123 = arith.constant 4 : i32
      %sub3A_1124 = arith.subi %add3A_1120, %sub3A_1123 : i32
      %lt3A_1125 = arith.cmpi slt, %sub3A_1124, %select_n3A_916 : i32
      %and3A_1126 = arith.andi %gt3A_1122, %lt3A_1125 : i1
      %convert_element_type3A_1127 = arith.extui %and3A_1126 : i1 to i32
      %cond3A_1128 = arith.constant 0 : i32
      %cond3A_1129 = arith.cmpi ne, %convert_element_type3A_1127, %cond3A_1128 : i32
      scf.if %cond3A_1129 {
        %dma_wait3A_1204 = arith.constant 0 : i32
        %dma_wait3A_1205 = arith.constant 0 : i32
        %dma_wait3A_1206 = arith.constant 0 : i32
        %dma_wait3A_1207 = arith.constant 0 : i32
        %dma_wait3A_1208 = tpu.memref_slice %arg20[%dma_wait3A_1204, %dma_wait3A_1206, %dma_wait3A_1207] : memref<4x128x128xbf16, #tpu.memory_space<vmem>> -> memref<1x128x128xbf16, #tpu.memory_space<vmem>>
        %dma_wait3A_1209 = tpu.memref_squeeze %dma_wait3A_1208 : memref<1x128x128xbf16, #tpu.memory_space<vmem>> -> memref<128x128xbf16, #tpu.memory_space<vmem>>
        %dma_wait3A_1210 = arith.constant 0 : i32
        %dma_wait3A_1211 = tpu.memref_slice %arg19[%dma_wait3A_1205, %dma_wait3A_1210] : memref<4x128xi32, #tpu.memory_space<vmem>> -> memref<1x128xi32, #tpu.memory_space<vmem>>
        %dma_wait3A_1212 = tpu.memref_squeeze %dma_wait3A_1211 : memref<1x128xi32, #tpu.memory_space<vmem>> -> memref<128xi32, #tpu.memory_space<vmem>>
        %dma_wait3A_1213 = arith.constant 0 : i32
        %dma_wait3A_1214 = arith.constant 0 : i32
        %dma_wait3A_1215 = tpu.memref_slice %arg25[%dma_wait3A_1213, %dma_wait3A_1214] : memref<4104x128xbf16, #tpu.memory_space<vmem_shared>> -> memref<4104x128xbf16, #tpu.memory_space<vmem_shared>>
        tpu.wait_indirect_dma semaphore(%arg27 : memref<!tpu.dma_semaphore, #tpu.memory_space<semaphore_mem>>) src(%dma_wait3A_1209 : memref<128x128xbf16, #tpu.memory_space<vmem>>) dst(%dma_wait3A_1215 : memref<4104x128xbf16, #tpu.memory_space<vmem_shared>>)
      } else {
      }
      %lt3A_1130 = arith.cmpi slt, %add3A_1120, %select_n3A_916 : i32
      %convert_element_type3A_1131 = arith.extui %lt3A_1130 : i1 to i32
      %cond3A_1132 = arith.constant 0 : i32
      %cond3A_1133 = arith.cmpi ne, %convert_element_type3A_1131, %cond3A_1132 : i32
      scf.if %cond3A_1133 {
        %mul3A_1204 = arith.constant 128 : i32
        %mul3A_1205 = arith.muli %add3A_1120, %mul3A_1204 : i32
        %add3A_1206 = arith.constant 0 : i32
        %add3A_1207 = arith.addi %mul3A_1205, %add3A_1206 : i32
        %get3A_1208 = arith.index_cast %add3A_1207 : i32 to index
        %get3A_1209 = tpu.vector_load %arg16[%get3A_1208] {strides = array<i32>} : memref<10240xi32, #tpu.memory_space<vmem>>, vector<16xi32>,
        %and3A_1210 = arith.constant 16383 : i32
        %and3A_1211 = vector.broadcast %and3A_1210 : i32 to vector<16xi32>
        %and3A_1212 = arith.andi %get3A_1209, %and3A_1211 : vector<16xi32>
        %swap3A_1213 = arith.constant 0 : i32
        %swap3A_1214 = arith.index_cast %swap3A_1213 : i32 to index
        %swap3A_1215 = arith.constant 0 : index
        %swap3A_1216 = tpu.vector_load %arg18[%swap3A_1214, %swap3A_1215] {strides = array<i32>} : memref<4x128xi32, #tpu.memory_space<vmem>>, vector<16xi32>,
        tpu.vector_store %arg18[%swap3A_1214, %swap3A_1215], %and3A_1212 {strides = array<i32>} : memref<4x128xi32, #tpu.memory_space<vmem>>, vector<16xi32>,
        %shift_right_logical3A = arith.constant 14 : i32
        %shift_right_logical3A_1217 = vector.broadcast %shift_right_logical3A : i32 to vector<16xi32>
        %shift_right_logical3A_1218 = arith.shrui %get3A_1209, %shift_right_logical3A_1217 : vector<16xi32>
        %swap3A_1219 = arith.constant 0 : i32
        %swap3A_1220 = arith.index_cast %swap3A_1219 : i32 to index
        %swap3A_1221 = arith.constant 0 : index
        %swap3A_1222 = tpu.vector_load %arg19[%swap3A_1220, %swap3A_1221] {strides = array<i32>} : memref<4x128xi32, #tpu.memory_space<vmem>>, vector<16xi32>,
        tpu.vector_store %arg19[%swap3A_1220, %swap3A_1221], %shift_right_logical3A_1218 {strides = array<i32>} : memref<4x128xi32, #tpu.memory_space<vmem>>, vector<16xi32>,
        %mul3A_1223 = arith.constant 128 : i32
        %mul3A_1224 = arith.muli %add3A_1120, %mul3A_1223 : i32
        %add3A_1225 = arith.constant 16 : i32
        %add3A_1226 = arith.addi %mul3A_1224, %add3A_1225 : i32
        %get3A_1227 = arith.index_cast %add3A_1226 : i32 to index
        %get3A_1228 = tpu.vector_load %arg16[%get3A_1227] {strides = array<i32>} : memref<10240xi32, #tpu.memory_space<vmem>>, vector<16xi32>,
        %and3A_1229 = arith.constant 16383 : i32
        %and3A_1230 = vector.broadcast %and3A_1229 : i32 to vector<16xi32>
        %and3A_1231 = arith.andi %get3A_1228, %and3A_1230 : vector<16xi32>
        %swap3A_1232 = arith.constant 0 : i32
        %swap3A_1233 = arith.index_cast %swap3A_1232 : i32 to index
        %swap3A_1234 = arith.constant 16 : index
        %swap3A_1235 = tpu.vector_load %arg18[%swap3A_1233, %swap3A_1234] {strides = array<i32>} : memref<4x128xi32, #tpu.memory_space<vmem>>, vector<16xi32>,
        tpu.vector_store %arg18[%swap3A_1233, %swap3A_1234], %and3A_1231 {strides = array<i32>} : memref<4x128xi32, #tpu.memory_space<vmem>>, vector<16xi32>,
        %shift_right_logical3A_1236 = arith.constant 14 : i32
        %shift_right_logical3A_1237 = vector.broadcast %shift_right_logical3A_1236 : i32 to vector<16xi32>
        %shift_right_logical3A_1238 = arith.shrui %get3A_1228, %shift_right_logical3A_1237 : vector<16xi32>
        %swap3A_1239 = arith.constant 0 : i32
        %swap3A_1240 = arith.index_cast %swap3A_1239 : i32 to index
        %swap3A_1241 = arith.constant 16 : index
        %swap3A_1242 = tpu.vector_load %arg19[%swap3A_1240, %swap3A_1241] {strides = array<i32>} : memref<4x128xi32, #tpu.memory_space<vmem>>, vector<16xi32>,
        tpu.vector_store %arg19[%swap3A_1240, %swap3A_1241], %shift_right_logical3A_1238 {strides = array<i32>} : memref<4x128xi32, #tpu.memory_space<vmem>>, vector<16xi32>,
        %mul3A_1243 = arith.constant 128 : i32
        %mul3A_1244 = arith.muli %add3A_1120, %mul3A_1243 : i32
        %add3A_1245 = arith.constant 32 : i32
        %add3A_1246 = arith.addi %mul3A_1244, %add3A_1245 : i32
        %get3A_1247 = arith.index_cast %add3A_1246 : i32 to index
        %get3A_1248 = tpu.vector_load %arg16[%get3A_1247] {strides = array<i32>} : memref<10240xi32, #tpu.memory_space<vmem>>, vector<16xi32>,
        %and3A_1249 = arith.constant 16383 : i32
        %and3A_1250 = vector.broadcast %and3A_1249 : i32 to vector<16xi32>
        %and3A_1251 = arith.andi %get3A_1248, %and3A_1250 : vector<16xi32>
        %swap3A_1252 = arith.constant 0 : i32
        %swap3A_1253 = arith.index_cast %swap3A_1252 : i32 to index
        %swap3A_1254 = arith.constant 32 : index
        %swap3A_1255 = tpu.vector_load %arg18[%swap3A_1253, %swap3A_1254] {strides = array<i32>} : memref<4x128xi32, #tpu.memory_space<vmem>>, vector<16xi32>,
        tpu.vector_store %arg18[%swap3A_1253, %swap3A_1254], %and3A_1251 {strides = array<i32>} : memref<4x128xi32, #tpu.memory_space<vmem>>, vector<16xi32>,
        %shift_right_logical3A_1256 = arith.constant 14 : i32
        %shift_right_logical3A_1257 = vector.broadcast %shift_right_logical3A_1256 : i32 to vector<16xi32>
        %shift_right_logical3A_1258 = arith.shrui %get3A_1248, %shift_right_logical3A_1257 : vector<16xi32>
        %swap3A_1259 = arith.constant 0 : i32
        %swap3A_1260 = arith.index_cast %swap3A_1259 : i32 to index
        %swap3A_1261 = arith.constant 32 : index
        %swap3A_1262 = tpu.vector_load %arg19[%swap3A_1260, %swap3A_1261] {strides = array<i32>} : memref<4x128xi32, #tpu.memory_space<vmem>>, vector<16xi32>,
        tpu.vector_store %arg19[%swap3A_1260, %swap3A_1261], %shift_right_logical3A_1258 {strides = array<i32>} : memref<4x128xi32, #tpu.memory_space<vmem>>, vector<16xi32>,
        %mul3A_1263 = arith.constant 128 : i32
        %mul3A_1264 = arith.muli %add3A_1120, %mul3A_1263 : i32
        %add3A_1265 = arith.constant 48 : i32
        %add3A_1266 = arith.addi %mul3A_1264, %add3A_1265 : i32
        %get3A_1267 = arith.index_cast %add3A_1266 : i32 to index
        %get3A_1268 = tpu.vector_load %arg16[%get3A_1267] {strides = array<i32>} : memref<10240xi32, #tpu.memory_space<vmem>>, vector<16xi32>,
        %and3A_1269 = arith.constant 16383 : i32
        %and3A_1270 = vector.broadcast %and3A_1269 : i32 to vector<16xi32>
        %and3A_1271 = arith.andi %get3A_1268, %and3A_1270 : vector<16xi32>
        %swap3A_1272 = arith.constant 0 : i32
        %swap3A_1273 = arith.index_cast %swap3A_1272 : i32 to index
        %swap3A_1274 = arith.constant 48 : index
        %swap3A_1275 = tpu.vector_load %arg18[%swap3A_1273, %swap3A_1274] {strides = array<i32>} : memref<4x128xi32, #tpu.memory_space<vmem>>, vector<16xi32>,
        tpu.vector_store %arg18[%swap3A_1273, %swap3A_1274], %and3A_1271 {strides = array<i32>} : memref<4x128xi32, #tpu.memory_space<vmem>>, vector<16xi32>,
        %shift_right_logical3A_1276 = arith.constant 14 : i32
        %shift_right_logical3A_1277 = vector.broadcast %shift_right_logical3A_1276 : i32 to vector<16xi32>
        %shift_right_logical3A_1278 = arith.shrui %get3A_1268, %shift_right_logical3A_1277 : vector<16xi32>
        %swap3A_1279 = arith.constant 0 : i32
        %swap3A_1280 = arith.index_cast %swap3A_1279 : i32 to index
        %swap3A_1281 = arith.constant 48 : index
        %swap3A_1282 = tpu.vector_load %arg19[%swap3A_1280, %swap3A_1281] {strides = array<i32>} : memref<4x128xi32, #tpu.memory_space<vmem>>, vector<16xi32>,
        tpu.vector_store %arg19[%swap3A_1280, %swap3A_1281], %shift_right_logical3A_1278 {strides = array<i32>} : memref<4x128xi32, #tpu.memory_space<vmem>>, vector<16xi32>,
        %mul3A_1283 = arith.constant 128 : i32
        %mul3A_1284 = arith.muli %add3A_1120, %mul3A_1283 : i32
        %add3A_1285 = arith.constant 64 : i32
        %add3A_1286 = arith.addi %mul3A_1284, %add3A_1285 : i32
        %get3A_1287 = arith.index_cast %add3A_1286 : i32 to index
        %get3A_1288 = tpu.vector_load %arg16[%get3A_1287] {strides = array<i32>} : memref<10240xi32, #tpu.memory_space<vmem>>, vector<16xi32>,
        %and3A_1289 = arith.constant 16383 : i32
        %and3A_1290 = vector.broadcast %and3A_1289 : i32 to vector<16xi32>
        %and3A_1291 = arith.andi %get3A_1288, %and3A_1290 : vector<16xi32>
        %swap3A_1292 = arith.constant 0 : i32
        %swap3A_1293 = arith.index_cast %swap3A_1292 : i32 to index
        %swap3A_1294 = arith.constant 64 : index
        %swap3A_1295 = tpu.vector_load %arg18[%swap3A_1293, %swap3A_1294] {strides = array<i32>} : memref<4x128xi32, #tpu.memory_space<vmem>>, vector<16xi32>,
        tpu.vector_store %arg18[%swap3A_1293, %swap3A_1294], %and3A_1291 {strides = array<i32>} : memref<4x128xi32, #tpu.memory_space<vmem>>, vector<16xi32>,
        %shift_right_logical3A_1296 = arith.constant 14 : i32
        %shift_right_logical3A_1297 = vector.broadcast %shift_right_logical3A_1296 : i32 to vector<16xi32>
        %shift_right_logical3A_1298 = arith.shrui %get3A_1288, %shift_right_logical3A_1297 : vector<16xi32>
        %swap3A_1299 = arith.constant 0 : i32
        %swap3A_1300 = arith.index_cast %swap3A_1299 : i32 to index
        %swap3A_1301 = arith.constant 64 : index
        %swap3A_1302 = tpu.vector_load %arg19[%swap3A_1300, %swap3A_1301] {strides = array<i32>} : memref<4x128xi32, #tpu.memory_space<vmem>>, vector<16xi32>,
        tpu.vector_store %arg19[%swap3A_1300, %swap3A_1301], %shift_right_logical3A_1298 {strides = array<i32>} : memref<4x128xi32, #tpu.memory_space<vmem>>, vector<16xi32>,
        %mul3A_1303 = arith.constant 128 : i32
        %mul3A_1304 = arith.muli %add3A_1120, %mul3A_1303 : i32
        %add3A_1305 = arith.constant 80 : i32
        %add3A_1306 = arith.addi %mul3A_1304, %add3A_1305 : i32
        %get3A_1307 = arith.index_cast %add3A_1306 : i32 to index
        %get3A_1308 = tpu.vector_load %arg16[%get3A_1307] {strides = array<i32>} : memref<10240xi32, #tpu.memory_space<vmem>>, vector<16xi32>,
        %and3A_1309 = arith.constant 16383 : i32
        %and3A_1310 = vector.broadcast %and3A_1309 : i32 to vector<16xi32>
        %and3A_1311 = arith.andi %get3A_1308, %and3A_1310 : vector<16xi32>
        %swap3A_1312 = arith.constant 0 : i32
        %swap3A_1313 = arith.index_cast %swap3A_1312 : i32 to index
        %swap3A_1314 = arith.constant 80 : index
        %swap3A_1315 = tpu.vector_load %arg18[%swap3A_1313, %swap3A_1314] {strides = array<i32>} : memref<4x128xi32, #tpu.memory_space<vmem>>, vector<16xi32>,
        tpu.vector_store %arg18[%swap3A_1313, %swap3A_1314], %and3A_1311 {strides = array<i32>} : memref<4x128xi32, #tpu.memory_space<vmem>>, vector<16xi32>,
        %shift_right_logical3A_1316 = arith.constant 14 : i32
        %shift_right_logical3A_1317 = vector.broadcast %shift_right_logical3A_1316 : i32 to vector<16xi32>
        %shift_right_logical3A_1318 = arith.shrui %get3A_1308, %shift_right_logical3A_1317 : vector<16xi32>
        %swap3A_1319 = arith.constant 0 : i32
        %swap3A_1320 = arith.index_cast %swap3A_1319 : i32 to index
        %swap3A_1321 = arith.constant 80 : index
        %swap3A_1322 = tpu.vector_load %arg19[%swap3A_1320, %swap3A_1321] {strides = array<i32>} : memref<4x128xi32, #tpu.memory_space<vmem>>, vector<16xi32>,
        tpu.vector_store %arg19[%swap3A_1320, %swap3A_1321], %shift_right_logical3A_1318 {strides = array<i32>} : memref<4x128xi32, #tpu.memory_space<vmem>>, vector<16xi32>,
        %mul3A_1323 = arith.constant 128 : i32
        %mul3A_1324 = arith.muli %add3A_1120, %mul3A_1323 : i32
        %add3A_1325 = arith.constant 96 : i32
        %add3A_1326 = arith.addi %mul3A_1324, %add3A_1325 : i32
        %get3A_1327 = arith.index_cast %add3A_1326 : i32 to index
        %get3A_1328 = tpu.vector_load %arg16[%get3A_1327] {strides = array<i32>} : memref<10240xi32, #tpu.memory_space<vmem>>, vector<16xi32>,
        %and3A_1329 = arith.constant 16383 : i32
        %and3A_1330 = vector.broadcast %and3A_1329 : i32 to vector<16xi32>
        %and3A_1331 = arith.andi %get3A_1328, %and3A_1330 : vector<16xi32>
        %swap3A_1332 = arith.constant 0 : i32
        %swap3A_1333 = arith.index_cast %swap3A_1332 : i32 to index
        %swap3A_1334 = arith.constant 96 : index
        %swap3A_1335 = tpu.vector_load %arg18[%swap3A_1333, %swap3A_1334] {strides = array<i32>} : memref<4x128xi32, #tpu.memory_space<vmem>>, vector<16xi32>,
        tpu.vector_store %arg18[%swap3A_1333, %swap3A_1334], %and3A_1331 {strides = array<i32>} : memref<4x128xi32, #tpu.memory_space<vmem>>, vector<16xi32>,
        %shift_right_logical3A_1336 = arith.constant 14 : i32
        %shift_right_logical3A_1337 = vector.broadcast %shift_right_logical3A_1336 : i32 to vector<16xi32>
        %shift_right_logical3A_1338 = arith.shrui %get3A_1328, %shift_right_logical3A_1337 : vector<16xi32>
        %swap3A_1339 = arith.constant 0 : i32
        %swap3A_1340 = arith.index_cast %swap3A_1339 : i32 to index
        %swap3A_1341 = arith.constant 96 : index
        %swap3A_1342 = tpu.vector_load %arg19[%swap3A_1340, %swap3A_1341] {strides = array<i32>} : memref<4x128xi32, #tpu.memory_space<vmem>>, vector<16xi32>,
        tpu.vector_store %arg19[%swap3A_1340, %swap3A_1341], %shift_right_logical3A_1338 {strides = array<i32>} : memref<4x128xi32, #tpu.memory_space<vmem>>, vector<16xi32>,
        %mul3A_1343 = arith.constant 128 : i32
        %mul3A_1344 = arith.muli %add3A_1120, %mul3A_1343 : i32
        %add3A_1345 = arith.constant 112 : i32
        %add3A_1346 = arith.addi %mul3A_1344, %add3A_1345 : i32
        %get3A_1347 = arith.index_cast %add3A_1346 : i32 to index
        %get3A_1348 = tpu.vector_load %arg16[%get3A_1347] {strides = array<i32>} : memref<10240xi32, #tpu.memory_space<vmem>>, vector<16xi32>,
        %and3A_1349 = arith.constant 16383 : i32
        %and3A_1350 = vector.broadcast %and3A_1349 : i32 to vector<16xi32>
        %and3A_1351 = arith.andi %get3A_1348, %and3A_1350 : vector<16xi32>
        %swap3A_1352 = arith.constant 0 : i32
        %swap3A_1353 = arith.index_cast %swap3A_1352 : i32 to index
        %swap3A_1354 = arith.constant 112 : index
        %swap3A_1355 = tpu.vector_load %arg18[%swap3A_1353, %swap3A_1354] {strides = array<i32>} : memref<4x128xi32, #tpu.memory_space<vmem>>, vector<16xi32>,
        tpu.vector_store %arg18[%swap3A_1353, %swap3A_1354], %and3A_1351 {strides = array<i32>} : memref<4x128xi32, #tpu.memory_space<vmem>>, vector<16xi32>,
        %shift_right_logical3A_1356 = arith.constant 14 : i32
        %shift_right_logical3A_1357 = vector.broadcast %shift_right_logical3A_1356 : i32 to vector<16xi32>
        %shift_right_logical3A_1358 = arith.shrui %get3A_1348, %shift_right_logical3A_1357 : vector<16xi32>
        %swap3A_1359 = arith.constant 0 : i32
        %swap3A_1360 = arith.index_cast %swap3A_1359 : i32 to index
        %swap3A_1361 = arith.constant 112 : index
        %swap3A_1362 = tpu.vector_load %arg19[%swap3A_1360, %swap3A_1361] {strides = array<i32>} : memref<4x128xi32, #tpu.memory_space<vmem>>, vector<16xi32>,
        tpu.vector_store %arg19[%swap3A_1360, %swap3A_1361], %shift_right_logical3A_1358 {strides = array<i32>} : memref<4x128xi32, #tpu.memory_space<vmem>>, vector<16xi32>,
        %dma_start3A_1363 = arith.constant 0 : i32
        %dma_start3A_1364 = arith.constant 0 : i32
        %dma_start3A_1365 = arith.constant 0 : i32
        %dma_start3A_1366 = arith.constant 0 : i32
        %dma_start3A_1367 = tpu.memref_slice %arg20[%dma_start3A_1364, %dma_start3A_1365, %dma_start3A_1366] : memref<4x128x128xbf16, #tpu.memory_space<vmem>> -> memref<1x128x128xbf16, #tpu.memory_space<vmem>>
        %dma_start3A_1368 = tpu.memref_squeeze %dma_start3A_1367 : memref<1x128x128xbf16, #tpu.memory_space<vmem>> -> memref<128x128xbf16, #tpu.memory_space<vmem>>
        %dma_start3A_1369 = arith.constant 0 : i32
        %dma_start3A_1370 = tpu.memref_slice %arg18[%dma_start3A_1363, %dma_start3A_1369] : memref<4x128xi32, #tpu.memory_space<vmem>> -> memref<1x128xi32, #tpu.memory_space<vmem>>
        %dma_start3A_1371 = tpu.memref_squeeze %dma_start3A_1370 : memref<1x128xi32, #tpu.memory_space<vmem>> -> memref<128xi32, #tpu.memory_space<vmem>>
        %dma_start3A_1372 = arith.constant 0 : i32
        %dma_start3A_1373 = arith.constant 0 : i32
        %dma_start3A_1374 = tpu.memref_slice %arg3[%dma_start3A_1372, %dma_start3A_1373] : memref<10000x128xbf16, #tpu.memory_space<hbm>> -> memref<10000x128xbf16, #tpu.memory_space<hbm>>
        tpu.enqueue_indirect_dma source(%dma_start3A_1374 : memref<10000x128xbf16, #tpu.memory_space<hbm>>) target(%dma_start3A_1368 : memref<128x128xbf16, #tpu.memory_space<vmem>>) offsets(%dma_start3A_1371 : memref<128xi32, #tpu.memory_space<vmem>>) semaphore(%arg26 : memref<!tpu.dma_semaphore, #tpu.memory_space<semaphore_mem>>)
      } else {
      }
      %add3A_1134 = arith.constant 1 : i32
      %add3A_1135 = arith.addi %mul3A_1118, %add3A_1134 : i32
      %gt3A_1136 = arith.constant 0 : i32
      %gt3A_1137 = arith.cmpi sgt, %while3A_1115, %gt3A_1136 : i32
      %sub3A_1138 = arith.constant 4 : i32
      %sub3A_1139 = arith.subi %add3A_1135, %sub3A_1138 : i32
      %lt3A_1140 = arith.cmpi slt, %sub3A_1139, %select_n3A_916 : i32
      %and3A_1141 = arith.andi %gt3A_1137, %lt3A_1140 : i1
      %convert_element_type3A_1142 = arith.extui %and3A_1141 : i1 to i32
      %cond3A_1143 = arith.constant 0 : i32
      %cond3A_1144 = arith.cmpi ne, %convert_element_type3A_1142, %cond3A_1143 : i32
      scf.if %cond3A_1144 {
        %dma_wait3A_1204 = arith.constant 1 : i32
        %dma_wait3A_1205 = arith.constant 1 : i32
        %dma_wait3A_1206 = arith.constant 0 : i32
        %dma_wait3A_1207 = arith.constant 0 : i32
        %dma_wait3A_1208 = tpu.memref_slice %arg20[%dma_wait3A_1204, %dma_wait3A_1206, %dma_wait3A_1207] : memref<4x128x128xbf16, #tpu.memory_space<vmem>> -> memref<1x128x128xbf16, #tpu.memory_space<vmem>>
        %dma_wait3A_1209 = tpu.memref_squeeze %dma_wait3A_1208 : memref<1x128x128xbf16, #tpu.memory_space<vmem>> -> memref<128x128xbf16, #tpu.memory_space<vmem>>
        %dma_wait3A_1210 = arith.constant 0 : i32
        %dma_wait3A_1211 = tpu.memref_slice %arg19[%dma_wait3A_1205, %dma_wait3A_1210] : memref<4x128xi32, #tpu.memory_space<vmem>> -> memref<1x128xi32, #tpu.memory_space<vmem>>
        %dma_wait3A_1212 = tpu.memref_squeeze %dma_wait3A_1211 : memref<1x128xi32, #tpu.memory_space<vmem>> -> memref<128xi32, #tpu.memory_space<vmem>>
        %dma_wait3A_1213 = arith.constant 0 : i32
        %dma_wait3A_1214 = arith.constant 0 : i32
        %dma_wait3A_1215 = tpu.memref_slice %arg25[%dma_wait3A_1213, %dma_wait3A_1214] : memref<4104x128xbf16, #tpu.memory_space<vmem_shared>> -> memref<4104x128xbf16, #tpu.memory_space<vmem_shared>>
        tpu.wait_indirect_dma semaphore(%arg27 : memref<!tpu.dma_semaphore, #tpu.memory_space<semaphore_mem>>) src(%dma_wait3A_1209 : memref<128x128xbf16, #tpu.memory_space<vmem>>) dst(%dma_wait3A_1215 : memref<4104x128xbf16, #tpu.memory_space<vmem_shared>>)
      } else {
      }
      %lt3A_1145 = arith.cmpi slt, %add3A_1135, %select_n3A_916 : i32
      %convert_element_type3A_1146 = arith.extui %lt3A_1145 : i1 to i32
      %cond3A_1147 = arith.constant 0 : i32
      %cond3A_1148 = arith.cmpi ne, %convert_element_type3A_1146, %cond3A_1147 : i32
      scf.if %cond3A_1148 {
        %mul3A_1204 = arith.constant 128 : i32
        %mul3A_1205 = arith.muli %add3A_1135, %mul3A_1204 : i32
        %add3A_1206 = arith.constant 0 : i32
        %add3A_1207 = arith.addi %mul3A_1205, %add3A_1206 : i32
        %get3A_1208 = arith.index_cast %add3A_1207 : i32 to index
        %get3A_1209 = tpu.vector_load %arg16[%get3A_1208] {strides = array<i32>} : memref<10240xi32, #tpu.memory_space<vmem>>, vector<16xi32>,
        %and3A_1210 = arith.constant 16383 : i32
        %and3A_1211 = vector.broadcast %and3A_1210 : i32 to vector<16xi32>
        %and3A_1212 = arith.andi %get3A_1209, %and3A_1211 : vector<16xi32>
        %swap3A_1213 = arith.constant 1 : i32
        %swap3A_1214 = arith.index_cast %swap3A_1213 : i32 to index
        %swap3A_1215 = arith.constant 0 : index
        %swap3A_1216 = tpu.vector_load %arg18[%swap3A_1214, %swap3A_1215] {strides = array<i32>} : memref<4x128xi32, #tpu.memory_space<vmem>>, vector<16xi32>,
        tpu.vector_store %arg18[%swap3A_1214, %swap3A_1215], %and3A_1212 {strides = array<i32>} : memref<4x128xi32, #tpu.memory_space<vmem>>, vector<16xi32>,
        %shift_right_logical3A = arith.constant 14 : i32
        %shift_right_logical3A_1217 = vector.broadcast %shift_right_logical3A : i32 to vector<16xi32>
        %shift_right_logical3A_1218 = arith.shrui %get3A_1209, %shift_right_logical3A_1217 : vector<16xi32>
        %swap3A_1219 = arith.constant 1 : i32
        %swap3A_1220 = arith.index_cast %swap3A_1219 : i32 to index
        %swap3A_1221 = arith.constant 0 : index
        %swap3A_1222 = tpu.vector_load %arg19[%swap3A_1220, %swap3A_1221] {strides = array<i32>} : memref<4x128xi32, #tpu.memory_space<vmem>>, vector<16xi32>,
        tpu.vector_store %arg19[%swap3A_1220, %swap3A_1221], %shift_right_logical3A_1218 {strides = array<i32>} : memref<4x128xi32, #tpu.memory_space<vmem>>, vector<16xi32>,
        %mul3A_1223 = arith.constant 128 : i32
        %mul3A_1224 = arith.muli %add3A_1135, %mul3A_1223 : i32
        %add3A_1225 = arith.constant 16 : i32
        %add3A_1226 = arith.addi %mul3A_1224, %add3A_1225 : i32
        %get3A_1227 = arith.index_cast %add3A_1226 : i32 to index
        %get3A_1228 = tpu.vector_load %arg16[%get3A_1227] {strides = array<i32>} : memref<10240xi32, #tpu.memory_space<vmem>>, vector<16xi32>,
        %and3A_1229 = arith.constant 16383 : i32
        %and3A_1230 = vector.broadcast %and3A_1229 : i32 to vector<16xi32>
        %and3A_1231 = arith.andi %get3A_1228, %and3A_1230 : vector<16xi32>
        %swap3A_1232 = arith.constant 1 : i32
        %swap3A_1233 = arith.index_cast %swap3A_1232 : i32 to index
        %swap3A_1234 = arith.constant 16 : index
        %swap3A_1235 = tpu.vector_load %arg18[%swap3A_1233, %swap3A_1234] {strides = array<i32>} : memref<4x128xi32, #tpu.memory_space<vmem>>, vector<16xi32>,
        tpu.vector_store %arg18[%swap3A_1233, %swap3A_1234], %and3A_1231 {strides = array<i32>} : memref<4x128xi32, #tpu.memory_space<vmem>>, vector<16xi32>,
        %shift_right_logical3A_1236 = arith.constant 14 : i32
        %shift_right_logical3A_1237 = vector.broadcast %shift_right_logical3A_1236 : i32 to vector<16xi32>
        %shift_right_logical3A_1238 = arith.shrui %get3A_1228, %shift_right_logical3A_1237 : vector<16xi32>
        %swap3A_1239 = arith.constant 1 : i32
        %swap3A_1240 = arith.index_cast %swap3A_1239 : i32 to index
        %swap3A_1241 = arith.constant 16 : index
        %swap3A_1242 = tpu.vector_load %arg19[%swap3A_1240, %swap3A_1241] {strides = array<i32>} : memref<4x128xi32, #tpu.memory_space<vmem>>, vector<16xi32>,
        tpu.vector_store %arg19[%swap3A_1240, %swap3A_1241], %shift_right_logical3A_1238 {strides = array<i32>} : memref<4x128xi32, #tpu.memory_space<vmem>>, vector<16xi32>,
        %mul3A_1243 = arith.constant 128 : i32
        %mul3A_1244 = arith.muli %add3A_1135, %mul3A_1243 : i32
        %add3A_1245 = arith.constant 32 : i32
        %add3A_1246 = arith.addi %mul3A_1244, %add3A_1245 : i32
        %get3A_1247 = arith.index_cast %add3A_1246 : i32 to index
        %get3A_1248 = tpu.vector_load %arg16[%get3A_1247] {strides = array<i32>} : memref<10240xi32, #tpu.memory_space<vmem>>, vector<16xi32>,
        %and3A_1249 = arith.constant 16383 : i32
        %and3A_1250 = vector.broadcast %and3A_1249 : i32 to vector<16xi32>
        %and3A_1251 = arith.andi %get3A_1248, %and3A_1250 : vector<16xi32>
        %swap3A_1252 = arith.constant 1 : i32
        %swap3A_1253 = arith.index_cast %swap3A_1252 : i32 to index
        %swap3A_1254 = arith.constant 32 : index
        %swap3A_1255 = tpu.vector_load %arg18[%swap3A_1253, %swap3A_1254] {strides = array<i32>} : memref<4x128xi32, #tpu.memory_space<vmem>>, vector<16xi32>,
        tpu.vector_store %arg18[%swap3A_1253, %swap3A_1254], %and3A_1251 {strides = array<i32>} : memref<4x128xi32, #tpu.memory_space<vmem>>, vector<16xi32>,
        %shift_right_logical3A_1256 = arith.constant 14 : i32
        %shift_right_logical3A_1257 = vector.broadcast %shift_right_logical3A_1256 : i32 to vector<16xi32>
        %shift_right_logical3A_1258 = arith.shrui %get3A_1248, %shift_right_logical3A_1257 : vector<16xi32>
        %swap3A_1259 = arith.constant 1 : i32
        %swap3A_1260 = arith.index_cast %swap3A_1259 : i32 to index
        %swap3A_1261 = arith.constant 32 : index
        %swap3A_1262 = tpu.vector_load %arg19[%swap3A_1260, %swap3A_1261] {strides = array<i32>} : memref<4x128xi32, #tpu.memory_space<vmem>>, vector<16xi32>,
        tpu.vector_store %arg19[%swap3A_1260, %swap3A_1261], %shift_right_logical3A_1258 {strides = array<i32>} : memref<4x128xi32, #tpu.memory_space<vmem>>, vector<16xi32>,
        %mul3A_1263 = arith.constant 128 : i32
        %mul3A_1264 = arith.muli %add3A_1135, %mul3A_1263 : i32
        %add3A_1265 = arith.constant 48 : i32
        %add3A_1266 = arith.addi %mul3A_1264, %add3A_1265 : i32
        %get3A_1267 = arith.index_cast %add3A_1266 : i32 to index
        %get3A_1268 = tpu.vector_load %arg16[%get3A_1267] {strides = array<i32>} : memref<10240xi32, #tpu.memory_space<vmem>>, vector<16xi32>,
        %and3A_1269 = arith.constant 16383 : i32
        %and3A_1270 = vector.broadcast %and3A_1269 : i32 to vector<16xi32>
        %and3A_1271 = arith.andi %get3A_1268, %and3A_1270 : vector<16xi32>
        %swap3A_1272 = arith.constant 1 : i32
        %swap3A_1273 = arith.index_cast %swap3A_1272 : i32 to index
        %swap3A_1274 = arith.constant 48 : index
        %swap3A_1275 = tpu.vector_load %arg18[%swap3A_1273, %swap3A_1274] {strides = array<i32>} : memref<4x128xi32, #tpu.memory_space<vmem>>, vector<16xi32>,
        tpu.vector_store %arg18[%swap3A_1273, %swap3A_1274], %and3A_1271 {strides = array<i32>} : memref<4x128xi32, #tpu.memory_space<vmem>>, vector<16xi32>,
        %shift_right_logical3A_1276 = arith.constant 14 : i32
        %shift_right_logical3A_1277 = vector.broadcast %shift_right_logical3A_1276 : i32 to vector<16xi32>
        %shift_right_logical3A_1278 = arith.shrui %get3A_1268, %shift_right_logical3A_1277 : vector<16xi32>
        %swap3A_1279 = arith.constant 1 : i32
        %swap3A_1280 = arith.index_cast %swap3A_1279 : i32 to index
        %swap3A_1281 = arith.constant 48 : index
        %swap3A_1282 = tpu.vector_load %arg19[%swap3A_1280, %swap3A_1281] {strides = array<i32>} : memref<4x128xi32, #tpu.memory_space<vmem>>, vector<16xi32>,
        tpu.vector_store %arg19[%swap3A_1280, %swap3A_1281], %shift_right_logical3A_1278 {strides = array<i32>} : memref<4x128xi32, #tpu.memory_space<vmem>>, vector<16xi32>,
        %mul3A_1283 = arith.constant 128 : i32
        %mul3A_1284 = arith.muli %add3A_1135, %mul3A_1283 : i32
        %add3A_1285 = arith.constant 64 : i32
        %add3A_1286 = arith.addi %mul3A_1284, %add3A_1285 : i32
        %get3A_1287 = arith.index_cast %add3A_1286 : i32 to index
        %get3A_1288 = tpu.vector_load %arg16[%get3A_1287] {strides = array<i32>} : memref<10240xi32, #tpu.memory_space<vmem>>, vector<16xi32>,
        %and3A_1289 = arith.constant 16383 : i32
        %and3A_1290 = vector.broadcast %and3A_1289 : i32 to vector<16xi32>
        %and3A_1291 = arith.andi %get3A_1288, %and3A_1290 : vector<16xi32>
        %swap3A_1292 = arith.constant 1 : i32
        %swap3A_1293 = arith.index_cast %swap3A_1292 : i32 to index
        %swap3A_1294 = arith.constant 64 : index
        %swap3A_1295 = tpu.vector_load %arg18[%swap3A_1293, %swap3A_1294] {strides = array<i32>} : memref<4x128xi32, #tpu.memory_space<vmem>>, vector<16xi32>,
        tpu.vector_store %arg18[%swap3A_1293, %swap3A_1294], %and3A_1291 {strides = array<i32>} : memref<4x128xi32, #tpu.memory_space<vmem>>, vector<16xi32>,
        %shift_right_logical3A_1296 = arith.constant 14 : i32
        %shift_right_logical3A_1297 = vector.broadcast %shift_right_logical3A_1296 : i32 to vector<16xi32>
        %shift_right_logical3A_1298 = arith.shrui %get3A_1288, %shift_right_logical3A_1297 : vector<16xi32>
        %swap3A_1299 = arith.constant 1 : i32
        %swap3A_1300 = arith.index_cast %swap3A_1299 : i32 to index
        %swap3A_1301 = arith.constant 64 : index
        %swap3A_1302 = tpu.vector_load %arg19[%swap3A_1300, %swap3A_1301] {strides = array<i32>} : memref<4x128xi32, #tpu.memory_space<vmem>>, vector<16xi32>,
        tpu.vector_store %arg19[%swap3A_1300, %swap3A_1301], %shift_right_logical3A_1298 {strides = array<i32>} : memref<4x128xi32, #tpu.memory_space<vmem>>, vector<16xi32>,
        %mul3A_1303 = arith.constant 128 : i32
        %mul3A_1304 = arith.muli %add3A_1135, %mul3A_1303 : i32
        %add3A_1305 = arith.constant 80 : i32
        %add3A_1306 = arith.addi %mul3A_1304, %add3A_1305 : i32
        %get3A_1307 = arith.index_cast %add3A_1306 : i32 to index
        %get3A_1308 = tpu.vector_load %arg16[%get3A_1307] {strides = array<i32>} : memref<10240xi32, #tpu.memory_space<vmem>>, vector<16xi32>,
        %and3A_1309 = arith.constant 16383 : i32
        %and3A_1310 = vector.broadcast %and3A_1309 : i32 to vector<16xi32>
        %and3A_1311 = arith.andi %get3A_1308, %and3A_1310 : vector<16xi32>
        %swap3A_1312 = arith.constant 1 : i32
        %swap3A_1313 = arith.index_cast %swap3A_1312 : i32 to index
        %swap3A_1314 = arith.constant 80 : index
        %swap3A_1315 = tpu.vector_load %arg18[%swap3A_1313, %swap3A_1314] {strides = array<i32>} : memref<4x128xi32, #tpu.memory_space<vmem>>, vector<16xi32>,
        tpu.vector_store %arg18[%swap3A_1313, %swap3A_1314], %and3A_1311 {strides = array<i32>} : memref<4x128xi32, #tpu.memory_space<vmem>>, vector<16xi32>,
        %shift_right_logical3A_1316 = arith.constant 14 : i32
        %shift_right_logical3A_1317 = vector.broadcast %shift_right_logical3A_1316 : i32 to vector<16xi32>
        %shift_right_logical3A_1318 = arith.shrui %get3A_1308, %shift_right_logical3A_1317 : vector<16xi32>
        %swap3A_1319 = arith.constant 1 : i32
        %swap3A_1320 = arith.index_cast %swap3A_1319 : i32 to index
        %swap3A_1321 = arith.constant 80 : index
        %swap3A_1322 = tpu.vector_load %arg19[%swap3A_1320, %swap3A_1321] {strides = array<i32>} : memref<4x128xi32, #tpu.memory_space<vmem>>, vector<16xi32>,
        tpu.vector_store %arg19[%swap3A_1320, %swap3A_1321], %shift_right_logical3A_1318 {strides = array<i32>} : memref<4x128xi32, #tpu.memory_space<vmem>>, vector<16xi32>,
        %mul3A_1323 = arith.constant 128 : i32
        %mul3A_1324 = arith.muli %add3A_1135, %mul3A_1323 : i32
        %add3A_1325 = arith.constant 96 : i32
        %add3A_1326 = arith.addi %mul3A_1324, %add3A_1325 : i32
        %get3A_1327 = arith.index_cast %add3A_1326 : i32 to index
        %get3A_1328 = tpu.vector_load %arg16[%get3A_1327] {strides = array<i32>} : memref<10240xi32, #tpu.memory_space<vmem>>, vector<16xi32>,
        %and3A_1329 = arith.constant 16383 : i32
        %and3A_1330 = vector.broadcast %and3A_1329 : i32 to vector<16xi32>
        %and3A_1331 = arith.andi %get3A_1328, %and3A_1330 : vector<16xi32>
        %swap3A_1332 = arith.constant 1 : i32
        %swap3A_1333 = arith.index_cast %swap3A_1332 : i32 to index
        %swap3A_1334 = arith.constant 96 : index
        %swap3A_1335 = tpu.vector_load %arg18[%swap3A_1333, %swap3A_1334] {strides = array<i32>} : memref<4x128xi32, #tpu.memory_space<vmem>>, vector<16xi32>,
        tpu.vector_store %arg18[%swap3A_1333, %swap3A_1334], %and3A_1331 {strides = array<i32>} : memref<4x128xi32, #tpu.memory_space<vmem>>, vector<16xi32>,
        %shift_right_logical3A_1336 = arith.constant 14 : i32
        %shift_right_logical3A_1337 = vector.broadcast %shift_right_logical3A_1336 : i32 to vector<16xi32>
        %shift_right_logical3A_1338 = arith.shrui %get3A_1328, %shift_right_logical3A_1337 : vector<16xi32>
        %swap3A_1339 = arith.constant 1 : i32
        %swap3A_1340 = arith.index_cast %swap3A_1339 : i32 to index
        %swap3A_1341 = arith.constant 96 : index
        %swap3A_1342 = tpu.vector_load %arg19[%swap3A_1340, %swap3A_1341] {strides = array<i32>} : memref<4x128xi32, #tpu.memory_space<vmem>>, vector<16xi32>,
        tpu.vector_store %arg19[%swap3A_1340, %swap3A_1341], %shift_right_logical3A_1338 {strides = array<i32>} : memref<4x128xi32, #tpu.memory_space<vmem>>, vector<16xi32>,
        %mul3A_1343 = arith.constant 128 : i32
        %mul3A_1344 = arith.muli %add3A_1135, %mul3A_1343 : i32
        %add3A_1345 = arith.constant 112 : i32
        %add3A_1346 = arith.addi %mul3A_1344, %add3A_1345 : i32
        %get3A_1347 = arith.index_cast %add3A_1346 : i32 to index
        %get3A_1348 = tpu.vector_load %arg16[%get3A_1347] {strides = array<i32>} : memref<10240xi32, #tpu.memory_space<vmem>>, vector<16xi32>,
        %and3A_1349 = arith.constant 16383 : i32
        %and3A_1350 = vector.broadcast %and3A_1349 : i32 to vector<16xi32>
        %and3A_1351 = arith.andi %get3A_1348, %and3A_1350 : vector<16xi32>
        %swap3A_1352 = arith.constant 1 : i32
        %swap3A_1353 = arith.index_cast %swap3A_1352 : i32 to index
        %swap3A_1354 = arith.constant 112 : index
        %swap3A_1355 = tpu.vector_load %arg18[%swap3A_1353, %swap3A_1354] {strides = array<i32>} : memref<4x128xi32, #tpu.memory_space<vmem>>, vector<16xi32>,
        tpu.vector_store %arg18[%swap3A_1353, %swap3A_1354], %and3A_1351 {strides = array<i32>} : memref<4x128xi32, #tpu.memory_space<vmem>>, vector<16xi32>,
        %shift_right_logical3A_1356 = arith.constant 14 : i32
        %shift_right_logical3A_1357 = vector.broadcast %shift_right_logical3A_1356 : i32 to vector<16xi32>
        %shift_right_logical3A_1358 = arith.shrui %get3A_1348, %shift_right_logical3A_1357 : vector<16xi32>
        %swap3A_1359 = arith.constant 1 : i32
        %swap3A_1360 = arith.index_cast %swap3A_1359 : i32 to index
        %swap3A_1361 = arith.constant 112 : index
        %swap3A_1362 = tpu.vector_load %arg19[%swap3A_1360, %swap3A_1361] {strides = array<i32>} : memref<4x128xi32, #tpu.memory_space<vmem>>, vector<16xi32>,
        tpu.vector_store %arg19[%swap3A_1360, %swap3A_1361], %shift_right_logical3A_1358 {strides = array<i32>} : memref<4x128xi32, #tpu.memory_space<vmem>>, vector<16xi32>,
        %dma_start3A_1363 = arith.constant 1 : i32
        %dma_start3A_1364 = arith.constant 1 : i32
        %dma_start3A_1365 = arith.constant 0 : i32
        %dma_start3A_1366 = arith.constant 0 : i32
        %dma_start3A_1367 = tpu.memref_slice %arg20[%dma_start3A_1364, %dma_start3A_1365, %dma_start3A_1366] : memref<4x128x128xbf16, #tpu.memory_space<vmem>> -> memref<1x128x128xbf16, #tpu.memory_space<vmem>>
        %dma_start3A_1368 = tpu.memref_squeeze %dma_start3A_1367 : memref<1x128x128xbf16, #tpu.memory_space<vmem>> -> memref<128x128xbf16, #tpu.memory_space<vmem>>
        %dma_start3A_1369 = arith.constant 0 : i32
        %dma_start3A_1370 = tpu.memref_slice %arg18[%dma_start3A_1363, %dma_start3A_1369] : memref<4x128xi32, #tpu.memory_space<vmem>> -> memref<1x128xi32, #tpu.memory_space<vmem>>
        %dma_start3A_1371 = tpu.memref_squeeze %dma_start3A_1370 : memref<1x128xi32, #tpu.memory_space<vmem>> -> memref<128xi32, #tpu.memory_space<vmem>>
        %dma_start3A_1372 = arith.constant 0 : i32
        %dma_start3A_1373 = arith.constant 0 : i32
        %dma_start3A_1374 = tpu.memref_slice %arg3[%dma_start3A_1372, %dma_start3A_1373] : memref<10000x128xbf16, #tpu.memory_space<hbm>> -> memref<10000x128xbf16, #tpu.memory_space<hbm>>
        tpu.enqueue_indirect_dma source(%dma_start3A_1374 : memref<10000x128xbf16, #tpu.memory_space<hbm>>) target(%dma_start3A_1368 : memref<128x128xbf16, #tpu.memory_space<vmem>>) offsets(%dma_start3A_1371 : memref<128xi32, #tpu.memory_space<vmem>>) semaphore(%arg26 : memref<!tpu.dma_semaphore, #tpu.memory_space<semaphore_mem>>)
      } else {
      }
      %add3A_1149 = arith.constant 2 : i32
      %add3A_1150 = arith.addi %mul3A_1118, %add3A_1149 : i32
      %gt3A_1151 = arith.constant 0 : i32
      %gt3A_1152 = arith.cmpi sgt, %while3A_1115, %gt3A_1151 : i32
      %sub3A_1153 = arith.constant 4 : i32
      %sub3A_1154 = arith.subi %add3A_1150, %sub3A_1153 : i32
      %lt3A_1155 = arith.cmpi slt, %sub3A_1154, %select_n3A_916 : i32
      %and3A_1156 = arith.andi %gt3A_1152, %lt3A_1155 : i1
      %convert_element_type3A_1157 = arith.extui %and3A_1156 : i1 to i32
      %cond3A_1158 = arith.constant 0 : i32
      %cond3A_1159 = arith.cmpi ne, %convert_element_type3A_1157, %cond3A_1158 : i32
      scf.if %cond3A_1159 {
        %dma_wait3A_1204 = arith.constant 2 : i32
        %dma_wait3A_1205 = arith.constant 2 : i32
        %dma_wait3A_1206 = arith.constant 0 : i32
        %dma_wait3A_1207 = arith.constant 0 : i32
        %dma_wait3A_1208 = tpu.memref_slice %arg20[%dma_wait3A_1204, %dma_wait3A_1206, %dma_wait3A_1207] : memref<4x128x128xbf16, #tpu.memory_space<vmem>> -> memref<1x128x128xbf16, #tpu.memory_space<vmem>>
        %dma_wait3A_1209 = tpu.memref_squeeze %dma_wait3A_1208 : memref<1x128x128xbf16, #tpu.memory_space<vmem>> -> memref<128x128xbf16, #tpu.memory_space<vmem>>
        %dma_wait3A_1210 = arith.constant 0 : i32
        %dma_wait3A_1211 = tpu.memref_slice %arg19[%dma_wait3A_1205, %dma_wait3A_1210] : memref<4x128xi32, #tpu.memory_space<vmem>> -> memref<1x128xi32, #tpu.memory_space<vmem>>
        %dma_wait3A_1212 = tpu.memref_squeeze %dma_wait3A_1211 : memref<1x128xi32, #tpu.memory_space<vmem>> -> memref<128xi32, #tpu.memory_space<vmem>>
        %dma_wait3A_1213 = arith.constant 0 : i32
        %dma_wait3A_1214 = arith.constant 0 : i32
        %dma_wait3A_1215 = tpu.memref_slice %arg25[%dma_wait3A_1213, %dma_wait3A_1214] : memref<4104x128xbf16, #tpu.memory_space<vmem_shared>> -> memref<4104x128xbf16, #tpu.memory_space<vmem_shared>>
        tpu.wait_indirect_dma semaphore(%arg27 : memref<!tpu.dma_semaphore, #tpu.memory_space<semaphore_mem>>) src(%dma_wait3A_1209 : memref<128x128xbf16, #tpu.memory_space<vmem>>) dst(%dma_wait3A_1215 : memref<4104x128xbf16, #tpu.memory_space<vmem_shared>>)
      } else {
      }
      %lt3A_1160 = arith.cmpi slt, %add3A_1150, %select_n3A_916 : i32
      %convert_element_type3A_1161 = arith.extui %lt3A_1160 : i1 to i32
      %cond3A_1162 = arith.constant 0 : i32
      %cond3A_1163 = arith.cmpi ne, %convert_element_type3A_1161, %cond3A_1162 : i32
      scf.if %cond3A_1163 {
        %mul3A_1204 = arith.constant 128 : i32
        %mul3A_1205 = arith.muli %add3A_1150, %mul3A_1204 : i32
        %add3A_1206 = arith.constant 0 : i32
        %add3A_1207 = arith.addi %mul3A_1205, %add3A_1206 : i32
        %get3A_1208 = arith.index_cast %add3A_1207 : i32 to index
        %get3A_1209 = tpu.vector_load %arg16[%get3A_1208] {strides = array<i32>} : memref<10240xi32, #tpu.memory_space<vmem>>, vector<16xi32>,
        %and3A_1210 = arith.constant 16383 : i32
        %and3A_1211 = vector.broadcast %and3A_1210 : i32 to vector<16xi32>
        %and3A_1212 = arith.andi %get3A_1209, %and3A_1211 : vector<16xi32>
        %swap3A_1213 = arith.constant 2 : i32
        %swap3A_1214 = arith.index_cast %swap3A_1213 : i32 to index
        %swap3A_1215 = arith.constant 0 : index
        %swap3A_1216 = tpu.vector_load %arg18[%swap3A_1214, %swap3A_1215] {strides = array<i32>} : memref<4x128xi32, #tpu.memory_space<vmem>>, vector<16xi32>,
        tpu.vector_store %arg18[%swap3A_1214, %swap3A_1215], %and3A_1212 {strides = array<i32>} : memref<4x128xi32, #tpu.memory_space<vmem>>, vector<16xi32>,
        %shift_right_logical3A = arith.constant 14 : i32
        %shift_right_logical3A_1217 = vector.broadcast %shift_right_logical3A : i32 to vector<16xi32>
        %shift_right_logical3A_1218 = arith.shrui %get3A_1209, %shift_right_logical3A_1217 : vector<16xi32>
        %swap3A_1219 = arith.constant 2 : i32
        %swap3A_1220 = arith.index_cast %swap3A_1219 : i32 to index
        %swap3A_1221 = arith.constant 0 : index
        %swap3A_1222 = tpu.vector_load %arg19[%swap3A_1220, %swap3A_1221] {strides = array<i32>} : memref<4x128xi32, #tpu.memory_space<vmem>>, vector<16xi32>,
        tpu.vector_store %arg19[%swap3A_1220, %swap3A_1221], %shift_right_logical3A_1218 {strides = array<i32>} : memref<4x128xi32, #tpu.memory_space<vmem>>, vector<16xi32>,
        %mul3A_1223 = arith.constant 128 : i32
        %mul3A_1224 = arith.muli %add3A_1150, %mul3A_1223 : i32
        %add3A_1225 = arith.constant 16 : i32
        %add3A_1226 = arith.addi %mul3A_1224, %add3A_1225 : i32
        %get3A_1227 = arith.index_cast %add3A_1226 : i32 to index
        %get3A_1228 = tpu.vector_load %arg16[%get3A_1227] {strides = array<i32>} : memref<10240xi32, #tpu.memory_space<vmem>>, vector<16xi32>,
        %and3A_1229 = arith.constant 16383 : i32
        %and3A_1230 = vector.broadcast %and3A_1229 : i32 to vector<16xi32>
        %and3A_1231 = arith.andi %get3A_1228, %and3A_1230 : vector<16xi32>
        %swap3A_1232 = arith.constant 2 : i32
        %swap3A_1233 = arith.index_cast %swap3A_1232 : i32 to index
        %swap3A_1234 = arith.constant 16 : index
        %swap3A_1235 = tpu.vector_load %arg18[%swap3A_1233, %swap3A_1234] {strides = array<i32>} : memref<4x128xi32, #tpu.memory_space<vmem>>, vector<16xi32>,
        tpu.vector_store %arg18[%swap3A_1233, %swap3A_1234], %and3A_1231 {strides = array<i32>} : memref<4x128xi32, #tpu.memory_space<vmem>>, vector<16xi32>,
        %shift_right_logical3A_1236 = arith.constant 14 : i32
        %shift_right_logical3A_1237 = vector.broadcast %shift_right_logical3A_1236 : i32 to vector<16xi32>
        %shift_right_logical3A_1238 = arith.shrui %get3A_1228, %shift_right_logical3A_1237 : vector<16xi32>
        %swap3A_1239 = arith.constant 2 : i32
        %swap3A_1240 = arith.index_cast %swap3A_1239 : i32 to index
        %swap3A_1241 = arith.constant 16 : index
        %swap3A_1242 = tpu.vector_load %arg19[%swap3A_1240, %swap3A_1241] {strides = array<i32>} : memref<4x128xi32, #tpu.memory_space<vmem>>, vector<16xi32>,
        tpu.vector_store %arg19[%swap3A_1240, %swap3A_1241], %shift_right_logical3A_1238 {strides = array<i32>} : memref<4x128xi32, #tpu.memory_space<vmem>>, vector<16xi32>,
        %mul3A_1243 = arith.constant 128 : i32
        %mul3A_1244 = arith.muli %add3A_1150, %mul3A_1243 : i32
        %add3A_1245 = arith.constant 32 : i32
        %add3A_1246 = arith.addi %mul3A_1244, %add3A_1245 : i32
        %get3A_1247 = arith.index_cast %add3A_1246 : i32 to index
        %get3A_1248 = tpu.vector_load %arg16[%get3A_1247] {strides = array<i32>} : memref<10240xi32, #tpu.memory_space<vmem>>, vector<16xi32>,
        %and3A_1249 = arith.constant 16383 : i32
        %and3A_1250 = vector.broadcast %and3A_1249 : i32 to vector<16xi32>
        %and3A_1251 = arith.andi %get3A_1248, %and3A_1250 : vector<16xi32>
        %swap3A_1252 = arith.constant 2 : i32
        %swap3A_1253 = arith.index_cast %swap3A_1252 : i32 to index
        %swap3A_1254 = arith.constant 32 : index
        %swap3A_1255 = tpu.vector_load %arg18[%swap3A_1253, %swap3A_1254] {strides = array<i32>} : memref<4x128xi32, #tpu.memory_space<vmem>>, vector<16xi32>,
        tpu.vector_store %arg18[%swap3A_1253, %swap3A_1254], %and3A_1251 {strides = array<i32>} : memref<4x128xi32, #tpu.memory_space<vmem>>, vector<16xi32>,
        %shift_right_logical3A_1256 = arith.constant 14 : i32
        %shift_right_logical3A_1257 = vector.broadcast %shift_right_logical3A_1256 : i32 to vector<16xi32>
        %shift_right_logical3A_1258 = arith.shrui %get3A_1248, %shift_right_logical3A_1257 : vector<16xi32>
        %swap3A_1259 = arith.constant 2 : i32
        %swap3A_1260 = arith.index_cast %swap3A_1259 : i32 to index
        %swap3A_1261 = arith.constant 32 : index
        %swap3A_1262 = tpu.vector_load %arg19[%swap3A_1260, %swap3A_1261] {strides = array<i32>} : memref<4x128xi32, #tpu.memory_space<vmem>>, vector<16xi32>,
        tpu.vector_store %arg19[%swap3A_1260, %swap3A_1261], %shift_right_logical3A_1258 {strides = array<i32>} : memref<4x128xi32, #tpu.memory_space<vmem>>, vector<16xi32>,
        %mul3A_1263 = arith.constant 128 : i32
        %mul3A_1264 = arith.muli %add3A_1150, %mul3A_1263 : i32
        %add3A_1265 = arith.constant 48 : i32
        %add3A_1266 = arith.addi %mul3A_1264, %add3A_1265 : i32
        %get3A_1267 = arith.index_cast %add3A_1266 : i32 to index
        %get3A_1268 = tpu.vector_load %arg16[%get3A_1267] {strides = array<i32>} : memref<10240xi32, #tpu.memory_space<vmem>>, vector<16xi32>,
        %and3A_1269 = arith.constant 16383 : i32
        %and3A_1270 = vector.broadcast %and3A_1269 : i32 to vector<16xi32>
        %and3A_1271 = arith.andi %get3A_1268, %and3A_1270 : vector<16xi32>
        %swap3A_1272 = arith.constant 2 : i32
        %swap3A_1273 = arith.index_cast %swap3A_1272 : i32 to index
        %swap3A_1274 = arith.constant 48 : index
        %swap3A_1275 = tpu.vector_load %arg18[%swap3A_1273, %swap3A_1274] {strides = array<i32>} : memref<4x128xi32, #tpu.memory_space<vmem>>, vector<16xi32>,
        tpu.vector_store %arg18[%swap3A_1273, %swap3A_1274], %and3A_1271 {strides = array<i32>} : memref<4x128xi32, #tpu.memory_space<vmem>>, vector<16xi32>,
        %shift_right_logical3A_1276 = arith.constant 14 : i32
        %shift_right_logical3A_1277 = vector.broadcast %shift_right_logical3A_1276 : i32 to vector<16xi32>
        %shift_right_logical3A_1278 = arith.shrui %get3A_1268, %shift_right_logical3A_1277 : vector<16xi32>
        %swap3A_1279 = arith.constant 2 : i32
        %swap3A_1280 = arith.index_cast %swap3A_1279 : i32 to index
        %swap3A_1281 = arith.constant 48 : index
        %swap3A_1282 = tpu.vector_load %arg19[%swap3A_1280, %swap3A_1281] {strides = array<i32>} : memref<4x128xi32, #tpu.memory_space<vmem>>, vector<16xi32>,
        tpu.vector_store %arg19[%swap3A_1280, %swap3A_1281], %shift_right_logical3A_1278 {strides = array<i32>} : memref<4x128xi32, #tpu.memory_space<vmem>>, vector<16xi32>,
        %mul3A_1283 = arith.constant 128 : i32
        %mul3A_1284 = arith.muli %add3A_1150, %mul3A_1283 : i32
        %add3A_1285 = arith.constant 64 : i32
        %add3A_1286 = arith.addi %mul3A_1284, %add3A_1285 : i32
        %get3A_1287 = arith.index_cast %add3A_1286 : i32 to index
        %get3A_1288 = tpu.vector_load %arg16[%get3A_1287] {strides = array<i32>} : memref<10240xi32, #tpu.memory_space<vmem>>, vector<16xi32>,
        %and3A_1289 = arith.constant 16383 : i32
        %and3A_1290 = vector.broadcast %and3A_1289 : i32 to vector<16xi32>
        %and3A_1291 = arith.andi %get3A_1288, %and3A_1290 : vector<16xi32>
        %swap3A_1292 = arith.constant 2 : i32
        %swap3A_1293 = arith.index_cast %swap3A_1292 : i32 to index
        %swap3A_1294 = arith.constant 64 : index
        %swap3A_1295 = tpu.vector_load %arg18[%swap3A_1293, %swap3A_1294] {strides = array<i32>} : memref<4x128xi32, #tpu.memory_space<vmem>>, vector<16xi32>,
        tpu.vector_store %arg18[%swap3A_1293, %swap3A_1294], %and3A_1291 {strides = array<i32>} : memref<4x128xi32, #tpu.memory_space<vmem>>, vector<16xi32>,
        %shift_right_logical3A_1296 = arith.constant 14 : i32
        %shift_right_logical3A_1297 = vector.broadcast %shift_right_logical3A_1296 : i32 to vector<16xi32>
        %shift_right_logical3A_1298 = arith.shrui %get3A_1288, %shift_right_logical3A_1297 : vector<16xi32>
        %swap3A_1299 = arith.constant 2 : i32
        %swap3A_1300 = arith.index_cast %swap3A_1299 : i32 to index
        %swap3A_1301 = arith.constant 64 : index
        %swap3A_1302 = tpu.vector_load %arg19[%swap3A_1300, %swap3A_1301] {strides = array<i32>} : memref<4x128xi32, #tpu.memory_space<vmem>>, vector<16xi32>,
        tpu.vector_store %arg19[%swap3A_1300, %swap3A_1301], %shift_right_logical3A_1298 {strides = array<i32>} : memref<4x128xi32, #tpu.memory_space<vmem>>, vector<16xi32>,
        %mul3A_1303 = arith.constant 128 : i32
        %mul3A_1304 = arith.muli %add3A_1150, %mul3A_1303 : i32
        %add3A_1305 = arith.constant 80 : i32
        %add3A_1306 = arith.addi %mul3A_1304, %add3A_1305 : i32
        %get3A_1307 = arith.index_cast %add3A_1306 : i32 to index
        %get3A_1308 = tpu.vector_load %arg16[%get3A_1307] {strides = array<i32>} : memref<10240xi32, #tpu.memory_space<vmem>>, vector<16xi32>,
        %and3A_1309 = arith.constant 16383 : i32
        %and3A_1310 = vector.broadcast %and3A_1309 : i32 to vector<16xi32>
        %and3A_1311 = arith.andi %get3A_1308, %and3A_1310 : vector<16xi32>
        %swap3A_1312 = arith.constant 2 : i32
        %swap3A_1313 = arith.index_cast %swap3A_1312 : i32 to index
        %swap3A_1314 = arith.constant 80 : index
        %swap3A_1315 = tpu.vector_load %arg18[%swap3A_1313, %swap3A_1314] {strides = array<i32>} : memref<4x128xi32, #tpu.memory_space<vmem>>, vector<16xi32>,
        tpu.vector_store %arg18[%swap3A_1313, %swap3A_1314], %and3A_1311 {strides = array<i32>} : memref<4x128xi32, #tpu.memory_space<vmem>>, vector<16xi32>,
        %shift_right_logical3A_1316 = arith.constant 14 : i32
        %shift_right_logical3A_1317 = vector.broadcast %shift_right_logical3A_1316 : i32 to vector<16xi32>
        %shift_right_logical3A_1318 = arith.shrui %get3A_1308, %shift_right_logical3A_1317 : vector<16xi32>
        %swap3A_1319 = arith.constant 2 : i32
        %swap3A_1320 = arith.index_cast %swap3A_1319 : i32 to index
        %swap3A_1321 = arith.constant 80 : index
        %swap3A_1322 = tpu.vector_load %arg19[%swap3A_1320, %swap3A_1321] {strides = array<i32>} : memref<4x128xi32, #tpu.memory_space<vmem>>, vector<16xi32>,
        tpu.vector_store %arg19[%swap3A_1320, %swap3A_1321], %shift_right_logical3A_1318 {strides = array<i32>} : memref<4x128xi32, #tpu.memory_space<vmem>>, vector<16xi32>,
        %mul3A_1323 = arith.constant 128 : i32
        %mul3A_1324 = arith.muli %add3A_1150, %mul3A_1323 : i32
        %add3A_1325 = arith.constant 96 : i32
        %add3A_1326 = arith.addi %mul3A_1324, %add3A_1325 : i32
        %get3A_1327 = arith.index_cast %add3A_1326 : i32 to index
        %get3A_1328 = tpu.vector_load %arg16[%get3A_1327] {strides = array<i32>} : memref<10240xi32, #tpu.memory_space<vmem>>, vector<16xi32>,
        %and3A_1329 = arith.constant 16383 : i32
        %and3A_1330 = vector.broadcast %and3A_1329 : i32 to vector<16xi32>
        %and3A_1331 = arith.andi %get3A_1328, %and3A_1330 : vector<16xi32>
        %swap3A_1332 = arith.constant 2 : i32
        %swap3A_1333 = arith.index_cast %swap3A_1332 : i32 to index
        %swap3A_1334 = arith.constant 96 : index
        %swap3A_1335 = tpu.vector_load %arg18[%swap3A_1333, %swap3A_1334] {strides = array<i32>} : memref<4x128xi32, #tpu.memory_space<vmem>>, vector<16xi32>,
        tpu.vector_store %arg18[%swap3A_1333, %swap3A_1334], %and3A_1331 {strides = array<i32>} : memref<4x128xi32, #tpu.memory_space<vmem>>, vector<16xi32>,
        %shift_right_logical3A_1336 = arith.constant 14 : i32
        %shift_right_logical3A_1337 = vector.broadcast %shift_right_logical3A_1336 : i32 to vector<16xi32>
        %shift_right_logical3A_1338 = arith.shrui %get3A_1328, %shift_right_logical3A_1337 : vector<16xi32>
        %swap3A_1339 = arith.constant 2 : i32
        %swap3A_1340 = arith.index_cast %swap3A_1339 : i32 to index
        %swap3A_1341 = arith.constant 96 : index
        %swap3A_1342 = tpu.vector_load %arg19[%swap3A_1340, %swap3A_1341] {strides = array<i32>} : memref<4x128xi32, #tpu.memory_space<vmem>>, vector<16xi32>,
        tpu.vector_store %arg19[%swap3A_1340, %swap3A_1341], %shift_right_logical3A_1338 {strides = array<i32>} : memref<4x128xi32, #tpu.memory_space<vmem>>, vector<16xi32>,
        %mul3A_1343 = arith.constant 128 : i32
        %mul3A_1344 = arith.muli %add3A_1150, %mul3A_1343 : i32
        %add3A_1345 = arith.constant 112 : i32
        %add3A_1346 = arith.addi %mul3A_1344, %add3A_1345 : i32
        %get3A_1347 = arith.index_cast %add3A_1346 : i32 to index
        %get3A_1348 = tpu.vector_load %arg16[%get3A_1347] {strides = array<i32>} : memref<10240xi32, #tpu.memory_space<vmem>>, vector<16xi32>,
        %and3A_1349 = arith.constant 16383 : i32
        %and3A_1350 = vector.broadcast %and3A_1349 : i32 to vector<16xi32>
        %and3A_1351 = arith.andi %get3A_1348, %and3A_1350 : vector<16xi32>
        %swap3A_1352 = arith.constant 2 : i32
        %swap3A_1353 = arith.index_cast %swap3A_1352 : i32 to index
        %swap3A_1354 = arith.constant 112 : index
        %swap3A_1355 = tpu.vector_load %arg18[%swap3A_1353, %swap3A_1354] {strides = array<i32>} : memref<4x128xi32, #tpu.memory_space<vmem>>, vector<16xi32>,
        tpu.vector_store %arg18[%swap3A_1353, %swap3A_1354], %and3A_1351 {strides = array<i32>} : memref<4x128xi32, #tpu.memory_space<vmem>>, vector<16xi32>,
        %shift_right_logical3A_1356 = arith.constant 14 : i32
        %shift_right_logical3A_1357 = vector.broadcast %shift_right_logical3A_1356 : i32 to vector<16xi32>
        %shift_right_logical3A_1358 = arith.shrui %get3A_1348, %shift_right_logical3A_1357 : vector<16xi32>
        %swap3A_1359 = arith.constant 2 : i32
        %swap3A_1360 = arith.index_cast %swap3A_1359 : i32 to index
        %swap3A_1361 = arith.constant 112 : index
        %swap3A_1362 = tpu.vector_load %arg19[%swap3A_1360, %swap3A_1361] {strides = array<i32>} : memref<4x128xi32, #tpu.memory_space<vmem>>, vector<16xi32>,
        tpu.vector_store %arg19[%swap3A_1360, %swap3A_1361], %shift_right_logical3A_1358 {strides = array<i32>} : memref<4x128xi32, #tpu.memory_space<vmem>>, vector<16xi32>,
        %dma_start3A_1363 = arith.constant 2 : i32
        %dma_start3A_1364 = arith.constant 2 : i32
        %dma_start3A_1365 = arith.constant 0 : i32
        %dma_start3A_1366 = arith.constant 0 : i32
        %dma_start3A_1367 = tpu.memref_slice %arg20[%dma_start3A_1364, %dma_start3A_1365, %dma_start3A_1366] : memref<4x128x128xbf16, #tpu.memory_space<vmem>> -> memref<1x128x128xbf16, #tpu.memory_space<vmem>>
        %dma_start3A_1368 = tpu.memref_squeeze %dma_start3A_1367 : memref<1x128x128xbf16, #tpu.memory_space<vmem>> -> memref<128x128xbf16, #tpu.memory_space<vmem>>
        %dma_start3A_1369 = arith.constant 0 : i32
        %dma_start3A_1370 = tpu.memref_slice %arg18[%dma_start3A_1363, %dma_start3A_1369] : memref<4x128xi32, #tpu.memory_space<vmem>> -> memref<1x128xi32, #tpu.memory_space<vmem>>
        %dma_start3A_1371 = tpu.memref_squeeze %dma_start3A_1370 : memref<1x128xi32, #tpu.memory_space<vmem>> -> memref<128xi32, #tpu.memory_space<vmem>>
        %dma_start3A_1372 = arith.constant 0 : i32
        %dma_start3A_1373 = arith.constant 0 : i32
        %dma_start3A_1374 = tpu.memref_slice %arg3[%dma_start3A_1372, %dma_start3A_1373] : memref<10000x128xbf16, #tpu.memory_space<hbm>> -> memref<10000x128xbf16, #tpu.memory_space<hbm>>
        tpu.enqueue_indirect_dma source(%dma_start3A_1374 : memref<10000x128xbf16, #tpu.memory_space<hbm>>) target(%dma_start3A_1368 : memref<128x128xbf16, #tpu.memory_space<vmem>>) offsets(%dma_start3A_1371 : memref<128xi32, #tpu.memory_space<vmem>>) semaphore(%arg26 : memref<!tpu.dma_semaphore, #tpu.memory_space<semaphore_mem>>)
      } else {
      }
      %add3A_1164 = arith.constant 3 : i32
      %add3A_1165 = arith.addi %mul3A_1118, %add3A_1164 : i32
      %gt3A_1166 = arith.constant 0 : i32
      %gt3A_1167 = arith.cmpi sgt, %while3A_1115, %gt3A_1166 : i32
      %sub3A_1168 = arith.constant 4 : i32
      %sub3A_1169 = arith.subi %add3A_1165, %sub3A_1168 : i32
      %lt3A_1170 = arith.cmpi slt, %sub3A_1169, %select_n3A_916 : i32
      %and3A_1171 = arith.andi %gt3A_1167, %lt3A_1170 : i1
      %convert_element_type3A_1172 = arith.extui %and3A_1171 : i1 to i32
      %cond3A_1173 = arith.constant 0 : i32
      %cond3A_1174 = arith.cmpi ne, %convert_element_type3A_1172, %cond3A_1173 : i32
      scf.if %cond3A_1174 {
        %dma_wait3A_1204 = arith.constant 3 : i32
        %dma_wait3A_1205 = arith.constant 3 : i32
        %dma_wait3A_1206 = arith.constant 0 : i32
        %dma_wait3A_1207 = arith.constant 0 : i32
        %dma_wait3A_1208 = tpu.memref_slice %arg20[%dma_wait3A_1204, %dma_wait3A_1206, %dma_wait3A_1207] : memref<4x128x128xbf16, #tpu.memory_space<vmem>> -> memref<1x128x128xbf16, #tpu.memory_space<vmem>>
        %dma_wait3A_1209 = tpu.memref_squeeze %dma_wait3A_1208 : memref<1x128x128xbf16, #tpu.memory_space<vmem>> -> memref<128x128xbf16, #tpu.memory_space<vmem>>
        %dma_wait3A_1210 = arith.constant 0 : i32
        %dma_wait3A_1211 = tpu.memref_slice %arg19[%dma_wait3A_1205, %dma_wait3A_1210] : memref<4x128xi32, #tpu.memory_space<vmem>> -> memref<1x128xi32, #tpu.memory_space<vmem>>
        %dma_wait3A_1212 = tpu.memref_squeeze %dma_wait3A_1211 : memref<1x128xi32, #tpu.memory_space<vmem>> -> memref<128xi32, #tpu.memory_space<vmem>>
        %dma_wait3A_1213 = arith.constant 0 : i32
        %dma_wait3A_1214 = arith.constant 0 : i32
        %dma_wait3A_1215 = tpu.memref_slice %arg25[%dma_wait3A_1213, %dma_wait3A_1214] : memref<4104x128xbf16, #tpu.memory_space<vmem_shared>> -> memref<4104x128xbf16, #tpu.memory_space<vmem_shared>>
        tpu.wait_indirect_dma semaphore(%arg27 : memref<!tpu.dma_semaphore, #tpu.memory_space<semaphore_mem>>) src(%dma_wait3A_1209 : memref<128x128xbf16, #tpu.memory_space<vmem>>) dst(%dma_wait3A_1215 : memref<4104x128xbf16, #tpu.memory_space<vmem_shared>>)
      } else {
      }
      %lt3A_1175 = arith.cmpi slt, %add3A_1165, %select_n3A_916 : i32
      %convert_element_type3A_1176 = arith.extui %lt3A_1175 : i1 to i32
      %cond3A_1177 = arith.constant 0 : i32
      %cond3A_1178 = arith.cmpi ne, %convert_element_type3A_1176, %cond3A_1177 : i32
      scf.if %cond3A_1178 {
        %mul3A_1204 = arith.constant 128 : i32
        %mul3A_1205 = arith.muli %add3A_1165, %mul3A_1204 : i32
        %add3A_1206 = arith.constant 0 : i32
        %add3A_1207 = arith.addi %mul3A_1205, %add3A_1206 : i32
        %get3A_1208 = arith.index_cast %add3A_1207 : i32 to index
        %get3A_1209 = tpu.vector_load %arg16[%get3A_1208] {strides = array<i32>} : memref<10240xi32, #tpu.memory_space<vmem>>, vector<16xi32>,
        %and3A_1210 = arith.constant 16383 : i32
        %and3A_1211 = vector.broadcast %and3A_1210 : i32 to vector<16xi32>
        %and3A_1212 = arith.andi %get3A_1209, %and3A_1211 : vector<16xi32>
        %swap3A_1213 = arith.constant 3 : i32
        %swap3A_1214 = arith.index_cast %swap3A_1213 : i32 to index
        %swap3A_1215 = arith.constant 0 : index
        %swap3A_1216 = tpu.vector_load %arg18[%swap3A_1214, %swap3A_1215] {strides = array<i32>} : memref<4x128xi32, #tpu.memory_space<vmem>>, vector<16xi32>,
        tpu.vector_store %arg18[%swap3A_1214, %swap3A_1215], %and3A_1212 {strides = array<i32>} : memref<4x128xi32, #tpu.memory_space<vmem>>, vector<16xi32>,
        %shift_right_logical3A = arith.constant 14 : i32
        %shift_right_logical3A_1217 = vector.broadcast %shift_right_logical3A : i32 to vector<16xi32>
        %shift_right_logical3A_1218 = arith.shrui %get3A_1209, %shift_right_logical3A_1217 : vector<16xi32>
        %swap3A_1219 = arith.constant 3 : i32
        %swap3A_1220 = arith.index_cast %swap3A_1219 : i32 to index
        %swap3A_1221 = arith.constant 0 : index
        %swap3A_1222 = tpu.vector_load %arg19[%swap3A_1220, %swap3A_1221] {strides = array<i32>} : memref<4x128xi32, #tpu.memory_space<vmem>>, vector<16xi32>,
        tpu.vector_store %arg19[%swap3A_1220, %swap3A_1221], %shift_right_logical3A_1218 {strides = array<i32>} : memref<4x128xi32, #tpu.memory_space<vmem>>, vector<16xi32>,
        %mul3A_1223 = arith.constant 128 : i32
        %mul3A_1224 = arith.muli %add3A_1165, %mul3A_1223 : i32
        %add3A_1225 = arith.constant 16 : i32
        %add3A_1226 = arith.addi %mul3A_1224, %add3A_1225 : i32
        %get3A_1227 = arith.index_cast %add3A_1226 : i32 to index
        %get3A_1228 = tpu.vector_load %arg16[%get3A_1227] {strides = array<i32>} : memref<10240xi32, #tpu.memory_space<vmem>>, vector<16xi32>,
        %and3A_1229 = arith.constant 16383 : i32
        %and3A_1230 = vector.broadcast %and3A_1229 : i32 to vector<16xi32>
        %and3A_1231 = arith.andi %get3A_1228, %and3A_1230 : vector<16xi32>
        %swap3A_1232 = arith.constant 3 : i32
        %swap3A_1233 = arith.index_cast %swap3A_1232 : i32 to index
        %swap3A_1234 = arith.constant 16 : index
        %swap3A_1235 = tpu.vector_load %arg18[%swap3A_1233, %swap3A_1234] {strides = array<i32>} : memref<4x128xi32, #tpu.memory_space<vmem>>, vector<16xi32>,
        tpu.vector_store %arg18[%swap3A_1233, %swap3A_1234], %and3A_1231 {strides = array<i32>} : memref<4x128xi32, #tpu.memory_space<vmem>>, vector<16xi32>,
        %shift_right_logical3A_1236 = arith.constant 14 : i32
        %shift_right_logical3A_1237 = vector.broadcast %shift_right_logical3A_1236 : i32 to vector<16xi32>
        %shift_right_logical3A_1238 = arith.shrui %get3A_1228, %shift_right_logical3A_1237 : vector<16xi32>
        %swap3A_1239 = arith.constant 3 : i32
        %swap3A_1240 = arith.index_cast %swap3A_1239 : i32 to index
        %swap3A_1241 = arith.constant 16 : index
        %swap3A_1242 = tpu.vector_load %arg19[%swap3A_1240, %swap3A_1241] {strides = array<i32>} : memref<4x128xi32, #tpu.memory_space<vmem>>, vector<16xi32>,
        tpu.vector_store %arg19[%swap3A_1240, %swap3A_1241], %shift_right_logical3A_1238 {strides = array<i32>} : memref<4x128xi32, #tpu.memory_space<vmem>>, vector<16xi32>,
        %mul3A_1243 = arith.constant 128 : i32
        %mul3A_1244 = arith.muli %add3A_1165, %mul3A_1243 : i32
        %add3A_1245 = arith.constant 32 : i32
        %add3A_1246 = arith.addi %mul3A_1244, %add3A_1245 : i32
        %get3A_1247 = arith.index_cast %add3A_1246 : i32 to index
        %get3A_1248 = tpu.vector_load %arg16[%get3A_1247] {strides = array<i32>} : memref<10240xi32, #tpu.memory_space<vmem>>, vector<16xi32>,
        %and3A_1249 = arith.constant 16383 : i32
        %and3A_1250 = vector.broadcast %and3A_1249 : i32 to vector<16xi32>
        %and3A_1251 = arith.andi %get3A_1248, %and3A_1250 : vector<16xi32>
        %swap3A_1252 = arith.constant 3 : i32
        %swap3A_1253 = arith.index_cast %swap3A_1252 : i32 to index
        %swap3A_1254 = arith.constant 32 : index
        %swap3A_1255 = tpu.vector_load %arg18[%swap3A_1253, %swap3A_1254] {strides = array<i32>} : memref<4x128xi32, #tpu.memory_space<vmem>>, vector<16xi32>,
        tpu.vector_store %arg18[%swap3A_1253, %swap3A_1254], %and3A_1251 {strides = array<i32>} : memref<4x128xi32, #tpu.memory_space<vmem>>, vector<16xi32>,
        %shift_right_logical3A_1256 = arith.constant 14 : i32
        %shift_right_logical3A_1257 = vector.broadcast %shift_right_logical3A_1256 : i32 to vector<16xi32>
        %shift_right_logical3A_1258 = arith.shrui %get3A_1248, %shift_right_logical3A_1257 : vector<16xi32>
        %swap3A_1259 = arith.constant 3 : i32
        %swap3A_1260 = arith.index_cast %swap3A_1259 : i32 to index
        %swap3A_1261 = arith.constant 32 : index
        %swap3A_1262 = tpu.vector_load %arg19[%swap3A_1260, %swap3A_1261] {strides = array<i32>} : memref<4x128xi32, #tpu.memory_space<vmem>>, vector<16xi32>,
        tpu.vector_store %arg19[%swap3A_1260, %swap3A_1261], %shift_right_logical3A_1258 {strides = array<i32>} : memref<4x128xi32, #tpu.memory_space<vmem>>, vector<16xi32>,
        %mul3A_1263 = arith.constant 128 : i32
        %mul3A_1264 = arith.muli %add3A_1165, %mul3A_1263 : i32
        %add3A_1265 = arith.constant 48 : i32
        %add3A_1266 = arith.addi %mul3A_1264, %add3A_1265 : i32
        %get3A_1267 = arith.index_cast %add3A_1266 : i32 to index
        %get3A_1268 = tpu.vector_load %arg16[%get3A_1267] {strides = array<i32>} : memref<10240xi32, #tpu.memory_space<vmem>>, vector<16xi32>,
        %and3A_1269 = arith.constant 16383 : i32
        %and3A_1270 = vector.broadcast %and3A_1269 : i32 to vector<16xi32>
        %and3A_1271 = arith.andi %get3A_1268, %and3A_1270 : vector<16xi32>
        %swap3A_1272 = arith.constant 3 : i32
        %swap3A_1273 = arith.index_cast %swap3A_1272 : i32 to index
        %swap3A_1274 = arith.constant 48 : index
        %swap3A_1275 = tpu.vector_load %arg18[%swap3A_1273, %swap3A_1274] {strides = array<i32>} : memref<4x128xi32, #tpu.memory_space<vmem>>, vector<16xi32>,
        tpu.vector_store %arg18[%swap3A_1273, %swap3A_1274], %and3A_1271 {strides = array<i32>} : memref<4x128xi32, #tpu.memory_space<vmem>>, vector<16xi32>,
        %shift_right_logical3A_1276 = arith.constant 14 : i32
        %shift_right_logical3A_1277 = vector.broadcast %shift_right_logical3A_1276 : i32 to vector<16xi32>
        %shift_right_logical3A_1278 = arith.shrui %get3A_1268, %shift_right_logical3A_1277 : vector<16xi32>
        %swap3A_1279 = arith.constant 3 : i32
        %swap3A_1280 = arith.index_cast %swap3A_1279 : i32 to index
        %swap3A_1281 = arith.constant 48 : index
        %swap3A_1282 = tpu.vector_load %arg19[%swap3A_1280, %swap3A_1281] {strides = array<i32>} : memref<4x128xi32, #tpu.memory_space<vmem>>, vector<16xi32>,
        tpu.vector_store %arg19[%swap3A_1280, %swap3A_1281], %shift_right_logical3A_1278 {strides = array<i32>} : memref<4x128xi32, #tpu.memory_space<vmem>>, vector<16xi32>,
        %mul3A_1283 = arith.constant 128 : i32
        %mul3A_1284 = arith.muli %add3A_1165, %mul3A_1283 : i32
        %add3A_1285 = arith.constant 64 : i32
        %add3A_1286 = arith.addi %mul3A_1284, %add3A_1285 : i32
        %get3A_1287 = arith.index_cast %add3A_1286 : i32 to index
        %get3A_1288 = tpu.vector_load %arg16[%get3A_1287] {strides = array<i32>} : memref<10240xi32, #tpu.memory_space<vmem>>, vector<16xi32>,
        %and3A_1289 = arith.constant 16383 : i32
        %and3A_1290 = vector.broadcast %and3A_1289 : i32 to vector<16xi32>
        %and3A_1291 = arith.andi %get3A_1288, %and3A_1290 : vector<16xi32>
        %swap3A_1292 = arith.constant 3 : i32
        %swap3A_1293 = arith.index_cast %swap3A_1292 : i32 to index
        %swap3A_1294 = arith.constant 64 : index
        %swap3A_1295 = tpu.vector_load %arg18[%swap3A_1293, %swap3A_1294] {strides = array<i32>} : memref<4x128xi32, #tpu.memory_space<vmem>>, vector<16xi32>,
        tpu.vector_store %arg18[%swap3A_1293, %swap3A_1294], %and3A_1291 {strides = array<i32>} : memref<4x128xi32, #tpu.memory_space<vmem>>, vector<16xi32>,
        %shift_right_logical3A_1296 = arith.constant 14 : i32
        %shift_right_logical3A_1297 = vector.broadcast %shift_right_logical3A_1296 : i32 to vector<16xi32>
        %shift_right_logical3A_1298 = arith.shrui %get3A_1288, %shift_right_logical3A_1297 : vector<16xi32>
        %swap3A_1299 = arith.constant 3 : i32
        %swap3A_1300 = arith.index_cast %swap3A_1299 : i32 to index
        %swap3A_1301 = arith.constant 64 : index
        %swap3A_1302 = tpu.vector_load %arg19[%swap3A_1300, %swap3A_1301] {strides = array<i32>} : memref<4x128xi32, #tpu.memory_space<vmem>>, vector<16xi32>,
        tpu.vector_store %arg19[%swap3A_1300, %swap3A_1301], %shift_right_logical3A_1298 {strides = array<i32>} : memref<4x128xi32, #tpu.memory_space<vmem>>, vector<16xi32>,
        %mul3A_1303 = arith.constant 128 : i32
        %mul3A_1304 = arith.muli %add3A_1165, %mul3A_1303 : i32
        %add3A_1305 = arith.constant 80 : i32
        %add3A_1306 = arith.addi %mul3A_1304, %add3A_1305 : i32
        %get3A_1307 = arith.index_cast %add3A_1306 : i32 to index
        %get3A_1308 = tpu.vector_load %arg16[%get3A_1307] {strides = array<i32>} : memref<10240xi32, #tpu.memory_space<vmem>>, vector<16xi32>,
        %and3A_1309 = arith.constant 16383 : i32
        %and3A_1310 = vector.broadcast %and3A_1309 : i32 to vector<16xi32>
        %and3A_1311 = arith.andi %get3A_1308, %and3A_1310 : vector<16xi32>
        %swap3A_1312 = arith.constant 3 : i32
        %swap3A_1313 = arith.index_cast %swap3A_1312 : i32 to index
        %swap3A_1314 = arith.constant 80 : index
        %swap3A_1315 = tpu.vector_load %arg18[%swap3A_1313, %swap3A_1314] {strides = array<i32>} : memref<4x128xi32, #tpu.memory_space<vmem>>, vector<16xi32>,
        tpu.vector_store %arg18[%swap3A_1313, %swap3A_1314], %and3A_1311 {strides = array<i32>} : memref<4x128xi32, #tpu.memory_space<vmem>>, vector<16xi32>,
        %shift_right_logical3A_1316 = arith.constant 14 : i32
        %shift_right_logical3A_1317 = vector.broadcast %shift_right_logical3A_1316 : i32 to vector<16xi32>
        %shift_right_logical3A_1318 = arith.shrui %get3A_1308, %shift_right_logical3A_1317 : vector<16xi32>
        %swap3A_1319 = arith.constant 3 : i32
        %swap3A_1320 = arith.index_cast %swap3A_1319 : i32 to index
        %swap3A_1321 = arith.constant 80 : index
        %swap3A_1322 = tpu.vector_load %arg19[%swap3A_1320, %swap3A_1321] {strides = array<i32>} : memref<4x128xi32, #tpu.memory_space<vmem>>, vector<16xi32>,
        tpu.vector_store %arg19[%swap3A_1320, %swap3A_1321], %shift_right_logical3A_1318 {strides = array<i32>} : memref<4x128xi32, #tpu.memory_space<vmem>>, vector<16xi32>,
        %mul3A_1323 = arith.constant 128 : i32
        %mul3A_1324 = arith.muli %add3A_1165, %mul3A_1323 : i32
        %add3A_1325 = arith.constant 96 : i32
        %add3A_1326 = arith.addi %mul3A_1324, %add3A_1325 : i32
        %get3A_1327 = arith.index_cast %add3A_1326 : i32 to index
        %get3A_1328 = tpu.vector_load %arg16[%get3A_1327] {strides = array<i32>} : memref<10240xi32, #tpu.memory_space<vmem>>, vector<16xi32>,
        %and3A_1329 = arith.constant 16383 : i32
        %and3A_1330 = vector.broadcast %and3A_1329 : i32 to vector<16xi32>
        %and3A_1331 = arith.andi %get3A_1328, %and3A_1330 : vector<16xi32>
        %swap3A_1332 = arith.constant 3 : i32
        %swap3A_1333 = arith.index_cast %swap3A_1332 : i32 to index
        %swap3A_1334 = arith.constant 96 : index
        %swap3A_1335 = tpu.vector_load %arg18[%swap3A_1333, %swap3A_1334] {strides = array<i32>} : memref<4x128xi32, #tpu.memory_space<vmem>>, vector<16xi32>,
        tpu.vector_store %arg18[%swap3A_1333, %swap3A_1334], %and3A_1331 {strides = array<i32>} : memref<4x128xi32, #tpu.memory_space<vmem>>, vector<16xi32>,
        %shift_right_logical3A_1336 = arith.constant 14 : i32
        %shift_right_logical3A_1337 = vector.broadcast %shift_right_logical3A_1336 : i32 to vector<16xi32>
        %shift_right_logical3A_1338 = arith.shrui %get3A_1328, %shift_right_logical3A_1337 : vector<16xi32>
        %swap3A_1339 = arith.constant 3 : i32
        %swap3A_1340 = arith.index_cast %swap3A_1339 : i32 to index
        %swap3A_1341 = arith.constant 96 : index
        %swap3A_1342 = tpu.vector_load %arg19[%swap3A_1340, %swap3A_1341] {strides = array<i32>} : memref<4x128xi32, #tpu.memory_space<vmem>>, vector<16xi32>,
        tpu.vector_store %arg19[%swap3A_1340, %swap3A_1341], %shift_right_logical3A_1338 {strides = array<i32>} : memref<4x128xi32, #tpu.memory_space<vmem>>, vector<16xi32>,
        %mul3A_1343 = arith.constant 128 : i32
        %mul3A_1344 = arith.muli %add3A_1165, %mul3A_1343 : i32
        %add3A_1345 = arith.constant 112 : i32
        %add3A_1346 = arith.addi %mul3A_1344, %add3A_1345 : i32
        %get3A_1347 = arith.index_cast %add3A_1346 : i32 to index
        %get3A_1348 = tpu.vector_load %arg16[%get3A_1347] {strides = array<i32>} : memref<10240xi32, #tpu.memory_space<vmem>>, vector<16xi32>,
        %and3A_1349 = arith.constant 16383 : i32
        %and3A_1350 = vector.broadcast %and3A_1349 : i32 to vector<16xi32>
        %and3A_1351 = arith.andi %get3A_1348, %and3A_1350 : vector<16xi32>
        %swap3A_1352 = arith.constant 3 : i32
        %swap3A_1353 = arith.index_cast %swap3A_1352 : i32 to index
        %swap3A_1354 = arith.constant 112 : index
        %swap3A_1355 = tpu.vector_load %arg18[%swap3A_1353, %swap3A_1354] {strides = array<i32>} : memref<4x128xi32, #tpu.memory_space<vmem>>, vector<16xi32>,
        tpu.vector_store %arg18[%swap3A_1353, %swap3A_1354], %and3A_1351 {strides = array<i32>} : memref<4x128xi32, #tpu.memory_space<vmem>>, vector<16xi32>,
        %shift_right_logical3A_1356 = arith.constant 14 : i32
        %shift_right_logical3A_1357 = vector.broadcast %shift_right_logical3A_1356 : i32 to vector<16xi32>
        %shift_right_logical3A_1358 = arith.shrui %get3A_1348, %shift_right_logical3A_1357 : vector<16xi32>
        %swap3A_1359 = arith.constant 3 : i32
        %swap3A_1360 = arith.index_cast %swap3A_1359 : i32 to index
        %swap3A_1361 = arith.constant 112 : index
        %swap3A_1362 = tpu.vector_load %arg19[%swap3A_1360, %swap3A_1361] {strides = array<i32>} : memref<4x128xi32, #tpu.memory_space<vmem>>, vector<16xi32>,
        tpu.vector_store %arg19[%swap3A_1360, %swap3A_1361], %shift_right_logical3A_1358 {strides = array<i32>} : memref<4x128xi32, #tpu.memory_space<vmem>>, vector<16xi32>,
        %dma_start3A_1363 = arith.constant 3 : i32
        %dma_start3A_1364 = arith.constant 3 : i32
        %dma_start3A_1365 = arith.constant 0 : i32
        %dma_start3A_1366 = arith.constant 0 : i32
        %dma_start3A_1367 = tpu.memref_slice %arg20[%dma_start3A_1364, %dma_start3A_1365, %dma_start3A_1366] : memref<4x128x128xbf16, #tpu.memory_space<vmem>> -> memref<1x128x128xbf16, #tpu.memory_space<vmem>>
        %dma_start3A_1368 = tpu.memref_squeeze %dma_start3A_1367 : memref<1x128x128xbf16, #tpu.memory_space<vmem>> -> memref<128x128xbf16, #tpu.memory_space<vmem>>
        %dma_start3A_1369 = arith.constant 0 : i32
        %dma_start3A_1370 = tpu.memref_slice %arg18[%dma_start3A_1363, %dma_start3A_1369] : memref<4x128xi32, #tpu.memory_space<vmem>> -> memref<1x128xi32, #tpu.memory_space<vmem>>
        %dma_start3A_1371 = tpu.memref_squeeze %dma_start3A_1370 : memref<1x128xi32, #tpu.memory_space<vmem>> -> memref<128xi32, #tpu.memory_space<vmem>>
        %dma_start3A_1372 = arith.constant 0 : i32
        %dma_start3A_1373 = arith.constant 0 : i32
        %dma_start3A_1374 = tpu.memref_slice %arg3[%dma_start3A_1372, %dma_start3A_1373] : memref<10000x128xbf16, #tpu.memory_space<hbm>> -> memref<10000x128xbf16, #tpu.memory_space<hbm>>
        tpu.enqueue_indirect_dma source(%dma_start3A_1374 : memref<10000x128xbf16, #tpu.memory_space<hbm>>) target(%dma_start3A_1368 : memref<128x128xbf16, #tpu.memory_space<vmem>>) offsets(%dma_start3A_1371 : memref<128xi32, #tpu.memory_space<vmem>>) semaphore(%arg26 : memref<!tpu.dma_semaphore, #tpu.memory_space<semaphore_mem>>)
      } else {
      }
      %add3A_1179 = arith.constant 0 : i32
      %add3A_1180 = arith.addi %mul3A_1118, %add3A_1179 : i32
      %lt3A_1181 = arith.cmpi slt, %add3A_1180, %select_n3A_916 : i32
      %convert_element_type3A_1182 = arith.extui %lt3A_1181 : i1 to i32
      %cond3A_1183 = arith.constant 0 : i32
      %cond3A_1184 = arith.cmpi ne, %convert_element_type3A_1182, %cond3A_1183 : i32
      scf.if %cond3A_1184 {
        %dma_wait3A_1204 = arith.constant 0 : i32
        %dma_wait3A_1205 = arith.constant 0 : i32
        %dma_wait3A_1206 = arith.constant 0 : i32
        %dma_wait3A_1207 = arith.constant 0 : i32
        %dma_wait3A_1208 = tpu.memref_slice %arg20[%dma_wait3A_1205, %dma_wait3A_1206, %dma_wait3A_1207] : memref<4x128x128xbf16, #tpu.memory_space<vmem>> -> memref<1x128x128xbf16, #tpu.memory_space<vmem>>
        %dma_wait3A_1209 = tpu.memref_squeeze %dma_wait3A_1208 : memref<1x128x128xbf16, #tpu.memory_space<vmem>> -> memref<128x128xbf16, #tpu.memory_space<vmem>>
        %dma_wait3A_1210 = arith.constant 0 : i32
        %dma_wait3A_1211 = tpu.memref_slice %arg18[%dma_wait3A_1204, %dma_wait3A_1210] : memref<4x128xi32, #tpu.memory_space<vmem>> -> memref<1x128xi32, #tpu.memory_space<vmem>>
        %dma_wait3A_1212 = tpu.memref_squeeze %dma_wait3A_1211 : memref<1x128xi32, #tpu.memory_space<vmem>> -> memref<128xi32, #tpu.memory_space<vmem>>
        %dma_wait3A_1213 = arith.constant 0 : i32
        %dma_wait3A_1214 = arith.constant 0 : i32
        %dma_wait3A_1215 = tpu.memref_slice %arg3[%dma_wait3A_1213, %dma_wait3A_1214] : memref<10000x128xbf16, #tpu.memory_space<hbm>> -> memref<10000x128xbf16, #tpu.memory_space<hbm>>
        tpu.wait_indirect_dma semaphore(%arg26 : memref<!tpu.dma_semaphore, #tpu.memory_space<semaphore_mem>>) src(%dma_wait3A_1215 : memref<10000x128xbf16, #tpu.memory_space<hbm>>) dst(%dma_wait3A_1209 : memref<128x128xbf16, #tpu.memory_space<vmem>>)
        %dma_start3A_1216 = arith.constant 0 : i32
        %dma_start3A_1217 = arith.constant 0 : i32
        %dma_start3A_1218 = arith.constant 0 : i32
        %dma_start3A_1219 = arith.constant 0 : i32
        %dma_start3A_1220 = tpu.memref_slice %arg20[%dma_start3A_1216, %dma_start3A_1218, %dma_start3A_1219] : memref<4x128x128xbf16, #tpu.memory_space<vmem>> -> memref<1x128x128xbf16, #tpu.memory_space<vmem>>
        %dma_start3A_1221 = tpu.memref_squeeze %dma_start3A_1220 : memref<1x128x128xbf16, #tpu.memory_space<vmem>> -> memref<128x128xbf16, #tpu.memory_space<vmem>>
        %dma_start3A_1222 = arith.constant 0 : i32
        %dma_start3A_1223 = tpu.memref_slice %arg19[%dma_start3A_1217, %dma_start3A_1222] : memref<4x128xi32, #tpu.memory_space<vmem>> -> memref<1x128xi32, #tpu.memory_space<vmem>>
        %dma_start3A_1224 = tpu.memref_squeeze %dma_start3A_1223 : memref<1x128xi32, #tpu.memory_space<vmem>> -> memref<128xi32, #tpu.memory_space<vmem>>
        %dma_start3A_1225 = arith.constant 0 : i32
        %dma_start3A_1226 = arith.constant 0 : i32
        %dma_start3A_1227 = tpu.memref_slice %arg25[%dma_start3A_1225, %dma_start3A_1226] : memref<4104x128xbf16, #tpu.memory_space<vmem_shared>> -> memref<4104x128xbf16, #tpu.memory_space<vmem_shared>>
        tpu.enqueue_indirect_dma source(%dma_start3A_1221 : memref<128x128xbf16, #tpu.memory_space<vmem>>) target(%dma_start3A_1227 : memref<4104x128xbf16, #tpu.memory_space<vmem_shared>>) offsets(%dma_start3A_1224 : memref<128xi32, #tpu.memory_space<vmem>>) semaphore(%arg27 : memref<!tpu.dma_semaphore, #tpu.memory_space<semaphore_mem>>) {add = true}
      } else {
      }
      %add3A_1185 = arith.constant 1 : i32
      %add3A_1186 = arith.addi %mul3A_1118, %add3A_1185 : i32
      %lt3A_1187 = arith.cmpi slt, %add3A_1186, %select_n3A_916 : i32
      %convert_element_type3A_1188 = arith.extui %lt3A_1187 : i1 to i32
      %cond3A_1189 = arith.constant 0 : i32
      %cond3A_1190 = arith.cmpi ne, %convert_element_type3A_1188, %cond3A_1189 : i32
      scf.if %cond3A_1190 {
        %dma_wait3A_1204 = arith.constant 1 : i32
        %dma_wait3A_1205 = arith.constant 1 : i32
        %dma_wait3A_1206 = arith.constant 0 : i32
        %dma_wait3A_1207 = arith.constant 0 : i32
        %dma_wait3A_1208 = tpu.memref_slice %arg20[%dma_wait3A_1205, %dma_wait3A_1206, %dma_wait3A_1207] : memref<4x128x128xbf16, #tpu.memory_space<vmem>> -> memref<1x128x128xbf16, #tpu.memory_space<vmem>>
        %dma_wait3A_1209 = tpu.memref_squeeze %dma_wait3A_1208 : memref<1x128x128xbf16, #tpu.memory_space<vmem>> -> memref<128x128xbf16, #tpu.memory_space<vmem>>
        %dma_wait3A_1210 = arith.constant 0 : i32
        %dma_wait3A_1211 = tpu.memref_slice %arg18[%dma_wait3A_1204, %dma_wait3A_1210] : memref<4x128xi32, #tpu.memory_space<vmem>> -> memref<1x128xi32, #tpu.memory_space<vmem>>
        %dma_wait3A_1212 = tpu.memref_squeeze %dma_wait3A_1211 : memref<1x128xi32, #tpu.memory_space<vmem>> -> memref<128xi32, #tpu.memory_space<vmem>>
        %dma_wait3A_1213 = arith.constant 0 : i32
        %dma_wait3A_1214 = arith.constant 0 : i32
        %dma_wait3A_1215 = tpu.memref_slice %arg3[%dma_wait3A_1213, %dma_wait3A_1214] : memref<10000x128xbf16, #tpu.memory_space<hbm>> -> memref<10000x128xbf16, #tpu.memory_space<hbm>>
        tpu.wait_indirect_dma semaphore(%arg26 : memref<!tpu.dma_semaphore, #tpu.memory_space<semaphore_mem>>) src(%dma_wait3A_1215 : memref<10000x128xbf16, #tpu.memory_space<hbm>>) dst(%dma_wait3A_1209 : memref<128x128xbf16, #tpu.memory_space<vmem>>)
        %dma_start3A_1216 = arith.constant 1 : i32
        %dma_start3A_1217 = arith.constant 1 : i32
        %dma_start3A_1218 = arith.constant 0 : i32
        %dma_start3A_1219 = arith.constant 0 : i32
        %dma_start3A_1220 = tpu.memref_slice %arg20[%dma_start3A_1216, %dma_start3A_1218, %dma_start3A_1219] : memref<4x128x128xbf16, #tpu.memory_space<vmem>> -> memref<1x128x128xbf16, #tpu.memory_space<vmem>>
        %dma_start3A_1221 = tpu.memref_squeeze %dma_start3A_1220 : memref<1x128x128xbf16, #tpu.memory_space<vmem>> -> memref<128x128xbf16, #tpu.memory_space<vmem>>
        %dma_start3A_1222 = arith.constant 0 : i32
        %dma_start3A_1223 = tpu.memref_slice %arg19[%dma_start3A_1217, %dma_start3A_1222] : memref<4x128xi32, #tpu.memory_space<vmem>> -> memref<1x128xi32, #tpu.memory_space<vmem>>
        %dma_start3A_1224 = tpu.memref_squeeze %dma_start3A_1223 : memref<1x128xi32, #tpu.memory_space<vmem>> -> memref<128xi32, #tpu.memory_space<vmem>>
        %dma_start3A_1225 = arith.constant 0 : i32
        %dma_start3A_1226 = arith.constant 0 : i32
        %dma_start3A_1227 = tpu.memref_slice %arg25[%dma_start3A_1225, %dma_start3A_1226] : memref<4104x128xbf16, #tpu.memory_space<vmem_shared>> -> memref<4104x128xbf16, #tpu.memory_space<vmem_shared>>
        tpu.enqueue_indirect_dma source(%dma_start3A_1221 : memref<128x128xbf16, #tpu.memory_space<vmem>>) target(%dma_start3A_1227 : memref<4104x128xbf16, #tpu.memory_space<vmem_shared>>) offsets(%dma_start3A_1224 : memref<128xi32, #tpu.memory_space<vmem>>) semaphore(%arg27 : memref<!tpu.dma_semaphore, #tpu.memory_space<semaphore_mem>>) {add = true}
      } else {
      }
      %add3A_1191 = arith.constant 2 : i32
      %add3A_1192 = arith.addi %mul3A_1118, %add3A_1191 : i32
      %lt3A_1193 = arith.cmpi slt, %add3A_1192, %select_n3A_916 : i32
      %convert_element_type3A_1194 = arith.extui %lt3A_1193 : i1 to i32
      %cond3A_1195 = arith.constant 0 : i32
      %cond3A_1196 = arith.cmpi ne, %convert_element_type3A_1194, %cond3A_1195 : i32
      scf.if %cond3A_1196 {
        %dma_wait3A_1204 = arith.constant 2 : i32
        %dma_wait3A_1205 = arith.constant 2 : i32
        %dma_wait3A_1206 = arith.constant 0 : i32
        %dma_wait3A_1207 = arith.constant 0 : i32
        %dma_wait3A_1208 = tpu.memref_slice %arg20[%dma_wait3A_1205, %dma_wait3A_1206, %dma_wait3A_1207] : memref<4x128x128xbf16, #tpu.memory_space<vmem>> -> memref<1x128x128xbf16, #tpu.memory_space<vmem>>
        %dma_wait3A_1209 = tpu.memref_squeeze %dma_wait3A_1208 : memref<1x128x128xbf16, #tpu.memory_space<vmem>> -> memref<128x128xbf16, #tpu.memory_space<vmem>>
        %dma_wait3A_1210 = arith.constant 0 : i32
        %dma_wait3A_1211 = tpu.memref_slice %arg18[%dma_wait3A_1204, %dma_wait3A_1210] : memref<4x128xi32, #tpu.memory_space<vmem>> -> memref<1x128xi32, #tpu.memory_space<vmem>>
        %dma_wait3A_1212 = tpu.memref_squeeze %dma_wait3A_1211 : memref<1x128xi32, #tpu.memory_space<vmem>> -> memref<128xi32, #tpu.memory_space<vmem>>
        %dma_wait3A_1213 = arith.constant 0 : i32
        %dma_wait3A_1214 = arith.constant 0 : i32
        %dma_wait3A_1215 = tpu.memref_slice %arg3[%dma_wait3A_1213, %dma_wait3A_1214] : memref<10000x128xbf16, #tpu.memory_space<hbm>> -> memref<10000x128xbf16, #tpu.memory_space<hbm>>
        tpu.wait_indirect_dma semaphore(%arg26 : memref<!tpu.dma_semaphore, #tpu.memory_space<semaphore_mem>>) src(%dma_wait3A_1215 : memref<10000x128xbf16, #tpu.memory_space<hbm>>) dst(%dma_wait3A_1209 : memref<128x128xbf16, #tpu.memory_space<vmem>>)
        %dma_start3A_1216 = arith.constant 2 : i32
        %dma_start3A_1217 = arith.constant 2 : i32
        %dma_start3A_1218 = arith.constant 0 : i32
        %dma_start3A_1219 = arith.constant 0 : i32
        %dma_start3A_1220 = tpu.memref_slice %arg20[%dma_start3A_1216, %dma_start3A_1218, %dma_start3A_1219] : memref<4x128x128xbf16, #tpu.memory_space<vmem>> -> memref<1x128x128xbf16, #tpu.memory_space<vmem>>
        %dma_start3A_1221 = tpu.memref_squeeze %dma_start3A_1220 : memref<1x128x128xbf16, #tpu.memory_space<vmem>> -> memref<128x128xbf16, #tpu.memory_space<vmem>>
        %dma_start3A_1222 = arith.constant 0 : i32
        %dma_start3A_1223 = tpu.memref_slice %arg19[%dma_start3A_1217, %dma_start3A_1222] : memref<4x128xi32, #tpu.memory_space<vmem>> -> memref<1x128xi32, #tpu.memory_space<vmem>>
        %dma_start3A_1224 = tpu.memref_squeeze %dma_start3A_1223 : memref<1x128xi32, #tpu.memory_space<vmem>> -> memref<128xi32, #tpu.memory_space<vmem>>
        %dma_start3A_1225 = arith.constant 0 : i32
        %dma_start3A_1226 = arith.constant 0 : i32
        %dma_start3A_1227 = tpu.memref_slice %arg25[%dma_start3A_1225, %dma_start3A_1226] : memref<4104x128xbf16, #tpu.memory_space<vmem_shared>> -> memref<4104x128xbf16, #tpu.memory_space<vmem_shared>>
        tpu.enqueue_indirect_dma source(%dma_start3A_1221 : memref<128x128xbf16, #tpu.memory_space<vmem>>) target(%dma_start3A_1227 : memref<4104x128xbf16, #tpu.memory_space<vmem_shared>>) offsets(%dma_start3A_1224 : memref<128xi32, #tpu.memory_space<vmem>>) semaphore(%arg27 : memref<!tpu.dma_semaphore, #tpu.memory_space<semaphore_mem>>) {add = true}
      } else {
      }
      %add3A_1197 = arith.constant 3 : i32
      %add3A_1198 = arith.addi %mul3A_1118, %add3A_1197 : i32
      %lt3A_1199 = arith.cmpi slt, %add3A_1198, %select_n3A_916 : i32
      %convert_element_type3A_1200 = arith.extui %lt3A_1199 : i1 to i32
      %cond3A_1201 = arith.constant 0 : i32
      %cond3A_1202 = arith.cmpi ne, %convert_element_type3A_1200, %cond3A_1201 : i32
      scf.if %cond3A_1202 {
        %dma_wait3A_1204 = arith.constant 3 : i32
        %dma_wait3A_1205 = arith.constant 3 : i32
        %dma_wait3A_1206 = arith.constant 0 : i32
        %dma_wait3A_1207 = arith.constant 0 : i32
        %dma_wait3A_1208 = tpu.memref_slice %arg20[%dma_wait3A_1205, %dma_wait3A_1206, %dma_wait3A_1207] : memref<4x128x128xbf16, #tpu.memory_space<vmem>> -> memref<1x128x128xbf16, #tpu.memory_space<vmem>>
        %dma_wait3A_1209 = tpu.memref_squeeze %dma_wait3A_1208 : memref<1x128x128xbf16, #tpu.memory_space<vmem>> -> memref<128x128xbf16, #tpu.memory_space<vmem>>
        %dma_wait3A_1210 = arith.constant 0 : i32
        %dma_wait3A_1211 = tpu.memref_slice %arg18[%dma_wait3A_1204, %dma_wait3A_1210] : memref<4x128xi32, #tpu.memory_space<vmem>> -> memref<1x128xi32, #tpu.memory_space<vmem>>
        %dma_wait3A_1212 = tpu.memref_squeeze %dma_wait3A_1211 : memref<1x128xi32, #tpu.memory_space<vmem>> -> memref<128xi32, #tpu.memory_space<vmem>>
        %dma_wait3A_1213 = arith.constant 0 : i32
        %dma_wait3A_1214 = arith.constant 0 : i32
        %dma_wait3A_1215 = tpu.memref_slice %arg3[%dma_wait3A_1213, %dma_wait3A_1214] : memref<10000x128xbf16, #tpu.memory_space<hbm>> -> memref<10000x128xbf16, #tpu.memory_space<hbm>>
        tpu.wait_indirect_dma semaphore(%arg26 : memref<!tpu.dma_semaphore, #tpu.memory_space<semaphore_mem>>) src(%dma_wait3A_1215 : memref<10000x128xbf16, #tpu.memory_space<hbm>>) dst(%dma_wait3A_1209 : memref<128x128xbf16, #tpu.memory_space<vmem>>)
        %dma_start3A_1216 = arith.constant 3 : i32
        %dma_start3A_1217 = arith.constant 3 : i32
        %dma_start3A_1218 = arith.constant 0 : i32
        %dma_start3A_1219 = arith.constant 0 : i32
        %dma_start3A_1220 = tpu.memref_slice %arg20[%dma_start3A_1216, %dma_start3A_1218, %dma_start3A_1219] : memref<4x128x128xbf16, #tpu.memory_space<vmem>> -> memref<1x128x128xbf16, #tpu.memory_space<vmem>>
        %dma_start3A_1221 = tpu.memref_squeeze %dma_start3A_1220 : memref<1x128x128xbf16, #tpu.memory_space<vmem>> -> memref<128x128xbf16, #tpu.memory_space<vmem>>
        %dma_start3A_1222 = arith.constant 0 : i32
        %dma_start3A_1223 = tpu.memref_slice %arg19[%dma_start3A_1217, %dma_start3A_1222] : memref<4x128xi32, #tpu.memory_space<vmem>> -> memref<1x128xi32, #tpu.memory_space<vmem>>
        %dma_start3A_1224 = tpu.memref_squeeze %dma_start3A_1223 : memref<1x128xi32, #tpu.memory_space<vmem>> -> memref<128xi32, #tpu.memory_space<vmem>>
        %dma_start3A_1225 = arith.constant 0 : i32
        %dma_start3A_1226 = arith.constant 0 : i32
        %dma_start3A_1227 = tpu.memref_slice %arg25[%dma_start3A_1225, %dma_start3A_1226] : memref<4104x128xbf16, #tpu.memory_space<vmem_shared>> -> memref<4104x128xbf16, #tpu.memory_space<vmem_shared>>
        tpu.enqueue_indirect_dma source(%dma_start3A_1221 : memref<128x128xbf16, #tpu.memory_space<vmem>>) target(%dma_start3A_1227 : memref<4104x128xbf16, #tpu.memory_space<vmem_shared>>) offsets(%dma_start3A_1224 : memref<128xi32, #tpu.memory_space<vmem>>) semaphore(%arg27 : memref<!tpu.dma_semaphore, #tpu.memory_space<semaphore_mem>>) {add = true}
      } else {
      }
      %while3A_1203 = arith.constant 0 : i32
      scf.yield %while3A_1203 : i32
    }
    %while3A_1035 = arith.constant 1 : i32
    %while3A_1036 = scf.for %while3A_1115 = %while3A_1032 to %while3A_1028 step %while3A_1035 iter_args(%while3A_1116 = %while3A_1034) -> (i32)  : i32 {
      %mul3A_1117 = arith.constant 4 : i32
      %mul3A_1118 = arith.muli %while3A_1115, %mul3A_1117 : i32
      %add3A_1119 = arith.constant 0 : i32
      %add3A_1120 = arith.addi %mul3A_1118, %add3A_1119 : i32
      %gt3A_1121 = arith.constant 0 : i32
      %gt3A_1122 = arith.cmpi sgt, %while3A_1115, %gt3A_1121 : i32
      %sub3A_1123 = arith.constant 4 : i32
      %sub3A_1124 = arith.subi %add3A_1120, %sub3A_1123 : i32
      %lt3A_1125 = arith.cmpi slt, %sub3A_1124, %select_n3A_916 : i32
      %and3A_1126 = arith.andi %gt3A_1122, %lt3A_1125 : i1
      %convert_element_type3A_1127 = arith.extui %and3A_1126 : i1 to i32
      %cond3A_1128 = arith.constant 0 : i32
      %cond3A_1129 = arith.cmpi ne, %convert_element_type3A_1127, %cond3A_1128 : i32
      scf.if %cond3A_1129 {
        %dma_wait3A_1204 = arith.constant 0 : i32
        %dma_wait3A_1205 = arith.constant 0 : i32
        %dma_wait3A_1206 = arith.constant 0 : i32
        %dma_wait3A_1207 = arith.constant 0 : i32
        %dma_wait3A_1208 = tpu.memref_slice %arg20[%dma_wait3A_1204, %dma_wait3A_1206, %dma_wait3A_1207] : memref<4x128x128xbf16, #tpu.memory_space<vmem>> -> memref<1x128x128xbf16, #tpu.memory_space<vmem>>
        %dma_wait3A_1209 = tpu.memref_squeeze %dma_wait3A_1208 : memref<1x128x128xbf16, #tpu.memory_space<vmem>> -> memref<128x128xbf16, #tpu.memory_space<vmem>>
        %dma_wait3A_1210 = arith.constant 0 : i32
        %dma_wait3A_1211 = tpu.memref_slice %arg19[%dma_wait3A_1205, %dma_wait3A_1210] : memref<4x128xi32, #tpu.memory_space<vmem>> -> memref<1x128xi32, #tpu.memory_space<vmem>>
        %dma_wait3A_1212 = tpu.memref_squeeze %dma_wait3A_1211 : memref<1x128xi32, #tpu.memory_space<vmem>> -> memref<128xi32, #tpu.memory_space<vmem>>
        %dma_wait3A_1213 = arith.constant 0 : i32
        %dma_wait3A_1214 = arith.constant 0 : i32
        %dma_wait3A_1215 = tpu.memref_slice %arg25[%dma_wait3A_1213, %dma_wait3A_1214] : memref<4104x128xbf16, #tpu.memory_space<vmem_shared>> -> memref<4104x128xbf16, #tpu.memory_space<vmem_shared>>
        tpu.wait_indirect_dma semaphore(%arg27 : memref<!tpu.dma_semaphore, #tpu.memory_space<semaphore_mem>>) src(%dma_wait3A_1209 : memref<128x128xbf16, #tpu.memory_space<vmem>>) dst(%dma_wait3A_1215 : memref<4104x128xbf16, #tpu.memory_space<vmem_shared>>)
      } else {
      }
      %lt3A_1130 = arith.cmpi slt, %add3A_1120, %select_n3A_916 : i32
      %convert_element_type3A_1131 = arith.extui %lt3A_1130 : i1 to i32
      %cond3A_1132 = arith.constant 0 : i32
      %cond3A_1133 = arith.cmpi ne, %convert_element_type3A_1131, %cond3A_1132 : i32
      scf.if %cond3A_1133 {
        %mul3A_1204 = arith.constant 128 : i32
        %mul3A_1205 = arith.muli %add3A_1120, %mul3A_1204 : i32
        %add3A_1206 = arith.constant 0 : i32
        %add3A_1207 = arith.addi %mul3A_1205, %add3A_1206 : i32
        %get3A_1208 = arith.index_cast %add3A_1207 : i32 to index
        %get3A_1209 = tpu.vector_load %arg16[%get3A_1208] {strides = array<i32>} : memref<10240xi32, #tpu.memory_space<vmem>>, vector<16xi32>,
        %and3A_1210 = arith.constant 16383 : i32
        %and3A_1211 = vector.broadcast %and3A_1210 : i32 to vector<16xi32>
        %and3A_1212 = arith.andi %get3A_1209, %and3A_1211 : vector<16xi32>
        %swap3A_1213 = arith.constant 0 : i32
        %swap3A_1214 = arith.index_cast %swap3A_1213 : i32 to index
        %swap3A_1215 = arith.constant 0 : index
        %swap3A_1216 = tpu.vector_load %arg18[%swap3A_1214, %swap3A_1215] {strides = array<i32>} : memref<4x128xi32, #tpu.memory_space<vmem>>, vector<16xi32>,
        tpu.vector_store %arg18[%swap3A_1214, %swap3A_1215], %and3A_1212 {strides = array<i32>} : memref<4x128xi32, #tpu.memory_space<vmem>>, vector<16xi32>,
        %shift_right_logical3A = arith.constant 14 : i32
        %shift_right_logical3A_1217 = vector.broadcast %shift_right_logical3A : i32 to vector<16xi32>
        %shift_right_logical3A_1218 = arith.shrui %get3A_1209, %shift_right_logical3A_1217 : vector<16xi32>
        %swap3A_1219 = arith.constant 0 : i32
        %swap3A_1220 = arith.index_cast %swap3A_1219 : i32 to index
        %swap3A_1221 = arith.constant 0 : index
        %swap3A_1222 = tpu.vector_load %arg19[%swap3A_1220, %swap3A_1221] {strides = array<i32>} : memref<4x128xi32, #tpu.memory_space<vmem>>, vector<16xi32>,
        tpu.vector_store %arg19[%swap3A_1220, %swap3A_1221], %shift_right_logical3A_1218 {strides = array<i32>} : memref<4x128xi32, #tpu.memory_space<vmem>>, vector<16xi32>,
        %mul3A_1223 = arith.constant 128 : i32
        %mul3A_1224 = arith.muli %add3A_1120, %mul3A_1223 : i32
        %add3A_1225 = arith.constant 16 : i32
        %add3A_1226 = arith.addi %mul3A_1224, %add3A_1225 : i32
        %get3A_1227 = arith.index_cast %add3A_1226 : i32 to index
        %get3A_1228 = tpu.vector_load %arg16[%get3A_1227] {strides = array<i32>} : memref<10240xi32, #tpu.memory_space<vmem>>, vector<16xi32>,
        %and3A_1229 = arith.constant 16383 : i32
        %and3A_1230 = vector.broadcast %and3A_1229 : i32 to vector<16xi32>
        %and3A_1231 = arith.andi %get3A_1228, %and3A_1230 : vector<16xi32>
        %swap3A_1232 = arith.constant 0 : i32
        %swap3A_1233 = arith.index_cast %swap3A_1232 : i32 to index
        %swap3A_1234 = arith.constant 16 : index
        %swap3A_1235 = tpu.vector_load %arg18[%swap3A_1233, %swap3A_1234] {strides = array<i32>} : memref<4x128xi32, #tpu.memory_space<vmem>>, vector<16xi32>,
        tpu.vector_store %arg18[%swap3A_1233, %swap3A_1234], %and3A_1231 {strides = array<i32>} : memref<4x128xi32, #tpu.memory_space<vmem>>, vector<16xi32>,
        %shift_right_logical3A_1236 = arith.constant 14 : i32
        %shift_right_logical3A_1237 = vector.broadcast %shift_right_logical3A_1236 : i32 to vector<16xi32>
        %shift_right_logical3A_1238 = arith.shrui %get3A_1228, %shift_right_logical3A_1237 : vector<16xi32>
        %swap3A_1239 = arith.constant 0 : i32
        %swap3A_1240 = arith.index_cast %swap3A_1239 : i32 to index
        %swap3A_1241 = arith.constant 16 : index
        %swap3A_1242 = tpu.vector_load %arg19[%swap3A_1240, %swap3A_1241] {strides = array<i32>} : memref<4x128xi32, #tpu.memory_space<vmem>>, vector<16xi32>,
        tpu.vector_store %arg19[%swap3A_1240, %swap3A_1241], %shift_right_logical3A_1238 {strides = array<i32>} : memref<4x128xi32, #tpu.memory_space<vmem>>, vector<16xi32>,
        %mul3A_1243 = arith.constant 128 : i32
        %mul3A_1244 = arith.muli %add3A_1120, %mul3A_1243 : i32
        %add3A_1245 = arith.constant 32 : i32
        %add3A_1246 = arith.addi %mul3A_1244, %add3A_1245 : i32
        %get3A_1247 = arith.index_cast %add3A_1246 : i32 to index
        %get3A_1248 = tpu.vector_load %arg16[%get3A_1247] {strides = array<i32>} : memref<10240xi32, #tpu.memory_space<vmem>>, vector<16xi32>,
        %and3A_1249 = arith.constant 16383 : i32
        %and3A_1250 = vector.broadcast %and3A_1249 : i32 to vector<16xi32>
        %and3A_1251 = arith.andi %get3A_1248, %and3A_1250 : vector<16xi32>
        %swap3A_1252 = arith.constant 0 : i32
        %swap3A_1253 = arith.index_cast %swap3A_1252 : i32 to index
        %swap3A_1254 = arith.constant 32 : index
        %swap3A_1255 = tpu.vector_load %arg18[%swap3A_1253, %swap3A_1254] {strides = array<i32>} : memref<4x128xi32, #tpu.memory_space<vmem>>, vector<16xi32>,
        tpu.vector_store %arg18[%swap3A_1253, %swap3A_1254], %and3A_1251 {strides = array<i32>} : memref<4x128xi32, #tpu.memory_space<vmem>>, vector<16xi32>,
        %shift_right_logical3A_1256 = arith.constant 14 : i32
        %shift_right_logical3A_1257 = vector.broadcast %shift_right_logical3A_1256 : i32 to vector<16xi32>
        %shift_right_logical3A_1258 = arith.shrui %get3A_1248, %shift_right_logical3A_1257 : vector<16xi32>
        %swap3A_1259 = arith.constant 0 : i32
        %swap3A_1260 = arith.index_cast %swap3A_1259 : i32 to index
        %swap3A_1261 = arith.constant 32 : index
        %swap3A_1262 = tpu.vector_load %arg19[%swap3A_1260, %swap3A_1261] {strides = array<i32>} : memref<4x128xi32, #tpu.memory_space<vmem>>, vector<16xi32>,
        tpu.vector_store %arg19[%swap3A_1260, %swap3A_1261], %shift_right_logical3A_1258 {strides = array<i32>} : memref<4x128xi32, #tpu.memory_space<vmem>>, vector<16xi32>,
        %mul3A_1263 = arith.constant 128 : i32
        %mul3A_1264 = arith.muli %add3A_1120, %mul3A_1263 : i32
        %add3A_1265 = arith.constant 48 : i32
        %add3A_1266 = arith.addi %mul3A_1264, %add3A_1265 : i32
        %get3A_1267 = arith.index_cast %add3A_1266 : i32 to index
        %get3A_1268 = tpu.vector_load %arg16[%get3A_1267] {strides = array<i32>} : memref<10240xi32, #tpu.memory_space<vmem>>, vector<16xi32>,
        %and3A_1269 = arith.constant 16383 : i32
        %and3A_1270 = vector.broadcast %and3A_1269 : i32 to vector<16xi32>
        %and3A_1271 = arith.andi %get3A_1268, %and3A_1270 : vector<16xi32>
        %swap3A_1272 = arith.constant 0 : i32
        %swap3A_1273 = arith.index_cast %swap3A_1272 : i32 to index
        %swap3A_1274 = arith.constant 48 : index
        %swap3A_1275 = tpu.vector_load %arg18[%swap3A_1273, %swap3A_1274] {strides = array<i32>} : memref<4x128xi32, #tpu.memory_space<vmem>>, vector<16xi32>,
        tpu.vector_store %arg18[%swap3A_1273, %swap3A_1274], %and3A_1271 {strides = array<i32>} : memref<4x128xi32, #tpu.memory_space<vmem>>, vector<16xi32>,
        %shift_right_logical3A_1276 = arith.constant 14 : i32
        %shift_right_logical3A_1277 = vector.broadcast %shift_right_logical3A_1276 : i32 to vector<16xi32>
        %shift_right_logical3A_1278 = arith.shrui %get3A_1268, %shift_right_logical3A_1277 : vector<16xi32>
        %swap3A_1279 = arith.constant 0 : i32
        %swap3A_1280 = arith.index_cast %swap3A_1279 : i32 to index
        %swap3A_1281 = arith.constant 48 : index
        %swap3A_1282 = tpu.vector_load %arg19[%swap3A_1280, %swap3A_1281] {strides = array<i32>} : memref<4x128xi32, #tpu.memory_space<vmem>>, vector<16xi32>,
        tpu.vector_store %arg19[%swap3A_1280, %swap3A_1281], %shift_right_logical3A_1278 {strides = array<i32>} : memref<4x128xi32, #tpu.memory_space<vmem>>, vector<16xi32>,
        %mul3A_1283 = arith.constant 128 : i32
        %mul3A_1284 = arith.muli %add3A_1120, %mul3A_1283 : i32
        %add3A_1285 = arith.constant 64 : i32
        %add3A_1286 = arith.addi %mul3A_1284, %add3A_1285 : i32
        %get3A_1287 = arith.index_cast %add3A_1286 : i32 to index
        %get3A_1288 = tpu.vector_load %arg16[%get3A_1287] {strides = array<i32>} : memref<10240xi32, #tpu.memory_space<vmem>>, vector<16xi32>,
        %and3A_1289 = arith.constant 16383 : i32
        %and3A_1290 = vector.broadcast %and3A_1289 : i32 to vector<16xi32>
        %and3A_1291 = arith.andi %get3A_1288, %and3A_1290 : vector<16xi32>
        %swap3A_1292 = arith.constant 0 : i32
        %swap3A_1293 = arith.index_cast %swap3A_1292 : i32 to index
        %swap3A_1294 = arith.constant 64 : index
        %swap3A_1295 = tpu.vector_load %arg18[%swap3A_1293, %swap3A_1294] {strides = array<i32>} : memref<4x128xi32, #tpu.memory_space<vmem>>, vector<16xi32>,
        tpu.vector_store %arg18[%swap3A_1293, %swap3A_1294], %and3A_1291 {strides = array<i32>} : memref<4x128xi32, #tpu.memory_space<vmem>>, vector<16xi32>,
        %shift_right_logical3A_1296 = arith.constant 14 : i32
        %shift_right_logical3A_1297 = vector.broadcast %shift_right_logical3A_1296 : i32 to vector<16xi32>
        %shift_right_logical3A_1298 = arith.shrui %get3A_1288, %shift_right_logical3A_1297 : vector<16xi32>
        %swap3A_1299 = arith.constant 0 : i32
        %swap3A_1300 = arith.index_cast %swap3A_1299 : i32 to index
        %swap3A_1301 = arith.constant 64 : index
        %swap3A_1302 = tpu.vector_load %arg19[%swap3A_1300, %swap3A_1301] {strides = array<i32>} : memref<4x128xi32, #tpu.memory_space<vmem>>, vector<16xi32>,
        tpu.vector_store %arg19[%swap3A_1300, %swap3A_1301], %shift_right_logical3A_1298 {strides = array<i32>} : memref<4x128xi32, #tpu.memory_space<vmem>>, vector<16xi32>,
        %mul3A_1303 = arith.constant 128 : i32
        %mul3A_1304 = arith.muli %add3A_1120, %mul3A_1303 : i32
        %add3A_1305 = arith.constant 80 : i32
        %add3A_1306 = arith.addi %mul3A_1304, %add3A_1305 : i32
        %get3A_1307 = arith.index_cast %add3A_1306 : i32 to index
        %get3A_1308 = tpu.vector_load %arg16[%get3A_1307] {strides = array<i32>} : memref<10240xi32, #tpu.memory_space<vmem>>, vector<16xi32>,
        %and3A_1309 = arith.constant 16383 : i32
        %and3A_1310 = vector.broadcast %and3A_1309 : i32 to vector<16xi32>
        %and3A_1311 = arith.andi %get3A_1308, %and3A_1310 : vector<16xi32>
        %swap3A_1312 = arith.constant 0 : i32
        %swap3A_1313 = arith.index_cast %swap3A_1312 : i32 to index
        %swap3A_1314 = arith.constant 80 : index
        %swap3A_1315 = tpu.vector_load %arg18[%swap3A_1313, %swap3A_1314] {strides = array<i32>} : memref<4x128xi32, #tpu.memory_space<vmem>>, vector<16xi32>,
        tpu.vector_store %arg18[%swap3A_1313, %swap3A_1314], %and3A_1311 {strides = array<i32>} : memref<4x128xi32, #tpu.memory_space<vmem>>, vector<16xi32>,
        %shift_right_logical3A_1316 = arith.constant 14 : i32
        %shift_right_logical3A_1317 = vector.broadcast %shift_right_logical3A_1316 : i32 to vector<16xi32>
        %shift_right_logical3A_1318 = arith.shrui %get3A_1308, %shift_right_logical3A_1317 : vector<16xi32>
        %swap3A_1319 = arith.constant 0 : i32
        %swap3A_1320 = arith.index_cast %swap3A_1319 : i32 to index
        %swap3A_1321 = arith.constant 80 : index
        %swap3A_1322 = tpu.vector_load %arg19[%swap3A_1320, %swap3A_1321] {strides = array<i32>} : memref<4x128xi32, #tpu.memory_space<vmem>>, vector<16xi32>,
        tpu.vector_store %arg19[%swap3A_1320, %swap3A_1321], %shift_right_logical3A_1318 {strides = array<i32>} : memref<4x128xi32, #tpu.memory_space<vmem>>, vector<16xi32>,
        %mul3A_1323 = arith.constant 128 : i32
        %mul3A_1324 = arith.muli %add3A_1120, %mul3A_1323 : i32
        %add3A_1325 = arith.constant 96 : i32
        %add3A_1326 = arith.addi %mul3A_1324, %add3A_1325 : i32
        %get3A_1327 = arith.index_cast %add3A_1326 : i32 to index
        %get3A_1328 = tpu.vector_load %arg16[%get3A_1327] {strides = array<i32>} : memref<10240xi32, #tpu.memory_space<vmem>>, vector<16xi32>,
        %and3A_1329 = arith.constant 16383 : i32
        %and3A_1330 = vector.broadcast %and3A_1329 : i32 to vector<16xi32>
        %and3A_1331 = arith.andi %get3A_1328, %and3A_1330 : vector<16xi32>
        %swap3A_1332 = arith.constant 0 : i32
        %swap3A_1333 = arith.index_cast %swap3A_1332 : i32 to index
        %swap3A_1334 = arith.constant 96 : index
        %swap3A_1335 = tpu.vector_load %arg18[%swap3A_1333, %swap3A_1334] {strides = array<i32>} : memref<4x128xi32, #tpu.memory_space<vmem>>, vector<16xi32>,
        tpu.vector_store %arg18[%swap3A_1333, %swap3A_1334], %and3A_1331 {strides = array<i32>} : memref<4x128xi32, #tpu.memory_space<vmem>>, vector<16xi32>,
        %shift_right_logical3A_1336 = arith.constant 14 : i32
        %shift_right_logical3A_1337 = vector.broadcast %shift_right_logical3A_1336 : i32 to vector<16xi32>
        %shift_right_logical3A_1338 = arith.shrui %get3A_1328, %shift_right_logical3A_1337 : vector<16xi32>
        %swap3A_1339 = arith.constant 0 : i32
        %swap3A_1340 = arith.index_cast %swap3A_1339 : i32 to index
        %swap3A_1341 = arith.constant 96 : index
        %swap3A_1342 = tpu.vector_load %arg19[%swap3A_1340, %swap3A_1341] {strides = array<i32>} : memref<4x128xi32, #tpu.memory_space<vmem>>, vector<16xi32>,
        tpu.vector_store %arg19[%swap3A_1340, %swap3A_1341], %shift_right_logical3A_1338 {strides = array<i32>} : memref<4x128xi32, #tpu.memory_space<vmem>>, vector<16xi32>,
        %mul3A_1343 = arith.constant 128 : i32
        %mul3A_1344 = arith.muli %add3A_1120, %mul3A_1343 : i32
        %add3A_1345 = arith.constant 112 : i32
        %add3A_1346 = arith.addi %mul3A_1344, %add3A_1345 : i32
        %get3A_1347 = arith.index_cast %add3A_1346 : i32 to index
        %get3A_1348 = tpu.vector_load %arg16[%get3A_1347] {strides = array<i32>} : memref<10240xi32, #tpu.memory_space<vmem>>, vector<16xi32>,
        %and3A_1349 = arith.constant 16383 : i32
        %and3A_1350 = vector.broadcast %and3A_1349 : i32 to vector<16xi32>
        %and3A_1351 = arith.andi %get3A_1348, %and3A_1350 : vector<16xi32>
        %swap3A_1352 = arith.constant 0 : i32
        %swap3A_1353 = arith.index_cast %swap3A_1352 : i32 to index
        %swap3A_1354 = arith.constant 112 : index
        %swap3A_1355 = tpu.vector_load %arg18[%swap3A_1353, %swap3A_1354] {strides = array<i32>} : memref<4x128xi32, #tpu.memory_space<vmem>>, vector<16xi32>,
        tpu.vector_store %arg18[%swap3A_1353, %swap3A_1354], %and3A_1351 {strides = array<i32>} : memref<4x128xi32, #tpu.memory_space<vmem>>, vector<16xi32>,
        %shift_right_logical3A_1356 = arith.constant 14 : i32
        %shift_right_logical3A_1357 = vector.broadcast %shift_right_logical3A_1356 : i32 to vector<16xi32>
        %shift_right_logical3A_1358 = arith.shrui %get3A_1348, %shift_right_logical3A_1357 : vector<16xi32>
        %swap3A_1359 = arith.constant 0 : i32
        %swap3A_1360 = arith.index_cast %swap3A_1359 : i32 to index
        %swap3A_1361 = arith.constant 112 : index
        %swap3A_1362 = tpu.vector_load %arg19[%swap3A_1360, %swap3A_1361] {strides = array<i32>} : memref<4x128xi32, #tpu.memory_space<vmem>>, vector<16xi32>,
        tpu.vector_store %arg19[%swap3A_1360, %swap3A_1361], %shift_right_logical3A_1358 {strides = array<i32>} : memref<4x128xi32, #tpu.memory_space<vmem>>, vector<16xi32>,
        %dma_start3A_1363 = arith.constant 0 : i32
        %dma_start3A_1364 = arith.constant 0 : i32
        %dma_start3A_1365 = arith.constant 0 : i32
        %dma_start3A_1366 = arith.constant 0 : i32
        %dma_start3A_1367 = tpu.memref_slice %arg20[%dma_start3A_1364, %dma_start3A_1365, %dma_start3A_1366] : memref<4x128x128xbf16, #tpu.memory_space<vmem>> -> memref<1x128x128xbf16, #tpu.memory_space<vmem>>
        %dma_start3A_1368 = tpu.memref_squeeze %dma_start3A_1367 : memref<1x128x128xbf16, #tpu.memory_space<vmem>> -> memref<128x128xbf16, #tpu.memory_space<vmem>>
        %dma_start3A_1369 = arith.constant 0 : i32
        %dma_start3A_1370 = tpu.memref_slice %arg18[%dma_start3A_1363, %dma_start3A_1369] : memref<4x128xi32, #tpu.memory_space<vmem>> -> memref<1x128xi32, #tpu.memory_space<vmem>>
        %dma_start3A_1371 = tpu.memref_squeeze %dma_start3A_1370 : memref<1x128xi32, #tpu.memory_space<vmem>> -> memref<128xi32, #tpu.memory_space<vmem>>
        %dma_start3A_1372 = arith.constant 0 : i32
        %dma_start3A_1373 = arith.constant 0 : i32
        %dma_start3A_1374 = tpu.memref_slice %arg3[%dma_start3A_1372, %dma_start3A_1373] : memref<10000x128xbf16, #tpu.memory_space<hbm>> -> memref<10000x128xbf16, #tpu.memory_space<hbm>>
        tpu.enqueue_indirect_dma source(%dma_start3A_1374 : memref<10000x128xbf16, #tpu.memory_space<hbm>>) target(%dma_start3A_1368 : memref<128x128xbf16, #tpu.memory_space<vmem>>) offsets(%dma_start3A_1371 : memref<128xi32, #tpu.memory_space<vmem>>) semaphore(%arg26 : memref<!tpu.dma_semaphore, #tpu.memory_space<semaphore_mem>>)
      } else {
      }
      %add3A_1134 = arith.constant 1 : i32
      %add3A_1135 = arith.addi %mul3A_1118, %add3A_1134 : i32
      %gt3A_1136 = arith.constant 0 : i32
      %gt3A_1137 = arith.cmpi sgt, %while3A_1115, %gt3A_1136 : i32
      %sub3A_1138 = arith.constant 4 : i32
      %sub3A_1139 = arith.subi %add3A_1135, %sub3A_1138 : i32
      %lt3A_1140 = arith.cmpi slt, %sub3A_1139, %select_n3A_916 : i32
      %and3A_1141 = arith.andi %gt3A_1137, %lt3A_1140 : i1
      %convert_element_type3A_1142 = arith.extui %and3A_1141 : i1 to i32
      %cond3A_1143 = arith.constant 0 : i32
      %cond3A_1144 = arith.cmpi ne, %convert_element_type3A_1142, %cond3A_1143 : i32
      scf.if %cond3A_1144 {
        %dma_wait3A_1204 = arith.constant 1 : i32
        %dma_wait3A_1205 = arith.constant 1 : i32
        %dma_wait3A_1206 = arith.constant 0 : i32
        %dma_wait3A_1207 = arith.constant 0 : i32
        %dma_wait3A_1208 = tpu.memref_slice %arg20[%dma_wait3A_1204, %dma_wait3A_1206, %dma_wait3A_1207] : memref<4x128x128xbf16, #tpu.memory_space<vmem>> -> memref<1x128x128xbf16, #tpu.memory_space<vmem>>
        %dma_wait3A_1209 = tpu.memref_squeeze %dma_wait3A_1208 : memref<1x128x128xbf16, #tpu.memory_space<vmem>> -> memref<128x128xbf16, #tpu.memory_space<vmem>>
        %dma_wait3A_1210 = arith.constant 0 : i32
        %dma_wait3A_1211 = tpu.memref_slice %arg19[%dma_wait3A_1205, %dma_wait3A_1210] : memref<4x128xi32, #tpu.memory_space<vmem>> -> memref<1x128xi32, #tpu.memory_space<vmem>>
        %dma_wait3A_1212 = tpu.memref_squeeze %dma_wait3A_1211 : memref<1x128xi32, #tpu.memory_space<vmem>> -> memref<128xi32, #tpu.memory_space<vmem>>
        %dma_wait3A_1213 = arith.constant 0 : i32
        %dma_wait3A_1214 = arith.constant 0 : i32
        %dma_wait3A_1215 = tpu.memref_slice %arg25[%dma_wait3A_1213, %dma_wait3A_1214] : memref<4104x128xbf16, #tpu.memory_space<vmem_shared>> -> memref<4104x128xbf16, #tpu.memory_space<vmem_shared>>
        tpu.wait_indirect_dma semaphore(%arg27 : memref<!tpu.dma_semaphore, #tpu.memory_space<semaphore_mem>>) src(%dma_wait3A_1209 : memref<128x128xbf16, #tpu.memory_space<vmem>>) dst(%dma_wait3A_1215 : memref<4104x128xbf16, #tpu.memory_space<vmem_shared>>)
      } else {
      }
      %lt3A_1145 = arith.cmpi slt, %add3A_1135, %select_n3A_916 : i32
      %convert_element_type3A_1146 = arith.extui %lt3A_1145 : i1 to i32
      %cond3A_1147 = arith.constant 0 : i32
      %cond3A_1148 = arith.cmpi ne, %convert_element_type3A_1146, %cond3A_1147 : i32
      scf.if %cond3A_1148 {
        %mul3A_1204 = arith.constant 128 : i32
        %mul3A_1205 = arith.muli %add3A_1135, %mul3A_1204 : i32
        %add3A_1206 = arith.constant 0 : i32
        %add3A_1207 = arith.addi %mul3A_1205, %add3A_1206 : i32
        %get3A_1208 = arith.index_cast %add3A_1207 : i32 to index
        %get3A_1209 = tpu.vector_load %arg16[%get3A_1208] {strides = array<i32>} : memref<10240xi32, #tpu.memory_space<vmem>>, vector<16xi32>,
        %and3A_1210 = arith.constant 16383 : i32
        %and3A_1211 = vector.broadcast %and3A_1210 : i32 to vector<16xi32>
        %and3A_1212 = arith.andi %get3A_1209, %and3A_1211 : vector<16xi32>
        %swap3A_1213 = arith.constant 1 : i32
        %swap3A_1214 = arith.index_cast %swap3A_1213 : i32 to index
        %swap3A_1215 = arith.constant 0 : index
        %swap3A_1216 = tpu.vector_load %arg18[%swap3A_1214, %swap3A_1215] {strides = array<i32>} : memref<4x128xi32, #tpu.memory_space<vmem>>, vector<16xi32>,
        tpu.vector_store %arg18[%swap3A_1214, %swap3A_1215], %and3A_1212 {strides = array<i32>} : memref<4x128xi32, #tpu.memory_space<vmem>>, vector<16xi32>,
        %shift_right_logical3A = arith.constant 14 : i32
        %shift_right_logical3A_1217 = vector.broadcast %shift_right_logical3A : i32 to vector<16xi32>
        %shift_right_logical3A_1218 = arith.shrui %get3A_1209, %shift_right_logical3A_1217 : vector<16xi32>
        %swap3A_1219 = arith.constant 1 : i32
        %swap3A_1220 = arith.index_cast %swap3A_1219 : i32 to index
        %swap3A_1221 = arith.constant 0 : index
        %swap3A_1222 = tpu.vector_load %arg19[%swap3A_1220, %swap3A_1221] {strides = array<i32>} : memref<4x128xi32, #tpu.memory_space<vmem>>, vector<16xi32>,
        tpu.vector_store %arg19[%swap3A_1220, %swap3A_1221], %shift_right_logical3A_1218 {strides = array<i32>} : memref<4x128xi32, #tpu.memory_space<vmem>>, vector<16xi32>,
        %mul3A_1223 = arith.constant 128 : i32
        %mul3A_1224 = arith.muli %add3A_1135, %mul3A_1223 : i32
        %add3A_1225 = arith.constant 16 : i32
        %add3A_1226 = arith.addi %mul3A_1224, %add3A_1225 : i32
        %get3A_1227 = arith.index_cast %add3A_1226 : i32 to index
        %get3A_1228 = tpu.vector_load %arg16[%get3A_1227] {strides = array<i32>} : memref<10240xi32, #tpu.memory_space<vmem>>, vector<16xi32>,
        %and3A_1229 = arith.constant 16383 : i32
        %and3A_1230 = vector.broadcast %and3A_1229 : i32 to vector<16xi32>
        %and3A_1231 = arith.andi %get3A_1228, %and3A_1230 : vector<16xi32>
        %swap3A_1232 = arith.constant 1 : i32
        %swap3A_1233 = arith.index_cast %swap3A_1232 : i32 to index
        %swap3A_1234 = arith.constant 16 : index
        %swap3A_1235 = tpu.vector_load %arg18[%swap3A_1233, %swap3A_1234] {strides = array<i32>} : memref<4x128xi32, #tpu.memory_space<vmem>>, vector<16xi32>,
        tpu.vector_store %arg18[%swap3A_1233, %swap3A_1234], %and3A_1231 {strides = array<i32>} : memref<4x128xi32, #tpu.memory_space<vmem>>, vector<16xi32>,
        %shift_right_logical3A_1236 = arith.constant 14 : i32
        %shift_right_logical3A_1237 = vector.broadcast %shift_right_logical3A_1236 : i32 to vector<16xi32>
        %shift_right_logical3A_1238 = arith.shrui %get3A_1228, %shift_right_logical3A_1237 : vector<16xi32>
        %swap3A_1239 = arith.constant 1 : i32
        %swap3A_1240 = arith.index_cast %swap3A_1239 : i32 to index
        %swap3A_1241 = arith.constant 16 : index
        %swap3A_1242 = tpu.vector_load %arg19[%swap3A_1240, %swap3A_1241] {strides = array<i32>} : memref<4x128xi32, #tpu.memory_space<vmem>>, vector<16xi32>,
        tpu.vector_store %arg19[%swap3A_1240, %swap3A_1241], %shift_right_logical3A_1238 {strides = array<i32>} : memref<4x128xi32, #tpu.memory_space<vmem>>, vector<16xi32>,
        %mul3A_1243 = arith.constant 128 : i32
        %mul3A_1244 = arith.muli %add3A_1135, %mul3A_1243 : i32
        %add3A_1245 = arith.constant 32 : i32
        %add3A_1246 = arith.addi %mul3A_1244, %add3A_1245 : i32
        %get3A_1247 = arith.index_cast %add3A_1246 : i32 to index
        %get3A_1248 = tpu.vector_load %arg16[%get3A_1247] {strides = array<i32>} : memref<10240xi32, #tpu.memory_space<vmem>>, vector<16xi32>,
        %and3A_1249 = arith.constant 16383 : i32
        %and3A_1250 = vector.broadcast %and3A_1249 : i32 to vector<16xi32>
        %and3A_1251 = arith.andi %get3A_1248, %and3A_1250 : vector<16xi32>
        %swap3A_1252 = arith.constant 1 : i32
        %swap3A_1253 = arith.index_cast %swap3A_1252 : i32 to index
        %swap3A_1254 = arith.constant 32 : index
        %swap3A_1255 = tpu.vector_load %arg18[%swap3A_1253, %swap3A_1254] {strides = array<i32>} : memref<4x128xi32, #tpu.memory_space<vmem>>, vector<16xi32>,
        tpu.vector_store %arg18[%swap3A_1253, %swap3A_1254], %and3A_1251 {strides = array<i32>} : memref<4x128xi32, #tpu.memory_space<vmem>>, vector<16xi32>,
        %shift_right_logical3A_1256 = arith.constant 14 : i32
        %shift_right_logical3A_1257 = vector.broadcast %shift_right_logical3A_1256 : i32 to vector<16xi32>
        %shift_right_logical3A_1258 = arith.shrui %get3A_1248, %shift_right_logical3A_1257 : vector<16xi32>
        %swap3A_1259 = arith.constant 1 : i32
        %swap3A_1260 = arith.index_cast %swap3A_1259 : i32 to index
        %swap3A_1261 = arith.constant 32 : index
        %swap3A_1262 = tpu.vector_load %arg19[%swap3A_1260, %swap3A_1261] {strides = array<i32>} : memref<4x128xi32, #tpu.memory_space<vmem>>, vector<16xi32>,
        tpu.vector_store %arg19[%swap3A_1260, %swap3A_1261], %shift_right_logical3A_1258 {strides = array<i32>} : memref<4x128xi32, #tpu.memory_space<vmem>>, vector<16xi32>,
        %mul3A_1263 = arith.constant 128 : i32
        %mul3A_1264 = arith.muli %add3A_1135, %mul3A_1263 : i32
        %add3A_1265 = arith.constant 48 : i32
        %add3A_1266 = arith.addi %mul3A_1264, %add3A_1265 : i32
        %get3A_1267 = arith.index_cast %add3A_1266 : i32 to index
        %get3A_1268 = tpu.vector_load %arg16[%get3A_1267] {strides = array<i32>} : memref<10240xi32, #tpu.memory_space<vmem>>, vector<16xi32>,
        %and3A_1269 = arith.constant 16383 : i32
        %and3A_1270 = vector.broadcast %and3A_1269 : i32 to vector<16xi32>
        %and3A_1271 = arith.andi %get3A_1268, %and3A_1270 : vector<16xi32>
        %swap3A_1272 = arith.constant 1 : i32
        %swap3A_1273 = arith.index_cast %swap3A_1272 : i32 to index
        %swap3A_1274 = arith.constant 48 : index
        %swap3A_1275 = tpu.vector_load %arg18[%swap3A_1273, %swap3A_1274] {strides = array<i32>} : memref<4x128xi32, #tpu.memory_space<vmem>>, vector<16xi32>,
        tpu.vector_store %arg18[%swap3A_1273, %swap3A_1274], %and3A_1271 {strides = array<i32>} : memref<4x128xi32, #tpu.memory_space<vmem>>, vector<16xi32>,
        %shift_right_logical3A_1276 = arith.constant 14 : i32
        %shift_right_logical3A_1277 = vector.broadcast %shift_right_logical3A_1276 : i32 to vector<16xi32>
        %shift_right_logical3A_1278 = arith.shrui %get3A_1268, %shift_right_logical3A_1277 : vector<16xi32>
        %swap3A_1279 = arith.constant 1 : i32
        %swap3A_1280 = arith.index_cast %swap3A_1279 : i32 to index
        %swap3A_1281 = arith.constant 48 : index
        %swap3A_1282 = tpu.vector_load %arg19[%swap3A_1280, %swap3A_1281] {strides = array<i32>} : memref<4x128xi32, #tpu.memory_space<vmem>>, vector<16xi32>,
        tpu.vector_store %arg19[%swap3A_1280, %swap3A_1281], %shift_right_logical3A_1278 {strides = array<i32>} : memref<4x128xi32, #tpu.memory_space<vmem>>, vector<16xi32>,
        %mul3A_1283 = arith.constant 128 : i32
        %mul3A_1284 = arith.muli %add3A_1135, %mul3A_1283 : i32
        %add3A_1285 = arith.constant 64 : i32
        %add3A_1286 = arith.addi %mul3A_1284, %add3A_1285 : i32
        %get3A_1287 = arith.index_cast %add3A_1286 : i32 to index
        %get3A_1288 = tpu.vector_load %arg16[%get3A_1287] {strides = array<i32>} : memref<10240xi32, #tpu.memory_space<vmem>>, vector<16xi32>,
        %and3A_1289 = arith.constant 16383 : i32
        %and3A_1290 = vector.broadcast %and3A_1289 : i32 to vector<16xi32>
        %and3A_1291 = arith.andi %get3A_1288, %and3A_1290 : vector<16xi32>
        %swap3A_1292 = arith.constant 1 : i32
        %swap3A_1293 = arith.index_cast %swap3A_1292 : i32 to index
        %swap3A_1294 = arith.constant 64 : index
        %swap3A_1295 = tpu.vector_load %arg18[%swap3A_1293, %swap3A_1294] {strides = array<i32>} : memref<4x128xi32, #tpu.memory_space<vmem>>, vector<16xi32>,
        tpu.vector_store %arg18[%swap3A_1293, %swap3A_1294], %and3A_1291 {strides = array<i32>} : memref<4x128xi32, #tpu.memory_space<vmem>>, vector<16xi32>,
        %shift_right_logical3A_1296 = arith.constant 14 : i32
        %shift_right_logical3A_1297 = vector.broadcast %shift_right_logical3A_1296 : i32 to vector<16xi32>
        %shift_right_logical3A_1298 = arith.shrui %get3A_1288, %shift_right_logical3A_1297 : vector<16xi32>
        %swap3A_1299 = arith.constant 1 : i32
        %swap3A_1300 = arith.index_cast %swap3A_1299 : i32 to index
        %swap3A_1301 = arith.constant 64 : index
        %swap3A_1302 = tpu.vector_load %arg19[%swap3A_1300, %swap3A_1301] {strides = array<i32>} : memref<4x128xi32, #tpu.memory_space<vmem>>, vector<16xi32>,
        tpu.vector_store %arg19[%swap3A_1300, %swap3A_1301], %shift_right_logical3A_1298 {strides = array<i32>} : memref<4x128xi32, #tpu.memory_space<vmem>>, vector<16xi32>,
        %mul3A_1303 = arith.constant 128 : i32
        %mul3A_1304 = arith.muli %add3A_1135, %mul3A_1303 : i32
        %add3A_1305 = arith.constant 80 : i32
        %add3A_1306 = arith.addi %mul3A_1304, %add3A_1305 : i32
        %get3A_1307 = arith.index_cast %add3A_1306 : i32 to index
        %get3A_1308 = tpu.vector_load %arg16[%get3A_1307] {strides = array<i32>} : memref<10240xi32, #tpu.memory_space<vmem>>, vector<16xi32>,
        %and3A_1309 = arith.constant 16383 : i32
        %and3A_1310 = vector.broadcast %and3A_1309 : i32 to vector<16xi32>
        %and3A_1311 = arith.andi %get3A_1308, %and3A_1310 : vector<16xi32>
        %swap3A_1312 = arith.constant 1 : i32
        %swap3A_1313 = arith.index_cast %swap3A_1312 : i32 to index
        %swap3A_1314 = arith.constant 80 : index
        %swap3A_1315 = tpu.vector_load %arg18[%swap3A_1313, %swap3A_1314] {strides = array<i32>} : memref<4x128xi32, #tpu.memory_space<vmem>>, vector<16xi32>,
        tpu.vector_store %arg18[%swap3A_1313, %swap3A_1314], %and3A_1311 {strides = array<i32>} : memref<4x128xi32, #tpu.memory_space<vmem>>, vector<16xi32>,
        %shift_right_logical3A_1316 = arith.constant 14 : i32
        %shift_right_logical3A_1317 = vector.broadcast %shift_right_logical3A_1316 : i32 to vector<16xi32>
        %shift_right_logical3A_1318 = arith.shrui %get3A_1308, %shift_right_logical3A_1317 : vector<16xi32>
        %swap3A_1319 = arith.constant 1 : i32
        %swap3A_1320 = arith.index_cast %swap3A_1319 : i32 to index
        %swap3A_1321 = arith.constant 80 : index
        %swap3A_1322 = tpu.vector_load %arg19[%swap3A_1320, %swap3A_1321] {strides = array<i32>} : memref<4x128xi32, #tpu.memory_space<vmem>>, vector<16xi32>,
        tpu.vector_store %arg19[%swap3A_1320, %swap3A_1321], %shift_right_logical3A_1318 {strides = array<i32>} : memref<4x128xi32, #tpu.memory_space<vmem>>, vector<16xi32>,
        %mul3A_1323 = arith.constant 128 : i32
        %mul3A_1324 = arith.muli %add3A_1135, %mul3A_1323 : i32
        %add3A_1325 = arith.constant 96 : i32
        %add3A_1326 = arith.addi %mul3A_1324, %add3A_1325 : i32
        %get3A_1327 = arith.index_cast %add3A_1326 : i32 to index
        %get3A_1328 = tpu.vector_load %arg16[%get3A_1327] {strides = array<i32>} : memref<10240xi32, #tpu.memory_space<vmem>>, vector<16xi32>,
        %and3A_1329 = arith.constant 16383 : i32
        %and3A_1330 = vector.broadcast %and3A_1329 : i32 to vector<16xi32>
        %and3A_1331 = arith.andi %get3A_1328, %and3A_1330 : vector<16xi32>
        %swap3A_1332 = arith.constant 1 : i32
        %swap3A_1333 = arith.index_cast %swap3A_1332 : i32 to index
        %swap3A_1334 = arith.constant 96 : index
        %swap3A_1335 = tpu.vector_load %arg18[%swap3A_1333, %swap3A_1334] {strides = array<i32>} : memref<4x128xi32, #tpu.memory_space<vmem>>, vector<16xi32>,
        tpu.vector_store %arg18[%swap3A_1333, %swap3A_1334], %and3A_1331 {strides = array<i32>} : memref<4x128xi32, #tpu.memory_space<vmem>>, vector<16xi32>,
        %shift_right_logical3A_1336 = arith.constant 14 : i32
        %shift_right_logical3A_1337 = vector.broadcast %shift_right_logical3A_1336 : i32 to vector<16xi32>
        %shift_right_logical3A_1338 = arith.shrui %get3A_1328, %shift_right_logical3A_1337 : vector<16xi32>
        %swap3A_1339 = arith.constant 1 : i32
        %swap3A_1340 = arith.index_cast %swap3A_1339 : i32 to index
        %swap3A_1341 = arith.constant 96 : index
        %swap3A_1342 = tpu.vector_load %arg19[%swap3A_1340, %swap3A_1341] {strides = array<i32>} : memref<4x128xi32, #tpu.memory_space<vmem>>, vector<16xi32>,
        tpu.vector_store %arg19[%swap3A_1340, %swap3A_1341], %shift_right_logical3A_1338 {strides = array<i32>} : memref<4x128xi32, #tpu.memory_space<vmem>>, vector<16xi32>,
        %mul3A_1343 = arith.constant 128 : i32
        %mul3A_1344 = arith.muli %add3A_1135, %mul3A_1343 : i32
        %add3A_1345 = arith.constant 112 : i32
        %add3A_1346 = arith.addi %mul3A_1344, %add3A_1345 : i32
        %get3A_1347 = arith.index_cast %add3A_1346 : i32 to index
        %get3A_1348 = tpu.vector_load %arg16[%get3A_1347] {strides = array<i32>} : memref<10240xi32, #tpu.memory_space<vmem>>, vector<16xi32>,
        %and3A_1349 = arith.constant 16383 : i32
        %and3A_1350 = vector.broadcast %and3A_1349 : i32 to vector<16xi32>
        %and3A_1351 = arith.andi %get3A_1348, %and3A_1350 : vector<16xi32>
        %swap3A_1352 = arith.constant 1 : i32
        %swap3A_1353 = arith.index_cast %swap3A_1352 : i32 to index
        %swap3A_1354 = arith.constant 112 : index
        %swap3A_1355 = tpu.vector_load %arg18[%swap3A_1353, %swap3A_1354] {strides = array<i32>} : memref<4x128xi32, #tpu.memory_space<vmem>>, vector<16xi32>,
        tpu.vector_store %arg18[%swap3A_1353, %swap3A_1354], %and3A_1351 {strides = array<i32>} : memref<4x128xi32, #tpu.memory_space<vmem>>, vector<16xi32>,
        %shift_right_logical3A_1356 = arith.constant 14 : i32
        %shift_right_logical3A_1357 = vector.broadcast %shift_right_logical3A_1356 : i32 to vector<16xi32>
        %shift_right_logical3A_1358 = arith.shrui %get3A_1348, %shift_right_logical3A_1357 : vector<16xi32>
        %swap3A_1359 = arith.constant 1 : i32
        %swap3A_1360 = arith.index_cast %swap3A_1359 : i32 to index
        %swap3A_1361 = arith.constant 112 : index
        %swap3A_1362 = tpu.vector_load %arg19[%swap3A_1360, %swap3A_1361] {strides = array<i32>} : memref<4x128xi32, #tpu.memory_space<vmem>>, vector<16xi32>,
        tpu.vector_store %arg19[%swap3A_1360, %swap3A_1361], %shift_right_logical3A_1358 {strides = array<i32>} : memref<4x128xi32, #tpu.memory_space<vmem>>, vector<16xi32>,
        %dma_start3A_1363 = arith.constant 1 : i32
        %dma_start3A_1364 = arith.constant 1 : i32
        %dma_start3A_1365 = arith.constant 0 : i32
        %dma_start3A_1366 = arith.constant 0 : i32
        %dma_start3A_1367 = tpu.memref_slice %arg20[%dma_start3A_1364, %dma_start3A_1365, %dma_start3A_1366] : memref<4x128x128xbf16, #tpu.memory_space<vmem>> -> memref<1x128x128xbf16, #tpu.memory_space<vmem>>
        %dma_start3A_1368 = tpu.memref_squeeze %dma_start3A_1367 : memref<1x128x128xbf16, #tpu.memory_space<vmem>> -> memref<128x128xbf16, #tpu.memory_space<vmem>>
        %dma_start3A_1369 = arith.constant 0 : i32
        %dma_start3A_1370 = tpu.memref_slice %arg18[%dma_start3A_1363, %dma_start3A_1369] : memref<4x128xi32, #tpu.memory_space<vmem>> -> memref<1x128xi32, #tpu.memory_space<vmem>>
        %dma_start3A_1371 = tpu.memref_squeeze %dma_start3A_1370 : memref<1x128xi32, #tpu.memory_space<vmem>> -> memref<128xi32, #tpu.memory_space<vmem>>
        %dma_start3A_1372 = arith.constant 0 : i32
        %dma_start3A_1373 = arith.constant 0 : i32
        %dma_start3A_1374 = tpu.memref_slice %arg3[%dma_start3A_1372, %dma_start3A_1373] : memref<10000x128xbf16, #tpu.memory_space<hbm>> -> memref<10000x128xbf16, #tpu.memory_space<hbm>>
        tpu.enqueue_indirect_dma source(%dma_start3A_1374 : memref<10000x128xbf16, #tpu.memory_space<hbm>>) target(%dma_start3A_1368 : memref<128x128xbf16, #tpu.memory_space<vmem>>) offsets(%dma_start3A_1371 : memref<128xi32, #tpu.memory_space<vmem>>) semaphore(%arg26 : memref<!tpu.dma_semaphore, #tpu.memory_space<semaphore_mem>>)
      } else {
      }
      %add3A_1149 = arith.constant 2 : i32
      %add3A_1150 = arith.addi %mul3A_1118, %add3A_1149 : i32
      %gt3A_1151 = arith.constant 0 : i32
      %gt3A_1152 = arith.cmpi sgt, %while3A_1115, %gt3A_1151 : i32
      %sub3A_1153 = arith.constant 4 : i32
      %sub3A_1154 = arith.subi %add3A_1150, %sub3A_1153 : i32
      %lt3A_1155 = arith.cmpi slt, %sub3A_1154, %select_n3A_916 : i32
      %and3A_1156 = arith.andi %gt3A_1152, %lt3A_1155 : i1
      %convert_element_type3A_1157 = arith.extui %and3A_1156 : i1 to i32
      %cond3A_1158 = arith.constant 0 : i32
      %cond3A_1159 = arith.cmpi ne, %convert_element_type3A_1157, %cond3A_1158 : i32
      scf.if %cond3A_1159 {
        %dma_wait3A_1204 = arith.constant 2 : i32
        %dma_wait3A_1205 = arith.constant 2 : i32
        %dma_wait3A_1206 = arith.constant 0 : i32
        %dma_wait3A_1207 = arith.constant 0 : i32
        %dma_wait3A_1208 = tpu.memref_slice %arg20[%dma_wait3A_1204, %dma_wait3A_1206, %dma_wait3A_1207] : memref<4x128x128xbf16, #tpu.memory_space<vmem>> -> memref<1x128x128xbf16, #tpu.memory_space<vmem>>
        %dma_wait3A_1209 = tpu.memref_squeeze %dma_wait3A_1208 : memref<1x128x128xbf16, #tpu.memory_space<vmem>> -> memref<128x128xbf16, #tpu.memory_space<vmem>>
        %dma_wait3A_1210 = arith.constant 0 : i32
        %dma_wait3A_1211 = tpu.memref_slice %arg19[%dma_wait3A_1205, %dma_wait3A_1210] : memref<4x128xi32, #tpu.memory_space<vmem>> -> memref<1x128xi32, #tpu.memory_space<vmem>>
        %dma_wait3A_1212 = tpu.memref_squeeze %dma_wait3A_1211 : memref<1x128xi32, #tpu.memory_space<vmem>> -> memref<128xi32, #tpu.memory_space<vmem>>
        %dma_wait3A_1213 = arith.constant 0 : i32
        %dma_wait3A_1214 = arith.constant 0 : i32
        %dma_wait3A_1215 = tpu.memref_slice %arg25[%dma_wait3A_1213, %dma_wait3A_1214] : memref<4104x128xbf16, #tpu.memory_space<vmem_shared>> -> memref<4104x128xbf16, #tpu.memory_space<vmem_shared>>
        tpu.wait_indirect_dma semaphore(%arg27 : memref<!tpu.dma_semaphore, #tpu.memory_space<semaphore_mem>>) src(%dma_wait3A_1209 : memref<128x128xbf16, #tpu.memory_space<vmem>>) dst(%dma_wait3A_1215 : memref<4104x128xbf16, #tpu.memory_space<vmem_shared>>)
      } else {
      }
      %lt3A_1160 = arith.cmpi slt, %add3A_1150, %select_n3A_916 : i32
      %convert_element_type3A_1161 = arith.extui %lt3A_1160 : i1 to i32
      %cond3A_1162 = arith.constant 0 : i32
      %cond3A_1163 = arith.cmpi ne, %convert_element_type3A_1161, %cond3A_1162 : i32
      scf.if %cond3A_1163 {
        %mul3A_1204 = arith.constant 128 : i32
        %mul3A_1205 = arith.muli %add3A_1150, %mul3A_1204 : i32
        %add3A_1206 = arith.constant 0 : i32
        %add3A_1207 = arith.addi %mul3A_1205, %add3A_1206 : i32
        %get3A_1208 = arith.index_cast %add3A_1207 : i32 to index
        %get3A_1209 = tpu.vector_load %arg16[%get3A_1208] {strides = array<i32>} : memref<10240xi32, #tpu.memory_space<vmem>>, vector<16xi32>,
        %and3A_1210 = arith.constant 16383 : i32
        %and3A_1211 = vector.broadcast %and3A_1210 : i32 to vector<16xi32>
        %and3A_1212 = arith.andi %get3A_1209, %and3A_1211 : vector<16xi32>
        %swap3A_1213 = arith.constant 2 : i32
        %swap3A_1214 = arith.index_cast %swap3A_1213 : i32 to index
        %swap3A_1215 = arith.constant 0 : index
        %swap3A_1216 = tpu.vector_load %arg18[%swap3A_1214, %swap3A_1215] {strides = array<i32>} : memref<4x128xi32, #tpu.memory_space<vmem>>, vector<16xi32>,
        tpu.vector_store %arg18[%swap3A_1214, %swap3A_1215], %and3A_1212 {strides = array<i32>} : memref<4x128xi32, #tpu.memory_space<vmem>>, vector<16xi32>,
        %shift_right_logical3A = arith.constant 14 : i32
        %shift_right_logical3A_1217 = vector.broadcast %shift_right_logical3A : i32 to vector<16xi32>
        %shift_right_logical3A_1218 = arith.shrui %get3A_1209, %shift_right_logical3A_1217 : vector<16xi32>
        %swap3A_1219 = arith.constant 2 : i32
        %swap3A_1220 = arith.index_cast %swap3A_1219 : i32 to index
        %swap3A_1221 = arith.constant 0 : index
        %swap3A_1222 = tpu.vector_load %arg19[%swap3A_1220, %swap3A_1221] {strides = array<i32>} : memref<4x128xi32, #tpu.memory_space<vmem>>, vector<16xi32>,
        tpu.vector_store %arg19[%swap3A_1220, %swap3A_1221], %shift_right_logical3A_1218 {strides = array<i32>} : memref<4x128xi32, #tpu.memory_space<vmem>>, vector<16xi32>,
        %mul3A_1223 = arith.constant 128 : i32
        %mul3A_1224 = arith.muli %add3A_1150, %mul3A_1223 : i32
        %add3A_1225 = arith.constant 16 : i32
        %add3A_1226 = arith.addi %mul3A_1224, %add3A_1225 : i32
        %get3A_1227 = arith.index_cast %add3A_1226 : i32 to index
        %get3A_1228 = tpu.vector_load %arg16[%get3A_1227] {strides = array<i32>} : memref<10240xi32, #tpu.memory_space<vmem>>, vector<16xi32>,
        %and3A_1229 = arith.constant 16383 : i32
        %and3A_1230 = vector.broadcast %and3A_1229 : i32 to vector<16xi32>
        %and3A_1231 = arith.andi %get3A_1228, %and3A_1230 : vector<16xi32>
        %swap3A_1232 = arith.constant 2 : i32
        %swap3A_1233 = arith.index_cast %swap3A_1232 : i32 to index
        %swap3A_1234 = arith.constant 16 : index
        %swap3A_1235 = tpu.vector_load %arg18[%swap3A_1233, %swap3A_1234] {strides = array<i32>} : memref<4x128xi32, #tpu.memory_space<vmem>>, vector<16xi32>,
        tpu.vector_store %arg18[%swap3A_1233, %swap3A_1234], %and3A_1231 {strides = array<i32>} : memref<4x128xi32, #tpu.memory_space<vmem>>, vector<16xi32>,
        %shift_right_logical3A_1236 = arith.constant 14 : i32
        %shift_right_logical3A_1237 = vector.broadcast %shift_right_logical3A_1236 : i32 to vector<16xi32>
        %shift_right_logical3A_1238 = arith.shrui %get3A_1228, %shift_right_logical3A_1237 : vector<16xi32>
        %swap3A_1239 = arith.constant 2 : i32
        %swap3A_1240 = arith.index_cast %swap3A_1239 : i32 to index
        %swap3A_1241 = arith.constant 16 : index
        %swap3A_1242 = tpu.vector_load %arg19[%swap3A_1240, %swap3A_1241] {strides = array<i32>} : memref<4x128xi32, #tpu.memory_space<vmem>>, vector<16xi32>,
        tpu.vector_store %arg19[%swap3A_1240, %swap3A_1241], %shift_right_logical3A_1238 {strides = array<i32>} : memref<4x128xi32, #tpu.memory_space<vmem>>, vector<16xi32>,
        %mul3A_1243 = arith.constant 128 : i32
        %mul3A_1244 = arith.muli %add3A_1150, %mul3A_1243 : i32
        %add3A_1245 = arith.constant 32 : i32
        %add3A_1246 = arith.addi %mul3A_1244, %add3A_1245 : i32
        %get3A_1247 = arith.index_cast %add3A_1246 : i32 to index
        %get3A_1248 = tpu.vector_load %arg16[%get3A_1247] {strides = array<i32>} : memref<10240xi32, #tpu.memory_space<vmem>>, vector<16xi32>,
        %and3A_1249 = arith.constant 16383 : i32
        %and3A_1250 = vector.broadcast %and3A_1249 : i32 to vector<16xi32>
        %and3A_1251 = arith.andi %get3A_1248, %and3A_1250 : vector<16xi32>
        %swap3A_1252 = arith.constant 2 : i32
        %swap3A_1253 = arith.index_cast %swap3A_1252 : i32 to index
        %swap3A_1254 = arith.constant 32 : index
        %swap3A_1255 = tpu.vector_load %arg18[%swap3A_1253, %swap3A_1254] {strides = array<i32>} : memref<4x128xi32, #tpu.memory_space<vmem>>, vector<16xi32>,
        tpu.vector_store %arg18[%swap3A_1253, %swap3A_1254], %and3A_1251 {strides = array<i32>} : memref<4x128xi32, #tpu.memory_space<vmem>>, vector<16xi32>,
        %shift_right_logical3A_1256 = arith.constant 14 : i32
        %shift_right_logical3A_1257 = vector.broadcast %shift_right_logical3A_1256 : i32 to vector<16xi32>
        %shift_right_logical3A_1258 = arith.shrui %get3A_1248, %shift_right_logical3A_1257 : vector<16xi32>
        %swap3A_1259 = arith.constant 2 : i32
        %swap3A_1260 = arith.index_cast %swap3A_1259 : i32 to index
        %swap3A_1261 = arith.constant 32 : index
        %swap3A_1262 = tpu.vector_load %arg19[%swap3A_1260, %swap3A_1261] {strides = array<i32>} : memref<4x128xi32, #tpu.memory_space<vmem>>, vector<16xi32>,
        tpu.vector_store %arg19[%swap3A_1260, %swap3A_1261], %shift_right_logical3A_1258 {strides = array<i32>} : memref<4x128xi32, #tpu.memory_space<vmem>>, vector<16xi32>,
        %mul3A_1263 = arith.constant 128 : i32
        %mul3A_1264 = arith.muli %add3A_1150, %mul3A_1263 : i32
        %add3A_1265 = arith.constant 48 : i32
        %add3A_1266 = arith.addi %mul3A_1264, %add3A_1265 : i32
        %get3A_1267 = arith.index_cast %add3A_1266 : i32 to index
        %get3A_1268 = tpu.vector_load %arg16[%get3A_1267] {strides = array<i32>} : memref<10240xi32, #tpu.memory_space<vmem>>, vector<16xi32>,
        %and3A_1269 = arith.constant 16383 : i32
        %and3A_1270 = vector.broadcast %and3A_1269 : i32 to vector<16xi32>
        %and3A_1271 = arith.andi %get3A_1268, %and3A_1270 : vector<16xi32>
        %swap3A_1272 = arith.constant 2 : i32
        %swap3A_1273 = arith.index_cast %swap3A_1272 : i32 to index
        %swap3A_1274 = arith.constant 48 : index
        %swap3A_1275 = tpu.vector_load %arg18[%swap3A_1273, %swap3A_1274] {strides = array<i32>} : memref<4x128xi32, #tpu.memory_space<vmem>>, vector<16xi32>,
        tpu.vector_store %arg18[%swap3A_1273, %swap3A_1274], %and3A_1271 {strides = array<i32>} : memref<4x128xi32, #tpu.memory_space<vmem>>, vector<16xi32>,
        %shift_right_logical3A_1276 = arith.constant 14 : i32
        %shift_right_logical3A_1277 = vector.broadcast %shift_right_logical3A_1276 : i32 to vector<16xi32>
        %shift_right_logical3A_1278 = arith.shrui %get3A_1268, %shift_right_logical3A_1277 : vector<16xi32>
        %swap3A_1279 = arith.constant 2 : i32
        %swap3A_1280 = arith.index_cast %swap3A_1279 : i32 to index
        %swap3A_1281 = arith.constant 48 : index
        %swap3A_1282 = tpu.vector_load %arg19[%swap3A_1280, %swap3A_1281] {strides = array<i32>} : memref<4x128xi32, #tpu.memory_space<vmem>>, vector<16xi32>,
        tpu.vector_store %arg19[%swap3A_1280, %swap3A_1281], %shift_right_logical3A_1278 {strides = array<i32>} : memref<4x128xi32, #tpu.memory_space<vmem>>, vector<16xi32>,
        %mul3A_1283 = arith.constant 128 : i32
        %mul3A_1284 = arith.muli %add3A_1150, %mul3A_1283 : i32
        %add3A_1285 = arith.constant 64 : i32
        %add3A_1286 = arith.addi %mul3A_1284, %add3A_1285 : i32
        %get3A_1287 = arith.index_cast %add3A_1286 : i32 to index
        %get3A_1288 = tpu.vector_load %arg16[%get3A_1287] {strides = array<i32>} : memref<10240xi32, #tpu.memory_space<vmem>>, vector<16xi32>,
        %and3A_1289 = arith.constant 16383 : i32
        %and3A_1290 = vector.broadcast %and3A_1289 : i32 to vector<16xi32>
        %and3A_1291 = arith.andi %get3A_1288, %and3A_1290 : vector<16xi32>
        %swap3A_1292 = arith.constant 2 : i32
        %swap3A_1293 = arith.index_cast %swap3A_1292 : i32 to index
        %swap3A_1294 = arith.constant 64 : index
        %swap3A_1295 = tpu.vector_load %arg18[%swap3A_1293, %swap3A_1294] {strides = array<i32>} : memref<4x128xi32, #tpu.memory_space<vmem>>, vector<16xi32>,
        tpu.vector_store %arg18[%swap3A_1293, %swap3A_1294], %and3A_1291 {strides = array<i32>} : memref<4x128xi32, #tpu.memory_space<vmem>>, vector<16xi32>,
        %shift_right_logical3A_1296 = arith.constant 14 : i32
        %shift_right_logical3A_1297 = vector.broadcast %shift_right_logical3A_1296 : i32 to vector<16xi32>
        %shift_right_logical3A_1298 = arith.shrui %get3A_1288, %shift_right_logical3A_1297 : vector<16xi32>
        %swap3A_1299 = arith.constant 2 : i32
        %swap3A_1300 = arith.index_cast %swap3A_1299 : i32 to index
        %swap3A_1301 = arith.constant 64 : index
        %swap3A_1302 = tpu.vector_load %arg19[%swap3A_1300, %swap3A_1301] {strides = array<i32>} : memref<4x128xi32, #tpu.memory_space<vmem>>, vector<16xi32>,
        tpu.vector_store %arg19[%swap3A_1300, %swap3A_1301], %shift_right_logical3A_1298 {strides = array<i32>} : memref<4x128xi32, #tpu.memory_space<vmem>>, vector<16xi32>,
        %mul3A_1303 = arith.constant 128 : i32
        %mul3A_1304 = arith.muli %add3A_1150, %mul3A_1303 : i32
        %add3A_1305 = arith.constant 80 : i32
        %add3A_1306 = arith.addi %mul3A_1304, %add3A_1305 : i32
        %get3A_1307 = arith.index_cast %add3A_1306 : i32 to index
        %get3A_1308 = tpu.vector_load %arg16[%get3A_1307] {strides = array<i32>} : memref<10240xi32, #tpu.memory_space<vmem>>, vector<16xi32>,
        %and3A_1309 = arith.constant 16383 : i32
        %and3A_1310 = vector.broadcast %and3A_1309 : i32 to vector<16xi32>
        %and3A_1311 = arith.andi %get3A_1308, %and3A_1310 : vector<16xi32>
        %swap3A_1312 = arith.constant 2 : i32
        %swap3A_1313 = arith.index_cast %swap3A_1312 : i32 to index
        %swap3A_1314 = arith.constant 80 : index
        %swap3A_1315 = tpu.vector_load %arg18[%swap3A_1313, %swap3A_1314] {strides = array<i32>} : memref<4x128xi32, #tpu.memory_space<vmem>>, vector<16xi32>,
        tpu.vector_store %arg18[%swap3A_1313, %swap3A_1314], %and3A_1311 {strides = array<i32>} : memref<4x128xi32, #tpu.memory_space<vmem>>, vector<16xi32>,
        %shift_right_logical3A_1316 = arith.constant 14 : i32
        %shift_right_logical3A_1317 = vector.broadcast %shift_right_logical3A_1316 : i32 to vector<16xi32>
        %shift_right_logical3A_1318 = arith.shrui %get3A_1308, %shift_right_logical3A_1317 : vector<16xi32>
        %swap3A_1319 = arith.constant 2 : i32
        %swap3A_1320 = arith.index_cast %swap3A_1319 : i32 to index
        %swap3A_1321 = arith.constant 80 : index
        %swap3A_1322 = tpu.vector_load %arg19[%swap3A_1320, %swap3A_1321] {strides = array<i32>} : memref<4x128xi32, #tpu.memory_space<vmem>>, vector<16xi32>,
        tpu.vector_store %arg19[%swap3A_1320, %swap3A_1321], %shift_right_logical3A_1318 {strides = array<i32>} : memref<4x128xi32, #tpu.memory_space<vmem>>, vector<16xi32>,
        %mul3A_1323 = arith.constant 128 : i32
        %mul3A_1324 = arith.muli %add3A_1150, %mul3A_1323 : i32
        %add3A_1325 = arith.constant 96 : i32
        %add3A_1326 = arith.addi %mul3A_1324, %add3A_1325 : i32
        %get3A_1327 = arith.index_cast %add3A_1326 : i32 to index
        %get3A_1328 = tpu.vector_load %arg16[%get3A_1327] {strides = array<i32>} : memref<10240xi32, #tpu.memory_space<vmem>>, vector<16xi32>,
        %and3A_1329 = arith.constant 16383 : i32
        %and3A_1330 = vector.broadcast %and3A_1329 : i32 to vector<16xi32>
        %and3A_1331 = arith.andi %get3A_1328, %and3A_1330 : vector<16xi32>
        %swap3A_1332 = arith.constant 2 : i32
        %swap3A_1333 = arith.index_cast %swap3A_1332 : i32 to index
        %swap3A_1334 = arith.constant 96 : index
        %swap3A_1335 = tpu.vector_load %arg18[%swap3A_1333, %swap3A_1334] {strides = array<i32>} : memref<4x128xi32, #tpu.memory_space<vmem>>, vector<16xi32>,
        tpu.vector_store %arg18[%swap3A_1333, %swap3A_1334], %and3A_1331 {strides = array<i32>} : memref<4x128xi32, #tpu.memory_space<vmem>>, vector<16xi32>,
        %shift_right_logical3A_1336 = arith.constant 14 : i32
        %shift_right_logical3A_1337 = vector.broadcast %shift_right_logical3A_1336 : i32 to vector<16xi32>
        %shift_right_logical3A_1338 = arith.shrui %get3A_1328, %shift_right_logical3A_1337 : vector<16xi32>
        %swap3A_1339 = arith.constant 2 : i32
        %swap3A_1340 = arith.index_cast %swap3A_1339 : i32 to index
        %swap3A_1341 = arith.constant 96 : index
        %swap3A_1342 = tpu.vector_load %arg19[%swap3A_1340, %swap3A_1341] {strides = array<i32>} : memref<4x128xi32, #tpu.memory_space<vmem>>, vector<16xi32>,
        tpu.vector_store %arg19[%swap3A_1340, %swap3A_1341], %shift_right_logical3A_1338 {strides = array<i32>} : memref<4x128xi32, #tpu.memory_space<vmem>>, vector<16xi32>,
        %mul3A_1343 = arith.constant 128 : i32
        %mul3A_1344 = arith.muli %add3A_1150, %mul3A_1343 : i32
        %add3A_1345 = arith.constant 112 : i32
        %add3A_1346 = arith.addi %mul3A_1344, %add3A_1345 : i32
        %get3A_1347 = arith.index_cast %add3A_1346 : i32 to index
        %get3A_1348 = tpu.vector_load %arg16[%get3A_1347] {strides = array<i32>} : memref<10240xi32, #tpu.memory_space<vmem>>, vector<16xi32>,
        %and3A_1349 = arith.constant 16383 : i32
        %and3A_1350 = vector.broadcast %and3A_1349 : i32 to vector<16xi32>
        %and3A_1351 = arith.andi %get3A_1348, %and3A_1350 : vector<16xi32>
        %swap3A_1352 = arith.constant 2 : i32
        %swap3A_1353 = arith.index_cast %swap3A_1352 : i32 to index
        %swap3A_1354 = arith.constant 112 : index
        %swap3A_1355 = tpu.vector_load %arg18[%swap3A_1353, %swap3A_1354] {strides = array<i32>} : memref<4x128xi32, #tpu.memory_space<vmem>>, vector<16xi32>,
        tpu.vector_store %arg18[%swap3A_1353, %swap3A_1354], %and3A_1351 {strides = array<i32>} : memref<4x128xi32, #tpu.memory_space<vmem>>, vector<16xi32>,
        %shift_right_logical3A_1356 = arith.constant 14 : i32
        %shift_right_logical3A_1357 = vector.broadcast %shift_right_logical3A_1356 : i32 to vector<16xi32>
        %shift_right_logical3A_1358 = arith.shrui %get3A_1348, %shift_right_logical3A_1357 : vector<16xi32>
        %swap3A_1359 = arith.constant 2 : i32
        %swap3A_1360 = arith.index_cast %swap3A_1359 : i32 to index
        %swap3A_1361 = arith.constant 112 : index
        %swap3A_1362 = tpu.vector_load %arg19[%swap3A_1360, %swap3A_1361] {strides = array<i32>} : memref<4x128xi32, #tpu.memory_space<vmem>>, vector<16xi32>,
        tpu.vector_store %arg19[%swap3A_1360, %swap3A_1361], %shift_right_logical3A_1358 {strides = array<i32>} : memref<4x128xi32, #tpu.memory_space<vmem>>, vector<16xi32>,
        %dma_start3A_1363 = arith.constant 2 : i32
        %dma_start3A_1364 = arith.constant 2 : i32
        %dma_start3A_1365 = arith.constant 0 : i32
        %dma_start3A_1366 = arith.constant 0 : i32
        %dma_start3A_1367 = tpu.memref_slice %arg20[%dma_start3A_1364, %dma_start3A_1365, %dma_start3A_1366] : memref<4x128x128xbf16, #tpu.memory_space<vmem>> -> memref<1x128x128xbf16, #tpu.memory_space<vmem>>
        %dma_start3A_1368 = tpu.memref_squeeze %dma_start3A_1367 : memref<1x128x128xbf16, #tpu.memory_space<vmem>> -> memref<128x128xbf16, #tpu.memory_space<vmem>>
        %dma_start3A_1369 = arith.constant 0 : i32
        %dma_start3A_1370 = tpu.memref_slice %arg18[%dma_start3A_1363, %dma_start3A_1369] : memref<4x128xi32, #tpu.memory_space<vmem>> -> memref<1x128xi32, #tpu.memory_space<vmem>>
        %dma_start3A_1371 = tpu.memref_squeeze %dma_start3A_1370 : memref<1x128xi32, #tpu.memory_space<vmem>> -> memref<128xi32, #tpu.memory_space<vmem>>
        %dma_start3A_1372 = arith.constant 0 : i32
        %dma_start3A_1373 = arith.constant 0 : i32
        %dma_start3A_1374 = tpu.memref_slice %arg3[%dma_start3A_1372, %dma_start3A_1373] : memref<10000x128xbf16, #tpu.memory_space<hbm>> -> memref<10000x128xbf16, #tpu.memory_space<hbm>>
        tpu.enqueue_indirect_dma source(%dma_start3A_1374 : memref<10000x128xbf16, #tpu.memory_space<hbm>>) target(%dma_start3A_1368 : memref<128x128xbf16, #tpu.memory_space<vmem>>) offsets(%dma_start3A_1371 : memref<128xi32, #tpu.memory_space<vmem>>) semaphore(%arg26 : memref<!tpu.dma_semaphore, #tpu.memory_space<semaphore_mem>>)
      } else {
      }
      %add3A_1164 = arith.constant 3 : i32
      %add3A_1165 = arith.addi %mul3A_1118, %add3A_1164 : i32
      %gt3A_1166 = arith.constant 0 : i32
      %gt3A_1167 = arith.cmpi sgt, %while3A_1115, %gt3A_1166 : i32
      %sub3A_1168 = arith.constant 4 : i32
      %sub3A_1169 = arith.subi %add3A_1165, %sub3A_1168 : i32
      %lt3A_1170 = arith.cmpi slt, %sub3A_1169, %select_n3A_916 : i32
      %and3A_1171 = arith.andi %gt3A_1167, %lt3A_1170 : i1
      %convert_element_type3A_1172 = arith.extui %and3A_1171 : i1 to i32
      %cond3A_1173 = arith.constant 0 : i32
      %cond3A_1174 = arith.cmpi ne, %convert_element_type3A_1172, %cond3A_1173 : i32
      scf.if %cond3A_1174 {
        %dma_wait3A_1204 = arith.constant 3 : i32
        %dma_wait3A_1205 = arith.constant 3 : i32
        %dma_wait3A_1206 = arith.constant 0 : i32
        %dma_wait3A_1207 = arith.constant 0 : i32
        %dma_wait3A_1208 = tpu.memref_slice %arg20[%dma_wait3A_1204, %dma_wait3A_1206, %dma_wait3A_1207] : memref<4x128x128xbf16, #tpu.memory_space<vmem>> -> memref<1x128x128xbf16, #tpu.memory_space<vmem>>
        %dma_wait3A_1209 = tpu.memref_squeeze %dma_wait3A_1208 : memref<1x128x128xbf16, #tpu.memory_space<vmem>> -> memref<128x128xbf16, #tpu.memory_space<vmem>>
        %dma_wait3A_1210 = arith.constant 0 : i32
        %dma_wait3A_1211 = tpu.memref_slice %arg19[%dma_wait3A_1205, %dma_wait3A_1210] : memref<4x128xi32, #tpu.memory_space<vmem>> -> memref<1x128xi32, #tpu.memory_space<vmem>>
        %dma_wait3A_1212 = tpu.memref_squeeze %dma_wait3A_1211 : memref<1x128xi32, #tpu.memory_space<vmem>> -> memref<128xi32, #tpu.memory_space<vmem>>
        %dma_wait3A_1213 = arith.constant 0 : i32
        %dma_wait3A_1214 = arith.constant 0 : i32
        %dma_wait3A_1215 = tpu.memref_slice %arg25[%dma_wait3A_1213, %dma_wait3A_1214] : memref<4104x128xbf16, #tpu.memory_space<vmem_shared>> -> memref<4104x128xbf16, #tpu.memory_space<vmem_shared>>
        tpu.wait_indirect_dma semaphore(%arg27 : memref<!tpu.dma_semaphore, #tpu.memory_space<semaphore_mem>>) src(%dma_wait3A_1209 : memref<128x128xbf16, #tpu.memory_space<vmem>>) dst(%dma_wait3A_1215 : memref<4104x128xbf16, #tpu.memory_space<vmem_shared>>)
      } else {
      }
      %lt3A_1175 = arith.cmpi slt, %add3A_1165, %select_n3A_916 : i32
      %convert_element_type3A_1176 = arith.extui %lt3A_1175 : i1 to i32
      %cond3A_1177 = arith.constant 0 : i32
      %cond3A_1178 = arith.cmpi ne, %convert_element_type3A_1176, %cond3A_1177 : i32
      scf.if %cond3A_1178 {
        %mul3A_1204 = arith.constant 128 : i32
        %mul3A_1205 = arith.muli %add3A_1165, %mul3A_1204 : i32
        %add3A_1206 = arith.constant 0 : i32
        %add3A_1207 = arith.addi %mul3A_1205, %add3A_1206 : i32
        %get3A_1208 = arith.index_cast %add3A_1207 : i32 to index
        %get3A_1209 = tpu.vector_load %arg16[%get3A_1208] {strides = array<i32>} : memref<10240xi32, #tpu.memory_space<vmem>>, vector<16xi32>,
        %and3A_1210 = arith.constant 16383 : i32
        %and3A_1211 = vector.broadcast %and3A_1210 : i32 to vector<16xi32>
        %and3A_1212 = arith.andi %get3A_1209, %and3A_1211 : vector<16xi32>
        %swap3A_1213 = arith.constant 3 : i32
        %swap3A_1214 = arith.index_cast %swap3A_1213 : i32 to index
        %swap3A_1215 = arith.constant 0 : index
        %swap3A_1216 = tpu.vector_load %arg18[%swap3A_1214, %swap3A_1215] {strides = array<i32>} : memref<4x128xi32, #tpu.memory_space<vmem>>, vector<16xi32>,
        tpu.vector_store %arg18[%swap3A_1214, %swap3A_1215], %and3A_1212 {strides = array<i32>} : memref<4x128xi32, #tpu.memory_space<vmem>>, vector<16xi32>,
        %shift_right_logical3A = arith.constant 14 : i32
        %shift_right_logical3A_1217 = vector.broadcast %shift_right_logical3A : i32 to vector<16xi32>
        %shift_right_logical3A_1218 = arith.shrui %get3A_1209, %shift_right_logical3A_1217 : vector<16xi32>
        %swap3A_1219 = arith.constant 3 : i32
        %swap3A_1220 = arith.index_cast %swap3A_1219 : i32 to index
        %swap3A_1221 = arith.constant 0 : index
        %swap3A_1222 = tpu.vector_load %arg19[%swap3A_1220, %swap3A_1221] {strides = array<i32>} : memref<4x128xi32, #tpu.memory_space<vmem>>, vector<16xi32>,
        tpu.vector_store %arg19[%swap3A_1220, %swap3A_1221], %shift_right_logical3A_1218 {strides = array<i32>} : memref<4x128xi32, #tpu.memory_space<vmem>>, vector<16xi32>,
        %mul3A_1223 = arith.constant 128 : i32
        %mul3A_1224 = arith.muli %add3A_1165, %mul3A_1223 : i32
        %add3A_1225 = arith.constant 16 : i32
        %add3A_1226 = arith.addi %mul3A_1224, %add3A_1225 : i32
        %get3A_1227 = arith.index_cast %add3A_1226 : i32 to index
        %get3A_1228 = tpu.vector_load %arg16[%get3A_1227] {strides = array<i32>} : memref<10240xi32, #tpu.memory_space<vmem>>, vector<16xi32>,
        %and3A_1229 = arith.constant 16383 : i32
        %and3A_1230 = vector.broadcast %and3A_1229 : i32 to vector<16xi32>
        %and3A_1231 = arith.andi %get3A_1228, %and3A_1230 : vector<16xi32>
        %swap3A_1232 = arith.constant 3 : i32
        %swap3A_1233 = arith.index_cast %swap3A_1232 : i32 to index
        %swap3A_1234 = arith.constant 16 : index
        %swap3A_1235 = tpu.vector_load %arg18[%swap3A_1233, %swap3A_1234] {strides = array<i32>} : memref<4x128xi32, #tpu.memory_space<vmem>>, vector<16xi32>,
        tpu.vector_store %arg18[%swap3A_1233, %swap3A_1234], %and3A_1231 {strides = array<i32>} : memref<4x128xi32, #tpu.memory_space<vmem>>, vector<16xi32>,
        %shift_right_logical3A_1236 = arith.constant 14 : i32
        %shift_right_logical3A_1237 = vector.broadcast %shift_right_logical3A_1236 : i32 to vector<16xi32>
        %shift_right_logical3A_1238 = arith.shrui %get3A_1228, %shift_right_logical3A_1237 : vector<16xi32>
        %swap3A_1239 = arith.constant 3 : i32
        %swap3A_1240 = arith.index_cast %swap3A_1239 : i32 to index
        %swap3A_1241 = arith.constant 16 : index
        %swap3A_1242 = tpu.vector_load %arg19[%swap3A_1240, %swap3A_1241] {strides = array<i32>} : memref<4x128xi32, #tpu.memory_space<vmem>>, vector<16xi32>,
        tpu.vector_store %arg19[%swap3A_1240, %swap3A_1241], %shift_right_logical3A_1238 {strides = array<i32>} : memref<4x128xi32, #tpu.memory_space<vmem>>, vector<16xi32>,
        %mul3A_1243 = arith.constant 128 : i32
        %mul3A_1244 = arith.muli %add3A_1165, %mul3A_1243 : i32
        %add3A_1245 = arith.constant 32 : i32
        %add3A_1246 = arith.addi %mul3A_1244, %add3A_1245 : i32
        %get3A_1247 = arith.index_cast %add3A_1246 : i32 to index
        %get3A_1248 = tpu.vector_load %arg16[%get3A_1247] {strides = array<i32>} : memref<10240xi32, #tpu.memory_space<vmem>>, vector<16xi32>,
        %and3A_1249 = arith.constant 16383 : i32
        %and3A_1250 = vector.broadcast %and3A_1249 : i32 to vector<16xi32>
        %and3A_1251 = arith.andi %get3A_1248, %and3A_1250 : vector<16xi32>
        %swap3A_1252 = arith.constant 3 : i32
        %swap3A_1253 = arith.index_cast %swap3A_1252 : i32 to index
        %swap3A_1254 = arith.constant 32 : index
        %swap3A_1255 = tpu.vector_load %arg18[%swap3A_1253, %swap3A_1254] {strides = array<i32>} : memref<4x128xi32, #tpu.memory_space<vmem>>, vector<16xi32>,
        tpu.vector_store %arg18[%swap3A_1253, %swap3A_1254], %and3A_1251 {strides = array<i32>} : memref<4x128xi32, #tpu.memory_space<vmem>>, vector<16xi32>,
        %shift_right_logical3A_1256 = arith.constant 14 : i32
        %shift_right_logical3A_1257 = vector.broadcast %shift_right_logical3A_1256 : i32 to vector<16xi32>
        %shift_right_logical3A_1258 = arith.shrui %get3A_1248, %shift_right_logical3A_1257 : vector<16xi32>
        %swap3A_1259 = arith.constant 3 : i32
        %swap3A_1260 = arith.index_cast %swap3A_1259 : i32 to index
        %swap3A_1261 = arith.constant 32 : index
        %swap3A_1262 = tpu.vector_load %arg19[%swap3A_1260, %swap3A_1261] {strides = array<i32>} : memref<4x128xi32, #tpu.memory_space<vmem>>, vector<16xi32>,
        tpu.vector_store %arg19[%swap3A_1260, %swap3A_1261], %shift_right_logical3A_1258 {strides = array<i32>} : memref<4x128xi32, #tpu.memory_space<vmem>>, vector<16xi32>,
        %mul3A_1263 = arith.constant 128 : i32
        %mul3A_1264 = arith.muli %add3A_1165, %mul3A_1263 : i32
        %add3A_1265 = arith.constant 48 : i32
        %add3A_1266 = arith.addi %mul3A_1264, %add3A_1265 : i32
        %get3A_1267 = arith.index_cast %add3A_1266 : i32 to index
        %get3A_1268 = tpu.vector_load %arg16[%get3A_1267] {strides = array<i32>} : memref<10240xi32, #tpu.memory_space<vmem>>, vector<16xi32>,
        %and3A_1269 = arith.constant 16383 : i32
        %and3A_1270 = vector.broadcast %and3A_1269 : i32 to vector<16xi32>
        %and3A_1271 = arith.andi %get3A_1268, %and3A_1270 : vector<16xi32>
        %swap3A_1272 = arith.constant 3 : i32
        %swap3A_1273 = arith.index_cast %swap3A_1272 : i32 to index
        %swap3A_1274 = arith.constant 48 : index
        %swap3A_1275 = tpu.vector_load %arg18[%swap3A_1273, %swap3A_1274] {strides = array<i32>} : memref<4x128xi32, #tpu.memory_space<vmem>>, vector<16xi32>,
        tpu.vector_store %arg18[%swap3A_1273, %swap3A_1274], %and3A_1271 {strides = array<i32>} : memref<4x128xi32, #tpu.memory_space<vmem>>, vector<16xi32>,
        %shift_right_logical3A_1276 = arith.constant 14 : i32
        %shift_right_logical3A_1277 = vector.broadcast %shift_right_logical3A_1276 : i32 to vector<16xi32>
        %shift_right_logical3A_1278 = arith.shrui %get3A_1268, %shift_right_logical3A_1277 : vector<16xi32>
        %swap3A_1279 = arith.constant 3 : i32
        %swap3A_1280 = arith.index_cast %swap3A_1279 : i32 to index
        %swap3A_1281 = arith.constant 48 : index
        %swap3A_1282 = tpu.vector_load %arg19[%swap3A_1280, %swap3A_1281] {strides = array<i32>} : memref<4x128xi32, #tpu.memory_space<vmem>>, vector<16xi32>,
        tpu.vector_store %arg19[%swap3A_1280, %swap3A_1281], %shift_right_logical3A_1278 {strides = array<i32>} : memref<4x128xi32, #tpu.memory_space<vmem>>, vector<16xi32>,
        %mul3A_1283 = arith.constant 128 : i32
        %mul3A_1284 = arith.muli %add3A_1165, %mul3A_1283 : i32
        %add3A_1285 = arith.constant 64 : i32
        %add3A_1286 = arith.addi %mul3A_1284, %add3A_1285 : i32
        %get3A_1287 = arith.index_cast %add3A_1286 : i32 to index
        %get3A_1288 = tpu.vector_load %arg16[%get3A_1287] {strides = array<i32>} : memref<10240xi32, #tpu.memory_space<vmem>>, vector<16xi32>,
        %and3A_1289 = arith.constant 16383 : i32
        %and3A_1290 = vector.broadcast %and3A_1289 : i32 to vector<16xi32>
        %and3A_1291 = arith.andi %get3A_1288, %and3A_1290 : vector<16xi32>
        %swap3A_1292 = arith.constant 3 : i32
        %swap3A_1293 = arith.index_cast %swap3A_1292 : i32 to index
        %swap3A_1294 = arith.constant 64 : index
        %swap3A_1295 = tpu.vector_load %arg18[%swap3A_1293, %swap3A_1294] {strides = array<i32>} : memref<4x128xi32, #tpu.memory_space<vmem>>, vector<16xi32>,
        tpu.vector_store %arg18[%swap3A_1293, %swap3A_1294], %and3A_1291 {strides = array<i32>} : memref<4x128xi32, #tpu.memory_space<vmem>>, vector<16xi32>,
        %shift_right_logical3A_1296 = arith.constant 14 : i32
        %shift_right_logical3A_1297 = vector.broadcast %shift_right_logical3A_1296 : i32 to vector<16xi32>
        %shift_right_logical3A_1298 = arith.shrui %get3A_1288, %shift_right_logical3A_1297 : vector<16xi32>
        %swap3A_1299 = arith.constant 3 : i32
        %swap3A_1300 = arith.index_cast %swap3A_1299 : i32 to index
        %swap3A_1301 = arith.constant 64 : index
        %swap3A_1302 = tpu.vector_load %arg19[%swap3A_1300, %swap3A_1301] {strides = array<i32>} : memref<4x128xi32, #tpu.memory_space<vmem>>, vector<16xi32>,
        tpu.vector_store %arg19[%swap3A_1300, %swap3A_1301], %shift_right_logical3A_1298 {strides = array<i32>} : memref<4x128xi32, #tpu.memory_space<vmem>>, vector<16xi32>,
        %mul3A_1303 = arith.constant 128 : i32
        %mul3A_1304 = arith.muli %add3A_1165, %mul3A_1303 : i32
        %add3A_1305 = arith.constant 80 : i32
        %add3A_1306 = arith.addi %mul3A_1304, %add3A_1305 : i32
        %get3A_1307 = arith.index_cast %add3A_1306 : i32 to index
        %get3A_1308 = tpu.vector_load %arg16[%get3A_1307] {strides = array<i32>} : memref<10240xi32, #tpu.memory_space<vmem>>, vector<16xi32>,
        %and3A_1309 = arith.constant 16383 : i32
        %and3A_1310 = vector.broadcast %and3A_1309 : i32 to vector<16xi32>
        %and3A_1311 = arith.andi %get3A_1308, %and3A_1310 : vector<16xi32>
        %swap3A_1312 = arith.constant 3 : i32
        %swap3A_1313 = arith.index_cast %swap3A_1312 : i32 to index
        %swap3A_1314 = arith.constant 80 : index
        %swap3A_1315 = tpu.vector_load %arg18[%swap3A_1313, %swap3A_1314] {strides = array<i32>} : memref<4x128xi32, #tpu.memory_space<vmem>>, vector<16xi32>,
        tpu.vector_store %arg18[%swap3A_1313, %swap3A_1314], %and3A_1311 {strides = array<i32>} : memref<4x128xi32, #tpu.memory_space<vmem>>, vector<16xi32>,
        %shift_right_logical3A_1316 = arith.constant 14 : i32
        %shift_right_logical3A_1317 = vector.broadcast %shift_right_logical3A_1316 : i32 to vector<16xi32>
        %shift_right_logical3A_1318 = arith.shrui %get3A_1308, %shift_right_logical3A_1317 : vector<16xi32>
        %swap3A_1319 = arith.constant 3 : i32
        %swap3A_1320 = arith.index_cast %swap3A_1319 : i32 to index
        %swap3A_1321 = arith.constant 80 : index
        %swap3A_1322 = tpu.vector_load %arg19[%swap3A_1320, %swap3A_1321] {strides = array<i32>} : memref<4x128xi32, #tpu.memory_space<vmem>>, vector<16xi32>,
        tpu.vector_store %arg19[%swap3A_1320, %swap3A_1321], %shift_right_logical3A_1318 {strides = array<i32>} : memref<4x128xi32, #tpu.memory_space<vmem>>, vector<16xi32>,
        %mul3A_1323 = arith.constant 128 : i32
        %mul3A_1324 = arith.muli %add3A_1165, %mul3A_1323 : i32
        %add3A_1325 = arith.constant 96 : i32
        %add3A_1326 = arith.addi %mul3A_1324, %add3A_1325 : i32
        %get3A_1327 = arith.index_cast %add3A_1326 : i32 to index
        %get3A_1328 = tpu.vector_load %arg16[%get3A_1327] {strides = array<i32>} : memref<10240xi32, #tpu.memory_space<vmem>>, vector<16xi32>,
        %and3A_1329 = arith.constant 16383 : i32
        %and3A_1330 = vector.broadcast %and3A_1329 : i32 to vector<16xi32>
        %and3A_1331 = arith.andi %get3A_1328, %and3A_1330 : vector<16xi32>
        %swap3A_1332 = arith.constant 3 : i32
        %swap3A_1333 = arith.index_cast %swap3A_1332 : i32 to index
        %swap3A_1334 = arith.constant 96 : index
        %swap3A_1335 = tpu.vector_load %arg18[%swap3A_1333, %swap3A_1334] {strides = array<i32>} : memref<4x128xi32, #tpu.memory_space<vmem>>, vector<16xi32>,
        tpu.vector_store %arg18[%swap3A_1333, %swap3A_1334], %and3A_1331 {strides = array<i32>} : memref<4x128xi32, #tpu.memory_space<vmem>>, vector<16xi32>,
        %shift_right_logical3A_1336 = arith.constant 14 : i32
        %shift_right_logical3A_1337 = vector.broadcast %shift_right_logical3A_1336 : i32 to vector<16xi32>
        %shift_right_logical3A_1338 = arith.shrui %get3A_1328, %shift_right_logical3A_1337 : vector<16xi32>
        %swap3A_1339 = arith.constant 3 : i32
        %swap3A_1340 = arith.index_cast %swap3A_1339 : i32 to index
        %swap3A_1341 = arith.constant 96 : index
        %swap3A_1342 = tpu.vector_load %arg19[%swap3A_1340, %swap3A_1341] {strides = array<i32>} : memref<4x128xi32, #tpu.memory_space<vmem>>, vector<16xi32>,
        tpu.vector_store %arg19[%swap3A_1340, %swap3A_1341], %shift_right_logical3A_1338 {strides = array<i32>} : memref<4x128xi32, #tpu.memory_space<vmem>>, vector<16xi32>,
        %mul3A_1343 = arith.constant 128 : i32
        %mul3A_1344 = arith.muli %add3A_1165, %mul3A_1343 : i32
        %add3A_1345 = arith.constant 112 : i32
        %add3A_1346 = arith.addi %mul3A_1344, %add3A_1345 : i32
        %get3A_1347 = arith.index_cast %add3A_1346 : i32 to index
        %get3A_1348 = tpu.vector_load %arg16[%get3A_1347] {strides = array<i32>} : memref<10240xi32, #tpu.memory_space<vmem>>, vector<16xi32>,
        %and3A_1349 = arith.constant 16383 : i32
        %and3A_1350 = vector.broadcast %and3A_1349 : i32 to vector<16xi32>
        %and3A_1351 = arith.andi %get3A_1348, %and3A_1350 : vector<16xi32>
        %swap3A_1352 = arith.constant 3 : i32
        %swap3A_1353 = arith.index_cast %swap3A_1352 : i32 to index
        %swap3A_1354 = arith.constant 112 : index
        %swap3A_1355 = tpu.vector_load %arg18[%swap3A_1353, %swap3A_1354] {strides = array<i32>} : memref<4x128xi32, #tpu.memory_space<vmem>>, vector<16xi32>,
        tpu.vector_store %arg18[%swap3A_1353, %swap3A_1354], %and3A_1351 {strides = array<i32>} : memref<4x128xi32, #tpu.memory_space<vmem>>, vector<16xi32>,
        %shift_right_logical3A_1356 = arith.constant 14 : i32
        %shift_right_logical3A_1357 = vector.broadcast %shift_right_logical3A_1356 : i32 to vector<16xi32>
        %shift_right_logical3A_1358 = arith.shrui %get3A_1348, %shift_right_logical3A_1357 : vector<16xi32>
        %swap3A_1359 = arith.constant 3 : i32
        %swap3A_1360 = arith.index_cast %swap3A_1359 : i32 to index
        %swap3A_1361 = arith.constant 112 : index
        %swap3A_1362 = tpu.vector_load %arg19[%swap3A_1360, %swap3A_1361] {strides = array<i32>} : memref<4x128xi32, #tpu.memory_space<vmem>>, vector<16xi32>,
        tpu.vector_store %arg19[%swap3A_1360, %swap3A_1361], %shift_right_logical3A_1358 {strides = array<i32>} : memref<4x128xi32, #tpu.memory_space<vmem>>, vector<16xi32>,
        %dma_start3A_1363 = arith.constant 3 : i32
        %dma_start3A_1364 = arith.constant 3 : i32
        %dma_start3A_1365 = arith.constant 0 : i32
        %dma_start3A_1366 = arith.constant 0 : i32
        %dma_start3A_1367 = tpu.memref_slice %arg20[%dma_start3A_1364, %dma_start3A_1365, %dma_start3A_1366] : memref<4x128x128xbf16, #tpu.memory_space<vmem>> -> memref<1x128x128xbf16, #tpu.memory_space<vmem>>
        %dma_start3A_1368 = tpu.memref_squeeze %dma_start3A_1367 : memref<1x128x128xbf16, #tpu.memory_space<vmem>> -> memref<128x128xbf16, #tpu.memory_space<vmem>>
        %dma_start3A_1369 = arith.constant 0 : i32
        %dma_start3A_1370 = tpu.memref_slice %arg18[%dma_start3A_1363, %dma_start3A_1369] : memref<4x128xi32, #tpu.memory_space<vmem>> -> memref<1x128xi32, #tpu.memory_space<vmem>>
        %dma_start3A_1371 = tpu.memref_squeeze %dma_start3A_1370 : memref<1x128xi32, #tpu.memory_space<vmem>> -> memref<128xi32, #tpu.memory_space<vmem>>
        %dma_start3A_1372 = arith.constant 0 : i32
        %dma_start3A_1373 = arith.constant 0 : i32
        %dma_start3A_1374 = tpu.memref_slice %arg3[%dma_start3A_1372, %dma_start3A_1373] : memref<10000x128xbf16, #tpu.memory_space<hbm>> -> memref<10000x128xbf16, #tpu.memory_space<hbm>>
        tpu.enqueue_indirect_dma source(%dma_start3A_1374 : memref<10000x128xbf16, #tpu.memory_space<hbm>>) target(%dma_start3A_1368 : memref<128x128xbf16, #tpu.memory_space<vmem>>) offsets(%dma_start3A_1371 : memref<128xi32, #tpu.memory_space<vmem>>) semaphore(%arg26 : memref<!tpu.dma_semaphore, #tpu.memory_space<semaphore_mem>>)
      } else {
      }
      %add3A_1179 = arith.constant 0 : i32
      %add3A_1180 = arith.addi %mul3A_1118, %add3A_1179 : i32
      %lt3A_1181 = arith.cmpi slt, %add3A_1180, %select_n3A_916 : i32
      %convert_element_type3A_1182 = arith.extui %lt3A_1181 : i1 to i32
      %cond3A_1183 = arith.constant 0 : i32
      %cond3A_1184 = arith.cmpi ne, %convert_element_type3A_1182, %cond3A_1183 : i32
      scf.if %cond3A_1184 {
        %dma_wait3A_1204 = arith.constant 0 : i32
        %dma_wait3A_1205 = arith.constant 0 : i32
        %dma_wait3A_1206 = arith.constant 0 : i32
        %dma_wait3A_1207 = arith.constant 0 : i32
        %dma_wait3A_1208 = tpu.memref_slice %arg20[%dma_wait3A_1205, %dma_wait3A_1206, %dma_wait3A_1207] : memref<4x128x128xbf16, #tpu.memory_space<vmem>> -> memref<1x128x128xbf16, #tpu.memory_space<vmem>>
        %dma_wait3A_1209 = tpu.memref_squeeze %dma_wait3A_1208 : memref<1x128x128xbf16, #tpu.memory_space<vmem>> -> memref<128x128xbf16, #tpu.memory_space<vmem>>
        %dma_wait3A_1210 = arith.constant 0 : i32
        %dma_wait3A_1211 = tpu.memref_slice %arg18[%dma_wait3A_1204, %dma_wait3A_1210] : memref<4x128xi32, #tpu.memory_space<vmem>> -> memref<1x128xi32, #tpu.memory_space<vmem>>
        %dma_wait3A_1212 = tpu.memref_squeeze %dma_wait3A_1211 : memref<1x128xi32, #tpu.memory_space<vmem>> -> memref<128xi32, #tpu.memory_space<vmem>>
        %dma_wait3A_1213 = arith.constant 0 : i32
        %dma_wait3A_1214 = arith.constant 0 : i32
        %dma_wait3A_1215 = tpu.memref_slice %arg3[%dma_wait3A_1213, %dma_wait3A_1214] : memref<10000x128xbf16, #tpu.memory_space<hbm>> -> memref<10000x128xbf16, #tpu.memory_space<hbm>>
        tpu.wait_indirect_dma semaphore(%arg26 : memref<!tpu.dma_semaphore, #tpu.memory_space<semaphore_mem>>) src(%dma_wait3A_1215 : memref<10000x128xbf16, #tpu.memory_space<hbm>>) dst(%dma_wait3A_1209 : memref<128x128xbf16, #tpu.memory_space<vmem>>)
        %dma_start3A_1216 = arith.constant 0 : i32
        %dma_start3A_1217 = arith.constant 0 : i32
        %dma_start3A_1218 = arith.constant 0 : i32
        %dma_start3A_1219 = arith.constant 0 : i32
        %dma_start3A_1220 = tpu.memref_slice %arg20[%dma_start3A_1216, %dma_start3A_1218, %dma_start3A_1219] : memref<4x128x128xbf16, #tpu.memory_space<vmem>> -> memref<1x128x128xbf16, #tpu.memory_space<vmem>>
        %dma_start3A_1221 = tpu.memref_squeeze %dma_start3A_1220 : memref<1x128x128xbf16, #tpu.memory_space<vmem>> -> memref<128x128xbf16, #tpu.memory_space<vmem>>
        %dma_start3A_1222 = arith.constant 0 : i32
        %dma_start3A_1223 = tpu.memref_slice %arg19[%dma_start3A_1217, %dma_start3A_1222] : memref<4x128xi32, #tpu.memory_space<vmem>> -> memref<1x128xi32, #tpu.memory_space<vmem>>
        %dma_start3A_1224 = tpu.memref_squeeze %dma_start3A_1223 : memref<1x128xi32, #tpu.memory_space<vmem>> -> memref<128xi32, #tpu.memory_space<vmem>>
        %dma_start3A_1225 = arith.constant 0 : i32
        %dma_start3A_1226 = arith.constant 0 : i32
        %dma_start3A_1227 = tpu.memref_slice %arg25[%dma_start3A_1225, %dma_start3A_1226] : memref<4104x128xbf16, #tpu.memory_space<vmem_shared>> -> memref<4104x128xbf16, #tpu.memory_space<vmem_shared>>
        tpu.enqueue_indirect_dma source(%dma_start3A_1221 : memref<128x128xbf16, #tpu.memory_space<vmem>>) target(%dma_start3A_1227 : memref<4104x128xbf16, #tpu.memory_space<vmem_shared>>) offsets(%dma_start3A_1224 : memref<128xi32, #tpu.memory_space<vmem>>) semaphore(%arg27 : memref<!tpu.dma_semaphore, #tpu.memory_space<semaphore_mem>>) {add = true}
      } else {
      }
      %add3A_1185 = arith.constant 1 : i32
      %add3A_1186 = arith.addi %mul3A_1118, %add3A_1185 : i32
      %lt3A_1187 = arith.cmpi slt, %add3A_1186, %select_n3A_916 : i32
      %convert_element_type3A_1188 = arith.extui %lt3A_1187 : i1 to i32
      %cond3A_1189 = arith.constant 0 : i32
      %cond3A_1190 = arith.cmpi ne, %convert_element_type3A_1188, %cond3A_1189 : i32
      scf.if %cond3A_1190 {
        %dma_wait3A_1204 = arith.constant 1 : i32
        %dma_wait3A_1205 = arith.constant 1 : i32
        %dma_wait3A_1206 = arith.constant 0 : i32
        %dma_wait3A_1207 = arith.constant 0 : i32
        %dma_wait3A_1208 = tpu.memref_slice %arg20[%dma_wait3A_1205, %dma_wait3A_1206, %dma_wait3A_1207] : memref<4x128x128xbf16, #tpu.memory_space<vmem>> -> memref<1x128x128xbf16, #tpu.memory_space<vmem>>
        %dma_wait3A_1209 = tpu.memref_squeeze %dma_wait3A_1208 : memref<1x128x128xbf16, #tpu.memory_space<vmem>> -> memref<128x128xbf16, #tpu.memory_space<vmem>>
        %dma_wait3A_1210 = arith.constant 0 : i32
        %dma_wait3A_1211 = tpu.memref_slice %arg18[%dma_wait3A_1204, %dma_wait3A_1210] : memref<4x128xi32, #tpu.memory_space<vmem>> -> memref<1x128xi32, #tpu.memory_space<vmem>>
        %dma_wait3A_1212 = tpu.memref_squeeze %dma_wait3A_1211 : memref<1x128xi32, #tpu.memory_space<vmem>> -> memref<128xi32, #tpu.memory_space<vmem>>
        %dma_wait3A_1213 = arith.constant 0 : i32
        %dma_wait3A_1214 = arith.constant 0 : i32
        %dma_wait3A_1215 = tpu.memref_slice %arg3[%dma_wait3A_1213, %dma_wait3A_1214] : memref<10000x128xbf16, #tpu.memory_space<hbm>> -> memref<10000x128xbf16, #tpu.memory_space<hbm>>
        tpu.wait_indirect_dma semaphore(%arg26 : memref<!tpu.dma_semaphore, #tpu.memory_space<semaphore_mem>>) src(%dma_wait3A_1215 : memref<10000x128xbf16, #tpu.memory_space<hbm>>) dst(%dma_wait3A_1209 : memref<128x128xbf16, #tpu.memory_space<vmem>>)
        %dma_start3A_1216 = arith.constant 1 : i32
        %dma_start3A_1217 = arith.constant 1 : i32
        %dma_start3A_1218 = arith.constant 0 : i32
        %dma_start3A_1219 = arith.constant 0 : i32
        %dma_start3A_1220 = tpu.memref_slice %arg20[%dma_start3A_1216, %dma_start3A_1218, %dma_start3A_1219] : memref<4x128x128xbf16, #tpu.memory_space<vmem>> -> memref<1x128x128xbf16, #tpu.memory_space<vmem>>
        %dma_start3A_1221 = tpu.memref_squeeze %dma_start3A_1220 : memref<1x128x128xbf16, #tpu.memory_space<vmem>> -> memref<128x128xbf16, #tpu.memory_space<vmem>>
        %dma_start3A_1222 = arith.constant 0 : i32
        %dma_start3A_1223 = tpu.memref_slice %arg19[%dma_start3A_1217, %dma_start3A_1222] : memref<4x128xi32, #tpu.memory_space<vmem>> -> memref<1x128xi32, #tpu.memory_space<vmem>>
        %dma_start3A_1224 = tpu.memref_squeeze %dma_start3A_1223 : memref<1x128xi32, #tpu.memory_space<vmem>> -> memref<128xi32, #tpu.memory_space<vmem>>
        %dma_start3A_1225 = arith.constant 0 : i32
        %dma_start3A_1226 = arith.constant 0 : i32
        %dma_start3A_1227 = tpu.memref_slice %arg25[%dma_start3A_1225, %dma_start3A_1226] : memref<4104x128xbf16, #tpu.memory_space<vmem_shared>> -> memref<4104x128xbf16, #tpu.memory_space<vmem_shared>>
        tpu.enqueue_indirect_dma source(%dma_start3A_1221 : memref<128x128xbf16, #tpu.memory_space<vmem>>) target(%dma_start3A_1227 : memref<4104x128xbf16, #tpu.memory_space<vmem_shared>>) offsets(%dma_start3A_1224 : memref<128xi32, #tpu.memory_space<vmem>>) semaphore(%arg27 : memref<!tpu.dma_semaphore, #tpu.memory_space<semaphore_mem>>) {add = true}
      } else {
      }
      %add3A_1191 = arith.constant 2 : i32
      %add3A_1192 = arith.addi %mul3A_1118, %add3A_1191 : i32
      %lt3A_1193 = arith.cmpi slt, %add3A_1192, %select_n3A_916 : i32
      %convert_element_type3A_1194 = arith.extui %lt3A_1193 : i1 to i32
      %cond3A_1195 = arith.constant 0 : i32
      %cond3A_1196 = arith.cmpi ne, %convert_element_type3A_1194, %cond3A_1195 : i32
      scf.if %cond3A_1196 {
        %dma_wait3A_1204 = arith.constant 2 : i32
        %dma_wait3A_1205 = arith.constant 2 : i32
        %dma_wait3A_1206 = arith.constant 0 : i32
        %dma_wait3A_1207 = arith.constant 0 : i32
        %dma_wait3A_1208 = tpu.memref_slice %arg20[%dma_wait3A_1205, %dma_wait3A_1206, %dma_wait3A_1207] : memref<4x128x128xbf16, #tpu.memory_space<vmem>> -> memref<1x128x128xbf16, #tpu.memory_space<vmem>>
        %dma_wait3A_1209 = tpu.memref_squeeze %dma_wait3A_1208 : memref<1x128x128xbf16, #tpu.memory_space<vmem>> -> memref<128x128xbf16, #tpu.memory_space<vmem>>
        %dma_wait3A_1210 = arith.constant 0 : i32
        %dma_wait3A_1211 = tpu.memref_slice %arg18[%dma_wait3A_1204, %dma_wait3A_1210] : memref<4x128xi32, #tpu.memory_space<vmem>> -> memref<1x128xi32, #tpu.memory_space<vmem>>
        %dma_wait3A_1212 = tpu.memref_squeeze %dma_wait3A_1211 : memref<1x128xi32, #tpu.memory_space<vmem>> -> memref<128xi32, #tpu.memory_space<vmem>>
        %dma_wait3A_1213 = arith.constant 0 : i32
        %dma_wait3A_1214 = arith.constant 0 : i32
        %dma_wait3A_1215 = tpu.memref_slice %arg3[%dma_wait3A_1213, %dma_wait3A_1214] : memref<10000x128xbf16, #tpu.memory_space<hbm>> -> memref<10000x128xbf16, #tpu.memory_space<hbm>>
        tpu.wait_indirect_dma semaphore(%arg26 : memref<!tpu.dma_semaphore, #tpu.memory_space<semaphore_mem>>) src(%dma_wait3A_1215 : memref<10000x128xbf16, #tpu.memory_space<hbm>>) dst(%dma_wait3A_1209 : memref<128x128xbf16, #tpu.memory_space<vmem>>)
        %dma_start3A_1216 = arith.constant 2 : i32
        %dma_start3A_1217 = arith.constant 2 : i32
        %dma_start3A_1218 = arith.constant 0 : i32
        %dma_start3A_1219 = arith.constant 0 : i32
        %dma_start3A_1220 = tpu.memref_slice %arg20[%dma_start3A_1216, %dma_start3A_1218, %dma_start3A_1219] : memref<4x128x128xbf16, #tpu.memory_space<vmem>> -> memref<1x128x128xbf16, #tpu.memory_space<vmem>>
        %dma_start3A_1221 = tpu.memref_squeeze %dma_start3A_1220 : memref<1x128x128xbf16, #tpu.memory_space<vmem>> -> memref<128x128xbf16, #tpu.memory_space<vmem>>
        %dma_start3A_1222 = arith.constant 0 : i32
        %dma_start3A_1223 = tpu.memref_slice %arg19[%dma_start3A_1217, %dma_start3A_1222] : memref<4x128xi32, #tpu.memory_space<vmem>> -> memref<1x128xi32, #tpu.memory_space<vmem>>
        %dma_start3A_1224 = tpu.memref_squeeze %dma_start3A_1223 : memref<1x128xi32, #tpu.memory_space<vmem>> -> memref<128xi32, #tpu.memory_space<vmem>>
        %dma_start3A_1225 = arith.constant 0 : i32
        %dma_start3A_1226 = arith.constant 0 : i32
        %dma_start3A_1227 = tpu.memref_slice %arg25[%dma_start3A_1225, %dma_start3A_1226] : memref<4104x128xbf16, #tpu.memory_space<vmem_shared>> -> memref<4104x128xbf16, #tpu.memory_space<vmem_shared>>
        tpu.enqueue_indirect_dma source(%dma_start3A_1221 : memref<128x128xbf16, #tpu.memory_space<vmem>>) target(%dma_start3A_1227 : memref<4104x128xbf16, #tpu.memory_space<vmem_shared>>) offsets(%dma_start3A_1224 : memref<128xi32, #tpu.memory_space<vmem>>) semaphore(%arg27 : memref<!tpu.dma_semaphore, #tpu.memory_space<semaphore_mem>>) {add = true}
      } else {
      }
      %add3A_1197 = arith.constant 3 : i32
      %add3A_1198 = arith.addi %mul3A_1118, %add3A_1197 : i32
      %lt3A_1199 = arith.cmpi slt, %add3A_1198, %select_n3A_916 : i32
      %convert_element_type3A_1200 = arith.extui %lt3A_1199 : i1 to i32
      %cond3A_1201 = arith.constant 0 : i32
      %cond3A_1202 = arith.cmpi ne, %convert_element_type3A_1200, %cond3A_1201 : i32
      scf.if %cond3A_1202 {
        %dma_wait3A_1204 = arith.constant 3 : i32
        %dma_wait3A_1205 = arith.constant 3 : i32
        %dma_wait3A_1206 = arith.constant 0 : i32
        %dma_wait3A_1207 = arith.constant 0 : i32
        %dma_wait3A_1208 = tpu.memref_slice %arg20[%dma_wait3A_1205, %dma_wait3A_1206, %dma_wait3A_1207] : memref<4x128x128xbf16, #tpu.memory_space<vmem>> -> memref<1x128x128xbf16, #tpu.memory_space<vmem>>
        %dma_wait3A_1209 = tpu.memref_squeeze %dma_wait3A_1208 : memref<1x128x128xbf16, #tpu.memory_space<vmem>> -> memref<128x128xbf16, #tpu.memory_space<vmem>>
        %dma_wait3A_1210 = arith.constant 0 : i32
        %dma_wait3A_1211 = tpu.memref_slice %arg18[%dma_wait3A_1204, %dma_wait3A_1210] : memref<4x128xi32, #tpu.memory_space<vmem>> -> memref<1x128xi32, #tpu.memory_space<vmem>>
        %dma_wait3A_1212 = tpu.memref_squeeze %dma_wait3A_1211 : memref<1x128xi32, #tpu.memory_space<vmem>> -> memref<128xi32, #tpu.memory_space<vmem>>
        %dma_wait3A_1213 = arith.constant 0 : i32
        %dma_wait3A_1214 = arith.constant 0 : i32
        %dma_wait3A_1215 = tpu.memref_slice %arg3[%dma_wait3A_1213, %dma_wait3A_1214] : memref<10000x128xbf16, #tpu.memory_space<hbm>> -> memref<10000x128xbf16, #tpu.memory_space<hbm>>
        tpu.wait_indirect_dma semaphore(%arg26 : memref<!tpu.dma_semaphore, #tpu.memory_space<semaphore_mem>>) src(%dma_wait3A_1215 : memref<10000x128xbf16, #tpu.memory_space<hbm>>) dst(%dma_wait3A_1209 : memref<128x128xbf16, #tpu.memory_space<vmem>>)
        %dma_start3A_1216 = arith.constant 3 : i32
        %dma_start3A_1217 = arith.constant 3 : i32
        %dma_start3A_1218 = arith.constant 0 : i32
        %dma_start3A_1219 = arith.constant 0 : i32
        %dma_start3A_1220 = tpu.memref_slice %arg20[%dma_start3A_1216, %dma_start3A_1218, %dma_start3A_1219] : memref<4x128x128xbf16, #tpu.memory_space<vmem>> -> memref<1x128x128xbf16, #tpu.memory_space<vmem>>
        %dma_start3A_1221 = tpu.memref_squeeze %dma_start3A_1220 : memref<1x128x128xbf16, #tpu.memory_space<vmem>> -> memref<128x128xbf16, #tpu.memory_space<vmem>>
        %dma_start3A_1222 = arith.constant 0 : i32
        %dma_start3A_1223 = tpu.memref_slice %arg19[%dma_start3A_1217, %dma_start3A_1222] : memref<4x128xi32, #tpu.memory_space<vmem>> -> memref<1x128xi32, #tpu.memory_space<vmem>>
        %dma_start3A_1224 = tpu.memref_squeeze %dma_start3A_1223 : memref<1x128xi32, #tpu.memory_space<vmem>> -> memref<128xi32, #tpu.memory_space<vmem>>
        %dma_start3A_1225 = arith.constant 0 : i32
        %dma_start3A_1226 = arith.constant 0 : i32
        %dma_start3A_1227 = tpu.memref_slice %arg25[%dma_start3A_1225, %dma_start3A_1226] : memref<4104x128xbf16, #tpu.memory_space<vmem_shared>> -> memref<4104x128xbf16, #tpu.memory_space<vmem_shared>>
        tpu.enqueue_indirect_dma source(%dma_start3A_1221 : memref<128x128xbf16, #tpu.memory_space<vmem>>) target(%dma_start3A_1227 : memref<4104x128xbf16, #tpu.memory_space<vmem_shared>>) offsets(%dma_start3A_1224 : memref<128xi32, #tpu.memory_space<vmem>>) semaphore(%arg27 : memref<!tpu.dma_semaphore, #tpu.memory_space<semaphore_mem>>) {add = true}
      } else {
      }
      %while3A_1203 = arith.constant 0 : i32
      scf.yield %while3A_1203 : i32
    }
    %gt3A = arith.constant 0 : i32
    %gt3A_1037 = arith.cmpi sgt, %select_n3A_1024, %gt3A : i32
    %sub3A_1038 = arith.constant 1 : i32
    %sub3A_1039 = arith.subi %select_n3A_1024, %sub3A_1038 : i32
    %mul3A_1040 = arith.constant 4 : i32
    %mul3A_1041 = arith.muli %sub3A_1039, %mul3A_1040 : i32
    %add3A_1042 = arith.constant 0 : i32
    %add3A_1043 = arith.addi %mul3A_1041, %add3A_1042 : i32
    %lt3A = arith.cmpi slt, %add3A_1043, %select_n3A_916 : i32
    %and3A_1044 = arith.andi %gt3A_1037, %lt3A : i1
    %convert_element_type3A_1045 = arith.extui %and3A_1044 : i1 to i32
    %cond3A_1046 = arith.constant 0 : i32
    %cond3A_1047 = arith.cmpi ne, %convert_element_type3A_1045, %cond3A_1046 : i32
    scf.if %cond3A_1047 {
      %dma_wait3A_1115 = arith.constant 0 : i32
      %dma_wait3A_1116 = arith.constant 0 : i32
      %dma_wait3A_1117 = arith.constant 0 : i32
      %dma_wait3A_1118 = arith.constant 0 : i32
      %dma_wait3A_1119 = tpu.memref_slice %arg20[%dma_wait3A_1115, %dma_wait3A_1117, %dma_wait3A_1118] : memref<4x128x128xbf16, #tpu.memory_space<vmem>> -> memref<1x128x128xbf16, #tpu.memory_space<vmem>>
      %dma_wait3A_1120 = tpu.memref_squeeze %dma_wait3A_1119 : memref<1x128x128xbf16, #tpu.memory_space<vmem>> -> memref<128x128xbf16, #tpu.memory_space<vmem>>
      %dma_wait3A_1121 = arith.constant 0 : i32
      %dma_wait3A_1122 = tpu.memref_slice %arg19[%dma_wait3A_1116, %dma_wait3A_1121] : memref<4x128xi32, #tpu.memory_space<vmem>> -> memref<1x128xi32, #tpu.memory_space<vmem>>
      %dma_wait3A_1123 = tpu.memref_squeeze %dma_wait3A_1122 : memref<1x128xi32, #tpu.memory_space<vmem>> -> memref<128xi32, #tpu.memory_space<vmem>>
      %dma_wait3A_1124 = arith.constant 0 : i32
      %dma_wait3A_1125 = arith.constant 0 : i32
      %dma_wait3A_1126 = tpu.memref_slice %arg25[%dma_wait3A_1124, %dma_wait3A_1125] : memref<4104x128xbf16, #tpu.memory_space<vmem_shared>> -> memref<4104x128xbf16, #tpu.memory_space<vmem_shared>>
      tpu.wait_indirect_dma semaphore(%arg27 : memref<!tpu.dma_semaphore, #tpu.memory_space<semaphore_mem>>) src(%dma_wait3A_1120 : memref<128x128xbf16, #tpu.memory_space<vmem>>) dst(%dma_wait3A_1126 : memref<4104x128xbf16, #tpu.memory_space<vmem_shared>>)
    } else {
    }
    %gt3A_1048 = arith.constant 0 : i32
    %gt3A_1049 = arith.cmpi sgt, %select_n3A_1024, %gt3A_1048 : i32
    %sub3A_1050 = arith.constant 1 : i32
    %sub3A_1051 = arith.subi %select_n3A_1024, %sub3A_1050 : i32
    %mul3A_1052 = arith.constant 4 : i32
    %mul3A_1053 = arith.muli %sub3A_1051, %mul3A_1052 : i32
    %add3A_1054 = arith.constant 1 : i32
    %add3A_1055 = arith.addi %mul3A_1053, %add3A_1054 : i32
    %lt3A_1056 = arith.cmpi slt, %add3A_1055, %select_n3A_916 : i32
    %and3A_1057 = arith.andi %gt3A_1049, %lt3A_1056 : i1
    %convert_element_type3A_1058 = arith.extui %and3A_1057 : i1 to i32
    %cond3A_1059 = arith.constant 0 : i32
    %cond3A_1060 = arith.cmpi ne, %convert_element_type3A_1058, %cond3A_1059 : i32
    scf.if %cond3A_1060 {
      %dma_wait3A_1115 = arith.constant 1 : i32
      %dma_wait3A_1116 = arith.constant 1 : i32
      %dma_wait3A_1117 = arith.constant 0 : i32
      %dma_wait3A_1118 = arith.constant 0 : i32
      %dma_wait3A_1119 = tpu.memref_slice %arg20[%dma_wait3A_1115, %dma_wait3A_1117, %dma_wait3A_1118] : memref<4x128x128xbf16, #tpu.memory_space<vmem>> -> memref<1x128x128xbf16, #tpu.memory_space<vmem>>
      %dma_wait3A_1120 = tpu.memref_squeeze %dma_wait3A_1119 : memref<1x128x128xbf16, #tpu.memory_space<vmem>> -> memref<128x128xbf16, #tpu.memory_space<vmem>>
      %dma_wait3A_1121 = arith.constant 0 : i32
      %dma_wait3A_1122 = tpu.memref_slice %arg19[%dma_wait3A_1116, %dma_wait3A_1121] : memref<4x128xi32, #tpu.memory_space<vmem>> -> memref<1x128xi32, #tpu.memory_space<vmem>>
      %dma_wait3A_1123 = tpu.memref_squeeze %dma_wait3A_1122 : memref<1x128xi32, #tpu.memory_space<vmem>> -> memref<128xi32, #tpu.memory_space<vmem>>
      %dma_wait3A_1124 = arith.constant 0 : i32
      %dma_wait3A_1125 = arith.constant 0 : i32
      %dma_wait3A_1126 = tpu.memref_slice %arg25[%dma_wait3A_1124, %dma_wait3A_1125] : memref<4104x128xbf16, #tpu.memory_space<vmem_shared>> -> memref<4104x128xbf16, #tpu.memory_space<vmem_shared>>
      tpu.wait_indirect_dma semaphore(%arg27 : memref<!tpu.dma_semaphore, #tpu.memory_space<semaphore_mem>>) src(%dma_wait3A_1120 : memref<128x128xbf16, #tpu.memory_space<vmem>>) dst(%dma_wait3A_1126 : memref<4104x128xbf16, #tpu.memory_space<vmem_shared>>)
    } else {
    }
    %gt3A_1061 = arith.constant 0 : i32
    %gt3A_1062 = arith.cmpi sgt, %select_n3A_1024, %gt3A_1061 : i32
    %sub3A_1063 = arith.constant 1 : i32
    %sub3A_1064 = arith.subi %select_n3A_1024, %sub3A_1063 : i32
    %mul3A_1065 = arith.constant 4 : i32
    %mul3A_1066 = arith.muli %sub3A_1064, %mul3A_1065 : i32
    %add3A_1067 = arith.constant 2 : i32
    %add3A_1068 = arith.addi %mul3A_1066, %add3A_1067 : i32
    %lt3A_1069 = arith.cmpi slt, %add3A_1068, %select_n3A_916 : i32
    %and3A_1070 = arith.andi %gt3A_1062, %lt3A_1069 : i1
    %convert_element_type3A_1071 = arith.extui %and3A_1070 : i1 to i32
    %cond3A_1072 = arith.constant 0 : i32
    %cond3A_1073 = arith.cmpi ne, %convert_element_type3A_1071, %cond3A_1072 : i32
    scf.if %cond3A_1073 {
      %dma_wait3A_1115 = arith.constant 2 : i32
      %dma_wait3A_1116 = arith.constant 2 : i32
      %dma_wait3A_1117 = arith.constant 0 : i32
      %dma_wait3A_1118 = arith.constant 0 : i32
      %dma_wait3A_1119 = tpu.memref_slice %arg20[%dma_wait3A_1115, %dma_wait3A_1117, %dma_wait3A_1118] : memref<4x128x128xbf16, #tpu.memory_space<vmem>> -> memref<1x128x128xbf16, #tpu.memory_space<vmem>>
      %dma_wait3A_1120 = tpu.memref_squeeze %dma_wait3A_1119 : memref<1x128x128xbf16, #tpu.memory_space<vmem>> -> memref<128x128xbf16, #tpu.memory_space<vmem>>
      %dma_wait3A_1121 = arith.constant 0 : i32
      %dma_wait3A_1122 = tpu.memref_slice %arg19[%dma_wait3A_1116, %dma_wait3A_1121] : memref<4x128xi32, #tpu.memory_space<vmem>> -> memref<1x128xi32, #tpu.memory_space<vmem>>
      %dma_wait3A_1123 = tpu.memref_squeeze %dma_wait3A_1122 : memref<1x128xi32, #tpu.memory_space<vmem>> -> memref<128xi32, #tpu.memory_space<vmem>>
      %dma_wait3A_1124 = arith.constant 0 : i32
      %dma_wait3A_1125 = arith.constant 0 : i32
      %dma_wait3A_1126 = tpu.memref_slice %arg25[%dma_wait3A_1124, %dma_wait3A_1125] : memref<4104x128xbf16, #tpu.memory_space<vmem_shared>> -> memref<4104x128xbf16, #tpu.memory_space<vmem_shared>>
      tpu.wait_indirect_dma semaphore(%arg27 : memref<!tpu.dma_semaphore, #tpu.memory_space<semaphore_mem>>) src(%dma_wait3A_1120 : memref<128x128xbf16, #tpu.memory_space<vmem>>) dst(%dma_wait3A_1126 : memref<4104x128xbf16, #tpu.memory_space<vmem_shared>>)
    } else {
    }
    %gt3A_1074 = arith.constant 0 : i32
    %gt3A_1075 = arith.cmpi sgt, %select_n3A_1024, %gt3A_1074 : i32
    %sub3A_1076 = arith.constant 1 : i32
    %sub3A_1077 = arith.subi %select_n3A_1024, %sub3A_1076 : i32
    %mul3A_1078 = arith.constant 4 : i32
    %mul3A_1079 = arith.muli %sub3A_1077, %mul3A_1078 : i32
    %add3A_1080 = arith.constant 3 : i32
    %add3A_1081 = arith.addi %mul3A_1079, %add3A_1080 : i32
    %lt3A_1082 = arith.cmpi slt, %add3A_1081, %select_n3A_916 : i32
    %and3A_1083 = arith.andi %gt3A_1075, %lt3A_1082 : i1
    %convert_element_type3A_1084 = arith.extui %and3A_1083 : i1 to i32
    %cond3A_1085 = arith.constant 0 : i32
    %cond3A_1086 = arith.cmpi ne, %convert_element_type3A_1084, %cond3A_1085 : i32
    scf.if %cond3A_1086 {
      %dma_wait3A_1115 = arith.constant 3 : i32
      %dma_wait3A_1116 = arith.constant 3 : i32
      %dma_wait3A_1117 = arith.constant 0 : i32
      %dma_wait3A_1118 = arith.constant 0 : i32
      %dma_wait3A_1119 = tpu.memref_slice %arg20[%dma_wait3A_1115, %dma_wait3A_1117, %dma_wait3A_1118] : memref<4x128x128xbf16, #tpu.memory_space<vmem>> -> memref<1x128x128xbf16, #tpu.memory_space<vmem>>
      %dma_wait3A_1120 = tpu.memref_squeeze %dma_wait3A_1119 : memref<1x128x128xbf16, #tpu.memory_space<vmem>> -> memref<128x128xbf16, #tpu.memory_space<vmem>>
      %dma_wait3A_1121 = arith.constant 0 : i32
      %dma_wait3A_1122 = tpu.memref_slice %arg19[%dma_wait3A_1116, %dma_wait3A_1121] : memref<4x128xi32, #tpu.memory_space<vmem>> -> memref<1x128xi32, #tpu.memory_space<vmem>>
      %dma_wait3A_1123 = tpu.memref_squeeze %dma_wait3A_1122 : memref<1x128xi32, #tpu.memory_space<vmem>> -> memref<128xi32, #tpu.memory_space<vmem>>
      %dma_wait3A_1124 = arith.constant 0 : i32
      %dma_wait3A_1125 = arith.constant 0 : i32
      %dma_wait3A_1126 = tpu.memref_slice %arg25[%dma_wait3A_1124, %dma_wait3A_1125] : memref<4104x128xbf16, #tpu.memory_space<vmem_shared>> -> memref<4104x128xbf16, #tpu.memory_space<vmem_shared>>
      tpu.wait_indirect_dma semaphore(%arg27 : memref<!tpu.dma_semaphore, #tpu.memory_space<semaphore_mem>>) src(%dma_wait3A_1120 : memref<128x128xbf16, #tpu.memory_space<vmem>>) dst(%dma_wait3A_1126 : memref<4104x128xbf16, #tpu.memory_space<vmem_shared>>)
    } else {
    }
    %barrier3A_1087 = arith.constant 0 : index
    tpu.barrier barrier_id(%barrier3A_1087)
    "tpu.trace_stop"() : () -> ()
    "tpu.trace_start"() <{level = 10 : i32, message = "p_out"}> : () -> ()
    %mul3A_1088 = arith.constant 256 : i32
    %mul3A_1089 = arith.muli %arg1, %mul3A_1088 : i32
    %mul3A_1090 = arith.constant 256 : i32
    %mul3A_1091 = arith.muli %arg1, %mul3A_1090 : i32
    "tpu.region"() ({
      %run_scoped3A = tpu.sem_alloc : memref<!tpu.dma_semaphore, #tpu.memory_space<semaphore_mem>>
      %dma_start3A_1115 = arith.constant 0 : i32
      %dma_start3A_1116 = tpu.memref_slice %arg7[%arg0, %mul3A_1091, %dma_start3A_1115] : memref<2x4096x128xbf16, #tpu.memory_space<hbm>> -> memref<1x256x128xbf16, #tpu.memory_space<hbm>>
      %dma_start3A_1117 = tpu.memref_squeeze %dma_start3A_1116 : memref<1x256x128xbf16, #tpu.memory_space<hbm>> -> memref<256x128xbf16, #tpu.memory_space<hbm>>
      %dma_start3A_1118 = arith.constant 0 : i32
      %dma_start3A_1119 = tpu.memref_slice %arg25[%mul3A_1089, %dma_start3A_1118] : memref<4104x128xbf16, #tpu.memory_space<vmem_shared>> -> memref<256x128xbf16, #tpu.memory_space<vmem_shared>>
      tpu.enqueue_dma source(%dma_start3A_1119 : memref<256x128xbf16, #tpu.memory_space<vmem_shared>>) target(%dma_start3A_1117 : memref<256x128xbf16, #tpu.memory_space<hbm>>) target_semaphore(%run_scoped3A : memref<!tpu.dma_semaphore, #tpu.memory_space<semaphore_mem>>)
      %dma_wait3A_1120 = arith.constant 0 : i32
      %dma_wait3A_1121 = tpu.memref_slice %arg7[%arg0, %mul3A_1091, %dma_wait3A_1120] : memref<2x4096x128xbf16, #tpu.memory_space<hbm>> -> memref<1x256x128xbf16, #tpu.memory_space<hbm>>
      %dma_wait3A_1122 = tpu.memref_squeeze %dma_wait3A_1121 : memref<1x256x128xbf16, #tpu.memory_space<hbm>> -> memref<256x128xbf16, #tpu.memory_space<hbm>>
      %dma_wait3A_1123 = arith.constant 0 : i32
      %dma_wait3A_1124 = tpu.memref_slice %arg25[%mul3A_1089, %dma_wait3A_1123] : memref<4104x128xbf16, #tpu.memory_space<vmem_shared>> -> memref<256x128xbf16, #tpu.memory_space<vmem_shared>>
      tpu.wait_dma2 semaphore(%run_scoped3A : memref<!tpu.dma_semaphore, #tpu.memory_space<semaphore_mem>>) src(%dma_wait3A_1124 : memref<256x128xbf16, #tpu.memory_space<vmem_shared>>) dst(%dma_wait3A_1122 : memref<256x128xbf16, #tpu.memory_space<hbm>>)
      tpu.yield
    }) : () -> ()
    %mul3A_1092 = arith.constant 4096 : i32
    %mul3A_1093 = arith.muli %arg1, %mul3A_1092 : i32
    "tpu.region"() ({
      %run_scoped3A = tpu.sem_alloc : memref<!tpu.dma_semaphore, #tpu.memory_space<semaphore_mem>>
      %dma_start3A_1115 = arith.constant 0 : i32
      %dma_start3A_1116 = tpu.memref_slice %arg17[%dma_start3A_1115] : memref<4112xi32, #tpu.memory_space<vmem>> -> memref<4096xi32, #tpu.memory_space<vmem>>
      %dma_start3A_1117 = tpu.memref_slice %arg8[%arg0, %mul3A_1093] : memref<2x65536xi32, #tpu.memory_space<hbm>> -> memref<1x4096xi32, #tpu.memory_space<hbm>>
      %dma_start3A_1118 = tpu.memref_squeeze %dma_start3A_1117 : memref<1x4096xi32, #tpu.memory_space<hbm>> -> memref<4096xi32, #tpu.memory_space<hbm>>
      %dma_start3A_1119 = tpu.memref_slice %arg8[%arg0, %mul3A_1093] : memref<2x65536xi32, #tpu.memory_space<hbm>> -> memref<1x4096xi32, #tpu.memory_space<hbm>>
      %dma_start3A_1120 = tpu.memref_squeeze %dma_start3A_1119 : memref<1x4096xi32, #tpu.memory_space<hbm>> -> memref<4096xi32, #tpu.memory_space<hbm>>
      %dma_start3A_1121 = arith.constant 0 : i32
      %dma_start3A_1122 = tpu.memref_slice %arg17[%dma_start3A_1121] : memref<4112xi32, #tpu.memory_space<vmem>> -> memref<4096xi32, #tpu.memory_space<vmem>>
      tpu.enqueue_dma source(%dma_start3A_1122 : memref<4096xi32, #tpu.memory_space<vmem>>) target(%dma_start3A_1120 : memref<4096xi32, #tpu.memory_space<hbm>>) target_semaphore(%run_scoped3A : memref<!tpu.dma_semaphore, #tpu.memory_space<semaphore_mem>>)
      %dma_wait3A_1123 = arith.constant 0 : i32
      %dma_wait3A_1124 = tpu.memref_slice %arg17[%dma_wait3A_1123] : memref<4112xi32, #tpu.memory_space<vmem>> -> memref<4096xi32, #tpu.memory_space<vmem>>
      %dma_wait3A_1125 = tpu.memref_slice %arg8[%arg0, %mul3A_1093] : memref<2x65536xi32, #tpu.memory_space<hbm>> -> memref<1x4096xi32, #tpu.memory_space<hbm>>
      %dma_wait3A_1126 = tpu.memref_squeeze %dma_wait3A_1125 : memref<1x4096xi32, #tpu.memory_space<hbm>> -> memref<4096xi32, #tpu.memory_space<hbm>>
      %dma_wait3A_1127 = tpu.memref_slice %arg8[%arg0, %mul3A_1093] : memref<2x65536xi32, #tpu.memory_space<hbm>> -> memref<1x4096xi32, #tpu.memory_space<hbm>>
      %dma_wait3A_1128 = tpu.memref_squeeze %dma_wait3A_1127 : memref<1x4096xi32, #tpu.memory_space<hbm>> -> memref<4096xi32, #tpu.memory_space<hbm>>
      %dma_wait3A_1129 = arith.constant 0 : i32
      %dma_wait3A_1130 = tpu.memref_slice %arg17[%dma_wait3A_1129] : memref<4112xi32, #tpu.memory_space<vmem>> -> memref<4096xi32, #tpu.memory_space<vmem>>
      tpu.wait_dma2 semaphore(%run_scoped3A : memref<!tpu.dma_semaphore, #tpu.memory_space<semaphore_mem>>) src(%dma_wait3A_1130 : memref<4096xi32, #tpu.memory_space<vmem>>) dst(%dma_wait3A_1128 : memref<4096xi32, #tpu.memory_space<hbm>>)
      tpu.yield
    }) : () -> ()
    %mul3A_1094 = arith.constant 16 : i32
    %mul3A_1095 = arith.muli %add3A, %mul3A_1094 : i32
    %get3A = arith.index_cast %mul3A_1095 : i32 to index
    %get3A_1096 = tpu.vector_load %arg11[%get3A] {strides = array<i32>} : memref<512xi32, #tpu.memory_space<vmem>>, vector<16xi32>,
    %swap3A_1097 = arith.constant 0 : index
    %swap3A_1098 = tpu.vector_load %arg22[%swap3A_1097] {strides = array<i32>} : memref<16xi32, #tpu.memory_space<vmem>>, vector<16xi32>,
    tpu.vector_store %arg22[%swap3A_1097], %get3A_1096 {strides = array<i32>} : memref<16xi32, #tpu.memory_space<vmem>>, vector<16xi32>,
    %dma_start3A_1099 = arith.constant 0 : i32
    %dma_start3A_1100 = arith.constant 0 : i32
    %dma_start3A_1101 = tpu.memref_slice %arg2[%dma_start3A_1099, %dma_start3A_1100] : memref<10000x128xf32, #tpu.memory_space<hbm>> -> memref<10000x128xf32, #tpu.memory_space<hbm>>
    tpu.enqueue_indirect_dma source(%dma_start3A_1101 : memref<10000x128xf32, #tpu.memory_space<hbm>>) target(%arg21 : memref<16x128xf32, #tpu.memory_space<vmem>>) offsets(%arg22 : memref<16xi32, #tpu.memory_space<vmem>>) semaphore(%arg26 : memref<!tpu.dma_semaphore, #tpu.memory_space<semaphore_mem>>)
    %dma_wait3A_1102 = arith.constant 0 : i32
    %dma_wait3A_1103 = arith.constant 0 : i32
    %dma_wait3A_1104 = tpu.memref_slice %arg2[%dma_wait3A_1102, %dma_wait3A_1103] : memref<10000x128xf32, #tpu.memory_space<hbm>> -> memref<10000x128xf32, #tpu.memory_space<hbm>>
    tpu.wait_indirect_dma semaphore(%arg26 : memref<!tpu.dma_semaphore, #tpu.memory_space<semaphore_mem>>) src(%dma_wait3A_1104 : memref<10000x128xf32, #tpu.memory_space<hbm>>) dst(%arg21 : memref<16x128xf32, #tpu.memory_space<vmem>>)
    %mul3A_1105 = arith.constant 16 : i32
    %mul3A_1106 = arith.muli %add3A, %mul3A_1105 : i32
    "tpu.region"() ({
      %run_scoped3A = tpu.sem_alloc : memref<!tpu.dma_semaphore, #tpu.memory_space<semaphore_mem>>
      %dma_start3A_1115 = arith.constant 0 : i32
      %dma_start3A_1116 = tpu.memref_slice %arg9[%mul3A_1106, %dma_start3A_1115] : memref<512x128xf32, #tpu.memory_space<hbm>> -> memref<16x128xf32, #tpu.memory_space<hbm>>
      %dma_start3A_1117 = arith.constant 0 : i32
      %dma_start3A_1118 = tpu.memref_slice %arg9[%mul3A_1106, %dma_start3A_1117] : memref<512x128xf32, #tpu.memory_space<hbm>> -> memref<16x128xf32, #tpu.memory_space<hbm>>
      tpu.enqueue_dma source(%arg21 : memref<16x128xf32, #tpu.memory_space<vmem>>) target(%dma_start3A_1118 : memref<16x128xf32, #tpu.memory_space<hbm>>) target_semaphore(%run_scoped3A : memref<!tpu.dma_semaphore, #tpu.memory_space<semaphore_mem>>)
      %dma_wait3A_1119 = arith.constant 0 : i32
      %dma_wait3A_1120 = tpu.memref_slice %arg9[%mul3A_1106, %dma_wait3A_1119] : memref<512x128xf32, #tpu.memory_space<hbm>> -> memref<16x128xf32, #tpu.memory_space<hbm>>
      %dma_wait3A_1121 = arith.constant 0 : i32
      %dma_wait3A_1122 = tpu.memref_slice %arg9[%mul3A_1106, %dma_wait3A_1121] : memref<512x128xf32, #tpu.memory_space<hbm>> -> memref<16x128xf32, #tpu.memory_space<hbm>>
      tpu.wait_dma2 semaphore(%run_scoped3A : memref<!tpu.dma_semaphore, #tpu.memory_space<semaphore_mem>>) src(%arg21 : memref<16x128xf32, #tpu.memory_space<vmem>>) dst(%dma_wait3A_1122 : memref<16x128xf32, #tpu.memory_space<hbm>>)
      tpu.yield
    }) : () -> ()
    %eq3A_1107 = arith.constant 0 : i32
    %eq3A_1108 = arith.cmpi eq, %arg0, %eq3A_1107 : i32
    %eq3A_1109 = arith.constant 0 : i32
    %eq3A_1110 = arith.cmpi eq, %arg1, %eq3A_1109 : i32
    %and3A_1111 = arith.andi %eq3A_1108, %eq3A_1110 : i1
    %convert_element_type3A_1112 = arith.extui %and3A_1111 : i1 to i32
    %cond3A_1113 = arith.constant 0 : i32
    %cond3A_1114 = arith.cmpi ne, %convert_element_type3A_1112, %cond3A_1113 : i32
    scf.if %cond3A_1114 {
      %scan3A_1115 = arith.constant 0 : i32
      %scan3A_1116 = arith.constant 0 : i32
      %scan3A_1117 = arith.constant 32 : i32
      %scan3A_1118 = arith.addi %scan3A_1116, %scan3A_1117 : i32
      %scan3A_1119 = arith.constant 1 : i32
      %scan3A_1120 = scf.for %scan3A_1122 = %scan3A_1116 to %scan3A_1118 step %scan3A_1119 iter_args(%scan3A_1123 = %scan3A_1115) -> (i32)  : i32 {
        %mul3A_1124 = arith.constant 16 : i32
        %mul3A_1125 = arith.muli %scan3A_1122, %mul3A_1124 : i32
        %get3A_1126 = arith.index_cast %mul3A_1125 : i32 to index
        %get3A_1127 = tpu.vector_load %arg11[%get3A_1126] {strides = array<i32>} : memref<512xi32, #tpu.memory_space<vmem>>, vector<16xi32>,
        %gather3A = tpu.vector_load_idx %arg12[%get3A_1127] : memref<10000xi32, #tpu.memory_space<vmem>>[vector<16xi32>], vector<16xi32>,
        %mul3A_1128 = arith.constant 16 : i32
        %mul3A_1129 = arith.muli %scan3A_1122, %mul3A_1128 : i32
        %swap3A_1130 = arith.index_cast %mul3A_1129 : i32 to index
        %swap3A_1131 = tpu.vector_load %arg23[%swap3A_1130] {strides = array<i32>} : memref<512xi32, #tpu.memory_space<vmem>>, vector<16xi32>,
        tpu.vector_store %arg23[%swap3A_1130], %gather3A {strides = array<i32>} : memref<512xi32, #tpu.memory_space<vmem>>, vector<16xi32>,
        %scan3A_1132 = arith.constant 0 : i32
        scf.yield %scan3A_1132 : i32
      }
      %scan3A_1121 = arith.constant 32 : i32
      "tpu.region"() ({
        %run_scoped3A = tpu.sem_alloc : memref<!tpu.dma_semaphore, #tpu.memory_space<semaphore_mem>>
        tpu.enqueue_dma source(%arg23 : memref<512xi32, #tpu.memory_space<vmem>>) target(%arg10 : memref<512xi32, #tpu.memory_space<hbm>>) target_semaphore(%run_scoped3A : memref<!tpu.dma_semaphore, #tpu.memory_space<semaphore_mem>>)
        tpu.wait_dma2 semaphore(%run_scoped3A : memref<!tpu.dma_semaphore, #tpu.memory_space<semaphore_mem>>) src(%arg23 : memref<512xi32, #tpu.memory_space<vmem>>) dst(%arg10 : memref<512xi32, #tpu.memory_space<hbm>>)
        tpu.yield
      }) : () -> ()
    } else {
    }
    "tpu.trace_stop"() : () -> ()
    return
  }
}

</mosaic_0001>

<sc_bundles>
// kernel: _sc_edge_pass.3.cloned.1.call-start
scs
__scs_entry_jumppad:
0x0: {  	(pc) =	sbr.rel $0x88, $3  }
0x1: {  	(tag) =	ssettag $0x0;
	lr =	simm.s32 $0x1  }
0x2: {  	[smem:$0x3F9C] =	sst lr;
	_ =	strace $0xD0000000  }
0x3: {  	_ = 	snop  }
0x4: {  	_ = 	snop  }
0x5: {  	_ = 	snop  }
0x6: {  	_ = 	snop  }
0x7: {  	_ = 	snop  }
__scs_overlays_trampoline_lowered:
0x8: {  	[smem:$0x3FAB] =	sst s0  }
0x9: {  	[smem:$0x3FAC] =	sst s1  }
0xa: {  	[smem:$0x3FAD] =	sst s2  }
0xb: {  	[smem:$0x3FAE] =	sst s3  }
0xc: {  	[smem:$0x3FAF] =	sst s4  }
0xd: {  	[smem:$0x3FB0] =	sst s5  }
0xe: {  	[smem:$0x3FB1] =	sst s6  }
0xf: {  	[smem:$0x3FB2] =	sst s7  }
0x10: {  	[smem:$0x3FB3] =	sst s8  }
0x11: {  	[smem:$0x3FB4] =	sst s9;
	s0 =	simm.s32 @!p0 $0x0  }
0x12: {  	s1 =	sld [smem:$0x3F9A];
	s0 =	simm.s32 @p0 $0x1  }
0x13: {  	[smem:$0x3FB5] =	sst s0;
	s0 =	simm.s32 @!p1 $0x0  }
0x14: {  	s2 =	sld [smem:$0x3F99];
	s0 =	simm.s32 @p1 $0x1  }
0x15: {  	[smem:$0x3FB6] =	sst s0;
	s0 =	simm.s32 @!p2 $0x0  }
0x16: {  	s3 =	sld [smem:$0x3FDB];
	s0 =	simm.s32 @p2 $0x1  }
0x17: {  	s4 =	simm.s32 $0x1BF5;
	[smem:$0x3FB8] =	sst s0  }
0x18: {  	s0 =	sld [smem:$0x3F9B];
	_ =	swait.ge [sflag:s4], $0x0  }
0x19: {  	s7 =	sld [smem:$0x3F9C]  }
0x1a: {  	s8 =	sadd.s32 $0xFFFFE003, lr  }
0x1b: {  	s9 =	sadd.s32 $0xFFFFFEF7, lr;
	s5 =	simm.s32 $0xFFFFFFFF;
	p2 =	slt.u32 s8, $0xFFFFF086  }
0x1c: {  	p1 =	slt.u32 s9, $0xF7A;
	s5 =	simm.s32 @!p2 $0x0  }
0x1d: {  	s5 =	simm.s32 @p1 $0x1;
	p0 =	seq.s32 s7, s2  }
0x1e: {  	s7 =	smul.u32 @!p0 $0xF7A, s2;
	p2 =	seq.s32 @!p0 s5, $0x0  }
0x1f: {  	s9 =	smul.u32 $0xF7A, s1;
	s8 =	simm.s32 @!p0 $0x1BF5;
	p2 =	por !p2, p0  }
0x20: {  	[sflag:s8] =	ssyncset.s32 @!p0 $0xFFFFF086;
	s6 =	sadd.s32 @!p0 s3, s7;
	s7 =	simm.s32 @!p0 $0x108  }
0x21: {  	s3 =	sadd.s32 s3, s9;
	s6 =	sadd.s32 @!p0 $0x88, s6;
	s7 =	simm.s32 @p2 $0x1082  }
0x22: {  	[simem:s7], [sflag:s8] =	dma.local @!p0 [hbm:s6], $0xF7A  }
0x23: {  	s9 =	sor.u32 $0xD0000000, s2;
	s6 =	simm.s32 $0x108;
	_ =	swait.ge @!p0 [sflag:s8], $0x0  }
0x24: {  	s3 =	sadd.s32 $0x88, s3;
	s6 =	simm.s32 @!p1 $0x1082;
	[sflag:s4] =	ssyncset.s32 $0xFFFFF086  }
0x25: {  	[simem:s6], [sflag:s4] =	dma.local [hbm:s3], $0xF7A  }
0x26: {  	[smem:$0x3F9C] =	sst s1;
	(tag) =	ssettag s2;
	_ =	strace s9  }
0x27: {  	s1 =	sld [smem:$0x3FAC]  }
0x28: {  	s2 =	sld [smem:$0x3FAD]  }
0x29: {  	s4 =	sld [smem:$0x3FAF]  }
0x2a: {  	p0 =	seq.s32 s5, $0x0;
	s5 =	sld [smem:$0x3FB0]  }
0x2b: {  	s6 =	sld [smem:$0x3FB1]  }
0x2c: {  	s7 =	sld [smem:$0x3FB2]  }
0x2d: {  	s3 =	simm.s32 $0x108;
	s8 =	sld [smem:$0x3FB3]  }
0x2e: {  	s3 =	simm.s32 @!p0 $0x1082;
	s9 =	sld [smem:$0x3FB4]  }
0x2f: {  	lr =	sadd.s32 s0, s3;
	s0 =	sld [smem:$0x3FAB]  }
0x30: {  	s3 =	sld [smem:$0x3FAE]  }
0x31: {  	[smem:$0x3FB7] =	sst s10  }
0x32: {  	s10 =	sld [smem:$0x3FB5];
	_ =	sdelay $0x3  }
0x33: {  	p0 =	seq.s32 s10, $0x1;
	s10 =	sld [smem:$0x3FB7];
	_ =	sdelay $0x3  }
0x34: {  	[smem:$0x3FB7] =	sst s10  }
0x35: {  	s10 =	sld [smem:$0x3FB6];
	_ =	sdelay $0x3  }
0x36: {  	p1 =	seq.s32 s10, $0x1;
	s10 =	sld [smem:$0x3FB7];
	_ =	sdelay $0x3  }
0x37: {  	[smem:$0x3FB7] =	sst s10  }
0x38: {  	s10 =	sld [smem:$0x3FB8]  }
0x39: {  	_ = 	snop;
	(pc) =	sbr.ind lr, $3  }
0x3a: {  	_ = 	snop  }
0x3b: {  	_ = 	snop  }
0x3c: {  	p2 =	seq.s32 s10, $0x1;
	s10 =	sld [smem:$0x3FB7]  }
0x3d: {  	_ =	shalt  }
0x3e: {  	_ =	shalt  }
0x3f: {  	_ =	shalt  }
0x40: {  	_ =	shalt  }
0x41: {  	_ =	shalt  }
0x42: {  	_ =	shalt  }
0x43: {  	_ =	shalt  }
0x44: {  	_ =	shalt  }
0x45: {  	_ =	shalt  }
0x46: {  	_ =	shalt  }
0x47: {  	_ =	shalt  }
0x48: {  	_ =	shalt  }
0x49: {  	_ =	shalt  }
0x4a: {  	_ =	shalt  }
0x4b: {  	_ =	shalt  }
0x4c: {  	_ =	shalt  }
0x4d: {  	_ =	shalt  }
0x4e: {  	_ =	shalt  }
0x4f: {  	_ =	shalt  }
0x50: {  	_ =	shalt  }
0x51: {  	_ =	shalt  }
0x52: {  	_ =	shalt  }
0x53: {  	_ =	shalt  }
0x54: {  	_ =	shalt  }
0x55: {  	_ =	shalt  }
0x56: {  	_ =	shalt  }
0x57: {  	_ =	shalt  }
0x58: {  	_ =	shalt  }
0x59: {  	_ =	shalt  }
0x5a: {  	_ =	shalt  }
0x5b: {  	_ =	shalt  }
0x5c: {  	_ =	shalt  }
0x5d: {  	_ =	shalt  }
0x5e: {  	_ =	shalt  }
0x5f: {  	_ =	shalt  }
0x60: {  	_ =	shalt  }
0x61: {  	_ =	shalt  }
0x62: {  	_ =	shalt  }
0x63: {  	_ =	shalt  }
0x64: {  	_ =	shalt  }
0x65: {  	_ =	shalt  }
0x66: {  	_ =	shalt  }
0x67: {  	_ =	shalt  }
0x68: {  	_ =	shalt  }
0x69: {  	_ =	shalt  }
0x6a: {  	_ =	shalt  }
0x6b: {  	_ =	shalt  }
0x6c: {  	_ =	shalt  }
0x6d: {  	_ =	shalt  }
0x6e: {  	_ =	shalt  }
0x6f: {  	_ =	shalt  }
0x70: {  	_ =	shalt  }
0x71: {  	_ =	shalt  }
0x72: {  	_ =	shalt  }
0x73: {  	_ =	shalt  }
0x74: {  	_ =	shalt  }
0x75: {  	_ =	shalt  }
0x76: {  	_ =	shalt  }
0x77: {  	_ =	shalt  }
0x78: {  	_ =	shalt  }
0x79: {  	_ =	shalt  }
0x7a: {  	_ =	shalt  }
0x7b: {  	_ =	shalt  }
0x7c: {  	_ =	shalt  }
0x7d: {  	_ =	shalt  }
0x7e: {  	_ =	shalt  }
0x7f: {  	_ =	shalt  }
0x80: {  	_ =	shalt  }
0x81: {  	_ =	shalt  }
0x82: {  	_ =	shalt  }
0x83: {  	_ =	shalt  }
0x84: {  	_ =	shalt  }
0x85: {  	_ =	shalt  }
0x86: {  	_ =	shalt  }
0x87: {  	_ =	shalt  }
.Lfunc_end0:
.L_simem_size_0:
called_computation_lowered:
.L_overlay_start_0:
0x88: {  	s2 =	sld [smem:$0x3FD9]  }
0x89: {  	s3 =	sld [smem:$0x3FFE];
	_ =	sdelay $0x1  }
0x8a: {  	s1 =	srdreg.scid  }
0x8b: {  	s0 =	sand.u32 $0x1, s1  }
0x8c: {  	s14 =	sshll.u32 s0, $0xA;
	s2 =	sadd.s32 s3, s2  }
0x8d: {  	s2 =	sadd.s32 s2, s14  }
0x8e: {  	[smem:$0x3FC3] =	sst s2  }
0x8f: {  	_ = 	snop  }
0x90: {  	s2 =	sld [smem:$0x3FD0]  }
0x91: {  	s15 =	sld [smem:$0x3FC9]  }
0x92: {  	s4 =	sld [smem:$0x3FC6]  }
0x93: {  	s6 =	simm.s32 $0xA;
	s7 =	simm.s32 $0x10;
	s5 =	sld [smem:$0x3FC5]  }
0x94: {  	[smem:s7], [sflag:s6] =	dma.local [hbm:s2], $0x1  }
0x95: {  	_ =	swait.eq [sflag:s6], $0x1  }
0x96: {  	s16 =	sld [smem:$0x10]  }
0x97: {  	s17 =	sld [smem:$0x11];
	[sflag:s6] =	ssyncset.done $0x0  }
0x98: {  	s8 =	sld [smem:$0x12];
	[sflag:s6] =	ssyncadd.s32 $0xFFFFFFFF  }
0x99: {  	s18 =	sld [smem:$0x13];
	(tm) =	ssettm $0x1  }
0x9a: {  	s9 =	sld [smem:$0x3FFB];
	_ =	sdelay $0x3  }
0x9b: {  	_ =	strace s9  }
0x9c: {  	s9 =	sld [smem:$0x3FFC];
	_ =	sdelay $0x3  }
0x9d: {  	_ =	strace s9  }
0x9e: {  	s9 =	sld [smem:$0x3FFD];
	_ =	sdelay $0x3  }
0x9f: {  	_ =	strace s9  }
0xa0: {  	_ =	strace $0x8FFFFFFF  }
0xa1: {  	s19 =	sld [smem:$0x3FDB];
	_ =	sdelay $0x1  }
0xa2: {  	s10 =	simm.s32 $_scs_section_size  }
0xa3: {  	s11 =	simm.s32 $_size__tile_overlayer_lowered;
	s12 =	simm.s32 $_tile_overlayer_lowered  }
0xa4: {  	s22 =	simm.s32 $0x1BFF;
	s21 =	sshll.u32 s12, $0x1;
	s9 =	sadd.s32 s10, s19  }
0xa5: {  	s13 =	simm.s32 $0x0;
	s20 =	sshll.u32 s11, $0x1;
	s11 =	sadd.s32 s21, s9  }
0xa6: {  	[timem:s13], [sflag:s22] =	dma.local [hbm:s11], s20  }
0xa7: {  	_ =	swait.ge [sflag:s22], s20  }
0xa8: {  	s10 =	ssub.s32 $0x0, s20;
	[sflag:s22] =	ssyncset.done $0x0  }
0xa9: {  	[sflag:s22] =	ssyncadd.s32 s10;
	_ =	sdelay $0x1  }
0xaa: {  	s23 =	simm.s32 $0x1B8B  }
0xab: {  	_ =	swait.ge [sflag:s23], $0x1  }
0xac: {  	[sflag:s23] =	ssyncset.done $0x0  }
0xad: {  	s25 =	simm.s32 $0x1B8E;
	s24 =	sld [smem:$0x3FFE];
	[sflag:s23] =	ssyncadd.s32 $0xFFFFFFFF  }
0xae: {  	s26 =	simm.s32 $execute0_lowered;
	[smem:$0x3FD2] =	sst s25  }
0xaf: {  	s11 =	sshll.u32 s26, $0x1;
	_ =	strace $0x80000046;
	[dreg:$0x1] =	wrdreg $0xFFFFFFFF  }
0xb0: {  	s28 =	simm.s32 $_size_execute0_lowered;
	s9 =	sadd.s32 s9, s11;
	[dreg:$0x0] =	wrdreg $0x0  }
0xb1: {  	s11 =	sshll.u32 s28, $0x1;
	[dreg:$0x2] =	wrdreg s9  }
0xb2: {  	[dreg:$0x3] =	wrdreg s11  }
0xb3: {  	[dreg:$0x4] =	wrdreg $0xC0  }
0xb4: {  	_ =	task [dreg:s13], $0x5FFFF  }
0xb5: {  	[dreg:$0x1] =	wrdreg $0xFFFFFFFF  }
0xb6: {  	[dreg:$0x0] =	wrdreg $0x60  }
0xb7: {  	[dreg:$0x2] =	wrdreg s15  }
0xb8: {  	[dreg:$0x3] =	wrdreg s24  }
0xb9: {  	[dreg:$0x4] =	wrdreg s4  }
0xba: {  	[dreg:$0x5] =	wrdreg s5  }
0xbb: {  	[dreg:$0x6] =	wrdreg s16  }
0xbc: {  	[dreg:$0x7] =	wrdreg s17  }
0xbd: {  	[dreg:$0x8] =	wrdreg s8  }
0xbe: {  	[dreg:$0x9] =	wrdreg s18  }
0xbf: {  	[dreg:$0xa] =	wrdreg $0x16DB00  }
0xc0: {  	[dreg:$0xb] =	wrdreg $0x9  }
0xc1: {  	_ =	task.clear_ibuf [dreg:s13], $0xCFFFF;
	_ =	strace $0x90000046  }
0xc2: {  	s29 =	simm.s32 $0x9;
	_ =	strace $0x80000051  }
0xc3: {  	_ =	swait.ge [sflag:s29], $0x1  }
0xc4: {  	[sflag:s29] =	ssyncadd.s32 $0xFFFFFFFF  }
0xc5: {  	_ =	strace $0x90000051  }
0xc6: {  	_ =	sfence  }
0xc7: {  	s30 =	sld [smem:$0x0];
	_ =	sdelay $0x2  }
0xc8: {  	s31 =	sshll.u32 s1, $0xD;
	s1 =	sshrl.u32 s1, $0x2  }
0xc9: {  	s3 =	sand.u32 $0x4000, s31;
	s1 =	sadd.s32 s1, s30  }
0xca: {  	s0 =	sor.u32 s3, s0;
	s1 =	sshll.u32 s1, $0x11  }
0xcb: {  	s0 =	sor.u32 s1, s0  }
0xcc: {  	s0 =	sadd.s32 $0x8F2B, s0  }
0xcd: {  	[sflag:s0] =	ssyncadd.remote.s32 $0x1  }
0xce: {  	_ =	sfence.sel $0xFFFF  }
0xcf: {  	[dreg:$0x0] =	wrdreg $0xFFFFFFFF;
	(pc) =	sbr.abs _section_cstart, $3  }
0xd0: {  	[dreg:$0x1] =	wrdreg $0xFFFFFFFF  }
0xd1: {  	_ =	task.clear_ibuf [dreg:s13], $0x2FFFF;
	_ =	strace $0x9FFFFFFF  }
0xd2: {  	(tm) =	ssettm $0x7FFFFFFF  }
0xd3: {  	_ =	shalt  }
tec
execute0_lowered:
.L_overlay_start_1:
0x0: {  	(tag) =	ssettag $0x1  }
0x1: {  	s0 =	rddreg [dreg:$0x1]  }
0x2: {  	s1 =	rddreg [dreg:$0x2]  }
0x3: {  	s2 =	rddreg [dreg:$0x4]  }
0x4: {  	s3 =	srdreg.scid;
	s4 =	rddreg [dreg:$0x5]  }
0x5: {  	s6 =	rddreg [dreg:$0x6];
	s13 =	stileid.u32;
	s14 =	simm.s32 $0x0  }
0x6: {  	s30 =	simm.s32 $0x3;
	s3 =	sand.u32 $0x1, s3;
	[smem:$0x7FF] =	sst s14  }
0x7: {  	s23 =	sshll.u32 s13, $0xF;
	s24 =	sshll.u32 s13, $0xE;
	s16 =	sshll.u32 s13, $0x9  }
0x8: {  	s21 =	smul.u32 $0x2710, s13;
	p1 =	sne.s32 s13, $0x0;
	s5 =	sshll.u32 s3, $0x4  }
0x9: {  	s11 =	ssub.s32 $0x2, s3;
	s25 =	sshrl.u32 s23, $0x1;
	s29 =	sshll.u32 s3, $0x13  }
0xa: {  	s8 =	sor.u32 s13, s5;
	s5 =	rddreg [dreg:$0x8];
	_ =	strace $0x80000047  }
0xb: {  	s12 =	sshrl.u32 s11, $0x1;
	s26 =	sadd.s32 s24, s5;
	s15 =	sadd.s32 s25, s5  }
0xc: {  	s9 =	smul.u32 $0x2710, s8;
	s28 =	sadd.s32 $0x800, s26;
	[dreg:$0xf] =	wrdreg s15  }
0xd: {  	s11 =	ssub.s32 s11, s12;
	s12 =	sadd.s32 $0x1000, s26;
	[dreg:$0x10] =	wrdreg s28  }
0xe: {  	s17 =	sshll.u32 s3, $0xD;
	s31 =	sadd.s32 $0x1800, s26;
	[dreg:$0x11] =	wrdreg s12  }
0xf: {  	s18 =	sadd.s32 $0x2800, s26;
	s7 =	sand.u32 $0x7FF80, s9;
	[dreg:$0x12] =	wrdreg s31  }
0x10: {  	s9 =	sand.u32 $0x70, s9;
	s12 =	sadd.s32 $0x2000, s26;
	[dreg:$0x15] =	wrdreg s18  }
0x11: {  	s31 =	sadd.s32 $0x40000, s5;
	s10 =	sshrl.u32 s7, $0x3;
	[dreg:$0x13] =	wrdreg s12  }
0x12: {  	s7 =	sadd.s32 $0xC00, s0;
	s24 =	sor.u32 $0x2700, s9;
	[smem:$0x7FD] =	sst s31  }
0x13: {  	s0 =	sadd.s32 s10, s0;
	s1 =	sadd.s32 s1, s10;
	[dreg:$0x1a] =	wrdreg s24  }
0x14: {  	s20 =	sor.u32 s13, s3;
	s22 =	sadd.s32 $0x14600, s0;
	[dreg:$0xe] =	wrdreg s1  }
0x15: {  	s3 =	simm.s32 $0x9F90;
	s0 =	sadd.s32 $0x1E240, s0;
	[dreg:$0xc] =	wrdreg s22  }
0x16: {  	p0 =	sne.s32 s20, $0x0;
	[dreg:$0xd] =	wrdreg s0;
	s22 =	sadd.s32 $0x3000, s26  }
0x17: {  	s0 =	sor.u32 s23, s29;
	s23 =	sadd.s32 $0x3800, s26;
	[dreg:$0x18] =	wrdreg s22  }
0x18: {  	s26 =	smax.u32 s11, $0x1;
	s0 =	sshrl.u32 s0, $0x4;
	[dreg:$0x19] =	wrdreg s23  }
0x19: {  	s1 =	sadd.s32 s4, s16;
	[dreg:$0x1b] =	wrdreg s26;
	s0 =	sadd.s32 s2, s0  }
0x1a: {  	s19 =	sshll.u32 s8, $0x8;
	[dreg:$0x14] =	wrdreg s0;
	s0 =	sadd.s32 s17, s1  }
0x1b: {  	v0 =	vimm.s32 $0xFFFFFFFF;
	v1 =	vlaneseq.u32;
	vm0 =	vcmask $0x704;
	s1 =	sand.u32 $0x70, s21;
	[dreg:$0x16] =	wrdreg s0;
	s0 =	sadd.s32 s6, s19  }
0x1c: {  	vm1 =	vcmask $0xB08;
	vm2 =	vcmask $0xF0C;
	vm3 =	vcmask $0x1310;
	s13 =	simm.s32 $0x1;
	s28 =	sadd.s32 $0x2930, s1;
	[dreg:$0x17] =	wrdreg s0  }
.Ltmp0:
0x1d: {  	vm4 =	vcmask $0x1714;
	vm5 =	vcmask $0x1B18;
	vm14 =	vcmask $0x3F3C;
	s29 =	sadd.s32 $0x50B0, s1;
	[dreg:$0x1c] =	wrdreg s28;
	(pc) =	sbr.rel .LBB2_1-.Ltmp0, $4  }
0x1e: {  	vm6 =	vcmask $0x1F1C;
	vm7 =	vcmask $0x2320;
	vm8 =	vcmask $0x2724;
	s1 =	sadd.s32 $0x7830, s1;
	s0 =	simm.s32 @!p0 $0x0;
	[dreg:$0x1d] =	wrdreg s29  }
0x1f: {  	vm9 =	vcmask $0x2B28;
	vm10 =	vcmask $0x2F2C;
	vm11 =	vcmask $0x3330;
	s25 =	sshll.u32 s8, $0x6;
	[dreg:$0x1e] =	wrdreg s1;
	s0 =	simm.s32 @p0 $0x1  }
0x20: {  	vm12 =	vcmask $0x3734;
	vm13 =	vcmask $0x3B38;
	v2 =	vimm.bf16 $0.0e+00;
	s8 =	simm.s32 $0x0;
	[smem:$0x7FC] =	sst s0;
	s0 =	sshrl.u32 s25, $0x2  }
0x21: {  	v3 =	vimm.s32 $0x0;
	v4 =	vimm.s32 $0x4000000;
	v5 =	vimm.s32 $0x1;
	s4 =	simm.s32 $0xC790;
	[dreg:$0x1f] =	wrdreg s0;
	s0 =	simm.s32 $0x200  }
.LBB2_23:
0x22: {  	v7 =	vld [tilespmem:s2+$0x0];
	_ =	sdelay $0x6  }
0x23: {  	[tilespmem:s1+$0x163B0] =	vst v6  }
0x24: {  	v6 =	vld.idx.msk [tilespmem:v7+s0+$0x0], $0xffff;
	_ =	sdelay $0x4  }
0x25: {  	s29 =	rddreg [dreg:$0x7];
	s31 =	simm.s32 $0x163B0;
	[tilespmem:s2+$0x163B0] =	vst v6  }
0x26: {  	[hbm4b:s29+s14] =	stream.linear.scatter [tilespmem:s31], [sflag:$0x3], $0x200, $0x200038;
	[tilespmem:$0x1ADD0] =	vst v63  }
0x27: {  	_ =	swait.ge [sflag:s30], $0x200  }
0x28: {  	[sflag:s30] =	ssyncset.done $0x0  }
0x29: {  	[sflag:s30] =	ssyncadd.s32 $0xFFFFFE00  }
.LBB2_24:
0x2a: {  	s8 =	sadd.s32 $0x1, s8;
	s1 =	rddreg [dreg:$0x1b]  }
0x2b: {  	p0 =	sne.s32 s8, s1  }
.Ltmp1:
0x2c: {  	_ = 	snop;
	(pc) =	sbr.rel @!p0 .LBB2_25-.Ltmp1, $2  }
0x2d: {  	_ =	sdelay $0x2  }
0x2e: {  	_ =	strace $0x90000050  }
.LBB2_1:
0x2f: {  	_ =	strace $0x80000048  }
0x30: {  	s1 =	rddreg [dreg:$0x3]  }
0x31: {  	[tilespmem:s14], [sflag:$0x3] =	stream.linear.gather [hbm4b:s1+s14], $0x200, $0x200038;
	[tilespmem:$0x1ADD0] =	vst v63  }
0x32: {  	_ =	swait.ge [sflag:s30], $0x200  }
0x33: {  	[sflag:s30] =	ssyncset.done $0x0  }
0x34: {  	s2 =	simm.s32 $0x2910;
	s25 =	rddreg [dreg:$0xc];
	[sflag:s30] =	ssyncadd.s32 $0xFFFFFE00  }
0x35: {  	[tilespmem:s2], [sflag:$0x1] =	stream.linear.gather [hbm4b:s25+s14], $0x2780, $0x200038;
	[tilespmem:$0x1ADD0] =	vst v63  }
0x36: {  	s28 =	simm.s32 $0x5090;
	s26 =	rddreg [dreg:$0xd]  }
0x37: {  	[tilespmem:s28], [sflag:$0x1] =	stream.linear.gather [hbm4b:s26+s14], $0x2780, $0x200038;
	[tilespmem:$0x1ADD0] =	vst v63  }
0x38: {  	s31 =	simm.s32 $0x7810;
	s29 =	rddreg [dreg:$0xe]  }
0x39: {  	[tilespmem:s31], [sflag:$0x1] =	stream.linear.gather [hbm4b:s29+s14], $0x2780, $0x200038;
	[tilespmem:$0x1ADD0] =	vst v63  }
0x3a: {  	s1 =	simm.s32 $0x240;
	_ =	strace $0x90000048  }
0x3b: {  	_ =	strace $0x80000049;
	[tilespmem:s1+$0xFFFFFFC0] =	vst v0  }
0x3c: {  	[tilespmem:s1+$0x30] =	vst v0  }
0x3d: {  	[tilespmem:s1+$0x20] =	vst v0  }
0x3e: {  	[tilespmem:s1+$0x10] =	vst v0  }
0x3f: {  	[tilespmem:s1+$0x0] =	vst v0  }
0x40: {  	[tilespmem:s1+$0xFFFFFFF0] =	vst v0  }
0x41: {  	s2 =	simm.s32 $0x0;
	[tilespmem:s1+$0xFFFFFFE0] =	vst v0  }
.LBB2_2:
0x42: {  	s2 =	sadd.s32 $0x8, s2;
	[tilespmem:s1+$0xFFFFFFD0] =	vst v0;
	s1 =	sadd.s32 $0x80, s1  }
0x43: {  	[tilespmem:s1+$0xFFFFFFC0] =	vst v0;
	p0 =	slt.u32 s2, $0x268  }
0x44: {  	[tilespmem:s1+$0x30] =	vst v0  }
.Ltmp2:
0x45: {  	[tilespmem:s1+$0x20] =	vst v0;
	(pc) =	sbr.rel @p0 .LBB2_2-.Ltmp2, $4  }
0x46: {  	[tilespmem:s1+$0x10] =	vst v0  }
0x47: {  	[tilespmem:s1+$0x0] =	vst v0  }
0x48: {  	[tilespmem:s1+$0xFFFFFFF0] =	vst v0  }
0x49: {  	[tilespmem:s1+$0xFFFFFFE0] =	vst v0  }
0x4a: {  	[tilespmem:s1+$0xFFFFFFD0] =	vst v0  }
0x4b: {  	[tilespmem:$0x2900] =	vst v0  }
0x4c: {  	_ =	strace $0x90000049  }
0x4d: {  	s1 =	simm.s32 $0x0;
	_ =	strace $0x8000004A  }
0x4e: {  	v6 =	vld [tilespmem:s1+$0x0];
	_ =	sdelay $0x6  }
0x4f: {  	v7 =	vor.u32 s1, v1  }
0x50: {  	[tilespmem:v6+s0+$0x0] =	vst.idx.msk $0x1, v7  }
0x51: {  	[tilespmem:v6+s0+$0x0] =	vst.idx.msk vm0, v7  }
0x52: {  	[tilespmem:v6+s0+$0x0] =	vst.idx.msk vm1, v7  }
0x53: {  	[tilespmem:v6+s0+$0x0] =	vst.idx.msk vm2, v7  }
0x54: {  	[tilespmem:v6+s0+$0x0] =	vst.idx.msk vm3, v7  }
0x55: {  	[tilespmem:v6+s0+$0x0] =	vst.idx.msk vm4, v7  }
0x56: {  	[tilespmem:v6+s0+$0x0] =	vst.idx.msk vm5, v7  }
0x57: {  	[tilespmem:v6+s0+$0x0] =	vst.idx.msk vm6, v7  }
0x58: {  	[tilespmem:v6+s0+$0x0] =	vst.idx.msk vm7, v7  }
0x59: {  	[tilespmem:v6+s0+$0x0] =	vst.idx.msk vm8, v7  }
0x5a: {  	[tilespmem:v6+s0+$0x0] =	vst.idx.msk vm9, v7  }
0x5b: {  	[tilespmem:v6+s0+$0x0] =	vst.idx.msk vm10, v7  }
0x5c: {  	[tilespmem:v6+s0+$0x0] =	vst.idx.msk vm11, v7  }
0x5d: {  	[tilespmem:v6+s0+$0x0] =	vst.idx.msk vm12, v7  }
0x5e: {  	s2 =	simm.s32 $0x10;
	[tilespmem:v6+s0+$0x0] =	vst.idx.msk vm13, v7  }
.LBB2_4:
0x5f: {  	p0 =	sne.s32 s2, $0x1F0  }
0x60: {  	[tilespmem:v6+s0+$0x0] =	vst.idx.msk vm14, v7;
	s1 =	sadd.s32 $0x10, s1;
	s6 =	smov.u32 s2;
	s2 =	sadd.s32 $0x10, s2  }
0x61: {  	v6 =	vld [tilespmem:s1+$0x0];
	_ =	sdelay $0x6  }
0x62: {  	v7 =	vor.u32 s6, v1  }
0x63: {  	[tilespmem:v6+s0+$0x0] =	vst.idx.msk $0x1, v7  }
0x64: {  	[tilespmem:v6+s0+$0x0] =	vst.idx.msk vm0, v7  }
0x65: {  	[tilespmem:v6+s0+$0x0] =	vst.idx.msk vm1, v7  }
0x66: {  	[tilespmem:v6+s0+$0x0] =	vst.idx.msk vm2, v7  }
0x67: {  	[tilespmem:v6+s0+$0x0] =	vst.idx.msk vm3, v7  }
0x68: {  	[tilespmem:v6+s0+$0x0] =	vst.idx.msk vm4, v7  }
0x69: {  	[tilespmem:v6+s0+$0x0] =	vst.idx.msk vm5, v7  }
0x6a: {  	[tilespmem:v6+s0+$0x0] =	vst.idx.msk vm6, v7  }
0x6b: {  	[tilespmem:v6+s0+$0x0] =	vst.idx.msk vm7, v7  }
0x6c: {  	[tilespmem:v6+s0+$0x0] =	vst.idx.msk vm8, v7  }
.Ltmp3:
0x6d: {  	[tilespmem:v6+s0+$0x0] =	vst.idx.msk vm9, v7;
	(pc) =	sbr.rel @p0 .LBB2_4-.Ltmp3, $4  }
0x6e: {  	[tilespmem:v6+s0+$0x0] =	vst.idx.msk vm10, v7  }
0x6f: {  	[tilespmem:v6+s0+$0x0] =	vst.idx.msk vm11, v7  }
0x70: {  	[tilespmem:v6+s0+$0x0] =	vst.idx.msk vm12, v7  }
0x71: {  	[tilespmem:v6+s0+$0x0] =	vst.idx.msk vm13, v7  }
0x72: {  	_ =	sdelay $0x4  }
0x73: {  	[tilespmem:v6+s0+$0x0] =	vst.idx.msk vm14, v7  }
0x74: {  	_ =	strace $0x9000004A  }
0x75: {  	_ =	strace $0x8000004B;
	[tilespmem:$0x165B0] =	vst v2  }
0x76: {  	[tilespmem:$0x165C0] =	vst v2  }
0x77: {  	[tilespmem:$0x165D0] =	vst v2  }
0x78: {  	[tilespmem:$0x165E0] =	vst v2  }
0x79: {  	[tilespmem:$0x165F0] =	vst v2  }
0x7a: {  	[tilespmem:$0x16600] =	vst v2  }
0x7b: {  	[tilespmem:$0x16610] =	vst v2  }
0x7c: {  	[tilespmem:$0x16620] =	vst v2  }
0x7d: {  	[tilespmem:$0x16630] =	vst v2  }
0x7e: {  	[tilespmem:$0x16640] =	vst v2  }
0x7f: {  	[tilespmem:$0x16650] =	vst v2  }
0x80: {  	[tilespmem:$0x16660] =	vst v2  }
0x81: {  	[tilespmem:$0x16670] =	vst v2  }
0x82: {  	[tilespmem:$0x16680] =	vst v2  }
0x83: {  	[tilespmem:$0x16690] =	vst v2  }
0x84: {  	[tilespmem:$0x166A0] =	vst v2  }
0x85: {  	[tilespmem:$0x166B0] =	vst v2  }
0x86: {  	[tilespmem:$0x166C0] =	vst v2  }
0x87: {  	[tilespmem:$0x166D0] =	vst v2  }
0x88: {  	[tilespmem:$0x166E0] =	vst v2  }
0x89: {  	[tilespmem:$0x166F0] =	vst v2  }
0x8a: {  	[tilespmem:$0x16700] =	vst v2  }
0x8b: {  	[tilespmem:$0x16710] =	vst v2  }
0x8c: {  	[tilespmem:$0x16720] =	vst v2  }
0x8d: {  	[tilespmem:$0x16730] =	vst v2  }
0x8e: {  	[tilespmem:$0x16740] =	vst v2  }
0x8f: {  	[tilespmem:$0x16750] =	vst v2  }
0x90: {  	[tilespmem:$0x16760] =	vst v2  }
0x91: {  	[tilespmem:$0x16770] =	vst v2  }
0x92: {  	[tilespmem:$0x16780] =	vst v2  }
0x93: {  	[tilespmem:$0x16790] =	vst v2  }
0x94: {  	[tilespmem:$0x167A0] =	vst v2  }
0x95: {  	[tilespmem:$0x167B0] =	vst v2  }
0x96: {  	[tilespmem:$0x167C0] =	vst v2  }
0x97: {  	[tilespmem:$0x167D0] =	vst v2  }
0x98: {  	[tilespmem:$0x167E0] =	vst v2  }
0x99: {  	[tilespmem:$0x167F0] =	vst v2  }
0x9a: {  	[tilespmem:$0x16800] =	vst v2  }
0x9b: {  	[tilespmem:$0x16810] =	vst v2  }
0x9c: {  	[tilespmem:$0x16820] =	vst v2  }
0x9d: {  	[tilespmem:$0x16830] =	vst v2  }
0x9e: {  	[tilespmem:$0x16840] =	vst v2  }
0x9f: {  	[tilespmem:$0x16850] =	vst v2  }
0xa0: {  	[tilespmem:$0x16860] =	vst v2  }
0xa1: {  	[tilespmem:$0x16870] =	vst v2  }
0xa2: {  	[tilespmem:$0x16880] =	vst v2  }
0xa3: {  	[tilespmem:$0x16890] =	vst v2  }
0xa4: {  	[tilespmem:$0x168A0] =	vst v2  }
0xa5: {  	[tilespmem:$0x168B0] =	vst v2  }
0xa6: {  	[tilespmem:$0x168C0] =	vst v2  }
0xa7: {  	[tilespmem:$0x168D0] =	vst v2  }
0xa8: {  	[tilespmem:$0x168E0] =	vst v2  }
0xa9: {  	[tilespmem:$0x168F0] =	vst v2  }
0xaa: {  	[tilespmem:$0x16900] =	vst v2  }
0xab: {  	[tilespmem:$0x16910] =	vst v2  }
0xac: {  	[tilespmem:$0x16920] =	vst v2  }
0xad: {  	[tilespmem:$0x16930] =	vst v2  }
0xae: {  	[tilespmem:$0x16940] =	vst v2  }
0xaf: {  	[tilespmem:$0x16950] =	vst v2  }
0xb0: {  	[tilespmem:$0x16960] =	vst v2  }
0xb1: {  	[tilespmem:$0x16970] =	vst v2  }
0xb2: {  	[tilespmem:$0x16980] =	vst v2  }
0xb3: {  	[tilespmem:$0x16990] =	vst v2  }
0xb4: {  	[tilespmem:$0x169A0] =	vst v2  }
0xb5: {  	[tilespmem:$0x169B0] =	vst v2  }
0xb6: {  	[tilespmem:$0x169C0] =	vst v2  }
0xb7: {  	[tilespmem:$0x169D0] =	vst v2  }
0xb8: {  	[tilespmem:$0x169E0] =	vst v2  }
0xb9: {  	[tilespmem:$0x169F0] =	vst v2  }
0xba: {  	[tilespmem:$0x16A00] =	vst v2  }
0xbb: {  	[tilespmem:$0x16A10] =	vst v2  }
0xbc: {  	[tilespmem:$0x16A20] =	vst v2  }
0xbd: {  	[tilespmem:$0x16A30] =	vst v2  }
0xbe: {  	[tilespmem:$0x16A40] =	vst v2  }
0xbf: {  	[tilespmem:$0x16A50] =	vst v2  }
0xc0: {  	[tilespmem:$0x16A60] =	vst v2  }
0xc1: {  	[tilespmem:$0x16A70] =	vst v2  }
0xc2: {  	[tilespmem:$0x16A80] =	vst v2  }
0xc3: {  	[tilespmem:$0x16A90] =	vst v2  }
0xc4: {  	[tilespmem:$0x16AA0] =	vst v2  }
0xc5: {  	[tilespmem:$0x16AB0] =	vst v2  }
0xc6: {  	[tilespmem:$0x16AC0] =	vst v2  }
0xc7: {  	[tilespmem:$0x16AD0] =	vst v2  }
0xc8: {  	[tilespmem:$0x16AE0] =	vst v2  }
0xc9: {  	[tilespmem:$0x16AF0] =	vst v2  }
0xca: {  	[tilespmem:$0x16B00] =	vst v2  }
0xcb: {  	[tilespmem:$0x16B10] =	vst v2  }
0xcc: {  	[tilespmem:$0x16B20] =	vst v2  }
0xcd: {  	[tilespmem:$0x16B30] =	vst v2  }
0xce: {  	[tilespmem:$0x16B40] =	vst v2  }
0xcf: {  	[tilespmem:$0x16B50] =	vst v2  }
0xd0: {  	[tilespmem:$0x16B60] =	vst v2  }
0xd1: {  	[tilespmem:$0x16B70] =	vst v2  }
0xd2: {  	[tilespmem:$0x16B80] =	vst v2  }
0xd3: {  	[tilespmem:$0x16B90] =	vst v2  }
0xd4: {  	[tilespmem:$0x16BA0] =	vst v2  }
0xd5: {  	[tilespmem:$0x16BB0] =	vst v2  }
0xd6: {  	[tilespmem:$0x16BC0] =	vst v2  }
0xd7: {  	[tilespmem:$0x16BD0] =	vst v2  }
0xd8: {  	[tilespmem:$0x16BE0] =	vst v2  }
0xd9: {  	[tilespmem:$0x16BF0] =	vst v2  }
0xda: {  	[tilespmem:$0x16C00] =	vst v2  }
0xdb: {  	[tilespmem:$0x16C10] =	vst v2  }
0xdc: {  	[tilespmem:$0x16C20] =	vst v2  }
0xdd: {  	[tilespmem:$0x16C30] =	vst v2  }
0xde: {  	[tilespmem:$0x16C40] =	vst v2  }
0xdf: {  	[tilespmem:$0x16C50] =	vst v2  }
0xe0: {  	[tilespmem:$0x16C60] =	vst v2  }
0xe1: {  	[tilespmem:$0x16C70] =	vst v2  }
0xe2: {  	[tilespmem:$0x16C80] =	vst v2  }
0xe3: {  	[tilespmem:$0x16C90] =	vst v2  }
0xe4: {  	[tilespmem:$0x16CA0] =	vst v2  }
0xe5: {  	[tilespmem:$0x16CB0] =	vst v2  }
0xe6: {  	[tilespmem:$0x16CC0] =	vst v2  }
0xe7: {  	[tilespmem:$0x16CD0] =	vst v2  }
0xe8: {  	[tilespmem:$0x16CE0] =	vst v2  }
0xe9: {  	[tilespmem:$0x16CF0] =	vst v2  }
0xea: {  	[tilespmem:$0x16D00] =	vst v2  }
0xeb: {  	[tilespmem:$0x16D10] =	vst v2  }
0xec: {  	[tilespmem:$0x16D20] =	vst v2  }
0xed: {  	[tilespmem:$0x16D30] =	vst v2  }
0xee: {  	[tilespmem:$0x16D40] =	vst v2  }
0xef: {  	[tilespmem:$0x16D50] =	vst v2  }
0xf0: {  	[tilespmem:$0x16D60] =	vst v2  }
0xf1: {  	[tilespmem:$0x16D70] =	vst v2  }
0xf2: {  	[tilespmem:$0x16D80] =	vst v2  }
0xf3: {  	[tilespmem:$0x16D90] =	vst v2  }
0xf4: {  	s1 =	simm.s32 $0xC7D0;
	[tilespmem:$0x16DA0] =	vst v2  }
0xf5: {  	[tilespmem:s1+$0xFFFFFFC0] =	vst v3  }
0xf6: {  	[tilespmem:s1+$0x30] =	vst v3  }
0xf7: {  	[tilespmem:s1+$0x20] =	vst v3  }
0xf8: {  	[tilespmem:s1+$0x10] =	vst v3  }
0xf9: {  	[tilespmem:s1+$0x0] =	vst v3  }
0xfa: {  	[tilespmem:s1+$0xFFFFFFF0] =	vst v3  }
0xfb: {  	s2 =	simm.s32 $0x0;
	[tilespmem:s1+$0xFFFFFFE0] =	vst v3  }
.LBB2_6:
0xfc: {  	s2 =	sadd.s32 $0x8, s2;
	[tilespmem:s1+$0xFFFFFFD0] =	vst v3;
	s1 =	sadd.s32 $0x80, s1  }
0xfd: {  	[tilespmem:s1+$0xFFFFFFC0] =	vst v3;
	p0 =	slt.u32 s2, $0xF8  }
0xfe: {  	[tilespmem:s1+$0x30] =	vst v3  }
.Ltmp4:
0xff: {  	[tilespmem:s1+$0x20] =	vst v3;
	(pc) =	sbr.rel @p0 .LBB2_6-.Ltmp4, $4  }
0x100: {  	[tilespmem:s1+$0x10] =	vst v3  }
0x101: {  	[tilespmem:s1+$0x0] =	vst v3  }
0x102: {  	[tilespmem:s1+$0xFFFFFFF0] =	vst v3  }
0x103: {  	[tilespmem:s1+$0xFFFFFFE0] =	vst v3  }
0x104: {  	[tilespmem:s1+$0xFFFFFFD0] =	vst v3  }
0x105: {  	s2 =	simm.s32 $0x165B0;
	[tilespmem:$0xD790] =	vst v3  }
0x106: {  	[spmem:s15] =	stream.linear.scatter [tilespmem:s2], [sflag:$0x3], $0x800, $0x200038;
	[tilespmem:$0x1ADD0] =	vst v63  }
0x107: {  	_ =	swait.ge [sflag:s30], $0x800  }
0x108: {  	[sflag:s30] =	ssyncset.done $0x0  }
0x109: {  	s21 =	rddreg [dreg:$0x10];
	[sflag:s30] =	ssyncadd.s32 $0xFFFFF800  }
0x10a: {  	[spmem:s21] =	stream.linear.scatter [tilespmem:s2], [sflag:$0x3], $0x800, $0x200038;
	[tilespmem:$0x1ADD0] =	vst v63  }
0x10b: {  	_ =	swait.ge [sflag:s30], $0x800  }
0x10c: {  	[sflag:s30] =	ssyncset.done $0x0  }
0x10d: {  	s22 =	rddreg [dreg:$0x11];
	[sflag:s30] =	ssyncadd.s32 $0xFFFFF800  }
0x10e: {  	[spmem:s22] =	stream.linear.scatter [tilespmem:s2], [sflag:$0x3], $0x800, $0x200038;
	[tilespmem:$0x1ADD0] =	vst v63  }
0x10f: {  	_ =	swait.ge [sflag:s30], $0x800  }
0x110: {  	[sflag:s30] =	ssyncset.done $0x0  }
0x111: {  	s23 =	rddreg [dreg:$0x12];
	[sflag:s30] =	ssyncadd.s32 $0xFFFFF800  }
0x112: {  	[spmem:s23] =	stream.linear.scatter [tilespmem:s2], [sflag:$0x3], $0x800, $0x200038;
	[tilespmem:$0x1ADD0] =	vst v63  }
0x113: {  	_ =	swait.ge [sflag:s30], $0x800  }
0x114: {  	[sflag:s30] =	ssyncset.done $0x0  }
0x115: {  	s24 =	rddreg [dreg:$0x13];
	[sflag:s30] =	ssyncadd.s32 $0xFFFFF800  }
0x116: {  	[spmem:s24] =	stream.linear.scatter [tilespmem:s2], [sflag:$0x3], $0x800, $0x200038;
	[tilespmem:$0x1ADD0] =	vst v63  }
0x117: {  	_ =	swait.ge [sflag:s30], $0x800  }
0x118: {  	[sflag:s30] =	ssyncset.done $0x0  }
0x119: {  	s25 =	rddreg [dreg:$0x15];
	[sflag:s30] =	ssyncadd.s32 $0xFFFFF800  }
0x11a: {  	[spmem:s25] =	stream.linear.scatter [tilespmem:s2], [sflag:$0x3], $0x800, $0x200038;
	[tilespmem:$0x1ADD0] =	vst v63  }
0x11b: {  	_ =	swait.ge [sflag:s30], $0x800  }
0x11c: {  	[sflag:s30] =	ssyncset.done $0x0  }
0x11d: {  	s26 =	rddreg [dreg:$0x18];
	[sflag:s30] =	ssyncadd.s32 $0xFFFFF800  }
0x11e: {  	[spmem:s26] =	stream.linear.scatter [tilespmem:s2], [sflag:$0x3], $0x800, $0x200038;
	[tilespmem:$0x1ADD0] =	vst v63  }
0x11f: {  	_ =	swait.ge [sflag:s30], $0x800  }
0x120: {  	[sflag:s30] =	ssyncset.done $0x0  }
0x121: {  	s28 =	rddreg [dreg:$0x19];
	[sflag:s30] =	ssyncadd.s32 $0xFFFFF800  }
0x122: {  	[spmem:s28] =	stream.linear.scatter [tilespmem:s2], [sflag:$0x3], $0x800, $0x200038;
	[tilespmem:$0x1ADD0] =	vst v63  }
0x123: {  	_ =	swait.ge [sflag:s30], $0x800  }
0x124: {  	s2 =	sld [smem:$0x7FD]  }
0x125: {  	[sflag:s30] =	ssyncset.done $0x0  }
0x126: {  	s1 =	simm.s32 @!p1 $0x165B0;
	[sflag:s30] =	ssyncadd.s32 $0xFFFFF800  }
0x127: {  	[spmem:s2] =	stream.linear.scatter @!p1 [tilespmem:s1], [sflag:$0x3], $0x200, $0x200038;
	[tilespmem:$0x1ADD0] =	vst v63  }
0x128: {  	s1 =	simm.s32 @!p1 $0x3  }
0x129: {  	_ =	swait.ge @!p1 [sflag:s1], $0x200  }
0x12a: {  	[sflag:s1] =	ssyncset.done @!p1 $0x0  }
0x12b: {  	[sflag:s1] =	ssyncadd.s32 @!p1 $0xFFFFFE00  }
0x12c: {  	_ =	swait.ge [sflag:s13], $0x2780  }
0x12d: {  	[sflag:s13] =	ssyncset.done $0x0  }
0x12e: {  	[sflag:s13] =	ssyncadd.s32 $0xFFFFD880  }
0x12f: {  	_ =	swait.ge [sflag:s13], $0x2780  }
0x130: {  	[sflag:s13] =	ssyncset.done $0x0  }
0x131: {  	[sflag:s13] =	ssyncadd.s32 $0xFFFFD880  }
0x132: {  	_ =	swait.ge [sflag:s13], $0x2780  }
0x133: {  	[sflag:s13] =	ssyncset.done $0x0  }
0x134: {  	[sflag:s13] =	ssyncadd.s32 $0xFFFFD880  }
0x135: {  	[bflag:$0x0] =	sbarrier.arrive $0xFFFF  }
0x136: {  	_ =	strace $0x9000004B  }
0x137: {  	_ =	strace $0x8000004C  }
0x138: {  	s29 =	rddreg [dreg:$0x1c]  }
0x139: {  	v6 =	vld [tilespmem:s29+$0xFFFFFFE0]  }
0x13a: {  	v8 =	vld [tilespmem:s29+$0xFFFFFFF0]  }
0x13b: {  	s31 =	rddreg [dreg:$0x1d];
	v11 =	vld [tilespmem:s29+$0x0]  }
0x13c: {  	v7 =	vld [tilespmem:s31+$0xFFFFFFE0]  }
0x13d: {  	v9 =	vld [tilespmem:s31+$0xFFFFFFF0]  }
0x13e: {  	v10 =	vld [tilespmem:s31+$0x0]  }
0x13f: {  	s6 =	rddreg [dreg:$0x1e];
	v13 =	vld [tilespmem:s31+$0x10]  }
0x140: {  	v14 =	vld [tilespmem:s6+$0xFFFFFFE0]  }
0x141: {  	v15 =	vld [tilespmem:s6+$0xFFFFFFF0]  }
0x142: {  	v16 =	vld [tilespmem:s6+$0x0]  }
0x143: {  	v17 =	vld [tilespmem:s6+$0x10]  }
0x144: {  	v18 =	vld.idx.msk [tilespmem:v7+s0+$0x0], $0xffff  }
0x145: {  	v12 =	vld [tilespmem:s29+$0x10]  }
0x146: {  	v23 =	vld.idx.msk [tilespmem:v9+s0+$0x0], $0xffff  }
0x147: {  	v29 =	vld.idx.msk [tilespmem:v10+s0+$0x0], $0xffff;
	v7 =	vshll.u32 v14, $0x17  }
0x148: {  	s2 =	sadd.s32 $0x40, s31;
	v31 =	vld.idx.msk [tilespmem:v13+s0+$0x0], $0xffff;
	v14 =	vshll.u32 v16, $0x17;
	v10 =	vadd.s32 v6, v7;
	v6 =	vshll.u32 v15, $0x17  }
0x149: {  	v19 =	vld [tilespmem:s2+$0xFFFFFFF0];
	v13 =	vadd.s32 v8, v6;
	v6 =	vshll.u32 v17, $0x17;
	vm0 =	vgt.s32 v18, $0xFFFFFFFF  }
0x14a: {  	v22 =	vld [tilespmem:s2+$0x0];
	v11 =	vadd.s32 v11, v14;
	v14 =	vadd.s32 v12, v6;
	v12 =	vsel vm0, $0x1, v3  }
0x14b: {  	v21 =	vimm.s32 $0x0;
	s9 =	sadd.s32 $0x40, s29;
	v24 =	vld [tilespmem:s2+$0x10];
	(xrf0) =	vadd.scan.msk.s32 $0xffff, v12  }
0x14c: {  	v9 =	vld [tilespmem:s9+$0xFFFFFFE0];
	v15 =	vshll.u32 v18, $0xE;
	vm1 =	vgt.s32 v23, $0xFFFFFFFF;
	vm15 =	vgt.s32 v29, $0xFFFFFFFF  }
0x14d: {  	v17 =	vld [tilespmem:s2+$0xFFFFFFE0];
	vm2 =	vgt.s32 v31, $0xFFFFFFFF;
	v16 =	vmpcnt.ones.xlane vm0;
	v18 =	vsel vm1, $0x1, v3  }
0x14e: {  	v7 =	vld [tilespmem:s9+$0xFFFFFFF0];
	v20 =	vmpcnt.ones.xlane vm1;
	v28 =	vsel vm15, $0x1, v3;
	v30 =	vsel vm0, $0xFFFFFFFF, v3;
	(xrf0) =	vadd.scan.msk.s32 $0xffff, v18  }
0x14f: {  	v8 =	vld [tilespmem:s9+$0x0];
	v33 =	vsel vm2, $0x1, v3;
	v26 =	vsel vm1, $0xFFFFFFFF, v3;
	v34 =	vsel vm15, $0xFFFFFFFF, v3  }
0x150: {  	s10 =	sadd.s32 $0x40, s6;
	v6 =	vld [tilespmem:s9+$0x10];
	v12 =	vmpcnt.ones.xlane vm15;
	v30 =	vadd.s32 v30, v21;
	v16 =	vadd.s32 v21, v16;
	(xrf0) =	vadd.scan.msk.s32 $0xffff, v28  }
0x151: {  	v18 =	vmpcnt.ones.xlane vm2;
	v21 =	vld [tilespmem:s10+$0x0];
	v25 =	vadd.s32 v16, v20;
	v28 =	vshll.u32 v23, $0xE;
	v23, _, _ =	vpop (xrf0);
	(xrf0) =	vadd.scan.msk.s32 $0xffff, v33  }
0x152: {  	v20 =	vld [tilespmem:s10+$0xFFFFFFE0];
	v27 =	vadd.s32 v26, v16;
	v16 =	vsel vm2, $0xFFFFFFFF, v3;
	v32 =	vadd.s32 v25, v12  }
0x153: {  	v26 =	vadd.s32 v34, v25;
	v12 =	vadd.s32 v32, v18;
	v18 =	vld [tilespmem:s10+$0xFFFFFFF0];
	v25 =	vadd.s32 v16, v32  }
0x154: {  	s11 =	simm.s32 $0x4;
	v16 =	vld [tilespmem:s10+$0x10];
	v23 =	vadd.s32 v23, v30;
	v30 =	vshll.u32 v29, $0xE;
	v29 =	vshll.u32 v31, $0xE;
	v31, _, _ =	vpop (xrf0)  }
.LBB2_8:
0x155: {  	s11 =	sadd.s32 $0x4, s11;
	v17 =	vld.idx.msk [tilespmem:v17+s0+$0x0], $0xffff;
	v15 =	vadd.s32 v15, v10;
	v28 =	vadd.s32 v28, v13;
	v27 =	vadd.s32 v31, v27  }
0x156: {  	v29 =	vadd.s32 v29, v14;
	p0 =	slt.u32 s11, $0x26C;
	v31 =	vld.idx.msk [tilespmem:v19+s0+$0x0], $0xffff;
	v19 =	vadd.s32 v30, v11;
	v10, _, _ =	vpop (xrf0);
	v30 =	vmov v12  }
0x157: {  	vm3 =	vmmov vm2;
	v32 =	vld.idx.msk [tilespmem:v22+s0+$0x0], $0xffff;
	v22 =	vadd.s32 v10, v26;
	v10, _, _ =	vpop (xrf0)  }
0x158: {  	s9 =	sadd.s32 $0x40, s9;
	v11 =	vshll.u32 v20, $0x17;
	v33 =	vld.idx.msk [tilespmem:v24+s0+$0x0], $0xffff;
	v20 =	vadd.s32 v10, v25  }
0x159: {  	v10 =	vadd.s32 v9, v11;
	v11 =	vshll.u32 v18, $0x17;
	v14 =	vshll.u32 v21, $0x17;
	v9 =	vld [tilespmem:s9+$0xFFFFFFE0];
	[tilespmem:v23+s3+$0x0] =	vst.idx.msk vm0, v15  }
0x15a: {  	v13 =	vadd.s32 v7, v11;
	v11 =	vadd.s32 v8, v14;
	v14 =	vshll.u32 v16, $0x17;
	v7 =	vld [tilespmem:s9+$0xFFFFFFF0];
	[tilespmem:v27+s3+$0x0] =	vst.idx.msk vm1, v28  }
0x15b: {  	vm0 =	vgt.s32 v17, $0xFFFFFFFF;
	v15 =	vshll.u32 v17, $0xE;
	v14 =	vadd.s32 v6, v14;
	v8 =	vld [tilespmem:s9+$0x0]  }
0x15c: {  	s2 =	sadd.s32 $0x40, s2;
	v16 =	vsel vm0, $0x1, v3;
	v18 =	vmpcnt.ones.xlane vm0;
	vm1 =	vgt.s32 v31, $0xFFFFFFFF;
	v6 =	vld [tilespmem:s9+$0x10];
	[tilespmem:v22+s3+$0x0] =	vst.idx.msk vm15, v19  }
0x15d: {  	v21 =	vsel vm1, $0x1, v3;
	v23 =	vmpcnt.ones.xlane vm1;
	vm15 =	vgt.s32 v32, $0xFFFFFFFF;
	v17 =	vld [tilespmem:s2+$0xFFFFFFE0];
	(xrf0) =	vadd.scan.msk.s32 $0xffff, v16  }
0x15e: {  	v16 =	vadd.s32 v12, v18;
	v12 =	vmpcnt.ones.xlane vm15;
	vm2 =	vgt.s32 v33, $0xFFFFFFFF;
	v19 =	vld [tilespmem:s2+$0xFFFFFFF0];
	(xrf0) =	vadd.scan.msk.s32 $0xffff, v21  }
0x15f: {  	v18 =	vsel vm15, $0x1, v3;
	v21 =	vadd.s32 v16, v23;
	v23 =	vmpcnt.ones.xlane vm2;
	v22 =	vld [tilespmem:s2+$0x0];
	[tilespmem:v20+s3+$0x0] =	vst.idx.msk vm3, v29  }
.Ltmp5:
0x160: {  	s10 =	sadd.s32 $0x40, s10;
	v25 =	vsel vm0, $0xFFFFFFFF, v3;
	v26 =	vsel vm2, $0x1, v3;
	v29 =	vadd.s32 v21, v12;
	v24 =	vld [tilespmem:s2+$0x10];
	(xrf0) =	vadd.scan.msk.s32 $0xffff, v18;
	(pc) =	sbr.rel @p0 .LBB2_8-.Ltmp5, $4  }
0x161: {  	v27 =	vsel vm1, $0xFFFFFFFF, v3;
	v28 =	vsel vm15, $0xFFFFFFFF, v3;
	v12 =	vadd.s32 v29, v23;
	v20 =	vld [tilespmem:s10+$0xFFFFFFE0];
	(xrf0) =	vadd.scan.msk.s32 $0xffff, v26  }
0x162: {  	v27 =	vadd.s32 v27, v16;
	v16 =	vsel vm2, $0xFFFFFFFF, v3;
	v26 =	vadd.s32 v28, v21;
	v18 =	vld [tilespmem:s10+$0xFFFFFFF0]  }
0x163: {  	v23 =	vadd.s32 v25, v30;
	v25 =	vadd.s32 v16, v29;
	v28 =	vshll.u32 v31, $0xE;
	v21 =	vld [tilespmem:s10+$0x0];
	v29, _, _ =	vpop (xrf0)  }
0x164: {  	v30 =	vshll.u32 v32, $0xE;
	v16 =	vld [tilespmem:s10+$0x10];
	v23 =	vadd.s32 v29, v23;
	v29 =	vshll.u32 v33, $0xE;
	v31, _, _ =	vpop (xrf0)  }
0x165: {  	_ =	sdelay $0x3  }
0x166: {  	v17 =	vld.idx.msk [tilespmem:v17+s0+$0x0], $0xffff;
	_ =	sdelay $0x1  }
0x167: {  	v19 =	vld.idx.msk [tilespmem:v19+s0+$0x0], $0xffff  }
0x168: {  	v22 =	vld.idx.msk [tilespmem:v22+s0+$0x0], $0xffff;
	v13 =	vadd.s32 v28, v13;
	v54 =	vadd.s32 v31, v27  }
0x169: {  	v24 =	vld.idx.msk [tilespmem:v24+s0+$0x0], $0xffff;
	v55 =	vimm.s32 $0x0;
	v14 =	vadd.s32 v29, v14;
	v58 =	vimm.s32 $0x0  }
0x16a: {  	v60 =	vimm.s32 $0x0;
	vm2 =	vmmov vm2;
	vm3 =	vgt.s32 v17, $0xFFFFFFFF  }
0x16b: {  	v61 =	vimm.s32 $0x0;
	v62 =	vimm.s32 $0x0;
	v27 =	vsel vm3, $0xFFFFFFFF, v55  }
0x16c: {  	v28 =	vsel vm2, $0xFFFFFFFF, v61;
	v57 =	vsel vm3, $0x1, v3;
	vm3 =	vgt.s32 v19, $0xFFFFFFFF;
	[tilespmem:$0x1FFB0] =	vst v27  }
0x16d: {  	v56, _, _ =	vpop (xrf0);
	[tilespmem:$0x1FFE0] =	vst v28;
	v29 =	vsel vm3, $0xFFFFFFFF, v58;
	v59 =	vsel vm3, $0x1, v3;
	vm3 =	vgt.s32 v22, $0xFFFFFFFF;
	v34 =	vld [tilespmem:$0x1FFB0]  }
0x16e: {  	v26 =	vadd.s32 v56, v26;
	vm2 =	vgt.s32 v24, $0xFFFFFFFF;
	[tilespmem:$0x1FFF0] =	vst v29;
	v29 =	vsel vm3, $0xFFFFFFFF, v60;
	v39 =	vld [tilespmem:$0x1FFB0]  }
0x16f: {  	v28 =	vsel vm2, $0xFFFFFFFF, v62;
	[tilespmem:$0x1FFC0] =	vst v29;
	v36 =	vld [tilespmem:$0x1FFF0]  }
0x170: {  	v10 =	vadd.s32 v15, v10;
	[tilespmem:$0x1FFD0] =	vst v28;
	v38 =	vld [tilespmem:$0x1FFC0]  }
0x171: {  	v43 =	vld [tilespmem:$0x1FFC0];
	[tilespmem:v23+s3+$0x0] =	vst.idx.msk vm0, v10  }
0x172: {  	v11 =	vadd.s32 v30, v11;
	v46 =	vld [tilespmem:$0x1FFD0];
	[tilespmem:v54+s3+$0x0] =	vst.idx.msk vm1, v13  }
0x173: {  	[tilespmem:v26+s3+$0x0] =	vst.idx.msk vm15, v11  }
0x174: {  	(xrf0) =	vadd.scan.msk.s32 $0xffff, v57;
	v52 =	vld [tilespmem:$0x1FFE0];
	_ =	sdelay $0x1  }
0x175: {  	v63 =	vsel vm3, $0x1, v3;
	vm3 =	vnez.u8 v34  }
0x176: {  	v29 =	vmpcnt.ones.xlane vm3;
	vm3 =	vnez.u8 v38  }
0x177: {  	v28 =	vmpcnt.ones.xlane vm3;
	vm3 =	vnez.u8 v39  }
0x178: {  	v33, _, _ =	vpop (xrf0);
	v37 =	vadd.s32 v12, v29;
	v29 =	vsel vm3, $0xFFFFFFFF, v3;
	vm15 =	vnez.u8 v52  }
0x179: {  	v25 =	vadd.s32 v33, v25;
	v42, _, _ =	vpop (xrf0);
	v41 =	vadd.s32 v29, v12  }
0x17a: {  	v12 =	vadd.s32 v42, v41;
	_ =	sdelay $0x1  }
0x17b: {  	v20 =	vshll.u32 v20, $0x17;
	(xrf0) =	vadd.scan.msk.s32 $0xffff, v59  }
0x17c: {  	v9 =	vadd.s32 v9, v20;
	v51 =	vshll.u32 v17, $0xE;
	v35 =	vsel vm2, $0x1, v3;
	(xrf0) =	vadd.scan.msk.s32 $0xffff, v63  }
0x17d: {  	v9 =	vadd.s32 v51, v9;
	(xrf0) =	vadd.scan.msk.s32 $0xffff, v35;
	[tilespmem:v25+s3+$0x0] =	vst.idx.msk vm15, v14  }
0x17e: {  	vm2 =	vnez.u8 v36;
	[tilespmem:v12+s3+$0x0] =	vst.idx.msk vm3, v9  }
0x17f: {  	v20 =	vmpcnt.ones.xlane vm2;
	v57 =	vld [tilespmem:$0x1FFF0]  }
0x180: {  	v40 =	vsel vm2, $0xFFFFFFFF, v3;
	vm2 =	vnez.u8 v43  }
0x181: {  	v44, _, _ =	vpop (xrf0);
	v30 =	vsel vm2, $0xFFFFFFFF, v3;
	vm0 =	vnez.u8 v46;
	v20 =	vadd.s32 v37, v20  }
0x182: {  	v48, _, _ =	vpop (xrf0);
	v28 =	vadd.s32 v20, v28;
	v45 =	vadd.s32 v30, v20;
	v20 =	vsel vm0, $0xFFFFFFFF, v3  }
0x183: {  	v50, _, _ =	vpop (xrf0);
	v49 =	vadd.s32 v20, v28;
	v10 =	vadd.s32 v48, v45  }
0x184: {  	v27 =	vadd.s32 v40, v37;
	v13 =	vadd.s32 v50, v49;
	vm3 =	vnez.u8 v57  }
0x185: {  	v18 =	vshll.u32 v18, $0x17;
	v21 =	vshll.u32 v21, $0x17;
	v47 =	vadd.s32 v44, v27  }
0x186: {  	v8 =	vadd.s32 v8, v21;
	v55 =	vshll.u32 v22, $0xE;
	v54 =	vshll.u32 v16, $0x17  }
0x187: {  	v56 =	vshll.u32 v24, $0xE;
	v8 =	vadd.s32 v55, v8;
	v6 =	vadd.s32 v6, v54  }
0x188: {  	v7 =	vadd.s32 v7, v18;
	v53 =	vshll.u32 v19, $0xE;
	v6 =	vadd.s32 v56, v6;
	[tilespmem:v10+s3+$0x0] =	vst.idx.msk vm2, v8  }
0x189: {  	v7 =	vadd.s32 v53, v7;
	[tilespmem:v13+s3+$0x0] =	vst.idx.msk vm0, v6  }
0x18a: {  	[tilespmem:v47+s3+$0x0] =	vst.idx.msk vm3, v7  }
0x18b: {  	s10 =	rddreg [dreg:$0x1a]  }
0x18c: {  	v6 =	vld [tilespmem:s10+$0x5090];
	_ =	sdelay $0x7  }
0x18d: {  	v6 =	vld.idx.msk [tilespmem:v6+s0+$0x0], $0xffff;
	_ =	sdelay $0x4  }
0x18e: {  	vm1 =	vmmov vm0;
	v7 =	vmpcnt.ones.xlane vm0;
	vm0 =	vgt.s32 v6, $0xFFFFFFFF  }
0x18f: {  	v58 =	vmpcnt.ones.xlane vm0  }
0x190: {  	v7 =	vadd.s32 v28, v7  }
0x191: {  	v8 =	vadd.s32 v7, v58  }
0x192: {  	(v2sf) =	vpush v8, $0x0;
	_ =	sdelay $0xe  }
0x193: {  	s2 =	spop (v2sf)  }
0x194: {  	s1 =	sadd.s32 $0x7F, s2  }
0x195: {  	s6 =	sand.u32 $0x7F, s1  }
0x196: {  	s9 =	sshra.s32 s1, $0x1F;
	p0 =	slt.s32 s1, $0x1;
	p2 =	sne.s32 s6, $0x0  }
0x197: {  	s26 =	sshrl.u32 s9, $0x19;
	p0 =	por !p0, !p2  }
0x198: {  	s6 =	simm.s32 $0x1;
	s1 =	sadd.s32 s26, s1;
	p0 =	por !p0, !p0  }
0x199: {  	s1 =	sshra.s32 s1, $0x7;
	s6 =	simm.s32 @!p0 $0x0  }
0x19a: {  	v59 =	vsel vm0, $0x1, v3;
	s9 =	ssub.s32 s1, s6  }
0x19b: {  	(xrf0) =	vadd.scan.msk.s32 $0xffff, v59;
	s1 =	sshll.u32 s9, $0x7  }
0x19c: {  	s28 =	ssub.s32 s1, s2  }
0x19d: {  	s6 =	sadd.s32 $0xF, s28  }
0x19e: {  	s29 =	sand.u32 $0xF, s6  }
0x19f: {  	v60 =	vld [tilespmem:s10+$0x7810];
	s31 =	sshra.s32 s6, $0x1F;
	p6 =	slt.s32 s6, $0x1;
	p5 =	sne.s32 s29, $0x0  }
0x1a0: {  	v61 =	vld [tilespmem:s10+$0x2910];
	v62 =	vsel vm0, $0xFFFFFFFF, v3;
	s10 =	sshrl.u32 s31, $0x1C;
	p0 =	por !p6, !p5  }
0x1a1: {  	v7 =	vadd.s32 v62, v7;
	v63, _, _ =	vpop (xrf0);
	s6 =	sadd.s32 s10, s6;
	s10 =	simm.s32 $0x1;
	p0 =	por !p0, !p0  }
0x1a2: {  	v7 =	vadd.s32 v63, v7;
	s6 =	sshra.s32 s6, $0x4;
	s10 =	simm.s32 @!p0 $0x0  }
0x1a3: {  	s6 =	ssub.s32 s6, s10  }
0x1a4: {  	v8 =	vshll.u32 v60, $0x17;
	p0 =	slt.s32 s6, $0x1  }
.Ltmp6:
0x1a5: {  	v6 =	vshll.u32 v6, $0xE;
	v8 =	vadd.s32 v61, v8;
	(pc) =	sbr.rel @p0 .LBB2_12-.Ltmp6, $4  }
0x1a6: {  	v6 =	vadd.s32 v6, v8  }
0x1a7: {  	[tilespmem:v7+s3+$0x0] =	vst.idx.msk vm0, v6  }
0x1a8: {  	_ =	strace $0x9000004C  }
0x1a9: {  	vm1 =	vcmask $0xB08;
	vm2 =	vcmask $0xF0C;
	vm0 =	vcmask $0x704;
	_ =	strace $0x8000004D  }
0x1aa: {  	p0 =	sne.s32 s6, $0x1  }
.Ltmp7:
0x1ab: {  	_ = 	snop;
	(pc) =	sbr.rel @!p0 .LBB2_12-.Ltmp7, $3  }
0x1ac: {  	_ =	sdelay $0x1  }
0x1ad: {  	s2 =	sadd.s32 $0x9F90, s2  }
0x1ae: {  	s6 =	sadd.s32 $0xFFFFFFFF, s6;
	[tilespmem:s2+$0x0] =	vst v4  }
.LBB2_11:
0x1af: {  	p0 =	sne.s32 s6, $0x1  }
.Ltmp8:
0x1b0: {  	_ = 	snop;
	(pc) =	sbr.rel @p0 .LBB2_11-.Ltmp8, $3  }
0x1b1: {  	_ =	sdelay $0x1  }
0x1b2: {  	s6 =	sadd.s32 $0xFFFFFFFF, s6;
	s2 =	sadd.s32 $0x10, s2  }
0x1b3: {  	[tilespmem:s2+$0x0] =	vst v4  }
.LBB2_12:
0x1b4: {  	s2 =	sshra.s32 s1, $0x4  }
0x1b5: {  	p0 =	slt.s32 s2, $0x1  }
.Ltmp9:
0x1b6: {  	_ = 	snop;
	(pc) =	sbr.rel @p0 .LBB2_16-.Ltmp9, $3  }
0x1b7: {  	_ =	sdelay $0x1  }
0x1b8: {  	_ =	strace $0x9000004D  }
0x1b9: {  	s1 =	simm.s32 $0x9F90;
	vm3 =	vcmask $0x1310;
	_ =	strace $0x8000004E  }
0x1ba: {  	p0 =	sne.s32 s2, $0x1  }
.Ltmp10:
0x1bb: {  	_ = 	snop;
	(pc) =	sbr.rel @!p0 .LBB2_15-.Ltmp10, $2  }
0x1bc: {  	_ =	sdelay $0x2  }
0x1bd: {  	v6 =	vld [tilespmem:s1+$0x0];
	s2 =	sadd.s32 $0xFFFFFFFF, s2  }
.LBB2_14:
0x1be: {  	p0 =	sne.s32 s2, $0x1;
	_ =	sdelay $0x3  }
0x1bf: {  	v6 =	vshrl.u32 v6, $0xE;
	_ =	sdelay $0x1  }
.Ltmp11:
0x1c0: {  	(pc) =	sbr.rel @p0 .LBB2_14-.Ltmp11, $3  }
0x1c1: {  	_ =	sdelay $0x1  }
0x1c2: {  	s1 =	sadd.s32 $0x10, s1;
	[tilespmem:v6+s4+$0x0] =	vst.idx.add.s32.msk $0xffff, v5  }
0x1c3: {  	s2 =	sadd.s32 $0xFFFFFFFF, s2;
	v6 =	vld [tilespmem:s1+$0x0]  }
.LBB2_15:
0x1c4: {  	_ =	sdelay $0x3  }
0x1c5: {  	v6 =	vshrl.u32 v6, $0xE;
	_ =	sdelay $0x4  }
0x1c6: {  	[tilespmem:v6+s4+$0x0] =	vst.idx.add.s32.msk $0xffff, v5  }
.LBB2_16:
0x1c7: {  	s12 =	sadd.s32 $0x3, s9  }
0x1c8: {  	s1 =	sand.u32 $0x3, s12  }
0x1c9: {  	p0 =	slt.s32 s9, $0xFFFFFFFE;
	p2 =	sne.s32 s1, $0x0  }
0x1ca: {  	s31 =	sshrl.u32 s12, $0x1E;
	p0 =	por !p0, !p2  }
0x1cb: {  	s2 =	simm.s32 $0x1;
	s1 =	sadd.s32 s31, s12;
	p0 =	por !p0, !p0  }
0x1cc: {  	s1 =	sshra.s32 s1, $0x2;
	s2 =	simm.s32 @!p0 $0x0  }
0x1cd: {  	s10 =	ssub.s32 s1, s2  }
0x1ce: {  	p0 =	slt.s32 s10, $0x1  }
.Ltmp12:
0x1cf: {  	_ = 	snop;
	(pc) =	sbr.rel @p0 .LBB2_20-.Ltmp12, $3  }
0x1d0: {  	_ =	sdelay $0x1  }
0x1d1: {  	_ =	strace $0x9000004E  }
0x1d2: {  	_ =	strace $0x8000004F  }
0x1d3: {  	s1 =	sadd.s32 $0x4, s9  }
0x1d4: {  	[dreg:$0xa] =	wrdreg s1  }
0x1d5: {  	p0 =	por $0x1, $0x1;
	s1 =	rddreg [dreg:$0xa]  }
0x1d6: {  	p2 =	sle.s32 @!p0 s1, $0x0  }
0x1d7: {  	s26 =	sadd.s32 $0x2, s9;
	p2 =	por p2, p0  }
0x1d8: {  	[dreg:$0xb] =	wrdreg s26;
	s1 =	simm.s32 @!p2 $0x2  }
0x1d9: {  	_ =	swait.ge @!p2 [sflag:s1], $0x2000  }
0x1da: {  	[sflag:s1] =	ssyncset.done @!p2 $0x0  }
0x1db: {  	s13 =	simm.s32 $0xA090;
	[sflag:s1] =	ssyncadd.s32 @!p2 $0xFFFFE000;
	p2 =	sle.s32 s9, $0x0  }
0x1dc: {  	v6 =	vld @!p2 [tilespmem:s13+$0xFFFFFF00];
	_ =	sdelay $0x4  }
0x1dd: {  	v7 =	vand.u32 @!p2 $0x3FFF, v6  }
0x1de: {  	v6 =	vshrl.u32 @!p2 v6, $0xE;
	[tilespmem:$0xD7A0] =	vst @!p2 v7  }
0x1df: {  	[tilespmem:$0xD9A0] =	vst @!p2 v6  }
0x1e0: {  	v6 =	vld @!p2 [tilespmem:s13+$0xFFFFFF10];
	_ =	sdelay $0x4  }
0x1e1: {  	v7 =	vand.u32 @!p2 $0x3FFF, v6  }
0x1e2: {  	v6 =	vshrl.u32 @!p2 v6, $0xE;
	[tilespmem:$0xD7B0] =	vst @!p2 v7  }
0x1e3: {  	[tilespmem:$0xD9B0] =	vst @!p2 v6  }
0x1e4: {  	v6 =	vld @!p2 [tilespmem:s13+$0xFFFFFF20];
	_ =	sdelay $0x4  }
0x1e5: {  	v7 =	vand.u32 @!p2 $0x3FFF, v6  }
0x1e6: {  	v6 =	vshrl.u32 @!p2 v6, $0xE;
	[tilespmem:$0xD7C0] =	vst @!p2 v7  }
0x1e7: {  	[tilespmem:$0xD9C0] =	vst @!p2 v6  }
0x1e8: {  	v6 =	vld @!p2 [tilespmem:s13+$0xFFFFFF30];
	_ =	sdelay $0x4  }
0x1e9: {  	v7 =	vand.u32 @!p2 $0x3FFF, v6  }
0x1ea: {  	v6 =	vshrl.u32 @!p2 v6, $0xE;
	[tilespmem:$0xD7D0] =	vst @!p2 v7  }
0x1eb: {  	[tilespmem:$0xD9D0] =	vst @!p2 v6  }
0x1ec: {  	v6 =	vld @!p2 [tilespmem:s13+$0xFFFFFF40];
	_ =	sdelay $0x4  }
0x1ed: {  	v7 =	vand.u32 @!p2 $0x3FFF, v6  }
0x1ee: {  	v6 =	vshrl.u32 @!p2 v6, $0xE;
	[tilespmem:$0xD7E0] =	vst @!p2 v7  }
0x1ef: {  	[tilespmem:$0xD9E0] =	vst @!p2 v6  }
0x1f0: {  	v6 =	vld @!p2 [tilespmem:s13+$0xFFFFFF50];
	_ =	sdelay $0x4  }
0x1f1: {  	v7 =	vand.u32 @!p2 $0x3FFF, v6  }
0x1f2: {  	v6 =	vshrl.u32 @!p2 v6, $0xE;
	[tilespmem:$0xD7F0] =	vst @!p2 v7  }
0x1f3: {  	[tilespmem:$0xD9F0] =	vst @!p2 v6  }
0x1f4: {  	v6 =	vld @!p2 [tilespmem:s13+$0xFFFFFF60];
	_ =	sdelay $0x4  }
0x1f5: {  	v7 =	vand.u32 @!p2 $0x3FFF, v6  }
0x1f6: {  	v6 =	vshrl.u32 @!p2 v6, $0xE;
	[tilespmem:$0xD800] =	vst @!p2 v7  }
0x1f7: {  	[tilespmem:$0xDA00] =	vst @!p2 v6  }
0x1f8: {  	v6 =	vld @!p2 [tilespmem:s13+$0xFFFFFF70];
	_ =	sdelay $0x3  }
0x1f9: {  	p3 =	sle.s32 @!p0 s12, $0x0  }
0x1fa: {  	p3 =	por p3, p0;
	v7 =	vand.u32 @!p2 $0x3FFF, v6  }
0x1fb: {  	s2 =	simm.s32 @!p3 $0x2;
	v6 =	vshrl.u32 @!p2 v6, $0xE;
	[tilespmem:$0xD810] =	vst @!p2 v7  }
0x1fc: {  	s1 =	simm.s32 @!p2 $0xD7A0;
	s14 =	simm.s32 @!p2 $0x80;
	s15 =	simm.s32 @!p2 $0xDBA0;
	[tilespmem:$0xDA10] =	vst @!p2 v6  }
0x1fd: {  	[tilespmem:s15], [sflag:$0x1] =	stream.indirect.gather @!p2 [hbm4b:s7+s14], $0x40, s1, s14, $0x2000b8;
	[tilespmem:$0x1ADD0] =	vst v63  }
0x1fe: {  	_ =	swait.ge @!p3 [sflag:s2], $0x2000  }
0x1ff: {  	[sflag:s2] =	ssyncset.done @!p3 $0x0  }
0x200: {  	[sflag:s2] =	ssyncadd.s32 @!p3 $0xFFFFE000;
	p3 =	sle.s32 s9, $0x1  }
0x201: {  	v6 =	vld @!p3 [tilespmem:s13+$0xFFFFFF80];
	_ =	sdelay $0x4  }
0x202: {  	v7 =	vand.u32 @!p3 $0x3FFF, v6  }
0x203: {  	v6 =	vshrl.u32 @!p3 v6, $0xE;
	[tilespmem:$0xD820] =	vst @!p3 v7  }
0x204: {  	[tilespmem:$0xDA20] =	vst @!p3 v6  }
0x205: {  	v6 =	vld @!p3 [tilespmem:s13+$0xFFFFFF90];
	_ =	sdelay $0x4  }
0x206: {  	v7 =	vand.u32 @!p3 $0x3FFF, v6  }
0x207: {  	v6 =	vshrl.u32 @!p3 v6, $0xE;
	[tilespmem:$0xD830] =	vst @!p3 v7  }
0x208: {  	[tilespmem:$0xDA30] =	vst @!p3 v6  }
0x209: {  	v6 =	vld @!p3 [tilespmem:s13+$0xFFFFFFA0];
	_ =	sdelay $0x4  }
0x20a: {  	v7 =	vand.u32 @!p3 $0x3FFF, v6  }
0x20b: {  	v6 =	vshrl.u32 @!p3 v6, $0xE;
	[tilespmem:$0xD840] =	vst @!p3 v7  }
0x20c: {  	[tilespmem:$0xDA40] =	vst @!p3 v6  }
0x20d: {  	v6 =	vld @!p3 [tilespmem:s13+$0xFFFFFFB0];
	_ =	sdelay $0x4  }
0x20e: {  	v7 =	vand.u32 @!p3 $0x3FFF, v6  }
0x20f: {  	v6 =	vshrl.u32 @!p3 v6, $0xE;
	[tilespmem:$0xD850] =	vst @!p3 v7  }
0x210: {  	[tilespmem:$0xDA50] =	vst @!p3 v6  }
0x211: {  	v6 =	vld @!p3 [tilespmem:s13+$0xFFFFFFC0];
	_ =	sdelay $0x4  }
0x212: {  	v7 =	vand.u32 @!p3 $0x3FFF, v6  }
0x213: {  	v6 =	vshrl.u32 @!p3 v6, $0xE;
	[tilespmem:$0xD860] =	vst @!p3 v7  }
0x214: {  	[tilespmem:$0xDA60] =	vst @!p3 v6  }
0x215: {  	v6 =	vld @!p3 [tilespmem:s13+$0xFFFFFFD0];
	_ =	sdelay $0x4  }
0x216: {  	v7 =	vand.u32 @!p3 $0x3FFF, v6  }
0x217: {  	v6 =	vshrl.u32 @!p3 v6, $0xE;
	[tilespmem:$0xD870] =	vst @!p3 v7  }
0x218: {  	[tilespmem:$0xDA70] =	vst @!p3 v6  }
0x219: {  	v6 =	vld @!p3 [tilespmem:s13+$0xFFFFFFE0];
	_ =	sdelay $0x4  }
0x21a: {  	v7 =	vand.u32 @!p3 $0x3FFF, v6  }
0x21b: {  	v6 =	vshrl.u32 @!p3 v6, $0xE;
	[tilespmem:$0xD880] =	vst @!p3 v7  }
0x21c: {  	[tilespmem:$0xDA80] =	vst @!p3 v6  }
0x21d: {  	v6 =	vld @!p3 [tilespmem:s13+$0xFFFFFFF0];
	_ =	sdelay $0x3  }
0x21e: {  	s1 =	rddreg [dreg:$0xb]  }
0x21f: {  	p4 =	sle.s32 @!p0 s1, $0x0;
	v7 =	vand.u32 @!p3 $0x3FFF, v6  }
0x220: {  	s19 =	simm.s32 @!p3 $0xFBA0;
	p4 =	por p4, p0;
	v6 =	vshrl.u32 @!p3 v6, $0xE;
	[tilespmem:$0xD890] =	vst @!p3 v7  }
0x221: {  	s20 =	simm.s32 @!p3 $0x80;
	s1 =	simm.s32 @!p3 $0xD820;
	s2 =	simm.s32 @!p4 $0x2;
	[tilespmem:$0xDA90] =	vst @!p3 v6  }
0x222: {  	[tilespmem:s19], [sflag:$0x1] =	stream.indirect.gather @!p3 [hbm4b:s7+s20], $0x40, s1, s20, $0x2000b8;
	[tilespmem:$0x1ADD0] =	vst v63  }
0x223: {  	_ =	swait.ge @!p4 [sflag:s2], $0x2000  }
0x224: {  	[sflag:s2] =	ssyncset.done @!p4 $0x0  }
0x225: {  	p5 =	sle.s32 s9, $0x2;
	[sflag:s2] =	ssyncadd.s32 @!p4 $0xFFFFE000  }
0x226: {  	v6 =	vld @!p5 [tilespmem:s13+$0x0];
	_ =	sdelay $0x4  }
0x227: {  	v7 =	vand.u32 @!p5 $0x3FFF, v6  }
0x228: {  	v6 =	vshrl.u32 @!p5 v6, $0xE;
	[tilespmem:$0xD8A0] =	vst @!p5 v7  }
0x229: {  	[tilespmem:$0xDAA0] =	vst @!p5 v6  }
0x22a: {  	v6 =	vld @!p5 [tilespmem:s13+$0x10];
	_ =	sdelay $0x4  }
0x22b: {  	v7 =	vand.u32 @!p5 $0x3FFF, v6  }
0x22c: {  	v6 =	vshrl.u32 @!p5 v6, $0xE;
	[tilespmem:$0xD8B0] =	vst @!p5 v7  }
0x22d: {  	[tilespmem:$0xDAB0] =	vst @!p5 v6  }
0x22e: {  	v6 =	vld @!p5 [tilespmem:s13+$0x20];
	_ =	sdelay $0x4  }
0x22f: {  	v7 =	vand.u32 @!p5 $0x3FFF, v6  }
0x230: {  	v6 =	vshrl.u32 @!p5 v6, $0xE;
	[tilespmem:$0xD8C0] =	vst @!p5 v7  }
0x231: {  	[tilespmem:$0xDAC0] =	vst @!p5 v6  }
0x232: {  	v6 =	vld @!p5 [tilespmem:s13+$0x30];
	_ =	sdelay $0x4  }
0x233: {  	v7 =	vand.u32 @!p5 $0x3FFF, v6  }
0x234: {  	v6 =	vshrl.u32 @!p5 v6, $0xE;
	[tilespmem:$0xD8D0] =	vst @!p5 v7  }
0x235: {  	[tilespmem:$0xDAD0] =	vst @!p5 v6  }
0x236: {  	v6 =	vld @!p5 [tilespmem:s13+$0x40];
	_ =	sdelay $0x4  }
0x237: {  	v7 =	vand.u32 @!p5 $0x3FFF, v6  }
0x238: {  	v6 =	vshrl.u32 @!p5 v6, $0xE;
	[tilespmem:$0xD8E0] =	vst @!p5 v7  }
0x239: {  	[tilespmem:$0xDAE0] =	vst @!p5 v6  }
0x23a: {  	v6 =	vld @!p5 [tilespmem:s13+$0x50];
	_ =	sdelay $0x4  }
0x23b: {  	v7 =	vand.u32 @!p5 $0x3FFF, v6  }
0x23c: {  	v6 =	vshrl.u32 @!p5 v6, $0xE;
	[tilespmem:$0xD8F0] =	vst @!p5 v7  }
0x23d: {  	[tilespmem:$0xDAF0] =	vst @!p5 v6  }
0x23e: {  	v6 =	vld @!p5 [tilespmem:s13+$0x60];
	_ =	sdelay $0x4  }
0x23f: {  	v7 =	vand.u32 @!p5 $0x3FFF, v6  }
0x240: {  	v6 =	vshrl.u32 @!p5 v6, $0xE;
	[tilespmem:$0xD900] =	vst @!p5 v7  }
0x241: {  	[tilespmem:$0xDB00] =	vst @!p5 v6  }
0x242: {  	v6 =	vld @!p5 [tilespmem:s13+$0x70];
	_ =	sdelay $0x4  }
0x243: {  	p4 =	slt.s32 @!p0 s9, $0x0;
	v7 =	vand.u32 @!p5 $0x3FFF, v6  }
0x244: {  	s21 =	simm.s32 @!p5 $0x80;
	p0 =	por p4, p0;
	v6 =	vshrl.u32 @!p5 v6, $0xE;
	[tilespmem:$0xD910] =	vst @!p5 v7  }
0x245: {  	s23 =	simm.s32 @!p5 $0x11BA0;
	s1 =	simm.s32 @!p5 $0xD8A0;
	s2 =	simm.s32 @!p0 $0x2;
	[tilespmem:$0xDB10] =	vst @!p5 v6  }
0x246: {  	[tilespmem:s23], [sflag:$0x1] =	stream.indirect.gather @!p5 [hbm4b:s7+s21], $0x40, s1, s21, $0x2000b8;
	[tilespmem:$0x1ADD0] =	vst v63  }
0x247: {  	_ =	swait.ge @!p0 [sflag:s2], $0x2000  }
0x248: {  	[sflag:s2] =	ssyncset.done @!p0 $0x0  }
0x249: {  	[sflag:s2] =	ssyncadd.s32 @!p0 $0xFFFFE000;
	p0 =	sle.s32 s9, $0x3  }
0x24a: {  	v6 =	vld @!p0 [tilespmem:s13+$0x80];
	_ =	sdelay $0x4  }
0x24b: {  	v7 =	vand.u32 @!p0 $0x3FFF, v6  }
0x24c: {  	v6 =	vshrl.u32 @!p0 v6, $0xE;
	[tilespmem:$0xD920] =	vst @!p0 v7  }
0x24d: {  	[tilespmem:$0xDB20] =	vst @!p0 v6  }
0x24e: {  	v6 =	vld @!p0 [tilespmem:s13+$0x90];
	_ =	sdelay $0x4  }
0x24f: {  	v7 =	vand.u32 @!p0 $0x3FFF, v6  }
0x250: {  	v6 =	vshrl.u32 @!p0 v6, $0xE;
	[tilespmem:$0xD930] =	vst @!p0 v7  }
0x251: {  	[tilespmem:$0xDB30] =	vst @!p0 v6  }
0x252: {  	v6 =	vld @!p0 [tilespmem:s13+$0xA0];
	_ =	sdelay $0x4  }
0x253: {  	v7 =	vand.u32 @!p0 $0x3FFF, v6  }
0x254: {  	v6 =	vshrl.u32 @!p0 v6, $0xE;
	[tilespmem:$0xD940] =	vst @!p0 v7  }
0x255: {  	[tilespmem:$0xDB40] =	vst @!p0 v6  }
0x256: {  	v6 =	vld @!p0 [tilespmem:s13+$0xB0];
	_ =	sdelay $0x4  }
0x257: {  	v7 =	vand.u32 @!p0 $0x3FFF, v6  }
0x258: {  	v6 =	vshrl.u32 @!p0 v6, $0xE;
	[tilespmem:$0xD950] =	vst @!p0 v7  }
0x259: {  	[tilespmem:$0xDB50] =	vst @!p0 v6  }
0x25a: {  	v6 =	vld @!p0 [tilespmem:s13+$0xC0];
	_ =	sdelay $0x4  }
0x25b: {  	v7 =	vand.u32 @!p0 $0x3FFF, v6  }
0x25c: {  	v6 =	vshrl.u32 @!p0 v6, $0xE;
	[tilespmem:$0xD960] =	vst @!p0 v7  }
0x25d: {  	[tilespmem:$0xDB60] =	vst @!p0 v6  }
0x25e: {  	v6 =	vld @!p0 [tilespmem:s13+$0xD0]  }
0x25f: {  	s16 =	sadd.s32 $0xFFFFFFFF, s10  }
0x260: {  	p4 =	sne.s32 s16, $0x0  }
.Ltmp13:
0x261: {  	s17 =	simm.s32 $0x0;
	(pc) =	sbr.rel @!p4 .LBB2_19-.Ltmp13, $4  }
0x262: {  	s18 =	simm.s32 $0xA090;
	s6 =	simm.s32 @!p5 $0x1;
	s22 =	simm.s32 @!p2 $0x1  }
0x263: {  	s25 =	simm.s32 @!p2 $0xD9A0;
	s11 =	simm.s32 @!p3 $0x1;
	s31 =	simm.s32 @!p3 $0xDA20;
	v7 =	vand.u32 @!p0 $0x3FFF, v6  }
0x264: {  	s1 =	simm.s32 @!p5 $0xDAA0;
	s28 =	simm.s32 @!p0 $0x80;
	s26 =	simm.s32 @!p0 $0xD920;
	v6 =	vshrl.u32 @!p0 v6, $0xE;
	[tilespmem:$0xD970] =	vst @!p0 v7  }
0x265: {  	s2 =	simm.s32 @!p0 $0x13BA0;
	s29 =	simm.s32 @!p0 $0x1;
	s24 =	simm.s32 @!p0 $0xDB20;
	[tilespmem:$0xDB70] =	vst @!p0 v6  }
.LBB2_18:
0x266: {  	v6 =	vld @!p0 [tilespmem:s13+$0xE0];
	_ =	sdelay $0x4  }
0x267: {  	v7 =	vand.u32 @!p0 $0x3FFF, v6  }
0x268: {  	v6 =	vshrl.u32 @!p0 v6, $0xE;
	[tilespmem:$0xD980] =	vst @!p0 v7  }
0x269: {  	[tilespmem:$0xDB80] =	vst @!p0 v6  }
0x26a: {  	v6 =	vld @!p0 [tilespmem:s13+$0xF0];
	_ =	sdelay $0x4  }
0x26b: {  	v7 =	vand.u32 @!p0 $0x3FFF, v6  }
0x26c: {  	v6 =	vshrl.u32 @!p0 v6, $0xE;
	[tilespmem:$0xD990] =	vst @!p0 v7  }
0x26d: {  	[tilespmem:$0xDB90] =	vst @!p0 v6  }
0x26e: {  	[tilespmem:s2], [sflag:$0x1] =	stream.indirect.gather @!p0 [hbm4b:s7+s28], $0x40, s26, s28, $0x2000b8;
	[tilespmem:$0x1ADD0] =	vst v63  }
0x26f: {  	_ =	swait.ge @!p2 [sflag:s22], $0x2000  }
0x270: {  	[sflag:s22] =	ssyncset.done @!p2 $0x0  }
0x271: {  	[sflag:s22] =	ssyncadd.s32 @!p2 $0xFFFFE000  }
0x272: {  	[spmem:s5] =	stream.indirect.scatter.add.bf16 @!p2 [tilespmem:s15], [sflag:$0x2], $0x40, s25, s14, $0x2000b8;
	[tilespmem:$0x1ADD0] =	vst v63  }
0x273: {  	_ =	swait.ge @!p3 [sflag:s11], $0x2000  }
0x274: {  	[sflag:s11] =	ssyncset.done @!p3 $0x0  }
0x275: {  	[sflag:s11] =	ssyncadd.s32 @!p3 $0xFFFFE000  }
0x276: {  	[spmem:s5] =	stream.indirect.scatter.add.bf16 @!p3 [tilespmem:s19], [sflag:$0x2], $0x40, s31, s20, $0x2000b8;
	[tilespmem:$0x1ADD0] =	vst v63  }
0x277: {  	_ =	swait.ge @!p5 [sflag:s6], $0x2000  }
0x278: {  	[sflag:s6] =	ssyncset.done @!p5 $0x0  }
0x279: {  	[sflag:s6] =	ssyncadd.s32 @!p5 $0xFFFFE000  }
0x27a: {  	[spmem:s5] =	stream.indirect.scatter.add.bf16 @!p5 [tilespmem:s23], [sflag:$0x2], $0x40, s1, s21, $0x2000b8;
	[tilespmem:$0x1ADD0] =	vst v63  }
0x27b: {  	s17 =	sadd.s32 $0x4, s17;
	_ =	swait.ge @!p0 [sflag:s29], $0x2000  }
0x27c: {  	p6 =	seq.s32 s17, $0x0;
	s1 =	rddreg [dreg:$0xa];
	[sflag:s29] =	ssyncset.done @!p0 $0x0  }
0x27d: {  	[sflag:s29] =	ssyncadd.s32 @!p0 $0xFFFFE000;
	p2 =	sge.s32 @!p6 s17, s1  }
0x27e: {  	[spmem:s5] =	stream.indirect.scatter.add.bf16 @!p0 [tilespmem:s2], [sflag:$0x2], $0x40, s24, s28, $0x2000b8;
	[tilespmem:$0x1ADD0] =	vst v63  }
0x27f: {  	p2 =	por p2, p6  }
0x280: {  	s1 =	simm.s32 @!p2 $0x2  }
0x281: {  	_ =	swait.ge @!p2 [sflag:s1], $0x2000  }
0x282: {  	[sflag:s1] =	ssyncset.done @!p2 $0x0  }
0x283: {  	s18 =	sadd.s32 $0x200, s18;
	[sflag:s1] =	ssyncadd.s32 @!p2 $0xFFFFE000;
	p2 =	sge.s32 s17, s9  }
0x284: {  	v6 =	vld @!p2 [tilespmem:s18+$0xFFFFFF00];
	_ =	sdelay $0x4  }
0x285: {  	v7 =	vand.u32 @!p2 $0x3FFF, v6  }
0x286: {  	v6 =	vshrl.u32 @!p2 v6, $0xE;
	[tilespmem:$0xD7A0] =	vst @!p2 v7  }
0x287: {  	[tilespmem:$0xD9A0] =	vst @!p2 v6  }
0x288: {  	v6 =	vld @!p2 [tilespmem:s18+$0xFFFFFF10];
	_ =	sdelay $0x4  }
0x289: {  	v7 =	vand.u32 @!p2 $0x3FFF, v6  }
0x28a: {  	v6 =	vshrl.u32 @!p2 v6, $0xE;
	[tilespmem:$0xD7B0] =	vst @!p2 v7  }
0x28b: {  	[tilespmem:$0xD9B0] =	vst @!p2 v6  }
0x28c: {  	v6 =	vld @!p2 [tilespmem:s18+$0xFFFFFF20];
	_ =	sdelay $0x4  }
0x28d: {  	v7 =	vand.u32 @!p2 $0x3FFF, v6  }
0x28e: {  	v6 =	vshrl.u32 @!p2 v6, $0xE;
	[tilespmem:$0xD7C0] =	vst @!p2 v7  }
0x28f: {  	[tilespmem:$0xD9C0] =	vst @!p2 v6  }
0x290: {  	v6 =	vld @!p2 [tilespmem:s18+$0xFFFFFF30];
	_ =	sdelay $0x4  }
0x291: {  	v7 =	vand.u32 @!p2 $0x3FFF, v6  }
0x292: {  	v6 =	vshrl.u32 @!p2 v6, $0xE;
	[tilespmem:$0xD7D0] =	vst @!p2 v7  }
0x293: {  	[tilespmem:$0xD9D0] =	vst @!p2 v6  }
0x294: {  	v6 =	vld @!p2 [tilespmem:s18+$0xFFFFFF40];
	_ =	sdelay $0x4  }
0x295: {  	v7 =	vand.u32 @!p2 $0x3FFF, v6  }
0x296: {  	v6 =	vshrl.u32 @!p2 v6, $0xE;
	[tilespmem:$0xD7E0] =	vst @!p2 v7  }
0x297: {  	[tilespmem:$0xD9E0] =	vst @!p2 v6  }
0x298: {  	v6 =	vld @!p2 [tilespmem:s18+$0xFFFFFF50];
	_ =	sdelay $0x4  }
0x299: {  	v7 =	vand.u32 @!p2 $0x3FFF, v6  }
0x29a: {  	v6 =	vshrl.u32 @!p2 v6, $0xE;
	[tilespmem:$0xD7F0] =	vst @!p2 v7  }
0x29b: {  	[tilespmem:$0xD9F0] =	vst @!p2 v6  }
0x29c: {  	v6 =	vld @!p2 [tilespmem:s18+$0xFFFFFF60];
	_ =	sdelay $0x4  }
0x29d: {  	v7 =	vand.u32 @!p2 $0x3FFF, v6  }
0x29e: {  	v6 =	vshrl.u32 @!p2 v6, $0xE;
	[tilespmem:$0xD800] =	vst @!p2 v7  }
0x29f: {  	[tilespmem:$0xDA00] =	vst @!p2 v6  }
0x2a0: {  	v6 =	vld @!p2 [tilespmem:s18+$0xFFFFFF70];
	_ =	sdelay $0x3  }
0x2a1: {  	p3 =	sge.s32 @!p6 s17, s12  }
0x2a2: {  	p3 =	por p3, p6;
	v7 =	vand.u32 @!p2 $0x3FFF, v6  }
0x2a3: {  	s2 =	simm.s32 @!p3 $0x2;
	v6 =	vshrl.u32 @!p2 v6, $0xE;
	[tilespmem:$0xD810] =	vst @!p2 v7  }
0x2a4: {  	s1 =	simm.s32 @!p2 $0xD7A0;
	s14 =	simm.s32 @!p2 $0x80;
	s15 =	simm.s32 @!p2 $0xDBA0;
	[tilespmem:$0xDA10] =	vst @!p2 v6  }
0x2a5: {  	[tilespmem:s15], [sflag:$0x1] =	stream.indirect.gather @!p2 [hbm4b:s7+s14], $0x40, s1, s14, $0x2000b8;
	[tilespmem:$0x1ADD0] =	vst v63  }
0x2a6: {  	_ =	swait.ge @!p3 [sflag:s2], $0x2000  }
0x2a7: {  	s24 =	sadd.s32 $0x1, s17;
	[sflag:s2] =	ssyncset.done @!p3 $0x0  }
0x2a8: {  	[sflag:s2] =	ssyncadd.s32 @!p3 $0xFFFFE000;
	p3 =	sge.s32 s24, s9  }
0x2a9: {  	v6 =	vld @!p3 [tilespmem:s18+$0xFFFFFF80];
	_ =	sdelay $0x4  }
0x2aa: {  	v7 =	vand.u32 @!p3 $0x3FFF, v6  }
0x2ab: {  	v6 =	vshrl.u32 @!p3 v6, $0xE;
	[tilespmem:$0xD820] =	vst @!p3 v7  }
0x2ac: {  	[tilespmem:$0xDA20] =	vst @!p3 v6  }
0x2ad: {  	v6 =	vld @!p3 [tilespmem:s18+$0xFFFFFF90];
	_ =	sdelay $0x4  }
0x2ae: {  	v7 =	vand.u32 @!p3 $0x3FFF, v6  }
0x2af: {  	v6 =	vshrl.u32 @!p3 v6, $0xE;
	[tilespmem:$0xD830] =	vst @!p3 v7  }
0x2b0: {  	[tilespmem:$0xDA30] =	vst @!p3 v6  }
0x2b1: {  	v6 =	vld @!p3 [tilespmem:s18+$0xFFFFFFA0];
	_ =	sdelay $0x4  }
0x2b2: {  	v7 =	vand.u32 @!p3 $0x3FFF, v6  }
0x2b3: {  	v6 =	vshrl.u32 @!p3 v6, $0xE;
	[tilespmem:$0xD840] =	vst @!p3 v7  }
0x2b4: {  	[tilespmem:$0xDA40] =	vst @!p3 v6  }
0x2b5: {  	v6 =	vld @!p3 [tilespmem:s18+$0xFFFFFFB0];
	_ =	sdelay $0x4  }
0x2b6: {  	v7 =	vand.u32 @!p3 $0x3FFF, v6  }
0x2b7: {  	v6 =	vshrl.u32 @!p3 v6, $0xE;
	[tilespmem:$0xD850] =	vst @!p3 v7  }
0x2b8: {  	[tilespmem:$0xDA50] =	vst @!p3 v6  }
0x2b9: {  	v6 =	vld @!p3 [tilespmem:s18+$0xFFFFFFC0];
	_ =	sdelay $0x4  }
0x2ba: {  	v7 =	vand.u32 @!p3 $0x3FFF, v6  }
0x2bb: {  	v6 =	vshrl.u32 @!p3 v6, $0xE;
	[tilespmem:$0xD860] =	vst @!p3 v7  }
0x2bc: {  	[tilespmem:$0xDA60] =	vst @!p3 v6  }
0x2bd: {  	v6 =	vld @!p3 [tilespmem:s18+$0xFFFFFFD0];
	_ =	sdelay $0x4  }
0x2be: {  	v7 =	vand.u32 @!p3 $0x3FFF, v6  }
0x2bf: {  	v6 =	vshrl.u32 @!p3 v6, $0xE;
	[tilespmem:$0xD870] =	vst @!p3 v7  }
0x2c0: {  	[tilespmem:$0xDA70] =	vst @!p3 v6  }
0x2c1: {  	v6 =	vld @!p3 [tilespmem:s18+$0xFFFFFFE0];
	_ =	sdelay $0x4  }
0x2c2: {  	v7 =	vand.u32 @!p3 $0x3FFF, v6  }
0x2c3: {  	v6 =	vshrl.u32 @!p3 v6, $0xE;
	[tilespmem:$0xD880] =	vst @!p3 v7  }
0x2c4: {  	[tilespmem:$0xDA80] =	vst @!p3 v6  }
0x2c5: {  	v6 =	vld @!p3 [tilespmem:s18+$0xFFFFFFF0];
	_ =	sdelay $0x3  }
0x2c6: {  	s1 =	rddreg [dreg:$0xb]  }
0x2c7: {  	p5 =	sge.s32 @!p6 s17, s1;
	v7 =	vand.u32 @!p3 $0x3FFF, v6  }
0x2c8: {  	s19 =	simm.s32 @!p3 $0xFBA0;
	p5 =	por p5, p6;
	v6 =	vshrl.u32 @!p3 v6, $0xE;
	[tilespmem:$0xD890] =	vst @!p3 v7  }
0x2c9: {  	s20 =	simm.s32 @!p3 $0x80;
	s1 =	simm.s32 @!p3 $0xD820;
	s2 =	simm.s32 @!p5 $0x2;
	[tilespmem:$0xDA90] =	vst @!p3 v6  }
0x2ca: {  	[tilespmem:s19], [sflag:$0x1] =	stream.indirect.gather @!p3 [hbm4b:s7+s20], $0x40, s1, s20, $0x2000b8;
	[tilespmem:$0x1ADD0] =	vst v63  }
0x2cb: {  	_ =	swait.ge @!p5 [sflag:s2], $0x2000  }
0x2cc: {  	s25 =	sadd.s32 $0x2, s17;
	[sflag:s2] =	ssyncset.done @!p5 $0x0  }
0x2cd: {  	[sflag:s2] =	ssyncadd.s32 @!p5 $0xFFFFE000;
	p5 =	sge.s32 s25, s9  }
0x2ce: {  	v6 =	vld @!p5 [tilespmem:s18+$0x0];
	_ =	sdelay $0x4  }
0x2cf: {  	v7 =	vand.u32 @!p5 $0x3FFF, v6  }
0x2d0: {  	v6 =	vshrl.u32 @!p5 v6, $0xE;
	[tilespmem:$0xD8A0] =	vst @!p5 v7  }
0x2d1: {  	[tilespmem:$0xDAA0] =	vst @!p5 v6  }
0x2d2: {  	v6 =	vld @!p5 [tilespmem:s18+$0x10];
	_ =	sdelay $0x4  }
0x2d3: {  	v7 =	vand.u32 @!p5 $0x3FFF, v6  }
0x2d4: {  	v6 =	vshrl.u32 @!p5 v6, $0xE;
	[tilespmem:$0xD8B0] =	vst @!p5 v7  }
0x2d5: {  	[tilespmem:$0xDAB0] =	vst @!p5 v6  }
0x2d6: {  	v6 =	vld @!p5 [tilespmem:s18+$0x20];
	_ =	sdelay $0x4  }
0x2d7: {  	v7 =	vand.u32 @!p5 $0x3FFF, v6  }
0x2d8: {  	v6 =	vshrl.u32 @!p5 v6, $0xE;
	[tilespmem:$0xD8C0] =	vst @!p5 v7  }
0x2d9: {  	[tilespmem:$0xDAC0] =	vst @!p5 v6  }
0x2da: {  	v6 =	vld @!p5 [tilespmem:s18+$0x30];
	_ =	sdelay $0x4  }
0x2db: {  	v7 =	vand.u32 @!p5 $0x3FFF, v6  }
0x2dc: {  	v6 =	vshrl.u32 @!p5 v6, $0xE;
	[tilespmem:$0xD8D0] =	vst @!p5 v7  }
0x2dd: {  	[tilespmem:$0xDAD0] =	vst @!p5 v6  }
0x2de: {  	v6 =	vld @!p5 [tilespmem:s18+$0x40];
	_ =	sdelay $0x4  }
0x2df: {  	v7 =	vand.u32 @!p5 $0x3FFF, v6  }
0x2e0: {  	v6 =	vshrl.u32 @!p5 v6, $0xE;
	[tilespmem:$0xD8E0] =	vst @!p5 v7  }
0x2e1: {  	[tilespmem:$0xDAE0] =	vst @!p5 v6  }
0x2e2: {  	v6 =	vld @!p5 [tilespmem:s18+$0x50];
	_ =	sdelay $0x4  }
0x2e3: {  	v7 =	vand.u32 @!p5 $0x3FFF, v6  }
0x2e4: {  	v6 =	vshrl.u32 @!p5 v6, $0xE;
	[tilespmem:$0xD8F0] =	vst @!p5 v7  }
0x2e5: {  	[tilespmem:$0xDAF0] =	vst @!p5 v6  }
0x2e6: {  	v6 =	vld @!p5 [tilespmem:s18+$0x60];
	_ =	sdelay $0x4  }
0x2e7: {  	v7 =	vand.u32 @!p5 $0x3FFF, v6  }
0x2e8: {  	v6 =	vshrl.u32 @!p5 v6, $0xE;
	[tilespmem:$0xD900] =	vst @!p5 v7  }
0x2e9: {  	[tilespmem:$0xDB00] =	vst @!p5 v6  }
0x2ea: {  	v6 =	vld @!p5 [tilespmem:s18+$0x70];
	_ =	sdelay $0x3  }
0x2eb: {  	p0 =	sgt.s32 @!p6 s17, s9  }
0x2ec: {  	p0 =	por p0, p6;
	v7 =	vand.u32 @!p5 $0x3FFF, v6  }
0x2ed: {  	s2 =	simm.s32 @!p0 $0x2;
	v6 =	vshrl.u32 @!p5 v6, $0xE;
	[tilespmem:$0xD910] =	vst @!p5 v7  }
0x2ee: {  	s21 =	simm.s32 @!p5 $0x80;
	s1 =	simm.s32 @!p5 $0xD8A0;
	s23 =	simm.s32 @!p5 $0x11BA0;
	[tilespmem:$0xDB10] =	vst @!p5 v6  }
0x2ef: {  	[tilespmem:s23], [sflag:$0x1] =	stream.indirect.gather @!p5 [hbm4b:s7+s21], $0x40, s1, s21, $0x2000b8;
	[tilespmem:$0x1ADD0] =	vst v63  }
0x2f0: {  	_ =	swait.ge @!p0 [sflag:s2], $0x2000  }
0x2f1: {  	s26 =	sadd.s32 $0x3, s17;
	[sflag:s2] =	ssyncset.done @!p0 $0x0  }
0x2f2: {  	[sflag:s2] =	ssyncadd.s32 @!p0 $0xFFFFE000;
	p0 =	sge.s32 s26, s9  }
0x2f3: {  	v6 =	vld @!p0 [tilespmem:s18+$0x80];
	_ =	sdelay $0x4  }
0x2f4: {  	v7 =	vand.u32 @!p0 $0x3FFF, v6  }
0x2f5: {  	v6 =	vshrl.u32 @!p0 v6, $0xE;
	[tilespmem:$0xD920] =	vst @!p0 v7  }
0x2f6: {  	[tilespmem:$0xDB20] =	vst @!p0 v6  }
0x2f7: {  	v6 =	vld @!p0 [tilespmem:s18+$0x90];
	_ =	sdelay $0x4  }
0x2f8: {  	v7 =	vand.u32 @!p0 $0x3FFF, v6  }
0x2f9: {  	v6 =	vshrl.u32 @!p0 v6, $0xE;
	[tilespmem:$0xD930] =	vst @!p0 v7  }
0x2fa: {  	[tilespmem:$0xDB30] =	vst @!p0 v6  }
0x2fb: {  	v6 =	vld @!p0 [tilespmem:s18+$0xA0];
	_ =	sdelay $0x4  }
0x2fc: {  	v7 =	vand.u32 @!p0 $0x3FFF, v6  }
0x2fd: {  	v6 =	vshrl.u32 @!p0 v6, $0xE;
	[tilespmem:$0xD940] =	vst @!p0 v7  }
0x2fe: {  	[tilespmem:$0xDB40] =	vst @!p0 v6  }
0x2ff: {  	v6 =	vld @!p0 [tilespmem:s18+$0xB0];
	_ =	sdelay $0x4  }
0x300: {  	v7 =	vand.u32 @!p0 $0x3FFF, v6  }
0x301: {  	v6 =	vshrl.u32 @!p0 v6, $0xE;
	[tilespmem:$0xD950] =	vst @!p0 v7  }
0x302: {  	[tilespmem:$0xDB50] =	vst @!p0 v6  }
0x303: {  	v6 =	vld @!p0 [tilespmem:s18+$0xC0];
	_ =	sdelay $0x4  }
0x304: {  	v7 =	vand.u32 @!p0 $0x3FFF, v6  }
0x305: {  	v6 =	vshrl.u32 @!p0 v6, $0xE;
	[tilespmem:$0xD960] =	vst @!p0 v7  }
0x306: {  	[tilespmem:$0xDB60] =	vst @!p0 v6  }
0x307: {  	v6 =	vld @!p0 [tilespmem:s18+$0xD0]  }
0x308: {  	s16 =	sadd.s32 $0xFFFFFFFF, s16  }
0x309: {  	p4 =	sne.s32 s16, $0x0  }
.Ltmp14:
0x30a: {  	_ = 	snop;
	(pc) =	sbr.rel @p4 .LBB2_18-.Ltmp14, $4  }
0x30b: {  	s13 =	smov.u32 s18;
	s22 =	simm.s32 @!p2 $0x1;
	s11 =	simm.s32 @!p3 $0x1  }
0x30c: {  	s31 =	simm.s32 @!p3 $0xDA20;
	s25 =	simm.s32 @!p2 $0xD9A0;
	s6 =	simm.s32 @!p5 $0x1;
	v7 =	vand.u32 @!p0 $0x3FFF, v6  }
0x30d: {  	s1 =	simm.s32 @!p5 $0xDAA0;
	s28 =	simm.s32 @!p0 $0x80;
	s26 =	simm.s32 @!p0 $0xD920;
	v6 =	vshrl.u32 @!p0 v6, $0xE;
	[tilespmem:$0xD970] =	vst @!p0 v7  }
0x30e: {  	s2 =	simm.s32 @!p0 $0x13BA0;
	s29 =	simm.s32 @!p0 $0x1;
	s24 =	simm.s32 @!p0 $0xDB20;
	[tilespmem:$0xDB70] =	vst @!p0 v6  }
.LBB2_19:
0x30f: {  	v6 =	vld @!p0 [tilespmem:s13+$0xE0];
	_ =	sdelay $0x4  }
0x310: {  	v7 =	vand.u32 @!p0 $0x3FFF, v6  }
0x311: {  	v6 =	vshrl.u32 @!p0 v6, $0xE;
	[tilespmem:$0xD980] =	vst @!p0 v7  }
0x312: {  	[tilespmem:$0xDB80] =	vst @!p0 v6  }
0x313: {  	v6 =	vld @!p0 [tilespmem:s13+$0xF0];
	_ =	sdelay $0x4  }
0x314: {  	v7 =	vand.u32 @!p0 $0x3FFF, v6  }
0x315: {  	v6 =	vshrl.u32 @!p0 v6, $0xE;
	[tilespmem:$0xD990] =	vst @!p0 v7  }
0x316: {  	[tilespmem:$0xDB90] =	vst @!p0 v6  }
0x317: {  	[tilespmem:s2], [sflag:$0x1] =	stream.indirect.gather @!p0 [hbm4b:s7+s28], $0x40, s26, s28, $0x2000b8;
	[tilespmem:$0x1ADD0] =	vst v63  }
0x318: {  	_ =	swait.ge @!p2 [sflag:s22], $0x2000  }
0x319: {  	[sflag:s22] =	ssyncset.done @!p2 $0x0  }
0x31a: {  	[sflag:s22] =	ssyncadd.s32 @!p2 $0xFFFFE000  }
0x31b: {  	[spmem:s5] =	stream.indirect.scatter.add.bf16 @!p2 [tilespmem:s15], [sflag:$0x2], $0x40, s25, s14, $0x2000b8;
	[tilespmem:$0x1ADD0] =	vst v63  }
0x31c: {  	_ =	swait.ge @!p3 [sflag:s11], $0x2000  }
0x31d: {  	[sflag:s11] =	ssyncset.done @!p3 $0x0  }
0x31e: {  	[sflag:s11] =	ssyncadd.s32 @!p3 $0xFFFFE000  }
0x31f: {  	[spmem:s5] =	stream.indirect.scatter.add.bf16 @!p3 [tilespmem:s19], [sflag:$0x2], $0x40, s31, s20, $0x2000b8;
	[tilespmem:$0x1ADD0] =	vst v63  }
0x320: {  	_ =	swait.ge @!p5 [sflag:s6], $0x2000  }
0x321: {  	[sflag:s6] =	ssyncset.done @!p5 $0x0  }
0x322: {  	[sflag:s6] =	ssyncadd.s32 @!p5 $0xFFFFE000  }
0x323: {  	[spmem:s5] =	stream.indirect.scatter.add.bf16 @!p5 [tilespmem:s23], [sflag:$0x2], $0x40, s1, s21, $0x2000b8;
	[tilespmem:$0x1ADD0] =	vst v63  }
0x324: {  	_ =	swait.ge @!p0 [sflag:s29], $0x2000  }
0x325: {  	[sflag:s29] =	ssyncset.done @!p0 $0x0  }
0x326: {  	s26 =	sshll.u32 s10, $0x2;
	[sflag:s29] =	ssyncadd.s32 @!p0 $0xFFFFE000  }
0x327: {  	[spmem:s5] =	stream.indirect.scatter.add.bf16 @!p0 [tilespmem:s2], [sflag:$0x2], $0x40, s24, s28, $0x2000b8;
	[tilespmem:$0x1ADD0] =	vst v63  }
0x328: {  	s28 =	sadd.s32 $0xFFFFFFFC, s26  }
0x329: {  	p0 =	sge.s32 s28, s9  }
0x32a: {  	s2 =	simm.s32 @!p0 $0x2  }
0x32b: {  	s29 =	sadd.s32 $0xFFFFFFFD, s26;
	_ =	swait.ge @!p0 [sflag:s2], $0x2000  }
0x32c: {  	p2 =	sge.s32 s29, s9;
	[sflag:s2] =	ssyncset.done @!p0 $0x0  }
0x32d: {  	[sflag:s2] =	ssyncadd.s32 @!p0 $0xFFFFE000;
	s2 =	simm.s32 @!p2 $0x2  }
0x32e: {  	s31 =	sadd.s32 $0xFFFFFFFE, s26;
	_ =	swait.ge @!p2 [sflag:s2], $0x2000  }
0x32f: {  	p0 =	sge.s32 s31, s9;
	[sflag:s2] =	ssyncset.done @!p2 $0x0  }
0x330: {  	[sflag:s2] =	ssyncadd.s32 @!p2 $0xFFFFE000;
	s2 =	simm.s32 @!p0 $0x2  }
0x331: {  	_ =	swait.ge @!p0 [sflag:s2], $0x2000  }
0x332: {  	p2 =	sgt.s32 s26, s9;
	[sflag:s2] =	ssyncset.done @!p0 $0x0  }
0x333: {  	s1 =	simm.s32 @!p2 $0x2;
	[sflag:s2] =	ssyncadd.s32 @!p0 $0xFFFFE000  }
0x334: {  	_ =	swait.ge @!p2 [sflag:s1], $0x2000  }
0x335: {  	s13 =	simm.s32 $0x1;
	[sflag:s1] =	ssyncset.done @!p2 $0x0  }
0x336: {  	s14 =	simm.s32 $0x0;
	s15 =	rddreg [dreg:$0xf];
	[sflag:s1] =	ssyncadd.s32 @!p2 $0xFFFFE000  }
.LBB2_20:
0x337: {  	[bflag:$0x0] =	sbarrier.arrive $0xFFFF  }
0x338: {  	s1 =	stileid.u32;
	_ =	strace $0x9000004F  }
0x339: {  	s1 =	sshll.u32 s1, $0x6;
	_ =	strace $0x80000050  }
0x33a: {  	s2 =	sshrl.u32 s15, $0x3;
	s1 =	sor.u32 $0x1C03, s1;
	s6 =	rddreg [dreg:$0x14]  }
0x33b: {  	[hbm:s6], [sflag:s1] =	dma.local [spmem:s2], $0x800  }
0x33c: {  	_ =	swait.ge [sflag:s30], $0x800  }
0x33d: {  	[sflag:s30] =	ssyncset.done $0x0  }
0x33e: {  	s23 =	simm.s32 $0x0;
	s24 =	rddreg [dreg:$0x16];
	[sflag:s30] =	ssyncadd.s32 $0xFFFFF800  }
0x33f: {  	[hbm4b:s24+s23] =	stream.linear.scatter [tilespmem:s4], [sflag:$0x3], $0x1000, $0x200038;
	[tilespmem:$0x1ADD0] =	vst v63  }
0x340: {  	_ =	swait.ge [sflag:s30], $0x1000  }
0x341: {  	[sflag:s30] =	ssyncset.done $0x0  }
0x342: {  	s25 =	rddreg [dreg:$0x1f];
	[sflag:s30] =	ssyncadd.s32 $0xFFFFF000  }
0x343: {  	v6 =	vld [tilespmem:s25+$0x0];
	_ =	sdelay $0x3  }
0x344: {  	s28 =	simm.s32 $0x10  }
0x345: {  	s9 =	simm.s32 $0x163A0;
	s10 =	simm.s32 $0x15BA0;
	s26 =	rddreg [dreg:$0x0];
	[tilespmem:$0x163A0] =	vst v6  }
0x346: {  	[tilespmem:s10], [sflag:$0x1] =	stream.indirect.gather [hbm4b:s26+s28], $0x80, s9, s28, $0x2000b8;
	[tilespmem:$0x1ADD0] =	vst v63  }
0x347: {  	_ =	swait.ge [sflag:s13], $0x800  }
0x348: {  	[sflag:s13] =	ssyncset.done $0x0  }
0x349: {  	s29 =	rddreg [dreg:$0x17];
	[sflag:s13] =	ssyncadd.s32 $0xFFFFF800  }
0x34a: {  	[hbm4b:s29+s23] =	stream.linear.scatter [tilespmem:s10], [sflag:$0x3], $0x800, $0x200038;
	[tilespmem:$0x1ADD0] =	vst v63  }
0x34b: {  	_ =	swait.ge [sflag:s30], $0x800  }
0x34c: {  	s31 =	sld [smem:$0x7FC];
	_ =	sdelay $0x2  }
0x34d: {  	p0 =	seq.s32 s31, $0x1  }
.Ltmp15:
0x34e: {  	_ = 	snop;
	(pc) =	sbr.rel @p0 .LBB2_24-.Ltmp15, $3  }
0x34f: {  	_ =	sdelay $0x1  }
0x350: {  	[sflag:s30] =	ssyncset.done $0x0  }
0x351: {  	[sflag:s30] =	ssyncadd.s32 $0xFFFFF800  }
0x352: {  	s1 =	simm.s32 $0x0  }
0x353: {  	v6 =	vld [tilespmem:s1+$0x0];
	_ =	sdelay $0x7  }
0x354: {  	s2 =	simm.s32 $0x10;
	s6 =	simm.s32 $0x80;
	v6 =	vld.idx.msk [tilespmem:v6+s0+$0x0], $0xffff  }
.LBB2_22:
0x355: {  	p0 =	sne.s32 s6, $0x7C0;
	v7 =	vld [tilespmem:s2+$0x0];
	_ =	sdelay $0x3  }
.Ltmp16:
0x356: {  	(pc) =	sbr.rel @p0 .LBB2_22-.Ltmp16, $2  }
0x357: {  	[tilespmem:s1+$0x163B0] =	vst v6;
	s1 =	smov.u32 s2;
	_ =	sdelay $0x2  }
0x358: {  	s2 =	sshra.s32 s6, $0x2;
	s6 =	sadd.s32 $0x40, s6;
	v6 =	vld.idx.msk [tilespmem:v7+s0+$0x0], $0xffff  }
.Ltmp17:
0x359: {  	_ = 	snop;
	(pc) =	sbr.rel .LBB2_23-.Ltmp17, $1  }
0x35a: {  	_ =	sdelay $0x3  }
.LBB2_25:
0x35b: {  	_ =	sfence.sel $0x180000  }
0x35c: {  	[bflag:$0x0] =	sbarrier.arrive $0xFFFF  }
0x35d: {  	_ =	strace $0x90000047  }
0x35e: {  	[bflag:$0x2] =	sbarrier.arrive $0xFFFF  }
0x35f: {  	s0 =	rddreg [dreg:$0x9]  }
0x360: {  	s0 =	sadd.s32 @!p1 $0x100000, s0  }
0x361: {  	[sflag:s0] =	ssyncadd.tile.s32 @!p1 $0x1;
	_ =	shalt  }
.Lfunc_end2:
_tile_overlayer_lowered:
.L_overlay_start_2:
0x362: {  	(tag) =	ssettag $0x2  }
0x363: {  	s0 =	rddreg [dreg:$0x0];
	s2 =	stileid.u32  }
0x364: {  	s1 =	rddreg [dreg:$0x1];
	p0 =	sne.s32 s2, $0x0  }
0x365: {  	s3 =	rddreg [dreg:$0x2];
	[bflag:$0x3] =	sbarrier.arrive $0xFFFF;
	s2 =	simm.s32 @!p0 $0x1C03  }
0x366: {  	[timem:s3], [sflag:s2] =	dma.local @!p0 [hbm:s0], s1  }
0x367: {  	s0 =	simm.s32 @!p0 $0x3  }
0x368: {  	_ =	swait.ge @!p0 [sflag:s0], s1  }
0x369: {  	s1 =	ssub.s32 @!p0 $0x0, s1;
	[sflag:s0] =	ssyncset.done @!p0 $0x0  }
0x36a: {  	[sflag:s0] =	ssyncadd.s32 @!p0 s1  }
0x36b: {  	[bflag:$0x3] =	sbarrier.arrive $0xFFFF  }
0x36c: {  	_ =	shalt  }

</sc_bundles>
